<compile_context>
chip_gen: v7x
topology: tpu7x:2x2x1
jax: 0.10.2.dev20260603
libtpu: 0.0.44.dev20260713+nightly
codegen_flags: <defaults>
</compile_context>

<pallas_src>
import functools

import jax
import jax.numpy as jnp
from jax import lax
from jax.experimental import pallas as pl
from jax.experimental.pallas import tpu as pltpu
from jax.experimental.pallas import tpu_sc as plsc

_N = 10000
_E = 320000
_D = 128
_G = 64
_OUT = 16

_HD = 64
_NCH = 250
_K = 40
_WR = 624
_ZROWS = 24


_RING = 5


def _sc_scatter_body(h_hbm, src_hbm, dst_hbm, out_hbm,
                     idx_s, idx_d, rows, zbuf, acc, *gsems):
    c = lax.axis_index("c")
    s = lax.axis_index("s")

    pltpu.sync_copy(src_hbm.at[c, s], idx_s)
    pltpu.sync_copy(dst_hbm.at[c, s], idx_d)

    def zbody(i, carry):
        for jj in range(_D // 16):
            zbuf[i, pl.ds(jj * 16, 16)] = jnp.zeros((16,), jnp.float32)
        return carry
    lax.fori_loop(0, _ZROWS, zbody, 0)
    base = s * _WR
    for r in range(_WR // _ZROWS):
        pltpu.sync_copy(zbuf, acc.at[pl.ds(base + r * _ZROWS, _ZROWS)])

    @pl.when(s == 15)
    def _ztail():
        pltpu.sync_copy(zbuf.at[pl.ds(0, _N - 16 * _WR)],
                        acc.at[pl.ds(16 * _WR, _N - 16 * _WR)])

    plsc.subcore_barrier()

    for b in range(_RING):
        pltpu.async_copy(h_hbm.at[idx_s.at[b]], rows.at[b], gsems[b])

    def body(gq, carry):
        for b in range(_RING):
            j = gq * _RING + b
            pltpu.make_async_copy(h_hbm.at[idx_s.at[j]], rows.at[b],
                                  gsems[b]).wait()
            pltpu.sync_copy(rows.at[b], acc.at[idx_d.at[j]], add=True)

            @pl.when(j + _RING < _NCH)
            def _fire():
                pltpu.async_copy(h_hbm.at[idx_s.at[j + _RING]],
                                 rows.at[b], gsems[b])
        return carry
    lax.fori_loop(0, _NCH // _RING, body, 0)
    plsc.subcore_barrier()

    pltpu.sync_copy(acc.at[pl.ds(base, _WR)], out_hbm.at[c, pl.ds(base, _WR)])

    @pl.when(s == 15)
    def _wtail():
        pltpu.sync_copy(acc.at[pl.ds(16 * _WR, _N - 16 * _WR)],
                        out_hbm.at[c, pl.ds(16 * _WR, _N - 16 * _WR)])


def _make_sc_scatter():
    mesh = plsc.VectorSubcoreMesh(core_axis_name="c", subcore_axis_name="s")
    return pl.kernel(
        _sc_scatter_body,
        mesh=mesh,
        compiler_params=pltpu.CompilerParams(use_tc_tiling_on_sc=False),
        out_type=jax.ShapeDtypeStruct((2, _N, _D), jnp.float32),
        scratch_types=[
            pltpu.VMEM((_NCH, _K), jnp.int32),
            pltpu.VMEM((_NCH, _K), jnp.int32),
            pltpu.VMEM((_RING, _K, _D), jnp.float32),
            pltpu.VMEM((_ZROWS, _D), jnp.float32),
            pltpu.VMEM_SHARED((_N, _D), jnp.float32),
        ] + [pltpu.SemaphoreType.DMA] * _RING,
    )


_BLK = 400
_NBLK = _N // _BLK


def _mlp_fused_body(h_ref, p_ref, w1_ref, b1_ref, g_ref, be_ref, w2_ref,
                    b2_ref, batch_ref, hout_ref, pooled_ref,
                    h1s, s1s, s2s, sm2s):
    p = pl.program_id(0)
    j = pl.program_id(1)

    @pl.when(p == 0)
    def _pass0():
        z = h_ref[...] + p_ref[0] + p_ref[1]
        h1 = jnp.dot(z, w1_ref[...], preferred_element_type=jnp.float32) + b1_ref[...]
        h1s[pl.ds(j * _BLK, _BLK), :] = h1

        @pl.when(j == 0)
        def _init():
            s1s[...] = jnp.zeros_like(s1s)
            s2s[...] = jnp.zeros_like(s2s)
            sm2s[...] = jnp.zeros_like(sm2s)

        mb = jnp.mean(h1, axis=0, keepdims=True)
        d = h1 - mb
        s1s[...] += mb
        s2s[...] += mb * mb
        sm2s[...] += jnp.sum(d * d, axis=0, keepdims=True)

    @pl.when(p == 1)
    def _pass1():
        m = s1s[...] * (1.0 / _NBLK)
        spread = s2s[...] - _NBLK * m * m
        v = (sm2s[...] + _BLK * spread) * (1.0 / _N)
        inv = lax.rsqrt(v + 1e-5) * g_ref[...]
        h1 = h1s[pl.ds(j * _BLK, _BLK), :]
        r = jnp.maximum((h1 - m) * inv + be_ref[...], 0.0)
        hout = jnp.dot(r, w2_ref[...], preferred_element_type=jnp.float32) + b2_ref[...]
        hout_ref[...] = hout

        gid = lax.broadcasted_iota(jnp.int32, (_G, _BLK), 0)
        onehot = (gid == batch_ref[0]).astype(jnp.float32)

        @pl.when(j == 0)
        def _initp():
            pooled_ref[...] = jnp.zeros_like(pooled_ref)

        pooled_ref[...] += jnp.dot(onehot, hout,
                                   preferred_element_type=jnp.float32,
                                   precision=lax.Precision.HIGHEST)


def _mlp_fused(h, part, w1, b1r, gr, ber, w2, b2r, batch3d):
    return pl.pallas_call(
        _mlp_fused_body,
        grid=(2, _NBLK),
        in_specs=[
            pl.BlockSpec((_BLK, _D), lambda p, j: ((1 - p) * j, 0)),
            pl.BlockSpec((2, _BLK, _D), lambda p, j: (0, (1 - p) * j, 0)),
            pl.BlockSpec((_D, _D), lambda p, j: (0, 0)),
            pl.BlockSpec((1, _D), lambda p, j: (0, 0)),
            pl.BlockSpec((1, _D), lambda p, j: (0, 0)),
            pl.BlockSpec((1, _D), lambda p, j: (0, 0)),
            pl.BlockSpec((_D, _D), lambda p, j: (0, 0)),
            pl.BlockSpec((1, _D), lambda p, j: (0, 0)),
            pl.BlockSpec((1, 1, _BLK), lambda p, j: (p * j, 0, 0)),
        ],
        out_specs=[
            pl.BlockSpec((_BLK, _D), lambda p, j: (p * j, 0)),
            pl.BlockSpec((_G, _D), lambda p, j: (0, 0)),
        ],
        out_shape=[
            jax.ShapeDtypeStruct((_N, _D), jnp.float32),
            jax.ShapeDtypeStruct((_G, _D), jnp.float32),
        ],
        scratch_shapes=[
            pltpu.VMEM((_N, _D), jnp.float32),
            pltpu.VMEM((1, _D), jnp.float32),
            pltpu.VMEM((1, _D), jnp.float32),
            pltpu.VMEM((1, _D), jnp.float32),
        ],
    )(h, part, w1, b1r, gr, ber, w2, b2r, batch3d)


def _head_body(p0_ref, p1_ref, p2_ref, wa_ref, wb_ref, wc_ref, bp1_ref,
               gp_ref, bep_ref, wp2_ref, bp2_ref, out_ref):
    t = (jnp.dot(p0_ref[...], wa_ref[...], preferred_element_type=jnp.float32)
         + jnp.dot(p1_ref[...], wb_ref[...], preferred_element_type=jnp.float32)
         + jnp.dot(p2_ref[...], wc_ref[...], preferred_element_type=jnp.float32)
         + bp1_ref[...])
    m = jnp.mean(t, axis=0, keepdims=True)
    d = t - m
    v = jnp.mean(d * d, axis=0, keepdims=True)
    r = jnp.maximum(d * lax.rsqrt(v + 1e-5) * gp_ref[...] + bep_ref[...], 0.0)
    out_ref[...] = jnp.dot(r, wp2_ref[...], preferred_element_type=jnp.float32) + bp2_ref[...]


def _head(p0, p1, p2, wa, wb, wc, bp1r, gpr, bepr, wp2p, bp2p):
    return pl.pallas_call(
        _head_body,
        out_shape=jax.ShapeDtypeStruct((_G, _D), jnp.float32),
    )(p0, p1, p2, wa, wb, wc, bp1r, gpr, bepr, wp2p, bp2p)


def kernel(x, edge_index, batch, W1_0, b1_0, g_0, be_0, W2_0, b2_0,
           W1_1, b1_1, g_1, be_1, W2_1, b2_1, W1_2, b1_2, g_2, be_2,
           W2_2, b2_2, Wp1, bp1, gp, bep, Wp2, bp2):
    src_r = edge_index[0].reshape(2, 16, _NCH, _K)
    dst_r = edge_index[1].reshape(2, 16, _NCH, _K)
    assert _NCH % _RING == 0
    batch3d = batch.reshape(_NBLK, 1, _BLK)

    sc_scatter = _make_sc_scatter()

    params = [
        (W1_0, b1_0, g_0, be_0, W2_0, b2_0),
        (W1_1, b1_1, g_1, be_1, W2_1, b2_1),
        (W1_2, b1_2, g_2, be_2, W2_2, b2_2),
    ]
    h = x
    pooled = []
    for (w1, b1, g, be, w2, b2) in params:
        part = sc_scatter(h, src_r, dst_r)
        h, pool = _mlp_fused(h, part, w1, b1.reshape(1, _D),
                             g.reshape(1, _D), be.reshape(1, _D),
                             w2, b2.reshape(1, _D), batch3d)
        pooled.append(pool)

    wa = Wp1[0:_D]
    wb = Wp1[_D:2 * _D]
    wc = Wp1[2 * _D:3 * _D]
    wp2p = jnp.pad(Wp2, ((0, 0), (0, _D - _OUT)))
    bp2p = jnp.pad(bp2, (0, _D - _OUT)).reshape(1, _D)
    out = _head(pooled[0], pooled[1], pooled[2], wa, wb, wc,
                bp1.reshape(1, _D), gp.reshape(1, _D), bep.reshape(1, _D),
                wp2p, bp2p)
    return out[:, :_OUT]

# --- scband reference (transcript-rebuilt; emitter-appended) ---
"""Pipeline reference for scband-gin-classic-31482110280433 (READ-ONLY COPY).

The authoritative reference and input builder live on the scoring server;
editing this copy changes nothing except your own understanding.
"""

import jax, jax.numpy as jnp
import numpy as np

N = 10000
E = 320000
D = 128
H = 128
L = 3
G = 64
OUT = 16


def _mlp(h, W1, b1, g, be, W2, b2):
    # PyG MLP([in, h, h], act='relu'): Linear -> BatchNorm -> ReLU -> Linear
    h = h @ W1 + b1
    m = h.mean(axis=0)
    v = h.var(axis=0)
    h = (h - m) / jnp.sqrt(v + 1e-5) * g + be
    h = jax.nn.relu(h)
    return h @ W2 + b2


def setup_inputs(seed: int = 0) -> dict:
    key = jax.random.key(seed)
    ks = jax.random.split(key, 40)
    inp = {}
    inp["x"] = jax.random.normal(ks[0], (N, D), dtype=jnp.float32)
    inp["edge_index"] = jax.random.randint(ks[1], (2, E), 0, N, dtype=jnp.int32)
    inp["batch"] = jnp.sort(jax.random.randint(ks[2], (N,), 0, G, dtype=jnp.int32))
    i = 3
    fan = D
    for l in range(L):
        inp[f"W1_{l}"] = jax.random.normal(ks[i], (fan, H), dtype=jnp.float32) / np.sqrt(fan); i += 1
        inp[f"b1_{l}"] = jnp.zeros((H,), jnp.float32)
        inp[f"g_{l}"] = jnp.ones((H,), jnp.float32)
        inp[f"be_{l}"] = jnp.zeros((H,), jnp.float32)
        inp[f"W2_{l}"] = jax.random.normal(ks[i], (H, H), dtype=jnp.float32) / np.sqrt(H); i += 1
        inp[f"b2_{l}"] = jnp.zeros((H,), jnp.float32)
        fan = H
    inp["Wp1"] = jax.random.normal(ks[i], (H * L, H), dtype=jnp.float32) / np.sqrt(H * L); i += 1
    inp["bp1"] = jnp.zeros((H,), jnp.float32)
    inp["gp"] = jnp.ones((H,), jnp.float32)
    inp["bep"] = jnp.zeros((H,), jnp.float32)
    inp["Wp2"] = jax.random.normal(ks[i], (H, OUT), dtype=jnp.float32) / np.sqrt(H); i += 1
    inp["bp2"] = jnp.zeros((OUT,), jnp.float32)
    return inp


def reference(x, edge_index, batch, W1_0, b1_0, g_0, be_0, W2_0, b2_0, W1_1, b1_1, g_1, be_1, W2_1, b2_1, W1_2, b1_2, g_2, be_2, W2_2, b2_2, Wp1, bp1, gp, bep, Wp2, bp2):
    src, dst = edge_index[0], edge_index[1]
    params = [
        (W1_0, b1_0, g_0, be_0, W2_0, b2_0),
        (W1_1, b1_1, g_1, be_1, W2_1, b2_1),
        (W1_2, b1_2, g_2, be_2, W2_2, b2_2),
    ]
    h = x
    pooled = []
    for (W1, b1, g, be, W2, b2) in params:
        # GINConv, eps=0: nn((1+eps)*x + sum_{j in N(i)} x_j)
        aggr = jnp.zeros_like(h).at[dst].add(h[src])
        h = _mlp(h + aggr, W1, b1, g, be, W2, b2)
        # global_add_pool per graph
        pooled.append(jax.ops.segment_sum(h, batch, num_segments=G))
    xc = jnp.concatenate(pooled, axis=1)
    return _mlp(xc, Wp1, bp1, gp, bep, Wp2, bp2)

if __name__ == "__main__":
    import jax
    _d = setup_inputs()
    print(jax.jit(kernel)(*tuple(_d.values())))

</pallas_src>

<mosaic_0001>
#map = affine_map<(d0, d1) -> (0, 0)>
#map1 = affine_map<(d0, d1) -> (0, 0, 0, 0)>
#map2 = affine_map<(d0, d1) -> (0, 0, 0)>
module attributes {stable_mosaic.version = 14 : i64} {
  func.func @_sc_scatter_body(%arg0: i32, %arg1: i32, %arg2: memref<10000x128xf32, #tpu.memory_space<hbm>>, %arg3: memref<2x16x250x40xi32, #tpu.memory_space<hbm>>, %arg4: memref<2x16x250x40xi32, #tpu.memory_space<hbm>>, %arg5: memref<2x10000x128xf32, #tpu.memory_space<hbm>>, %arg6: memref<250x40xi32, #tpu.memory_space<vmem>>, %arg7: memref<250x40xi32, #tpu.memory_space<vmem>>, %arg8: memref<5x40x128xf32, #tpu.memory_space<vmem>>, %arg9: memref<24x128xf32, #tpu.memory_space<vmem>>, %arg10: memref<10000x128xf32, #tpu.memory_space<vmem_shared>>, %arg11: memref<!tpu.dma_semaphore, #tpu.memory_space<semaphore_mem>>, %arg12: memref<!tpu.dma_semaphore, #tpu.memory_space<semaphore_mem>>, %arg13: memref<!tpu.dma_semaphore, #tpu.memory_space<semaphore_mem>>, %arg14: memref<!tpu.dma_semaphore, #tpu.memory_space<semaphore_mem>>, %arg15: memref<!tpu.dma_semaphore, #tpu.memory_space<semaphore_mem>>) attributes {dimension_semantics = [#tpu.dimension_semantics<core_parallel>, #tpu.dimension_semantics<subcore_parallel>], iteration_bounds = array<i64: 2, 16>, scalar_prefetch = 0 : i64, scratch_operands = 10 : i64, tpu.core_type = #tpu.core_type<sc_vector_subcore>, window_params = [{transform_indices = #map}, {transform_indices = #map1}, {transform_indices = #map1}, {transform_indices = #map2}]} {
    "tpu.region"() ({
      %run_scoped3A = tpu.sem_alloc : memref<!tpu.dma_semaphore, #tpu.memory_space<semaphore_mem>>
      %dma_start3A_130 = arith.constant 0 : i32
      %dma_start3A_131 = arith.constant 0 : i32
      %dma_start3A_132 = tpu.memref_slice %arg3[%arg0, %arg1, %dma_start3A_130, %dma_start3A_131] : memref<2x16x250x40xi32, #tpu.memory_space<hbm>> -> memref<1x1x250x40xi32, #tpu.memory_space<hbm>>
      %dma_start3A_133 = tpu.memref_squeeze %dma_start3A_132 : memref<1x1x250x40xi32, #tpu.memory_space<hbm>> -> memref<250x40xi32, #tpu.memory_space<hbm>>
      %dma_start3A_134 = arith.constant 0 : i32
      %dma_start3A_135 = arith.constant 0 : i32
      %dma_start3A_136 = tpu.memref_slice %arg3[%arg0, %arg1, %dma_start3A_134, %dma_start3A_135] : memref<2x16x250x40xi32, #tpu.memory_space<hbm>> -> memref<1x1x250x40xi32, #tpu.memory_space<hbm>>
      %dma_start3A_137 = tpu.memref_squeeze %dma_start3A_136 : memref<1x1x250x40xi32, #tpu.memory_space<hbm>> -> memref<250x40xi32, #tpu.memory_space<hbm>>
      tpu.enqueue_dma source(%dma_start3A_137 : memref<250x40xi32, #tpu.memory_space<hbm>>) target(%arg6 : memref<250x40xi32, #tpu.memory_space<vmem>>) target_semaphore(%run_scoped3A : memref<!tpu.dma_semaphore, #tpu.memory_space<semaphore_mem>>)
      %dma_wait3A = arith.constant 0 : i32
      %dma_wait3A_138 = arith.constant 0 : i32
      %dma_wait3A_139 = tpu.memref_slice %arg3[%arg0, %arg1, %dma_wait3A, %dma_wait3A_138] : memref<2x16x250x40xi32, #tpu.memory_space<hbm>> -> memref<1x1x250x40xi32, #tpu.memory_space<hbm>>
      %dma_wait3A_140 = tpu.memref_squeeze %dma_wait3A_139 : memref<1x1x250x40xi32, #tpu.memory_space<hbm>> -> memref<250x40xi32, #tpu.memory_space<hbm>>
      %dma_wait3A_141 = arith.constant 0 : i32
      %dma_wait3A_142 = arith.constant 0 : i32
      %dma_wait3A_143 = tpu.memref_slice %arg3[%arg0, %arg1, %dma_wait3A_141, %dma_wait3A_142] : memref<2x16x250x40xi32, #tpu.memory_space<hbm>> -> memref<1x1x250x40xi32, #tpu.memory_space<hbm>>
      %dma_wait3A_144 = tpu.memref_squeeze %dma_wait3A_143 : memref<1x1x250x40xi32, #tpu.memory_space<hbm>> -> memref<250x40xi32, #tpu.memory_space<hbm>>
      tpu.wait_dma2 semaphore(%run_scoped3A : memref<!tpu.dma_semaphore, #tpu.memory_space<semaphore_mem>>) src(%dma_wait3A_144 : memref<250x40xi32, #tpu.memory_space<hbm>>) dst(%arg6 : memref<250x40xi32, #tpu.memory_space<vmem>>)
      tpu.yield
    }) : () -> ()
    "tpu.region"() ({
      %run_scoped3A = tpu.sem_alloc : memref<!tpu.dma_semaphore, #tpu.memory_space<semaphore_mem>>
      %dma_start3A_130 = arith.constant 0 : i32
      %dma_start3A_131 = arith.constant 0 : i32
      %dma_start3A_132 = tpu.memref_slice %arg4[%arg0, %arg1, %dma_start3A_130, %dma_start3A_131] : memref<2x16x250x40xi32, #tpu.memory_space<hbm>> -> memref<1x1x250x40xi32, #tpu.memory_space<hbm>>
      %dma_start3A_133 = tpu.memref_squeeze %dma_start3A_132 : memref<1x1x250x40xi32, #tpu.memory_space<hbm>> -> memref<250x40xi32, #tpu.memory_space<hbm>>
      %dma_start3A_134 = arith.constant 0 : i32
      %dma_start3A_135 = arith.constant 0 : i32
      %dma_start3A_136 = tpu.memref_slice %arg4[%arg0, %arg1, %dma_start3A_134, %dma_start3A_135] : memref<2x16x250x40xi32, #tpu.memory_space<hbm>> -> memref<1x1x250x40xi32, #tpu.memory_space<hbm>>
      %dma_start3A_137 = tpu.memref_squeeze %dma_start3A_136 : memref<1x1x250x40xi32, #tpu.memory_space<hbm>> -> memref<250x40xi32, #tpu.memory_space<hbm>>
      tpu.enqueue_dma source(%dma_start3A_137 : memref<250x40xi32, #tpu.memory_space<hbm>>) target(%arg7 : memref<250x40xi32, #tpu.memory_space<vmem>>) target_semaphore(%run_scoped3A : memref<!tpu.dma_semaphore, #tpu.memory_space<semaphore_mem>>)
      %dma_wait3A = arith.constant 0 : i32
      %dma_wait3A_138 = arith.constant 0 : i32
      %dma_wait3A_139 = tpu.memref_slice %arg4[%arg0, %arg1, %dma_wait3A, %dma_wait3A_138] : memref<2x16x250x40xi32, #tpu.memory_space<hbm>> -> memref<1x1x250x40xi32, #tpu.memory_space<hbm>>
      %dma_wait3A_140 = tpu.memref_squeeze %dma_wait3A_139 : memref<1x1x250x40xi32, #tpu.memory_space<hbm>> -> memref<250x40xi32, #tpu.memory_space<hbm>>
      %dma_wait3A_141 = arith.constant 0 : i32
      %dma_wait3A_142 = arith.constant 0 : i32
      %dma_wait3A_143 = tpu.memref_slice %arg4[%arg0, %arg1, %dma_wait3A_141, %dma_wait3A_142] : memref<2x16x250x40xi32, #tpu.memory_space<hbm>> -> memref<1x1x250x40xi32, #tpu.memory_space<hbm>>
      %dma_wait3A_144 = tpu.memref_squeeze %dma_wait3A_143 : memref<1x1x250x40xi32, #tpu.memory_space<hbm>> -> memref<250x40xi32, #tpu.memory_space<hbm>>
      tpu.wait_dma2 semaphore(%run_scoped3A : memref<!tpu.dma_semaphore, #tpu.memory_space<semaphore_mem>>) src(%dma_wait3A_144 : memref<250x40xi32, #tpu.memory_space<hbm>>) dst(%arg7 : memref<250x40xi32, #tpu.memory_space<vmem>>)
      tpu.yield
    }) : () -> ()
    %scan3A = arith.constant 0 : i32
    %scan3A_0 = arith.constant 0 : i32
    %scan3A_1 = arith.constant 24 : i32
    %scan3A_2 = arith.addi %scan3A_0, %scan3A_1 : i32
    %scan3A_3 = arith.constant 1 : i32
    scf.for %scan3A_130 = %scan3A_0 to %scan3A_2 step %scan3A_3  : i32 {
      %broadcast_in_dim3A = arith.constant 0.000000e+00 : f32
      %broadcast_in_dim3A_131 = vector.broadcast %broadcast_in_dim3A : f32 to vector<16xf32>
      %swap3A = arith.index_cast %scan3A_130 : i32 to index
      %swap3A_132 = arith.constant 0 : index
      %swap3A_133 = tpu.vector_load %arg9[%swap3A, %swap3A_132] {strides = array<i32>} : memref<24x128xf32, #tpu.memory_space<vmem>>, vector<1x16xf32>,
      %swap3A_134 = vector.shape_cast %swap3A_133 : vector<1x16xf32> to vector<16xf32>
      %swap3A_135 = vector.shape_cast %broadcast_in_dim3A_131 : vector<16xf32> to vector<1x16xf32>
      tpu.vector_store %arg9[%swap3A, %swap3A_132], %swap3A_135 {strides = array<i32>} : memref<24x128xf32, #tpu.memory_space<vmem>>, vector<1x16xf32>,
      %broadcast_in_dim3A_136 = arith.constant 0.000000e+00 : f32
      %broadcast_in_dim3A_137 = vector.broadcast %broadcast_in_dim3A_136 : f32 to vector<16xf32>
      %swap3A_138 = arith.index_cast %scan3A_130 : i32 to index
      %swap3A_139 = arith.constant 16 : index
      %swap3A_140 = tpu.vector_load %arg9[%swap3A_138, %swap3A_139] {strides = array<i32>} : memref<24x128xf32, #tpu.memory_space<vmem>>, vector<1x16xf32>,
      %swap3A_141 = vector.shape_cast %swap3A_140 : vector<1x16xf32> to vector<16xf32>
      %swap3A_142 = vector.shape_cast %broadcast_in_dim3A_137 : vector<16xf32> to vector<1x16xf32>
      tpu.vector_store %arg9[%swap3A_138, %swap3A_139], %swap3A_142 {strides = array<i32>} : memref<24x128xf32, #tpu.memory_space<vmem>>, vector<1x16xf32>,
      %broadcast_in_dim3A_143 = arith.constant 0.000000e+00 : f32
      %broadcast_in_dim3A_144 = vector.broadcast %broadcast_in_dim3A_143 : f32 to vector<16xf32>
      %swap3A_145 = arith.index_cast %scan3A_130 : i32 to index
      %swap3A_146 = arith.constant 32 : index
      %swap3A_147 = tpu.vector_load %arg9[%swap3A_145, %swap3A_146] {strides = array<i32>} : memref<24x128xf32, #tpu.memory_space<vmem>>, vector<1x16xf32>,
      %swap3A_148 = vector.shape_cast %swap3A_147 : vector<1x16xf32> to vector<16xf32>
      %swap3A_149 = vector.shape_cast %broadcast_in_dim3A_144 : vector<16xf32> to vector<1x16xf32>
      tpu.vector_store %arg9[%swap3A_145, %swap3A_146], %swap3A_149 {strides = array<i32>} : memref<24x128xf32, #tpu.memory_space<vmem>>, vector<1x16xf32>,
      %broadcast_in_dim3A_150 = arith.constant 0.000000e+00 : f32
      %broadcast_in_dim3A_151 = vector.broadcast %broadcast_in_dim3A_150 : f32 to vector<16xf32>
      %swap3A_152 = arith.index_cast %scan3A_130 : i32 to index
      %swap3A_153 = arith.constant 48 : index
      %swap3A_154 = tpu.vector_load %arg9[%swap3A_152, %swap3A_153] {strides = array<i32>} : memref<24x128xf32, #tpu.memory_space<vmem>>, vector<1x16xf32>,
      %swap3A_155 = vector.shape_cast %swap3A_154 : vector<1x16xf32> to vector<16xf32>
      %swap3A_156 = vector.shape_cast %broadcast_in_dim3A_151 : vector<16xf32> to vector<1x16xf32>
      tpu.vector_store %arg9[%swap3A_152, %swap3A_153], %swap3A_156 {strides = array<i32>} : memref<24x128xf32, #tpu.memory_space<vmem>>, vector<1x16xf32>,
      %broadcast_in_dim3A_157 = arith.constant 0.000000e+00 : f32
      %broadcast_in_dim3A_158 = vector.broadcast %broadcast_in_dim3A_157 : f32 to vector<16xf32>
      %swap3A_159 = arith.index_cast %scan3A_130 : i32 to index
      %swap3A_160 = arith.constant 64 : index
      %swap3A_161 = tpu.vector_load %arg9[%swap3A_159, %swap3A_160] {strides = array<i32>} : memref<24x128xf32, #tpu.memory_space<vmem>>, vector<1x16xf32>,
      %swap3A_162 = vector.shape_cast %swap3A_161 : vector<1x16xf32> to vector<16xf32>
      %swap3A_163 = vector.shape_cast %broadcast_in_dim3A_158 : vector<16xf32> to vector<1x16xf32>
      tpu.vector_store %arg9[%swap3A_159, %swap3A_160], %swap3A_163 {strides = array<i32>} : memref<24x128xf32, #tpu.memory_space<vmem>>, vector<1x16xf32>,
      %broadcast_in_dim3A_164 = arith.constant 0.000000e+00 : f32
      %broadcast_in_dim3A_165 = vector.broadcast %broadcast_in_dim3A_164 : f32 to vector<16xf32>
      %swap3A_166 = arith.index_cast %scan3A_130 : i32 to index
      %swap3A_167 = arith.constant 80 : index
      %swap3A_168 = tpu.vector_load %arg9[%swap3A_166, %swap3A_167] {strides = array<i32>} : memref<24x128xf32, #tpu.memory_space<vmem>>, vector<1x16xf32>,
      %swap3A_169 = vector.shape_cast %swap3A_168 : vector<1x16xf32> to vector<16xf32>
      %swap3A_170 = vector.shape_cast %broadcast_in_dim3A_165 : vector<16xf32> to vector<1x16xf32>
      tpu.vector_store %arg9[%swap3A_166, %swap3A_167], %swap3A_170 {strides = array<i32>} : memref<24x128xf32, #tpu.memory_space<vmem>>, vector<1x16xf32>,
      %broadcast_in_dim3A_171 = arith.constant 0.000000e+00 : f32
      %broadcast_in_dim3A_172 = vector.broadcast %broadcast_in_dim3A_171 : f32 to vector<16xf32>
      %swap3A_173 = arith.index_cast %scan3A_130 : i32 to index
      %swap3A_174 = arith.constant 96 : index
      %swap3A_175 = tpu.vector_load %arg9[%swap3A_173, %swap3A_174] {strides = array<i32>} : memref<24x128xf32, #tpu.memory_space<vmem>>, vector<1x16xf32>,
      %swap3A_176 = vector.shape_cast %swap3A_175 : vector<1x16xf32> to vector<16xf32>
      %swap3A_177 = vector.shape_cast %broadcast_in_dim3A_172 : vector<16xf32> to vector<1x16xf32>
      tpu.vector_store %arg9[%swap3A_173, %swap3A_174], %swap3A_177 {strides = array<i32>} : memref<24x128xf32, #tpu.memory_space<vmem>>, vector<1x16xf32>,
      %broadcast_in_dim3A_178 = arith.constant 0.000000e+00 : f32
      %broadcast_in_dim3A_179 = vector.broadcast %broadcast_in_dim3A_178 : f32 to vector<16xf32>
      %swap3A_180 = arith.index_cast %scan3A_130 : i32 to index
      %swap3A_181 = arith.constant 112 : index
      %swap3A_182 = tpu.vector_load %arg9[%swap3A_180, %swap3A_181] {strides = array<i32>} : memref<24x128xf32, #tpu.memory_space<vmem>>, vector<1x16xf32>,
      %swap3A_183 = vector.shape_cast %swap3A_182 : vector<1x16xf32> to vector<16xf32>
      %swap3A_184 = vector.shape_cast %broadcast_in_dim3A_179 : vector<16xf32> to vector<1x16xf32>
      tpu.vector_store %arg9[%swap3A_180, %swap3A_181], %swap3A_184 {strides = array<i32>} : memref<24x128xf32, #tpu.memory_space<vmem>>, vector<1x16xf32>,
    }
    %scan3A_4 = arith.constant 24 : i32
    %mul3A = arith.constant 624 : i32
    %mul3A_5 = arith.muli %arg1, %mul3A : i32
    %add3A = arith.constant 0 : i32
    %add3A_6 = arith.addi %mul3A_5, %add3A : i32
    "tpu.region"() ({
      %run_scoped3A = tpu.sem_alloc : memref<!tpu.dma_semaphore, #tpu.memory_space<semaphore_mem>>
      %dma_start3A_130 = arith.constant 0 : i32
      %dma_start3A_131 = tpu.memref_slice %arg10[%add3A_6, %dma_start3A_130] : memref<10000x128xf32, #tpu.memory_space<vmem_shared>> -> memref<24x128xf32, #tpu.memory_space<vmem_shared>>
      %dma_start3A_132 = arith.constant 0 : i32
      %dma_start3A_133 = tpu.memref_slice %arg10[%add3A_6, %dma_start3A_132] : memref<10000x128xf32, #tpu.memory_space<vmem_shared>> -> memref<24x128xf32, #tpu.memory_space<vmem_shared>>
      tpu.enqueue_dma source(%arg9 : memref<24x128xf32, #tpu.memory_space<vmem>>) target(%dma_start3A_133 : memref<24x128xf32, #tpu.memory_space<vmem_shared>>) target_semaphore(%run_scoped3A : memref<!tpu.dma_semaphore, #tpu.memory_space<semaphore_mem>>)
      %dma_wait3A = arith.constant 0 : i32
      %dma_wait3A_134 = tpu.memref_slice %arg10[%add3A_6, %dma_wait3A] : memref<10000x128xf32, #tpu.memory_space<vmem_shared>> -> memref<24x128xf32, #tpu.memory_space<vmem_shared>>
      %dma_wait3A_135 = arith.constant 0 : i32
      %dma_wait3A_136 = tpu.memref_slice %arg10[%add3A_6, %dma_wait3A_135] : memref<10000x128xf32, #tpu.memory_space<vmem_shared>> -> memref<24x128xf32, #tpu.memory_space<vmem_shared>>
      tpu.wait_dma2 semaphore(%run_scoped3A : memref<!tpu.dma_semaphore, #tpu.memory_space<semaphore_mem>>) src(%arg9 : memref<24x128xf32, #tpu.memory_space<vmem>>) dst(%dma_wait3A_136 : memref<24x128xf32, #tpu.memory_space<vmem_shared>>)
      tpu.yield
    }) : () -> ()
    %add3A_7 = arith.constant 24 : i32
    %add3A_8 = arith.addi %mul3A_5, %add3A_7 : i32
    "tpu.region"() ({
      %run_scoped3A = tpu.sem_alloc : memref<!tpu.dma_semaphore, #tpu.memory_space<semaphore_mem>>
      %dma_start3A_130 = arith.constant 0 : i32
      %dma_start3A_131 = tpu.memref_slice %arg10[%add3A_8, %dma_start3A_130] : memref<10000x128xf32, #tpu.memory_space<vmem_shared>> -> memref<24x128xf32, #tpu.memory_space<vmem_shared>>
      %dma_start3A_132 = arith.constant 0 : i32
      %dma_start3A_133 = tpu.memref_slice %arg10[%add3A_8, %dma_start3A_132] : memref<10000x128xf32, #tpu.memory_space<vmem_shared>> -> memref<24x128xf32, #tpu.memory_space<vmem_shared>>
      tpu.enqueue_dma source(%arg9 : memref<24x128xf32, #tpu.memory_space<vmem>>) target(%dma_start3A_133 : memref<24x128xf32, #tpu.memory_space<vmem_shared>>) target_semaphore(%run_scoped3A : memref<!tpu.dma_semaphore, #tpu.memory_space<semaphore_mem>>)
      %dma_wait3A = arith.constant 0 : i32
      %dma_wait3A_134 = tpu.memref_slice %arg10[%add3A_8, %dma_wait3A] : memref<10000x128xf32, #tpu.memory_space<vmem_shared>> -> memref<24x128xf32, #tpu.memory_space<vmem_shared>>
      %dma_wait3A_135 = arith.constant 0 : i32
      %dma_wait3A_136 = tpu.memref_slice %arg10[%add3A_8, %dma_wait3A_135] : memref<10000x128xf32, #tpu.memory_space<vmem_shared>> -> memref<24x128xf32, #tpu.memory_space<vmem_shared>>
      tpu.wait_dma2 semaphore(%run_scoped3A : memref<!tpu.dma_semaphore, #tpu.memory_space<semaphore_mem>>) src(%arg9 : memref<24x128xf32, #tpu.memory_space<vmem>>) dst(%dma_wait3A_136 : memref<24x128xf32, #tpu.memory_space<vmem_shared>>)
      tpu.yield
    }) : () -> ()
    %add3A_9 = arith.constant 48 : i32
    %add3A_10 = arith.addi %mul3A_5, %add3A_9 : i32
    "tpu.region"() ({
      %run_scoped3A = tpu.sem_alloc : memref<!tpu.dma_semaphore, #tpu.memory_space<semaphore_mem>>
      %dma_start3A_130 = arith.constant 0 : i32
      %dma_start3A_131 = tpu.memref_slice %arg10[%add3A_10, %dma_start3A_130] : memref<10000x128xf32, #tpu.memory_space<vmem_shared>> -> memref<24x128xf32, #tpu.memory_space<vmem_shared>>
      %dma_start3A_132 = arith.constant 0 : i32
      %dma_start3A_133 = tpu.memref_slice %arg10[%add3A_10, %dma_start3A_132] : memref<10000x128xf32, #tpu.memory_space<vmem_shared>> -> memref<24x128xf32, #tpu.memory_space<vmem_shared>>
      tpu.enqueue_dma source(%arg9 : memref<24x128xf32, #tpu.memory_space<vmem>>) target(%dma_start3A_133 : memref<24x128xf32, #tpu.memory_space<vmem_shared>>) target_semaphore(%run_scoped3A : memref<!tpu.dma_semaphore, #tpu.memory_space<semaphore_mem>>)
      %dma_wait3A = arith.constant 0 : i32
      %dma_wait3A_134 = tpu.memref_slice %arg10[%add3A_10, %dma_wait3A] : memref<10000x128xf32, #tpu.memory_space<vmem_shared>> -> memref<24x128xf32, #tpu.memory_space<vmem_shared>>
      %dma_wait3A_135 = arith.constant 0 : i32
      %dma_wait3A_136 = tpu.memref_slice %arg10[%add3A_10, %dma_wait3A_135] : memref<10000x128xf32, #tpu.memory_space<vmem_shared>> -> memref<24x128xf32, #tpu.memory_space<vmem_shared>>
      tpu.wait_dma2 semaphore(%run_scoped3A : memref<!tpu.dma_semaphore, #tpu.memory_space<semaphore_mem>>) src(%arg9 : memref<24x128xf32, #tpu.memory_space<vmem>>) dst(%dma_wait3A_136 : memref<24x128xf32, #tpu.memory_space<vmem_shared>>)
      tpu.yield
    }) : () -> ()
    %add3A_11 = arith.constant 72 : i32
    %add3A_12 = arith.addi %mul3A_5, %add3A_11 : i32
    "tpu.region"() ({
      %run_scoped3A = tpu.sem_alloc : memref<!tpu.dma_semaphore, #tpu.memory_space<semaphore_mem>>
      %dma_start3A_130 = arith.constant 0 : i32
      %dma_start3A_131 = tpu.memref_slice %arg10[%add3A_12, %dma_start3A_130] : memref<10000x128xf32, #tpu.memory_space<vmem_shared>> -> memref<24x128xf32, #tpu.memory_space<vmem_shared>>
      %dma_start3A_132 = arith.constant 0 : i32
      %dma_start3A_133 = tpu.memref_slice %arg10[%add3A_12, %dma_start3A_132] : memref<10000x128xf32, #tpu.memory_space<vmem_shared>> -> memref<24x128xf32, #tpu.memory_space<vmem_shared>>
      tpu.enqueue_dma source(%arg9 : memref<24x128xf32, #tpu.memory_space<vmem>>) target(%dma_start3A_133 : memref<24x128xf32, #tpu.memory_space<vmem_shared>>) target_semaphore(%run_scoped3A : memref<!tpu.dma_semaphore, #tpu.memory_space<semaphore_mem>>)
      %dma_wait3A = arith.constant 0 : i32
      %dma_wait3A_134 = tpu.memref_slice %arg10[%add3A_12, %dma_wait3A] : memref<10000x128xf32, #tpu.memory_space<vmem_shared>> -> memref<24x128xf32, #tpu.memory_space<vmem_shared>>
      %dma_wait3A_135 = arith.constant 0 : i32
      %dma_wait3A_136 = tpu.memref_slice %arg10[%add3A_12, %dma_wait3A_135] : memref<10000x128xf32, #tpu.memory_space<vmem_shared>> -> memref<24x128xf32, #tpu.memory_space<vmem_shared>>
      tpu.wait_dma2 semaphore(%run_scoped3A : memref<!tpu.dma_semaphore, #tpu.memory_space<semaphore_mem>>) src(%arg9 : memref<24x128xf32, #tpu.memory_space<vmem>>) dst(%dma_wait3A_136 : memref<24x128xf32, #tpu.memory_space<vmem_shared>>)
      tpu.yield
    }) : () -> ()
    %add3A_13 = arith.constant 96 : i32
    %add3A_14 = arith.addi %mul3A_5, %add3A_13 : i32
    "tpu.region"() ({
      %run_scoped3A = tpu.sem_alloc : memref<!tpu.dma_semaphore, #tpu.memory_space<semaphore_mem>>
      %dma_start3A_130 = arith.constant 0 : i32
      %dma_start3A_131 = tpu.memref_slice %arg10[%add3A_14, %dma_start3A_130] : memref<10000x128xf32, #tpu.memory_space<vmem_shared>> -> memref<24x128xf32, #tpu.memory_space<vmem_shared>>
      %dma_start3A_132 = arith.constant 0 : i32
      %dma_start3A_133 = tpu.memref_slice %arg10[%add3A_14, %dma_start3A_132] : memref<10000x128xf32, #tpu.memory_space<vmem_shared>> -> memref<24x128xf32, #tpu.memory_space<vmem_shared>>
      tpu.enqueue_dma source(%arg9 : memref<24x128xf32, #tpu.memory_space<vmem>>) target(%dma_start3A_133 : memref<24x128xf32, #tpu.memory_space<vmem_shared>>) target_semaphore(%run_scoped3A : memref<!tpu.dma_semaphore, #tpu.memory_space<semaphore_mem>>)
      %dma_wait3A = arith.constant 0 : i32
      %dma_wait3A_134 = tpu.memref_slice %arg10[%add3A_14, %dma_wait3A] : memref<10000x128xf32, #tpu.memory_space<vmem_shared>> -> memref<24x128xf32, #tpu.memory_space<vmem_shared>>
      %dma_wait3A_135 = arith.constant 0 : i32
      %dma_wait3A_136 = tpu.memref_slice %arg10[%add3A_14, %dma_wait3A_135] : memref<10000x128xf32, #tpu.memory_space<vmem_shared>> -> memref<24x128xf32, #tpu.memory_space<vmem_shared>>
      tpu.wait_dma2 semaphore(%run_scoped3A : memref<!tpu.dma_semaphore, #tpu.memory_space<semaphore_mem>>) src(%arg9 : memref<24x128xf32, #tpu.memory_space<vmem>>) dst(%dma_wait3A_136 : memref<24x128xf32, #tpu.memory_space<vmem_shared>>)
      tpu.yield
    }) : () -> ()
    %add3A_15 = arith.constant 120 : i32
    %add3A_16 = arith.addi %mul3A_5, %add3A_15 : i32
    "tpu.region"() ({
      %run_scoped3A = tpu.sem_alloc : memref<!tpu.dma_semaphore, #tpu.memory_space<semaphore_mem>>
      %dma_start3A_130 = arith.constant 0 : i32
      %dma_start3A_131 = tpu.memref_slice %arg10[%add3A_16, %dma_start3A_130] : memref<10000x128xf32, #tpu.memory_space<vmem_shared>> -> memref<24x128xf32, #tpu.memory_space<vmem_shared>>
      %dma_start3A_132 = arith.constant 0 : i32
      %dma_start3A_133 = tpu.memref_slice %arg10[%add3A_16, %dma_start3A_132] : memref<10000x128xf32, #tpu.memory_space<vmem_shared>> -> memref<24x128xf32, #tpu.memory_space<vmem_shared>>
      tpu.enqueue_dma source(%arg9 : memref<24x128xf32, #tpu.memory_space<vmem>>) target(%dma_start3A_133 : memref<24x128xf32, #tpu.memory_space<vmem_shared>>) target_semaphore(%run_scoped3A : memref<!tpu.dma_semaphore, #tpu.memory_space<semaphore_mem>>)
      %dma_wait3A = arith.constant 0 : i32
      %dma_wait3A_134 = tpu.memref_slice %arg10[%add3A_16, %dma_wait3A] : memref<10000x128xf32, #tpu.memory_space<vmem_shared>> -> memref<24x128xf32, #tpu.memory_space<vmem_shared>>
      %dma_wait3A_135 = arith.constant 0 : i32
      %dma_wait3A_136 = tpu.memref_slice %arg10[%add3A_16, %dma_wait3A_135] : memref<10000x128xf32, #tpu.memory_space<vmem_shared>> -> memref<24x128xf32, #tpu.memory_space<vmem_shared>>
      tpu.wait_dma2 semaphore(%run_scoped3A : memref<!tpu.dma_semaphore, #tpu.memory_space<semaphore_mem>>) src(%arg9 : memref<24x128xf32, #tpu.memory_space<vmem>>) dst(%dma_wait3A_136 : memref<24x128xf32, #tpu.memory_space<vmem_shared>>)
      tpu.yield
    }) : () -> ()
    %add3A_17 = arith.constant 144 : i32
    %add3A_18 = arith.addi %mul3A_5, %add3A_17 : i32
    "tpu.region"() ({
      %run_scoped3A = tpu.sem_alloc : memref<!tpu.dma_semaphore, #tpu.memory_space<semaphore_mem>>
      %dma_start3A_130 = arith.constant 0 : i32
      %dma_start3A_131 = tpu.memref_slice %arg10[%add3A_18, %dma_start3A_130] : memref<10000x128xf32, #tpu.memory_space<vmem_shared>> -> memref<24x128xf32, #tpu.memory_space<vmem_shared>>
      %dma_start3A_132 = arith.constant 0 : i32
      %dma_start3A_133 = tpu.memref_slice %arg10[%add3A_18, %dma_start3A_132] : memref<10000x128xf32, #tpu.memory_space<vmem_shared>> -> memref<24x128xf32, #tpu.memory_space<vmem_shared>>
      tpu.enqueue_dma source(%arg9 : memref<24x128xf32, #tpu.memory_space<vmem>>) target(%dma_start3A_133 : memref<24x128xf32, #tpu.memory_space<vmem_shared>>) target_semaphore(%run_scoped3A : memref<!tpu.dma_semaphore, #tpu.memory_space<semaphore_mem>>)
      %dma_wait3A = arith.constant 0 : i32
      %dma_wait3A_134 = tpu.memref_slice %arg10[%add3A_18, %dma_wait3A] : memref<10000x128xf32, #tpu.memory_space<vmem_shared>> -> memref<24x128xf32, #tpu.memory_space<vmem_shared>>
      %dma_wait3A_135 = arith.constant 0 : i32
      %dma_wait3A_136 = tpu.memref_slice %arg10[%add3A_18, %dma_wait3A_135] : memref<10000x128xf32, #tpu.memory_space<vmem_shared>> -> memref<24x128xf32, #tpu.memory_space<vmem_shared>>
      tpu.wait_dma2 semaphore(%run_scoped3A : memref<!tpu.dma_semaphore, #tpu.memory_space<semaphore_mem>>) src(%arg9 : memref<24x128xf32, #tpu.memory_space<vmem>>) dst(%dma_wait3A_136 : memref<24x128xf32, #tpu.memory_space<vmem_shared>>)
      tpu.yield
    }) : () -> ()
    %add3A_19 = arith.constant 168 : i32
    %add3A_20 = arith.addi %mul3A_5, %add3A_19 : i32
    "tpu.region"() ({
      %run_scoped3A = tpu.sem_alloc : memref<!tpu.dma_semaphore, #tpu.memory_space<semaphore_mem>>
      %dma_start3A_130 = arith.constant 0 : i32
      %dma_start3A_131 = tpu.memref_slice %arg10[%add3A_20, %dma_start3A_130] : memref<10000x128xf32, #tpu.memory_space<vmem_shared>> -> memref<24x128xf32, #tpu.memory_space<vmem_shared>>
      %dma_start3A_132 = arith.constant 0 : i32
      %dma_start3A_133 = tpu.memref_slice %arg10[%add3A_20, %dma_start3A_132] : memref<10000x128xf32, #tpu.memory_space<vmem_shared>> -> memref<24x128xf32, #tpu.memory_space<vmem_shared>>
      tpu.enqueue_dma source(%arg9 : memref<24x128xf32, #tpu.memory_space<vmem>>) target(%dma_start3A_133 : memref<24x128xf32, #tpu.memory_space<vmem_shared>>) target_semaphore(%run_scoped3A : memref<!tpu.dma_semaphore, #tpu.memory_space<semaphore_mem>>)
      %dma_wait3A = arith.constant 0 : i32
      %dma_wait3A_134 = tpu.memref_slice %arg10[%add3A_20, %dma_wait3A] : memref<10000x128xf32, #tpu.memory_space<vmem_shared>> -> memref<24x128xf32, #tpu.memory_space<vmem_shared>>
      %dma_wait3A_135 = arith.constant 0 : i32
      %dma_wait3A_136 = tpu.memref_slice %arg10[%add3A_20, %dma_wait3A_135] : memref<10000x128xf32, #tpu.memory_space<vmem_shared>> -> memref<24x128xf32, #tpu.memory_space<vmem_shared>>
      tpu.wait_dma2 semaphore(%run_scoped3A : memref<!tpu.dma_semaphore, #tpu.memory_space<semaphore_mem>>) src(%arg9 : memref<24x128xf32, #tpu.memory_space<vmem>>) dst(%dma_wait3A_136 : memref<24x128xf32, #tpu.memory_space<vmem_shared>>)
      tpu.yield
    }) : () -> ()
    %add3A_21 = arith.constant 192 : i32
    %add3A_22 = arith.addi %mul3A_5, %add3A_21 : i32
    "tpu.region"() ({
      %run_scoped3A = tpu.sem_alloc : memref<!tpu.dma_semaphore, #tpu.memory_space<semaphore_mem>>
      %dma_start3A_130 = arith.constant 0 : i32
      %dma_start3A_131 = tpu.memref_slice %arg10[%add3A_22, %dma_start3A_130] : memref<10000x128xf32, #tpu.memory_space<vmem_shared>> -> memref<24x128xf32, #tpu.memory_space<vmem_shared>>
      %dma_start3A_132 = arith.constant 0 : i32
      %dma_start3A_133 = tpu.memref_slice %arg10[%add3A_22, %dma_start3A_132] : memref<10000x128xf32, #tpu.memory_space<vmem_shared>> -> memref<24x128xf32, #tpu.memory_space<vmem_shared>>
      tpu.enqueue_dma source(%arg9 : memref<24x128xf32, #tpu.memory_space<vmem>>) target(%dma_start3A_133 : memref<24x128xf32, #tpu.memory_space<vmem_shared>>) target_semaphore(%run_scoped3A : memref<!tpu.dma_semaphore, #tpu.memory_space<semaphore_mem>>)
      %dma_wait3A = arith.constant 0 : i32
      %dma_wait3A_134 = tpu.memref_slice %arg10[%add3A_22, %dma_wait3A] : memref<10000x128xf32, #tpu.memory_space<vmem_shared>> -> memref<24x128xf32, #tpu.memory_space<vmem_shared>>
      %dma_wait3A_135 = arith.constant 0 : i32
      %dma_wait3A_136 = tpu.memref_slice %arg10[%add3A_22, %dma_wait3A_135] : memref<10000x128xf32, #tpu.memory_space<vmem_shared>> -> memref<24x128xf32, #tpu.memory_space<vmem_shared>>
      tpu.wait_dma2 semaphore(%run_scoped3A : memref<!tpu.dma_semaphore, #tpu.memory_space<semaphore_mem>>) src(%arg9 : memref<24x128xf32, #tpu.memory_space<vmem>>) dst(%dma_wait3A_136 : memref<24x128xf32, #tpu.memory_space<vmem_shared>>)
      tpu.yield
    }) : () -> ()
    %add3A_23 = arith.constant 216 : i32
    %add3A_24 = arith.addi %mul3A_5, %add3A_23 : i32
    "tpu.region"() ({
      %run_scoped3A = tpu.sem_alloc : memref<!tpu.dma_semaphore, #tpu.memory_space<semaphore_mem>>
      %dma_start3A_130 = arith.constant 0 : i32
      %dma_start3A_131 = tpu.memref_slice %arg10[%add3A_24, %dma_start3A_130] : memref<10000x128xf32, #tpu.memory_space<vmem_shared>> -> memref<24x128xf32, #tpu.memory_space<vmem_shared>>
      %dma_start3A_132 = arith.constant 0 : i32
      %dma_start3A_133 = tpu.memref_slice %arg10[%add3A_24, %dma_start3A_132] : memref<10000x128xf32, #tpu.memory_space<vmem_shared>> -> memref<24x128xf32, #tpu.memory_space<vmem_shared>>
      tpu.enqueue_dma source(%arg9 : memref<24x128xf32, #tpu.memory_space<vmem>>) target(%dma_start3A_133 : memref<24x128xf32, #tpu.memory_space<vmem_shared>>) target_semaphore(%run_scoped3A : memref<!tpu.dma_semaphore, #tpu.memory_space<semaphore_mem>>)
      %dma_wait3A = arith.constant 0 : i32
      %dma_wait3A_134 = tpu.memref_slice %arg10[%add3A_24, %dma_wait3A] : memref<10000x128xf32, #tpu.memory_space<vmem_shared>> -> memref<24x128xf32, #tpu.memory_space<vmem_shared>>
      %dma_wait3A_135 = arith.constant 0 : i32
      %dma_wait3A_136 = tpu.memref_slice %arg10[%add3A_24, %dma_wait3A_135] : memref<10000x128xf32, #tpu.memory_space<vmem_shared>> -> memref<24x128xf32, #tpu.memory_space<vmem_shared>>
      tpu.wait_dma2 semaphore(%run_scoped3A : memref<!tpu.dma_semaphore, #tpu.memory_space<semaphore_mem>>) src(%arg9 : memref<24x128xf32, #tpu.memory_space<vmem>>) dst(%dma_wait3A_136 : memref<24x128xf32, #tpu.memory_space<vmem_shared>>)
      tpu.yield
    }) : () -> ()
    %add3A_25 = arith.constant 240 : i32
    %add3A_26 = arith.addi %mul3A_5, %add3A_25 : i32
    "tpu.region"() ({
      %run_scoped3A = tpu.sem_alloc : memref<!tpu.dma_semaphore, #tpu.memory_space<semaphore_mem>>
      %dma_start3A_130 = arith.constant 0 : i32
      %dma_start3A_131 = tpu.memref_slice %arg10[%add3A_26, %dma_start3A_130] : memref<10000x128xf32, #tpu.memory_space<vmem_shared>> -> memref<24x128xf32, #tpu.memory_space<vmem_shared>>
      %dma_start3A_132 = arith.constant 0 : i32
      %dma_start3A_133 = tpu.memref_slice %arg10[%add3A_26, %dma_start3A_132] : memref<10000x128xf32, #tpu.memory_space<vmem_shared>> -> memref<24x128xf32, #tpu.memory_space<vmem_shared>>
      tpu.enqueue_dma source(%arg9 : memref<24x128xf32, #tpu.memory_space<vmem>>) target(%dma_start3A_133 : memref<24x128xf32, #tpu.memory_space<vmem_shared>>) target_semaphore(%run_scoped3A : memref<!tpu.dma_semaphore, #tpu.memory_space<semaphore_mem>>)
      %dma_wait3A = arith.constant 0 : i32
      %dma_wait3A_134 = tpu.memref_slice %arg10[%add3A_26, %dma_wait3A] : memref<10000x128xf32, #tpu.memory_space<vmem_shared>> -> memref<24x128xf32, #tpu.memory_space<vmem_shared>>
      %dma_wait3A_135 = arith.constant 0 : i32
      %dma_wait3A_136 = tpu.memref_slice %arg10[%add3A_26, %dma_wait3A_135] : memref<10000x128xf32, #tpu.memory_space<vmem_shared>> -> memref<24x128xf32, #tpu.memory_space<vmem_shared>>
      tpu.wait_dma2 semaphore(%run_scoped3A : memref<!tpu.dma_semaphore, #tpu.memory_space<semaphore_mem>>) src(%arg9 : memref<24x128xf32, #tpu.memory_space<vmem>>) dst(%dma_wait3A_136 : memref<24x128xf32, #tpu.memory_space<vmem_shared>>)
      tpu.yield
    }) : () -> ()
    %add3A_27 = arith.constant 264 : i32
    %add3A_28 = arith.addi %mul3A_5, %add3A_27 : i32
    "tpu.region"() ({
      %run_scoped3A = tpu.sem_alloc : memref<!tpu.dma_semaphore, #tpu.memory_space<semaphore_mem>>
      %dma_start3A_130 = arith.constant 0 : i32
      %dma_start3A_131 = tpu.memref_slice %arg10[%add3A_28, %dma_start3A_130] : memref<10000x128xf32, #tpu.memory_space<vmem_shared>> -> memref<24x128xf32, #tpu.memory_space<vmem_shared>>
      %dma_start3A_132 = arith.constant 0 : i32
      %dma_start3A_133 = tpu.memref_slice %arg10[%add3A_28, %dma_start3A_132] : memref<10000x128xf32, #tpu.memory_space<vmem_shared>> -> memref<24x128xf32, #tpu.memory_space<vmem_shared>>
      tpu.enqueue_dma source(%arg9 : memref<24x128xf32, #tpu.memory_space<vmem>>) target(%dma_start3A_133 : memref<24x128xf32, #tpu.memory_space<vmem_shared>>) target_semaphore(%run_scoped3A : memref<!tpu.dma_semaphore, #tpu.memory_space<semaphore_mem>>)
      %dma_wait3A = arith.constant 0 : i32
      %dma_wait3A_134 = tpu.memref_slice %arg10[%add3A_28, %dma_wait3A] : memref<10000x128xf32, #tpu.memory_space<vmem_shared>> -> memref<24x128xf32, #tpu.memory_space<vmem_shared>>
      %dma_wait3A_135 = arith.constant 0 : i32
      %dma_wait3A_136 = tpu.memref_slice %arg10[%add3A_28, %dma_wait3A_135] : memref<10000x128xf32, #tpu.memory_space<vmem_shared>> -> memref<24x128xf32, #tpu.memory_space<vmem_shared>>
      tpu.wait_dma2 semaphore(%run_scoped3A : memref<!tpu.dma_semaphore, #tpu.memory_space<semaphore_mem>>) src(%arg9 : memref<24x128xf32, #tpu.memory_space<vmem>>) dst(%dma_wait3A_136 : memref<24x128xf32, #tpu.memory_space<vmem_shared>>)
      tpu.yield
    }) : () -> ()
    %add3A_29 = arith.constant 288 : i32
    %add3A_30 = arith.addi %mul3A_5, %add3A_29 : i32
    "tpu.region"() ({
      %run_scoped3A = tpu.sem_alloc : memref<!tpu.dma_semaphore, #tpu.memory_space<semaphore_mem>>
      %dma_start3A_130 = arith.constant 0 : i32
      %dma_start3A_131 = tpu.memref_slice %arg10[%add3A_30, %dma_start3A_130] : memref<10000x128xf32, #tpu.memory_space<vmem_shared>> -> memref<24x128xf32, #tpu.memory_space<vmem_shared>>
      %dma_start3A_132 = arith.constant 0 : i32
      %dma_start3A_133 = tpu.memref_slice %arg10[%add3A_30, %dma_start3A_132] : memref<10000x128xf32, #tpu.memory_space<vmem_shared>> -> memref<24x128xf32, #tpu.memory_space<vmem_shared>>
      tpu.enqueue_dma source(%arg9 : memref<24x128xf32, #tpu.memory_space<vmem>>) target(%dma_start3A_133 : memref<24x128xf32, #tpu.memory_space<vmem_shared>>) target_semaphore(%run_scoped3A : memref<!tpu.dma_semaphore, #tpu.memory_space<semaphore_mem>>)
      %dma_wait3A = arith.constant 0 : i32
      %dma_wait3A_134 = tpu.memref_slice %arg10[%add3A_30, %dma_wait3A] : memref<10000x128xf32, #tpu.memory_space<vmem_shared>> -> memref<24x128xf32, #tpu.memory_space<vmem_shared>>
      %dma_wait3A_135 = arith.constant 0 : i32
      %dma_wait3A_136 = tpu.memref_slice %arg10[%add3A_30, %dma_wait3A_135] : memref<10000x128xf32, #tpu.memory_space<vmem_shared>> -> memref<24x128xf32, #tpu.memory_space<vmem_shared>>
      tpu.wait_dma2 semaphore(%run_scoped3A : memref<!tpu.dma_semaphore, #tpu.memory_space<semaphore_mem>>) src(%arg9 : memref<24x128xf32, #tpu.memory_space<vmem>>) dst(%dma_wait3A_136 : memref<24x128xf32, #tpu.memory_space<vmem_shared>>)
      tpu.yield
    }) : () -> ()
    %add3A_31 = arith.constant 312 : i32
    %add3A_32 = arith.addi %mul3A_5, %add3A_31 : i32
    "tpu.region"() ({
      %run_scoped3A = tpu.sem_alloc : memref<!tpu.dma_semaphore, #tpu.memory_space<semaphore_mem>>
      %dma_start3A_130 = arith.constant 0 : i32
      %dma_start3A_131 = tpu.memref_slice %arg10[%add3A_32, %dma_start3A_130] : memref<10000x128xf32, #tpu.memory_space<vmem_shared>> -> memref<24x128xf32, #tpu.memory_space<vmem_shared>>
      %dma_start3A_132 = arith.constant 0 : i32
      %dma_start3A_133 = tpu.memref_slice %arg10[%add3A_32, %dma_start3A_132] : memref<10000x128xf32, #tpu.memory_space<vmem_shared>> -> memref<24x128xf32, #tpu.memory_space<vmem_shared>>
      tpu.enqueue_dma source(%arg9 : memref<24x128xf32, #tpu.memory_space<vmem>>) target(%dma_start3A_133 : memref<24x128xf32, #tpu.memory_space<vmem_shared>>) target_semaphore(%run_scoped3A : memref<!tpu.dma_semaphore, #tpu.memory_space<semaphore_mem>>)
      %dma_wait3A = arith.constant 0 : i32
      %dma_wait3A_134 = tpu.memref_slice %arg10[%add3A_32, %dma_wait3A] : memref<10000x128xf32, #tpu.memory_space<vmem_shared>> -> memref<24x128xf32, #tpu.memory_space<vmem_shared>>
      %dma_wait3A_135 = arith.constant 0 : i32
      %dma_wait3A_136 = tpu.memref_slice %arg10[%add3A_32, %dma_wait3A_135] : memref<10000x128xf32, #tpu.memory_space<vmem_shared>> -> memref<24x128xf32, #tpu.memory_space<vmem_shared>>
      tpu.wait_dma2 semaphore(%run_scoped3A : memref<!tpu.dma_semaphore, #tpu.memory_space<semaphore_mem>>) src(%arg9 : memref<24x128xf32, #tpu.memory_space<vmem>>) dst(%dma_wait3A_136 : memref<24x128xf32, #tpu.memory_space<vmem_shared>>)
      tpu.yield
    }) : () -> ()
    %add3A_33 = arith.constant 336 : i32
    %add3A_34 = arith.addi %mul3A_5, %add3A_33 : i32
    "tpu.region"() ({
      %run_scoped3A = tpu.sem_alloc : memref<!tpu.dma_semaphore, #tpu.memory_space<semaphore_mem>>
      %dma_start3A_130 = arith.constant 0 : i32
      %dma_start3A_131 = tpu.memref_slice %arg10[%add3A_34, %dma_start3A_130] : memref<10000x128xf32, #tpu.memory_space<vmem_shared>> -> memref<24x128xf32, #tpu.memory_space<vmem_shared>>
      %dma_start3A_132 = arith.constant 0 : i32
      %dma_start3A_133 = tpu.memref_slice %arg10[%add3A_34, %dma_start3A_132] : memref<10000x128xf32, #tpu.memory_space<vmem_shared>> -> memref<24x128xf32, #tpu.memory_space<vmem_shared>>
      tpu.enqueue_dma source(%arg9 : memref<24x128xf32, #tpu.memory_space<vmem>>) target(%dma_start3A_133 : memref<24x128xf32, #tpu.memory_space<vmem_shared>>) target_semaphore(%run_scoped3A : memref<!tpu.dma_semaphore, #tpu.memory_space<semaphore_mem>>)
      %dma_wait3A = arith.constant 0 : i32
      %dma_wait3A_134 = tpu.memref_slice %arg10[%add3A_34, %dma_wait3A] : memref<10000x128xf32, #tpu.memory_space<vmem_shared>> -> memref<24x128xf32, #tpu.memory_space<vmem_shared>>
      %dma_wait3A_135 = arith.constant 0 : i32
      %dma_wait3A_136 = tpu.memref_slice %arg10[%add3A_34, %dma_wait3A_135] : memref<10000x128xf32, #tpu.memory_space<vmem_shared>> -> memref<24x128xf32, #tpu.memory_space<vmem_shared>>
      tpu.wait_dma2 semaphore(%run_scoped3A : memref<!tpu.dma_semaphore, #tpu.memory_space<semaphore_mem>>) src(%arg9 : memref<24x128xf32, #tpu.memory_space<vmem>>) dst(%dma_wait3A_136 : memref<24x128xf32, #tpu.memory_space<vmem_shared>>)
      tpu.yield
    }) : () -> ()
    %add3A_35 = arith.constant 360 : i32
    %add3A_36 = arith.addi %mul3A_5, %add3A_35 : i32
    "tpu.region"() ({
      %run_scoped3A = tpu.sem_alloc : memref<!tpu.dma_semaphore, #tpu.memory_space<semaphore_mem>>
      %dma_start3A_130 = arith.constant 0 : i32
      %dma_start3A_131 = tpu.memref_slice %arg10[%add3A_36, %dma_start3A_130] : memref<10000x128xf32, #tpu.memory_space<vmem_shared>> -> memref<24x128xf32, #tpu.memory_space<vmem_shared>>
      %dma_start3A_132 = arith.constant 0 : i32
      %dma_start3A_133 = tpu.memref_slice %arg10[%add3A_36, %dma_start3A_132] : memref<10000x128xf32, #tpu.memory_space<vmem_shared>> -> memref<24x128xf32, #tpu.memory_space<vmem_shared>>
      tpu.enqueue_dma source(%arg9 : memref<24x128xf32, #tpu.memory_space<vmem>>) target(%dma_start3A_133 : memref<24x128xf32, #tpu.memory_space<vmem_shared>>) target_semaphore(%run_scoped3A : memref<!tpu.dma_semaphore, #tpu.memory_space<semaphore_mem>>)
      %dma_wait3A = arith.constant 0 : i32
      %dma_wait3A_134 = tpu.memref_slice %arg10[%add3A_36, %dma_wait3A] : memref<10000x128xf32, #tpu.memory_space<vmem_shared>> -> memref<24x128xf32, #tpu.memory_space<vmem_shared>>
      %dma_wait3A_135 = arith.constant 0 : i32
      %dma_wait3A_136 = tpu.memref_slice %arg10[%add3A_36, %dma_wait3A_135] : memref<10000x128xf32, #tpu.memory_space<vmem_shared>> -> memref<24x128xf32, #tpu.memory_space<vmem_shared>>
      tpu.wait_dma2 semaphore(%run_scoped3A : memref<!tpu.dma_semaphore, #tpu.memory_space<semaphore_mem>>) src(%arg9 : memref<24x128xf32, #tpu.memory_space<vmem>>) dst(%dma_wait3A_136 : memref<24x128xf32, #tpu.memory_space<vmem_shared>>)
      tpu.yield
    }) : () -> ()
    %add3A_37 = arith.constant 384 : i32
    %add3A_38 = arith.addi %mul3A_5, %add3A_37 : i32
    "tpu.region"() ({
      %run_scoped3A = tpu.sem_alloc : memref<!tpu.dma_semaphore, #tpu.memory_space<semaphore_mem>>
      %dma_start3A_130 = arith.constant 0 : i32
      %dma_start3A_131 = tpu.memref_slice %arg10[%add3A_38, %dma_start3A_130] : memref<10000x128xf32, #tpu.memory_space<vmem_shared>> -> memref<24x128xf32, #tpu.memory_space<vmem_shared>>
      %dma_start3A_132 = arith.constant 0 : i32
      %dma_start3A_133 = tpu.memref_slice %arg10[%add3A_38, %dma_start3A_132] : memref<10000x128xf32, #tpu.memory_space<vmem_shared>> -> memref<24x128xf32, #tpu.memory_space<vmem_shared>>
      tpu.enqueue_dma source(%arg9 : memref<24x128xf32, #tpu.memory_space<vmem>>) target(%dma_start3A_133 : memref<24x128xf32, #tpu.memory_space<vmem_shared>>) target_semaphore(%run_scoped3A : memref<!tpu.dma_semaphore, #tpu.memory_space<semaphore_mem>>)
      %dma_wait3A = arith.constant 0 : i32
      %dma_wait3A_134 = tpu.memref_slice %arg10[%add3A_38, %dma_wait3A] : memref<10000x128xf32, #tpu.memory_space<vmem_shared>> -> memref<24x128xf32, #tpu.memory_space<vmem_shared>>
      %dma_wait3A_135 = arith.constant 0 : i32
      %dma_wait3A_136 = tpu.memref_slice %arg10[%add3A_38, %dma_wait3A_135] : memref<10000x128xf32, #tpu.memory_space<vmem_shared>> -> memref<24x128xf32, #tpu.memory_space<vmem_shared>>
      tpu.wait_dma2 semaphore(%run_scoped3A : memref<!tpu.dma_semaphore, #tpu.memory_space<semaphore_mem>>) src(%arg9 : memref<24x128xf32, #tpu.memory_space<vmem>>) dst(%dma_wait3A_136 : memref<24x128xf32, #tpu.memory_space<vmem_shared>>)
      tpu.yield
    }) : () -> ()
    %add3A_39 = arith.constant 408 : i32
    %add3A_40 = arith.addi %mul3A_5, %add3A_39 : i32
    "tpu.region"() ({
      %run_scoped3A = tpu.sem_alloc : memref<!tpu.dma_semaphore, #tpu.memory_space<semaphore_mem>>
      %dma_start3A_130 = arith.constant 0 : i32
      %dma_start3A_131 = tpu.memref_slice %arg10[%add3A_40, %dma_start3A_130] : memref<10000x128xf32, #tpu.memory_space<vmem_shared>> -> memref<24x128xf32, #tpu.memory_space<vmem_shared>>
      %dma_start3A_132 = arith.constant 0 : i32
      %dma_start3A_133 = tpu.memref_slice %arg10[%add3A_40, %dma_start3A_132] : memref<10000x128xf32, #tpu.memory_space<vmem_shared>> -> memref<24x128xf32, #tpu.memory_space<vmem_shared>>
      tpu.enqueue_dma source(%arg9 : memref<24x128xf32, #tpu.memory_space<vmem>>) target(%dma_start3A_133 : memref<24x128xf32, #tpu.memory_space<vmem_shared>>) target_semaphore(%run_scoped3A : memref<!tpu.dma_semaphore, #tpu.memory_space<semaphore_mem>>)
      %dma_wait3A = arith.constant 0 : i32
      %dma_wait3A_134 = tpu.memref_slice %arg10[%add3A_40, %dma_wait3A] : memref<10000x128xf32, #tpu.memory_space<vmem_shared>> -> memref<24x128xf32, #tpu.memory_space<vmem_shared>>
      %dma_wait3A_135 = arith.constant 0 : i32
      %dma_wait3A_136 = tpu.memref_slice %arg10[%add3A_40, %dma_wait3A_135] : memref<10000x128xf32, #tpu.memory_space<vmem_shared>> -> memref<24x128xf32, #tpu.memory_space<vmem_shared>>
      tpu.wait_dma2 semaphore(%run_scoped3A : memref<!tpu.dma_semaphore, #tpu.memory_space<semaphore_mem>>) src(%arg9 : memref<24x128xf32, #tpu.memory_space<vmem>>) dst(%dma_wait3A_136 : memref<24x128xf32, #tpu.memory_space<vmem_shared>>)
      tpu.yield
    }) : () -> ()
    %add3A_41 = arith.constant 432 : i32
    %add3A_42 = arith.addi %mul3A_5, %add3A_41 : i32
    "tpu.region"() ({
      %run_scoped3A = tpu.sem_alloc : memref<!tpu.dma_semaphore, #tpu.memory_space<semaphore_mem>>
      %dma_start3A_130 = arith.constant 0 : i32
      %dma_start3A_131 = tpu.memref_slice %arg10[%add3A_42, %dma_start3A_130] : memref<10000x128xf32, #tpu.memory_space<vmem_shared>> -> memref<24x128xf32, #tpu.memory_space<vmem_shared>>
      %dma_start3A_132 = arith.constant 0 : i32
      %dma_start3A_133 = tpu.memref_slice %arg10[%add3A_42, %dma_start3A_132] : memref<10000x128xf32, #tpu.memory_space<vmem_shared>> -> memref<24x128xf32, #tpu.memory_space<vmem_shared>>
      tpu.enqueue_dma source(%arg9 : memref<24x128xf32, #tpu.memory_space<vmem>>) target(%dma_start3A_133 : memref<24x128xf32, #tpu.memory_space<vmem_shared>>) target_semaphore(%run_scoped3A : memref<!tpu.dma_semaphore, #tpu.memory_space<semaphore_mem>>)
      %dma_wait3A = arith.constant 0 : i32
      %dma_wait3A_134 = tpu.memref_slice %arg10[%add3A_42, %dma_wait3A] : memref<10000x128xf32, #tpu.memory_space<vmem_shared>> -> memref<24x128xf32, #tpu.memory_space<vmem_shared>>
      %dma_wait3A_135 = arith.constant 0 : i32
      %dma_wait3A_136 = tpu.memref_slice %arg10[%add3A_42, %dma_wait3A_135] : memref<10000x128xf32, #tpu.memory_space<vmem_shared>> -> memref<24x128xf32, #tpu.memory_space<vmem_shared>>
      tpu.wait_dma2 semaphore(%run_scoped3A : memref<!tpu.dma_semaphore, #tpu.memory_space<semaphore_mem>>) src(%arg9 : memref<24x128xf32, #tpu.memory_space<vmem>>) dst(%dma_wait3A_136 : memref<24x128xf32, #tpu.memory_space<vmem_shared>>)
      tpu.yield
    }) : () -> ()
    %add3A_43 = arith.constant 456 : i32
    %add3A_44 = arith.addi %mul3A_5, %add3A_43 : i32
    "tpu.region"() ({
      %run_scoped3A = tpu.sem_alloc : memref<!tpu.dma_semaphore, #tpu.memory_space<semaphore_mem>>
      %dma_start3A_130 = arith.constant 0 : i32
      %dma_start3A_131 = tpu.memref_slice %arg10[%add3A_44, %dma_start3A_130] : memref<10000x128xf32, #tpu.memory_space<vmem_shared>> -> memref<24x128xf32, #tpu.memory_space<vmem_shared>>
      %dma_start3A_132 = arith.constant 0 : i32
      %dma_start3A_133 = tpu.memref_slice %arg10[%add3A_44, %dma_start3A_132] : memref<10000x128xf32, #tpu.memory_space<vmem_shared>> -> memref<24x128xf32, #tpu.memory_space<vmem_shared>>
      tpu.enqueue_dma source(%arg9 : memref<24x128xf32, #tpu.memory_space<vmem>>) target(%dma_start3A_133 : memref<24x128xf32, #tpu.memory_space<vmem_shared>>) target_semaphore(%run_scoped3A : memref<!tpu.dma_semaphore, #tpu.memory_space<semaphore_mem>>)
      %dma_wait3A = arith.constant 0 : i32
      %dma_wait3A_134 = tpu.memref_slice %arg10[%add3A_44, %dma_wait3A] : memref<10000x128xf32, #tpu.memory_space<vmem_shared>> -> memref<24x128xf32, #tpu.memory_space<vmem_shared>>
      %dma_wait3A_135 = arith.constant 0 : i32
      %dma_wait3A_136 = tpu.memref_slice %arg10[%add3A_44, %dma_wait3A_135] : memref<10000x128xf32, #tpu.memory_space<vmem_shared>> -> memref<24x128xf32, #tpu.memory_space<vmem_shared>>
      tpu.wait_dma2 semaphore(%run_scoped3A : memref<!tpu.dma_semaphore, #tpu.memory_space<semaphore_mem>>) src(%arg9 : memref<24x128xf32, #tpu.memory_space<vmem>>) dst(%dma_wait3A_136 : memref<24x128xf32, #tpu.memory_space<vmem_shared>>)
      tpu.yield
    }) : () -> ()
    %add3A_45 = arith.constant 480 : i32
    %add3A_46 = arith.addi %mul3A_5, %add3A_45 : i32
    "tpu.region"() ({
      %run_scoped3A = tpu.sem_alloc : memref<!tpu.dma_semaphore, #tpu.memory_space<semaphore_mem>>
      %dma_start3A_130 = arith.constant 0 : i32
      %dma_start3A_131 = tpu.memref_slice %arg10[%add3A_46, %dma_start3A_130] : memref<10000x128xf32, #tpu.memory_space<vmem_shared>> -> memref<24x128xf32, #tpu.memory_space<vmem_shared>>
      %dma_start3A_132 = arith.constant 0 : i32
      %dma_start3A_133 = tpu.memref_slice %arg10[%add3A_46, %dma_start3A_132] : memref<10000x128xf32, #tpu.memory_space<vmem_shared>> -> memref<24x128xf32, #tpu.memory_space<vmem_shared>>
      tpu.enqueue_dma source(%arg9 : memref<24x128xf32, #tpu.memory_space<vmem>>) target(%dma_start3A_133 : memref<24x128xf32, #tpu.memory_space<vmem_shared>>) target_semaphore(%run_scoped3A : memref<!tpu.dma_semaphore, #tpu.memory_space<semaphore_mem>>)
      %dma_wait3A = arith.constant 0 : i32
      %dma_wait3A_134 = tpu.memref_slice %arg10[%add3A_46, %dma_wait3A] : memref<10000x128xf32, #tpu.memory_space<vmem_shared>> -> memref<24x128xf32, #tpu.memory_space<vmem_shared>>
      %dma_wait3A_135 = arith.constant 0 : i32
      %dma_wait3A_136 = tpu.memref_slice %arg10[%add3A_46, %dma_wait3A_135] : memref<10000x128xf32, #tpu.memory_space<vmem_shared>> -> memref<24x128xf32, #tpu.memory_space<vmem_shared>>
      tpu.wait_dma2 semaphore(%run_scoped3A : memref<!tpu.dma_semaphore, #tpu.memory_space<semaphore_mem>>) src(%arg9 : memref<24x128xf32, #tpu.memory_space<vmem>>) dst(%dma_wait3A_136 : memref<24x128xf32, #tpu.memory_space<vmem_shared>>)
      tpu.yield
    }) : () -> ()
    %add3A_47 = arith.constant 504 : i32
    %add3A_48 = arith.addi %mul3A_5, %add3A_47 : i32
    "tpu.region"() ({
      %run_scoped3A = tpu.sem_alloc : memref<!tpu.dma_semaphore, #tpu.memory_space<semaphore_mem>>
      %dma_start3A_130 = arith.constant 0 : i32
      %dma_start3A_131 = tpu.memref_slice %arg10[%add3A_48, %dma_start3A_130] : memref<10000x128xf32, #tpu.memory_space<vmem_shared>> -> memref<24x128xf32, #tpu.memory_space<vmem_shared>>
      %dma_start3A_132 = arith.constant 0 : i32
      %dma_start3A_133 = tpu.memref_slice %arg10[%add3A_48, %dma_start3A_132] : memref<10000x128xf32, #tpu.memory_space<vmem_shared>> -> memref<24x128xf32, #tpu.memory_space<vmem_shared>>
      tpu.enqueue_dma source(%arg9 : memref<24x128xf32, #tpu.memory_space<vmem>>) target(%dma_start3A_133 : memref<24x128xf32, #tpu.memory_space<vmem_shared>>) target_semaphore(%run_scoped3A : memref<!tpu.dma_semaphore, #tpu.memory_space<semaphore_mem>>)
      %dma_wait3A = arith.constant 0 : i32
      %dma_wait3A_134 = tpu.memref_slice %arg10[%add3A_48, %dma_wait3A] : memref<10000x128xf32, #tpu.memory_space<vmem_shared>> -> memref<24x128xf32, #tpu.memory_space<vmem_shared>>
      %dma_wait3A_135 = arith.constant 0 : i32
      %dma_wait3A_136 = tpu.memref_slice %arg10[%add3A_48, %dma_wait3A_135] : memref<10000x128xf32, #tpu.memory_space<vmem_shared>> -> memref<24x128xf32, #tpu.memory_space<vmem_shared>>
      tpu.wait_dma2 semaphore(%run_scoped3A : memref<!tpu.dma_semaphore, #tpu.memory_space<semaphore_mem>>) src(%arg9 : memref<24x128xf32, #tpu.memory_space<vmem>>) dst(%dma_wait3A_136 : memref<24x128xf32, #tpu.memory_space<vmem_shared>>)
      tpu.yield
    }) : () -> ()
    %add3A_49 = arith.constant 528 : i32
    %add3A_50 = arith.addi %mul3A_5, %add3A_49 : i32
    "tpu.region"() ({
      %run_scoped3A = tpu.sem_alloc : memref<!tpu.dma_semaphore, #tpu.memory_space<semaphore_mem>>
      %dma_start3A_130 = arith.constant 0 : i32
      %dma_start3A_131 = tpu.memref_slice %arg10[%add3A_50, %dma_start3A_130] : memref<10000x128xf32, #tpu.memory_space<vmem_shared>> -> memref<24x128xf32, #tpu.memory_space<vmem_shared>>
      %dma_start3A_132 = arith.constant 0 : i32
      %dma_start3A_133 = tpu.memref_slice %arg10[%add3A_50, %dma_start3A_132] : memref<10000x128xf32, #tpu.memory_space<vmem_shared>> -> memref<24x128xf32, #tpu.memory_space<vmem_shared>>
      tpu.enqueue_dma source(%arg9 : memref<24x128xf32, #tpu.memory_space<vmem>>) target(%dma_start3A_133 : memref<24x128xf32, #tpu.memory_space<vmem_shared>>) target_semaphore(%run_scoped3A : memref<!tpu.dma_semaphore, #tpu.memory_space<semaphore_mem>>)
      %dma_wait3A = arith.constant 0 : i32
      %dma_wait3A_134 = tpu.memref_slice %arg10[%add3A_50, %dma_wait3A] : memref<10000x128xf32, #tpu.memory_space<vmem_shared>> -> memref<24x128xf32, #tpu.memory_space<vmem_shared>>
      %dma_wait3A_135 = arith.constant 0 : i32
      %dma_wait3A_136 = tpu.memref_slice %arg10[%add3A_50, %dma_wait3A_135] : memref<10000x128xf32, #tpu.memory_space<vmem_shared>> -> memref<24x128xf32, #tpu.memory_space<vmem_shared>>
      tpu.wait_dma2 semaphore(%run_scoped3A : memref<!tpu.dma_semaphore, #tpu.memory_space<semaphore_mem>>) src(%arg9 : memref<24x128xf32, #tpu.memory_space<vmem>>) dst(%dma_wait3A_136 : memref<24x128xf32, #tpu.memory_space<vmem_shared>>)
      tpu.yield
    }) : () -> ()
    %add3A_51 = arith.constant 552 : i32
    %add3A_52 = arith.addi %mul3A_5, %add3A_51 : i32
    "tpu.region"() ({
      %run_scoped3A = tpu.sem_alloc : memref<!tpu.dma_semaphore, #tpu.memory_space<semaphore_mem>>
      %dma_start3A_130 = arith.constant 0 : i32
      %dma_start3A_131 = tpu.memref_slice %arg10[%add3A_52, %dma_start3A_130] : memref<10000x128xf32, #tpu.memory_space<vmem_shared>> -> memref<24x128xf32, #tpu.memory_space<vmem_shared>>
      %dma_start3A_132 = arith.constant 0 : i32
      %dma_start3A_133 = tpu.memref_slice %arg10[%add3A_52, %dma_start3A_132] : memref<10000x128xf32, #tpu.memory_space<vmem_shared>> -> memref<24x128xf32, #tpu.memory_space<vmem_shared>>
      tpu.enqueue_dma source(%arg9 : memref<24x128xf32, #tpu.memory_space<vmem>>) target(%dma_start3A_133 : memref<24x128xf32, #tpu.memory_space<vmem_shared>>) target_semaphore(%run_scoped3A : memref<!tpu.dma_semaphore, #tpu.memory_space<semaphore_mem>>)
      %dma_wait3A = arith.constant 0 : i32
      %dma_wait3A_134 = tpu.memref_slice %arg10[%add3A_52, %dma_wait3A] : memref<10000x128xf32, #tpu.memory_space<vmem_shared>> -> memref<24x128xf32, #tpu.memory_space<vmem_shared>>
      %dma_wait3A_135 = arith.constant 0 : i32
      %dma_wait3A_136 = tpu.memref_slice %arg10[%add3A_52, %dma_wait3A_135] : memref<10000x128xf32, #tpu.memory_space<vmem_shared>> -> memref<24x128xf32, #tpu.memory_space<vmem_shared>>
      tpu.wait_dma2 semaphore(%run_scoped3A : memref<!tpu.dma_semaphore, #tpu.memory_space<semaphore_mem>>) src(%arg9 : memref<24x128xf32, #tpu.memory_space<vmem>>) dst(%dma_wait3A_136 : memref<24x128xf32, #tpu.memory_space<vmem_shared>>)
      tpu.yield
    }) : () -> ()
    %add3A_53 = arith.constant 576 : i32
    %add3A_54 = arith.addi %mul3A_5, %add3A_53 : i32
    "tpu.region"() ({
      %run_scoped3A = tpu.sem_alloc : memref<!tpu.dma_semaphore, #tpu.memory_space<semaphore_mem>>
      %dma_start3A_130 = arith.constant 0 : i32
      %dma_start3A_131 = tpu.memref_slice %arg10[%add3A_54, %dma_start3A_130] : memref<10000x128xf32, #tpu.memory_space<vmem_shared>> -> memref<24x128xf32, #tpu.memory_space<vmem_shared>>
      %dma_start3A_132 = arith.constant 0 : i32
      %dma_start3A_133 = tpu.memref_slice %arg10[%add3A_54, %dma_start3A_132] : memref<10000x128xf32, #tpu.memory_space<vmem_shared>> -> memref<24x128xf32, #tpu.memory_space<vmem_shared>>
      tpu.enqueue_dma source(%arg9 : memref<24x128xf32, #tpu.memory_space<vmem>>) target(%dma_start3A_133 : memref<24x128xf32, #tpu.memory_space<vmem_shared>>) target_semaphore(%run_scoped3A : memref<!tpu.dma_semaphore, #tpu.memory_space<semaphore_mem>>)
      %dma_wait3A = arith.constant 0 : i32
      %dma_wait3A_134 = tpu.memref_slice %arg10[%add3A_54, %dma_wait3A] : memref<10000x128xf32, #tpu.memory_space<vmem_shared>> -> memref<24x128xf32, #tpu.memory_space<vmem_shared>>
      %dma_wait3A_135 = arith.constant 0 : i32
      %dma_wait3A_136 = tpu.memref_slice %arg10[%add3A_54, %dma_wait3A_135] : memref<10000x128xf32, #tpu.memory_space<vmem_shared>> -> memref<24x128xf32, #tpu.memory_space<vmem_shared>>
      tpu.wait_dma2 semaphore(%run_scoped3A : memref<!tpu.dma_semaphore, #tpu.memory_space<semaphore_mem>>) src(%arg9 : memref<24x128xf32, #tpu.memory_space<vmem>>) dst(%dma_wait3A_136 : memref<24x128xf32, #tpu.memory_space<vmem_shared>>)
      tpu.yield
    }) : () -> ()
    %add3A_55 = arith.constant 600 : i32
    %add3A_56 = arith.addi %mul3A_5, %add3A_55 : i32
    "tpu.region"() ({
      %run_scoped3A = tpu.sem_alloc : memref<!tpu.dma_semaphore, #tpu.memory_space<semaphore_mem>>
      %dma_start3A_130 = arith.constant 0 : i32
      %dma_start3A_131 = tpu.memref_slice %arg10[%add3A_56, %dma_start3A_130] : memref<10000x128xf32, #tpu.memory_space<vmem_shared>> -> memref<24x128xf32, #tpu.memory_space<vmem_shared>>
      %dma_start3A_132 = arith.constant 0 : i32
      %dma_start3A_133 = tpu.memref_slice %arg10[%add3A_56, %dma_start3A_132] : memref<10000x128xf32, #tpu.memory_space<vmem_shared>> -> memref<24x128xf32, #tpu.memory_space<vmem_shared>>
      tpu.enqueue_dma source(%arg9 : memref<24x128xf32, #tpu.memory_space<vmem>>) target(%dma_start3A_133 : memref<24x128xf32, #tpu.memory_space<vmem_shared>>) target_semaphore(%run_scoped3A : memref<!tpu.dma_semaphore, #tpu.memory_space<semaphore_mem>>)
      %dma_wait3A = arith.constant 0 : i32
      %dma_wait3A_134 = tpu.memref_slice %arg10[%add3A_56, %dma_wait3A] : memref<10000x128xf32, #tpu.memory_space<vmem_shared>> -> memref<24x128xf32, #tpu.memory_space<vmem_shared>>
      %dma_wait3A_135 = arith.constant 0 : i32
      %dma_wait3A_136 = tpu.memref_slice %arg10[%add3A_56, %dma_wait3A_135] : memref<10000x128xf32, #tpu.memory_space<vmem_shared>> -> memref<24x128xf32, #tpu.memory_space<vmem_shared>>
      tpu.wait_dma2 semaphore(%run_scoped3A : memref<!tpu.dma_semaphore, #tpu.memory_space<semaphore_mem>>) src(%arg9 : memref<24x128xf32, #tpu.memory_space<vmem>>) dst(%dma_wait3A_136 : memref<24x128xf32, #tpu.memory_space<vmem_shared>>)
      tpu.yield
    }) : () -> ()
    %eq3A = arith.constant 15 : i32
    %eq3A_57 = arith.cmpi eq, %arg1, %eq3A : i32
    %convert_element_type3A = arith.extui %eq3A_57 : i1 to i32
    %cond3A = arith.constant 0 : i32
    %cond3A_58 = arith.cmpi ne, %convert_element_type3A, %cond3A : i32
    scf.if %cond3A_58 {
      "tpu.region"() ({
        %run_scoped3A = tpu.sem_alloc : memref<!tpu.dma_semaphore, #tpu.memory_space<semaphore_mem>>
        %dma_start3A_130 = arith.constant 0 : i32
        %dma_start3A_131 = arith.constant 0 : i32
        %dma_start3A_132 = tpu.memref_slice %arg9[%dma_start3A_130, %dma_start3A_131] : memref<24x128xf32, #tpu.memory_space<vmem>> -> memref<16x128xf32, #tpu.memory_space<vmem>>
        %dma_start3A_133 = arith.constant 9984 : i32
        %dma_start3A_134 = arith.constant 0 : i32
        %dma_start3A_135 = tpu.memref_slice %arg10[%dma_start3A_133, %dma_start3A_134] : memref<10000x128xf32, #tpu.memory_space<vmem_shared>> -> memref<16x128xf32, #tpu.memory_space<vmem_shared>>
        %dma_start3A_136 = arith.constant 9984 : i32
        %dma_start3A_137 = arith.constant 0 : i32
        %dma_start3A_138 = tpu.memref_slice %arg10[%dma_start3A_136, %dma_start3A_137] : memref<10000x128xf32, #tpu.memory_space<vmem_shared>> -> memref<16x128xf32, #tpu.memory_space<vmem_shared>>
        %dma_start3A_139 = arith.constant 0 : i32
        %dma_start3A_140 = arith.constant 0 : i32
        %dma_start3A_141 = tpu.memref_slice %arg9[%dma_start3A_139, %dma_start3A_140] : memref<24x128xf32, #tpu.memory_space<vmem>> -> memref<16x128xf32, #tpu.memory_space<vmem>>
        tpu.enqueue_dma source(%dma_start3A_141 : memref<16x128xf32, #tpu.memory_space<vmem>>) target(%dma_start3A_138 : memref<16x128xf32, #tpu.memory_space<vmem_shared>>) target_semaphore(%run_scoped3A : memref<!tpu.dma_semaphore, #tpu.memory_space<semaphore_mem>>)
        %dma_wait3A = arith.constant 0 : i32
        %dma_wait3A_142 = arith.constant 0 : i32
        %dma_wait3A_143 = tpu.memref_slice %arg9[%dma_wait3A, %dma_wait3A_142] : memref<24x128xf32, #tpu.memory_space<vmem>> -> memref<16x128xf32, #tpu.memory_space<vmem>>
        %dma_wait3A_144 = arith.constant 9984 : i32
        %dma_wait3A_145 = arith.constant 0 : i32
        %dma_wait3A_146 = tpu.memref_slice %arg10[%dma_wait3A_144, %dma_wait3A_145] : memref<10000x128xf32, #tpu.memory_space<vmem_shared>> -> memref<16x128xf32, #tpu.memory_space<vmem_shared>>
        %dma_wait3A_147 = arith.constant 9984 : i32
        %dma_wait3A_148 = arith.constant 0 : i32
        %dma_wait3A_149 = tpu.memref_slice %arg10[%dma_wait3A_147, %dma_wait3A_148] : memref<10000x128xf32, #tpu.memory_space<vmem_shared>> -> memref<16x128xf32, #tpu.memory_space<vmem_shared>>
        %dma_wait3A_150 = arith.constant 0 : i32
        %dma_wait3A_151 = arith.constant 0 : i32
        %dma_wait3A_152 = tpu.memref_slice %arg9[%dma_wait3A_150, %dma_wait3A_151] : memref<24x128xf32, #tpu.memory_space<vmem>> -> memref<16x128xf32, #tpu.memory_space<vmem>>
        tpu.wait_dma2 semaphore(%run_scoped3A : memref<!tpu.dma_semaphore, #tpu.memory_space<semaphore_mem>>) src(%dma_wait3A_152 : memref<16x128xf32, #tpu.memory_space<vmem>>) dst(%dma_wait3A_149 : memref<16x128xf32, #tpu.memory_space<vmem_shared>>)
        tpu.yield
      }) : () -> ()
    } else {
    }
    %barrier3A = arith.constant 0 : index
    tpu.barrier barrier_id(%barrier3A)
    %dma_start3A = arith.constant 0 : i32
    %dma_start3A_59 = arith.constant 0 : i32
    %dma_start3A_60 = arith.constant 0 : i32
    %dma_start3A_61 = arith.constant 0 : i32
    %dma_start3A_62 = tpu.memref_slice %arg8[%dma_start3A_59, %dma_start3A_60, %dma_start3A_61] : memref<5x40x128xf32, #tpu.memory_space<vmem>> -> memref<1x40x128xf32, #tpu.memory_space<vmem>>
    %dma_start3A_63 = tpu.memref_squeeze %dma_start3A_62 : memref<1x40x128xf32, #tpu.memory_space<vmem>> -> memref<40x128xf32, #tpu.memory_space<vmem>>
    %dma_start3A_64 = arith.constant 0 : i32
    %dma_start3A_65 = tpu.memref_slice %arg6[%dma_start3A, %dma_start3A_64] : memref<250x40xi32, #tpu.memory_space<vmem>> -> memref<1x40xi32, #tpu.memory_space<vmem>>
    %dma_start3A_66 = tpu.memref_squeeze %dma_start3A_65 : memref<1x40xi32, #tpu.memory_space<vmem>> -> memref<40xi32, #tpu.memory_space<vmem>>
    %dma_start3A_67 = arith.constant 0 : i32
    %dma_start3A_68 = arith.constant 0 : i32
    %dma_start3A_69 = tpu.memref_slice %arg2[%dma_start3A_67, %dma_start3A_68] : memref<10000x128xf32, #tpu.memory_space<hbm>> -> memref<10000x128xf32, #tpu.memory_space<hbm>>
    tpu.enqueue_indirect_dma source(%dma_start3A_69 : memref<10000x128xf32, #tpu.memory_space<hbm>>) target(%dma_start3A_63 : memref<40x128xf32, #tpu.memory_space<vmem>>) offsets(%dma_start3A_66 : memref<40xi32, #tpu.memory_space<vmem>>) semaphore(%arg11 : memref<!tpu.dma_semaphore, #tpu.memory_space<semaphore_mem>>)
    %dma_start3A_70 = arith.constant 1 : i32
    %dma_start3A_71 = arith.constant 1 : i32
    %dma_start3A_72 = arith.constant 0 : i32
    %dma_start3A_73 = arith.constant 0 : i32
    %dma_start3A_74 = tpu.memref_slice %arg8[%dma_start3A_71, %dma_start3A_72, %dma_start3A_73] : memref<5x40x128xf32, #tpu.memory_space<vmem>> -> memref<1x40x128xf32, #tpu.memory_space<vmem>>
    %dma_start3A_75 = tpu.memref_squeeze %dma_start3A_74 : memref<1x40x128xf32, #tpu.memory_space<vmem>> -> memref<40x128xf32, #tpu.memory_space<vmem>>
    %dma_start3A_76 = arith.constant 0 : i32
    %dma_start3A_77 = tpu.memref_slice %arg6[%dma_start3A_70, %dma_start3A_76] : memref<250x40xi32, #tpu.memory_space<vmem>> -> memref<1x40xi32, #tpu.memory_space<vmem>>
    %dma_start3A_78 = tpu.memref_squeeze %dma_start3A_77 : memref<1x40xi32, #tpu.memory_space<vmem>> -> memref<40xi32, #tpu.memory_space<vmem>>
    %dma_start3A_79 = arith.constant 0 : i32
    %dma_start3A_80 = arith.constant 0 : i32
    %dma_start3A_81 = tpu.memref_slice %arg2[%dma_start3A_79, %dma_start3A_80] : memref<10000x128xf32, #tpu.memory_space<hbm>> -> memref<10000x128xf32, #tpu.memory_space<hbm>>
    tpu.enqueue_indirect_dma source(%dma_start3A_81 : memref<10000x128xf32, #tpu.memory_space<hbm>>) target(%dma_start3A_75 : memref<40x128xf32, #tpu.memory_space<vmem>>) offsets(%dma_start3A_78 : memref<40xi32, #tpu.memory_space<vmem>>) semaphore(%arg12 : memref<!tpu.dma_semaphore, #tpu.memory_space<semaphore_mem>>)
    %dma_start3A_82 = arith.constant 2 : i32
    %dma_start3A_83 = arith.constant 2 : i32
    %dma_start3A_84 = arith.constant 0 : i32
    %dma_start3A_85 = arith.constant 0 : i32
    %dma_start3A_86 = tpu.memref_slice %arg8[%dma_start3A_83, %dma_start3A_84, %dma_start3A_85] : memref<5x40x128xf32, #tpu.memory_space<vmem>> -> memref<1x40x128xf32, #tpu.memory_space<vmem>>
    %dma_start3A_87 = tpu.memref_squeeze %dma_start3A_86 : memref<1x40x128xf32, #tpu.memory_space<vmem>> -> memref<40x128xf32, #tpu.memory_space<vmem>>
    %dma_start3A_88 = arith.constant 0 : i32
    %dma_start3A_89 = tpu.memref_slice %arg6[%dma_start3A_82, %dma_start3A_88] : memref<250x40xi32, #tpu.memory_space<vmem>> -> memref<1x40xi32, #tpu.memory_space<vmem>>
    %dma_start3A_90 = tpu.memref_squeeze %dma_start3A_89 : memref<1x40xi32, #tpu.memory_space<vmem>> -> memref<40xi32, #tpu.memory_space<vmem>>
    %dma_start3A_91 = arith.constant 0 : i32
    %dma_start3A_92 = arith.constant 0 : i32
    %dma_start3A_93 = tpu.memref_slice %arg2[%dma_start3A_91, %dma_start3A_92] : memref<10000x128xf32, #tpu.memory_space<hbm>> -> memref<10000x128xf32, #tpu.memory_space<hbm>>
    tpu.enqueue_indirect_dma source(%dma_start3A_93 : memref<10000x128xf32, #tpu.memory_space<hbm>>) target(%dma_start3A_87 : memref<40x128xf32, #tpu.memory_space<vmem>>) offsets(%dma_start3A_90 : memref<40xi32, #tpu.memory_space<vmem>>) semaphore(%arg13 : memref<!tpu.dma_semaphore, #tpu.memory_space<semaphore_mem>>)
    %dma_start3A_94 = arith.constant 3 : i32
    %dma_start3A_95 = arith.constant 3 : i32
    %dma_start3A_96 = arith.constant 0 : i32
    %dma_start3A_97 = arith.constant 0 : i32
    %dma_start3A_98 = tpu.memref_slice %arg8[%dma_start3A_95, %dma_start3A_96, %dma_start3A_97] : memref<5x40x128xf32, #tpu.memory_space<vmem>> -> memref<1x40x128xf32, #tpu.memory_space<vmem>>
    %dma_start3A_99 = tpu.memref_squeeze %dma_start3A_98 : memref<1x40x128xf32, #tpu.memory_space<vmem>> -> memref<40x128xf32, #tpu.memory_space<vmem>>
    %dma_start3A_100 = arith.constant 0 : i32
    %dma_start3A_101 = tpu.memref_slice %arg6[%dma_start3A_94, %dma_start3A_100] : memref<250x40xi32, #tpu.memory_space<vmem>> -> memref<1x40xi32, #tpu.memory_space<vmem>>
    %dma_start3A_102 = tpu.memref_squeeze %dma_start3A_101 : memref<1x40xi32, #tpu.memory_space<vmem>> -> memref<40xi32, #tpu.memory_space<vmem>>
    %dma_start3A_103 = arith.constant 0 : i32
    %dma_start3A_104 = arith.constant 0 : i32
    %dma_start3A_105 = tpu.memref_slice %arg2[%dma_start3A_103, %dma_start3A_104] : memref<10000x128xf32, #tpu.memory_space<hbm>> -> memref<10000x128xf32, #tpu.memory_space<hbm>>
    tpu.enqueue_indirect_dma source(%dma_start3A_105 : memref<10000x128xf32, #tpu.memory_space<hbm>>) target(%dma_start3A_99 : memref<40x128xf32, #tpu.memory_space<vmem>>) offsets(%dma_start3A_102 : memref<40xi32, #tpu.memory_space<vmem>>) semaphore(%arg14 : memref<!tpu.dma_semaphore, #tpu.memory_space<semaphore_mem>>)
    %dma_start3A_106 = arith.constant 4 : i32
    %dma_start3A_107 = arith.constant 4 : i32
    %dma_start3A_108 = arith.constant 0 : i32
    %dma_start3A_109 = arith.constant 0 : i32
    %dma_start3A_110 = tpu.memref_slice %arg8[%dma_start3A_107, %dma_start3A_108, %dma_start3A_109] : memref<5x40x128xf32, #tpu.memory_space<vmem>> -> memref<1x40x128xf32, #tpu.memory_space<vmem>>
    %dma_start3A_111 = tpu.memref_squeeze %dma_start3A_110 : memref<1x40x128xf32, #tpu.memory_space<vmem>> -> memref<40x128xf32, #tpu.memory_space<vmem>>
    %dma_start3A_112 = arith.constant 0 : i32
    %dma_start3A_113 = tpu.memref_slice %arg6[%dma_start3A_106, %dma_start3A_112] : memref<250x40xi32, #tpu.memory_space<vmem>> -> memref<1x40xi32, #tpu.memory_space<vmem>>
    %dma_start3A_114 = tpu.memref_squeeze %dma_start3A_113 : memref<1x40xi32, #tpu.memory_space<vmem>> -> memref<40xi32, #tpu.memory_space<vmem>>
    %dma_start3A_115 = arith.constant 0 : i32
    %dma_start3A_116 = arith.constant 0 : i32
    %dma_start3A_117 = tpu.memref_slice %arg2[%dma_start3A_115, %dma_start3A_116] : memref<10000x128xf32, #tpu.memory_space<hbm>> -> memref<10000x128xf32, #tpu.memory_space<hbm>>
    tpu.enqueue_indirect_dma source(%dma_start3A_117 : memref<10000x128xf32, #tpu.memory_space<hbm>>) target(%dma_start3A_111 : memref<40x128xf32, #tpu.memory_space<vmem>>) offsets(%dma_start3A_114 : memref<40xi32, #tpu.memory_space<vmem>>) semaphore(%arg15 : memref<!tpu.dma_semaphore, #tpu.memory_space<semaphore_mem>>)
    %scan3A_118 = arith.constant 0 : i32
    %scan3A_119 = arith.constant 0 : i32
    %scan3A_120 = arith.constant 50 : i32
    %scan3A_121 = arith.addi %scan3A_119, %scan3A_120 : i32
    %scan3A_122 = arith.constant 1 : i32
    scf.for %scan3A_130 = %scan3A_119 to %scan3A_121 step %scan3A_122  : i32 {
      %mul3A_131 = arith.constant 5 : i32
      %mul3A_132 = arith.muli %scan3A_130, %mul3A_131 : i32
      %add3A_133 = arith.constant 0 : i32
      %add3A_134 = arith.addi %mul3A_132, %add3A_133 : i32
      %dma_wait3A = arith.constant 0 : i32
      %dma_wait3A_135 = arith.constant 0 : i32
      %dma_wait3A_136 = arith.constant 0 : i32
      %dma_wait3A_137 = tpu.memref_slice %arg8[%dma_wait3A, %dma_wait3A_135, %dma_wait3A_136] : memref<5x40x128xf32, #tpu.memory_space<vmem>> -> memref<1x40x128xf32, #tpu.memory_space<vmem>>
      %dma_wait3A_138 = tpu.memref_squeeze %dma_wait3A_137 : memref<1x40x128xf32, #tpu.memory_space<vmem>> -> memref<40x128xf32, #tpu.memory_space<vmem>>
      %dma_wait3A_139 = arith.constant 0 : i32
      %dma_wait3A_140 = tpu.memref_slice %arg6[%add3A_134, %dma_wait3A_139] : memref<250x40xi32, #tpu.memory_space<vmem>> -> memref<1x40xi32, #tpu.memory_space<vmem>>
      %dma_wait3A_141 = tpu.memref_squeeze %dma_wait3A_140 : memref<1x40xi32, #tpu.memory_space<vmem>> -> memref<40xi32, #tpu.memory_space<vmem>>
      %dma_wait3A_142 = arith.constant 0 : i32
      %dma_wait3A_143 = arith.constant 0 : i32
      %dma_wait3A_144 = tpu.memref_slice %arg2[%dma_wait3A_142, %dma_wait3A_143] : memref<10000x128xf32, #tpu.memory_space<hbm>> -> memref<10000x128xf32, #tpu.memory_space<hbm>>
      tpu.wait_indirect_dma semaphore(%arg11 : memref<!tpu.dma_semaphore, #tpu.memory_space<semaphore_mem>>) src(%dma_wait3A_144 : memref<10000x128xf32, #tpu.memory_space<hbm>>) dst(%dma_wait3A_138 : memref<40x128xf32, #tpu.memory_space<vmem>>)
      %run_scoped3A = arith.constant 0 : i32
      "tpu.region"() ({
        %run_scoped3A_243 = tpu.sem_alloc : memref<!tpu.dma_semaphore, #tpu.memory_space<semaphore_mem>>
        %dma_start3A_244 = arith.constant 0 : i32
        %dma_start3A_245 = arith.constant 0 : i32
        %dma_start3A_246 = tpu.memref_slice %arg8[%run_scoped3A, %dma_start3A_244, %dma_start3A_245] : memref<5x40x128xf32, #tpu.memory_space<vmem>> -> memref<1x40x128xf32, #tpu.memory_space<vmem>>
        %dma_start3A_247 = tpu.memref_squeeze %dma_start3A_246 : memref<1x40x128xf32, #tpu.memory_space<vmem>> -> memref<40x128xf32, #tpu.memory_space<vmem>>
        %dma_start3A_248 = arith.constant 0 : i32
        %dma_start3A_249 = tpu.memref_slice %arg7[%add3A_134, %dma_start3A_248] : memref<250x40xi32, #tpu.memory_space<vmem>> -> memref<1x40xi32, #tpu.memory_space<vmem>>
        %dma_start3A_250 = tpu.memref_squeeze %dma_start3A_249 : memref<1x40xi32, #tpu.memory_space<vmem>> -> memref<40xi32, #tpu.memory_space<vmem>>
        %dma_start3A_251 = arith.constant 0 : i32
        %dma_start3A_252 = arith.constant 0 : i32
        %dma_start3A_253 = tpu.memref_slice %arg10[%dma_start3A_251, %dma_start3A_252] : memref<10000x128xf32, #tpu.memory_space<vmem_shared>> -> memref<10000x128xf32, #tpu.memory_space<vmem_shared>>
        tpu.enqueue_indirect_dma source(%dma_start3A_247 : memref<40x128xf32, #tpu.memory_space<vmem>>) target(%dma_start3A_253 : memref<10000x128xf32, #tpu.memory_space<vmem_shared>>) offsets(%dma_start3A_250 : memref<40xi32, #tpu.memory_space<vmem>>) semaphore(%run_scoped3A_243 : memref<!tpu.dma_semaphore, #tpu.memory_space<semaphore_mem>>) {add = true}
        %dma_wait3A_254 = arith.constant 0 : i32
        %dma_wait3A_255 = arith.constant 0 : i32
        %dma_wait3A_256 = tpu.memref_slice %arg8[%run_scoped3A, %dma_wait3A_254, %dma_wait3A_255] : memref<5x40x128xf32, #tpu.memory_space<vmem>> -> memref<1x40x128xf32, #tpu.memory_space<vmem>>
        %dma_wait3A_257 = tpu.memref_squeeze %dma_wait3A_256 : memref<1x40x128xf32, #tpu.memory_space<vmem>> -> memref<40x128xf32, #tpu.memory_space<vmem>>
        %dma_wait3A_258 = arith.constant 0 : i32
        %dma_wait3A_259 = tpu.memref_slice %arg7[%add3A_134, %dma_wait3A_258] : memref<250x40xi32, #tpu.memory_space<vmem>> -> memref<1x40xi32, #tpu.memory_space<vmem>>
        %dma_wait3A_260 = tpu.memref_squeeze %dma_wait3A_259 : memref<1x40xi32, #tpu.memory_space<vmem>> -> memref<40xi32, #tpu.memory_space<vmem>>
        %dma_wait3A_261 = arith.constant 0 : i32
        %dma_wait3A_262 = arith.constant 0 : i32
        %dma_wait3A_263 = tpu.memref_slice %arg10[%dma_wait3A_261, %dma_wait3A_262] : memref<10000x128xf32, #tpu.memory_space<vmem_shared>> -> memref<10000x128xf32, #tpu.memory_space<vmem_shared>>
        tpu.wait_indirect_dma semaphore(%run_scoped3A_243 : memref<!tpu.dma_semaphore, #tpu.memory_space<semaphore_mem>>) src(%dma_wait3A_257 : memref<40x128xf32, #tpu.memory_space<vmem>>) dst(%dma_wait3A_263 : memref<10000x128xf32, #tpu.memory_space<vmem_shared>>)
        tpu.yield
      }) : () -> ()
      %add3A_145 = arith.constant 5 : i32
      %add3A_146 = arith.addi %add3A_134, %add3A_145 : i32
      %lt3A = arith.constant 250 : i32
      %lt3A_147 = arith.cmpi slt, %add3A_146, %lt3A : i32
      %convert_element_type3A_148 = arith.extui %lt3A_147 : i1 to i32
      %cond3A_149 = arith.constant 0 : i32
      %cond3A_150 = arith.cmpi ne, %convert_element_type3A_148, %cond3A_149 : i32
      scf.if %cond3A_150 {
        %add3A_243 = arith.constant 5 : i32
        %add3A_244 = arith.addi %add3A_134, %add3A_243 : i32
        %dma_start3A_245 = arith.constant 0 : i32
        %dma_start3A_246 = arith.constant 0 : i32
        %dma_start3A_247 = arith.constant 0 : i32
        %dma_start3A_248 = tpu.memref_slice %arg8[%dma_start3A_245, %dma_start3A_246, %dma_start3A_247] : memref<5x40x128xf32, #tpu.memory_space<vmem>> -> memref<1x40x128xf32, #tpu.memory_space<vmem>>
        %dma_start3A_249 = tpu.memref_squeeze %dma_start3A_248 : memref<1x40x128xf32, #tpu.memory_space<vmem>> -> memref<40x128xf32, #tpu.memory_space<vmem>>
        %dma_start3A_250 = arith.constant 0 : i32
        %dma_start3A_251 = tpu.memref_slice %arg6[%add3A_244, %dma_start3A_250] : memref<250x40xi32, #tpu.memory_space<vmem>> -> memref<1x40xi32, #tpu.memory_space<vmem>>
        %dma_start3A_252 = tpu.memref_squeeze %dma_start3A_251 : memref<1x40xi32, #tpu.memory_space<vmem>> -> memref<40xi32, #tpu.memory_space<vmem>>
        %dma_start3A_253 = arith.constant 0 : i32
        %dma_start3A_254 = arith.constant 0 : i32
        %dma_start3A_255 = tpu.memref_slice %arg2[%dma_start3A_253, %dma_start3A_254] : memref<10000x128xf32, #tpu.memory_space<hbm>> -> memref<10000x128xf32, #tpu.memory_space<hbm>>
        tpu.enqueue_indirect_dma source(%dma_start3A_255 : memref<10000x128xf32, #tpu.memory_space<hbm>>) target(%dma_start3A_249 : memref<40x128xf32, #tpu.memory_space<vmem>>) offsets(%dma_start3A_252 : memref<40xi32, #tpu.memory_space<vmem>>) semaphore(%arg11 : memref<!tpu.dma_semaphore, #tpu.memory_space<semaphore_mem>>)
      } else {
      }
      %mul3A_151 = arith.constant 5 : i32
      %mul3A_152 = arith.muli %scan3A_130, %mul3A_151 : i32
      %add3A_153 = arith.constant 1 : i32
      %add3A_154 = arith.addi %mul3A_152, %add3A_153 : i32
      %dma_wait3A_155 = arith.constant 1 : i32
      %dma_wait3A_156 = arith.constant 0 : i32
      %dma_wait3A_157 = arith.constant 0 : i32
      %dma_wait3A_158 = tpu.memref_slice %arg8[%dma_wait3A_155, %dma_wait3A_156, %dma_wait3A_157] : memref<5x40x128xf32, #tpu.memory_space<vmem>> -> memref<1x40x128xf32, #tpu.memory_space<vmem>>
      %dma_wait3A_159 = tpu.memref_squeeze %dma_wait3A_158 : memref<1x40x128xf32, #tpu.memory_space<vmem>> -> memref<40x128xf32, #tpu.memory_space<vmem>>
      %dma_wait3A_160 = arith.constant 0 : i32
      %dma_wait3A_161 = tpu.memref_slice %arg6[%add3A_154, %dma_wait3A_160] : memref<250x40xi32, #tpu.memory_space<vmem>> -> memref<1x40xi32, #tpu.memory_space<vmem>>
      %dma_wait3A_162 = tpu.memref_squeeze %dma_wait3A_161 : memref<1x40xi32, #tpu.memory_space<vmem>> -> memref<40xi32, #tpu.memory_space<vmem>>
      %dma_wait3A_163 = arith.constant 0 : i32
      %dma_wait3A_164 = arith.constant 0 : i32
      %dma_wait3A_165 = tpu.memref_slice %arg2[%dma_wait3A_163, %dma_wait3A_164] : memref<10000x128xf32, #tpu.memory_space<hbm>> -> memref<10000x128xf32, #tpu.memory_space<hbm>>
      tpu.wait_indirect_dma semaphore(%arg12 : memref<!tpu.dma_semaphore, #tpu.memory_space<semaphore_mem>>) src(%dma_wait3A_165 : memref<10000x128xf32, #tpu.memory_space<hbm>>) dst(%dma_wait3A_159 : memref<40x128xf32, #tpu.memory_space<vmem>>)
      %run_scoped3A_166 = arith.constant 1 : i32
      "tpu.region"() ({
        %run_scoped3A_243 = tpu.sem_alloc : memref<!tpu.dma_semaphore, #tpu.memory_space<semaphore_mem>>
        %dma_start3A_244 = arith.constant 0 : i32
        %dma_start3A_245 = arith.constant 0 : i32
        %dma_start3A_246 = tpu.memref_slice %arg8[%run_scoped3A_166, %dma_start3A_244, %dma_start3A_245] : memref<5x40x128xf32, #tpu.memory_space<vmem>> -> memref<1x40x128xf32, #tpu.memory_space<vmem>>
        %dma_start3A_247 = tpu.memref_squeeze %dma_start3A_246 : memref<1x40x128xf32, #tpu.memory_space<vmem>> -> memref<40x128xf32, #tpu.memory_space<vmem>>
        %dma_start3A_248 = arith.constant 0 : i32
        %dma_start3A_249 = tpu.memref_slice %arg7[%add3A_154, %dma_start3A_248] : memref<250x40xi32, #tpu.memory_space<vmem>> -> memref<1x40xi32, #tpu.memory_space<vmem>>
        %dma_start3A_250 = tpu.memref_squeeze %dma_start3A_249 : memref<1x40xi32, #tpu.memory_space<vmem>> -> memref<40xi32, #tpu.memory_space<vmem>>
        %dma_start3A_251 = arith.constant 0 : i32
        %dma_start3A_252 = arith.constant 0 : i32
        %dma_start3A_253 = tpu.memref_slice %arg10[%dma_start3A_251, %dma_start3A_252] : memref<10000x128xf32, #tpu.memory_space<vmem_shared>> -> memref<10000x128xf32, #tpu.memory_space<vmem_shared>>
        tpu.enqueue_indirect_dma source(%dma_start3A_247 : memref<40x128xf32, #tpu.memory_space<vmem>>) target(%dma_start3A_253 : memref<10000x128xf32, #tpu.memory_space<vmem_shared>>) offsets(%dma_start3A_250 : memref<40xi32, #tpu.memory_space<vmem>>) semaphore(%run_scoped3A_243 : memref<!tpu.dma_semaphore, #tpu.memory_space<semaphore_mem>>) {add = true}
        %dma_wait3A_254 = arith.constant 0 : i32
        %dma_wait3A_255 = arith.constant 0 : i32
        %dma_wait3A_256 = tpu.memref_slice %arg8[%run_scoped3A_166, %dma_wait3A_254, %dma_wait3A_255] : memref<5x40x128xf32, #tpu.memory_space<vmem>> -> memref<1x40x128xf32, #tpu.memory_space<vmem>>
        %dma_wait3A_257 = tpu.memref_squeeze %dma_wait3A_256 : memref<1x40x128xf32, #tpu.memory_space<vmem>> -> memref<40x128xf32, #tpu.memory_space<vmem>>
        %dma_wait3A_258 = arith.constant 0 : i32
        %dma_wait3A_259 = tpu.memref_slice %arg7[%add3A_154, %dma_wait3A_258] : memref<250x40xi32, #tpu.memory_space<vmem>> -> memref<1x40xi32, #tpu.memory_space<vmem>>
        %dma_wait3A_260 = tpu.memref_squeeze %dma_wait3A_259 : memref<1x40xi32, #tpu.memory_space<vmem>> -> memref<40xi32, #tpu.memory_space<vmem>>
        %dma_wait3A_261 = arith.constant 0 : i32
        %dma_wait3A_262 = arith.constant 0 : i32
        %dma_wait3A_263 = tpu.memref_slice %arg10[%dma_wait3A_261, %dma_wait3A_262] : memref<10000x128xf32, #tpu.memory_space<vmem_shared>> -> memref<10000x128xf32, #tpu.memory_space<vmem_shared>>
        tpu.wait_indirect_dma semaphore(%run_scoped3A_243 : memref<!tpu.dma_semaphore, #tpu.memory_space<semaphore_mem>>) src(%dma_wait3A_257 : memref<40x128xf32, #tpu.memory_space<vmem>>) dst(%dma_wait3A_263 : memref<10000x128xf32, #tpu.memory_space<vmem_shared>>)
        tpu.yield
      }) : () -> ()
      %add3A_167 = arith.constant 5 : i32
      %add3A_168 = arith.addi %add3A_154, %add3A_167 : i32
      %lt3A_169 = arith.constant 250 : i32
      %lt3A_170 = arith.cmpi slt, %add3A_168, %lt3A_169 : i32
      %convert_element_type3A_171 = arith.extui %lt3A_170 : i1 to i32
      %cond3A_172 = arith.constant 0 : i32
      %cond3A_173 = arith.cmpi ne, %convert_element_type3A_171, %cond3A_172 : i32
      scf.if %cond3A_173 {
        %add3A_243 = arith.constant 5 : i32
        %add3A_244 = arith.addi %add3A_154, %add3A_243 : i32
        %dma_start3A_245 = arith.constant 1 : i32
        %dma_start3A_246 = arith.constant 0 : i32
        %dma_start3A_247 = arith.constant 0 : i32
        %dma_start3A_248 = tpu.memref_slice %arg8[%dma_start3A_245, %dma_start3A_246, %dma_start3A_247] : memref<5x40x128xf32, #tpu.memory_space<vmem>> -> memref<1x40x128xf32, #tpu.memory_space<vmem>>
        %dma_start3A_249 = tpu.memref_squeeze %dma_start3A_248 : memref<1x40x128xf32, #tpu.memory_space<vmem>> -> memref<40x128xf32, #tpu.memory_space<vmem>>
        %dma_start3A_250 = arith.constant 0 : i32
        %dma_start3A_251 = tpu.memref_slice %arg6[%add3A_244, %dma_start3A_250] : memref<250x40xi32, #tpu.memory_space<vmem>> -> memref<1x40xi32, #tpu.memory_space<vmem>>
        %dma_start3A_252 = tpu.memref_squeeze %dma_start3A_251 : memref<1x40xi32, #tpu.memory_space<vmem>> -> memref<40xi32, #tpu.memory_space<vmem>>
        %dma_start3A_253 = arith.constant 0 : i32
        %dma_start3A_254 = arith.constant 0 : i32
        %dma_start3A_255 = tpu.memref_slice %arg2[%dma_start3A_253, %dma_start3A_254] : memref<10000x128xf32, #tpu.memory_space<hbm>> -> memref<10000x128xf32, #tpu.memory_space<hbm>>
        tpu.enqueue_indirect_dma source(%dma_start3A_255 : memref<10000x128xf32, #tpu.memory_space<hbm>>) target(%dma_start3A_249 : memref<40x128xf32, #tpu.memory_space<vmem>>) offsets(%dma_start3A_252 : memref<40xi32, #tpu.memory_space<vmem>>) semaphore(%arg12 : memref<!tpu.dma_semaphore, #tpu.memory_space<semaphore_mem>>)
      } else {
      }
      %mul3A_174 = arith.constant 5 : i32
      %mul3A_175 = arith.muli %scan3A_130, %mul3A_174 : i32
      %add3A_176 = arith.constant 2 : i32
      %add3A_177 = arith.addi %mul3A_175, %add3A_176 : i32
      %dma_wait3A_178 = arith.constant 2 : i32
      %dma_wait3A_179 = arith.constant 0 : i32
      %dma_wait3A_180 = arith.constant 0 : i32
      %dma_wait3A_181 = tpu.memref_slice %arg8[%dma_wait3A_178, %dma_wait3A_179, %dma_wait3A_180] : memref<5x40x128xf32, #tpu.memory_space<vmem>> -> memref<1x40x128xf32, #tpu.memory_space<vmem>>
      %dma_wait3A_182 = tpu.memref_squeeze %dma_wait3A_181 : memref<1x40x128xf32, #tpu.memory_space<vmem>> -> memref<40x128xf32, #tpu.memory_space<vmem>>
      %dma_wait3A_183 = arith.constant 0 : i32
      %dma_wait3A_184 = tpu.memref_slice %arg6[%add3A_177, %dma_wait3A_183] : memref<250x40xi32, #tpu.memory_space<vmem>> -> memref<1x40xi32, #tpu.memory_space<vmem>>
      %dma_wait3A_185 = tpu.memref_squeeze %dma_wait3A_184 : memref<1x40xi32, #tpu.memory_space<vmem>> -> memref<40xi32, #tpu.memory_space<vmem>>
      %dma_wait3A_186 = arith.constant 0 : i32
      %dma_wait3A_187 = arith.constant 0 : i32
      %dma_wait3A_188 = tpu.memref_slice %arg2[%dma_wait3A_186, %dma_wait3A_187] : memref<10000x128xf32, #tpu.memory_space<hbm>> -> memref<10000x128xf32, #tpu.memory_space<hbm>>
      tpu.wait_indirect_dma semaphore(%arg13 : memref<!tpu.dma_semaphore, #tpu.memory_space<semaphore_mem>>) src(%dma_wait3A_188 : memref<10000x128xf32, #tpu.memory_space<hbm>>) dst(%dma_wait3A_182 : memref<40x128xf32, #tpu.memory_space<vmem>>)
      %run_scoped3A_189 = arith.constant 2 : i32
      "tpu.region"() ({
        %run_scoped3A_243 = tpu.sem_alloc : memref<!tpu.dma_semaphore, #tpu.memory_space<semaphore_mem>>
        %dma_start3A_244 = arith.constant 0 : i32
        %dma_start3A_245 = arith.constant 0 : i32
        %dma_start3A_246 = tpu.memref_slice %arg8[%run_scoped3A_189, %dma_start3A_244, %dma_start3A_245] : memref<5x40x128xf32, #tpu.memory_space<vmem>> -> memref<1x40x128xf32, #tpu.memory_space<vmem>>
        %dma_start3A_247 = tpu.memref_squeeze %dma_start3A_246 : memref<1x40x128xf32, #tpu.memory_space<vmem>> -> memref<40x128xf32, #tpu.memory_space<vmem>>
        %dma_start3A_248 = arith.constant 0 : i32
        %dma_start3A_249 = tpu.memref_slice %arg7[%add3A_177, %dma_start3A_248] : memref<250x40xi32, #tpu.memory_space<vmem>> -> memref<1x40xi32, #tpu.memory_space<vmem>>
        %dma_start3A_250 = tpu.memref_squeeze %dma_start3A_249 : memref<1x40xi32, #tpu.memory_space<vmem>> -> memref<40xi32, #tpu.memory_space<vmem>>
        %dma_start3A_251 = arith.constant 0 : i32
        %dma_start3A_252 = arith.constant 0 : i32
        %dma_start3A_253 = tpu.memref_slice %arg10[%dma_start3A_251, %dma_start3A_252] : memref<10000x128xf32, #tpu.memory_space<vmem_shared>> -> memref<10000x128xf32, #tpu.memory_space<vmem_shared>>
        tpu.enqueue_indirect_dma source(%dma_start3A_247 : memref<40x128xf32, #tpu.memory_space<vmem>>) target(%dma_start3A_253 : memref<10000x128xf32, #tpu.memory_space<vmem_shared>>) offsets(%dma_start3A_250 : memref<40xi32, #tpu.memory_space<vmem>>) semaphore(%run_scoped3A_243 : memref<!tpu.dma_semaphore, #tpu.memory_space<semaphore_mem>>) {add = true}
        %dma_wait3A_254 = arith.constant 0 : i32
        %dma_wait3A_255 = arith.constant 0 : i32
        %dma_wait3A_256 = tpu.memref_slice %arg8[%run_scoped3A_189, %dma_wait3A_254, %dma_wait3A_255] : memref<5x40x128xf32, #tpu.memory_space<vmem>> -> memref<1x40x128xf32, #tpu.memory_space<vmem>>
        %dma_wait3A_257 = tpu.memref_squeeze %dma_wait3A_256 : memref<1x40x128xf32, #tpu.memory_space<vmem>> -> memref<40x128xf32, #tpu.memory_space<vmem>>
        %dma_wait3A_258 = arith.constant 0 : i32
        %dma_wait3A_259 = tpu.memref_slice %arg7[%add3A_177, %dma_wait3A_258] : memref<250x40xi32, #tpu.memory_space<vmem>> -> memref<1x40xi32, #tpu.memory_space<vmem>>
        %dma_wait3A_260 = tpu.memref_squeeze %dma_wait3A_259 : memref<1x40xi32, #tpu.memory_space<vmem>> -> memref<40xi32, #tpu.memory_space<vmem>>
        %dma_wait3A_261 = arith.constant 0 : i32
        %dma_wait3A_262 = arith.constant 0 : i32
        %dma_wait3A_263 = tpu.memref_slice %arg10[%dma_wait3A_261, %dma_wait3A_262] : memref<10000x128xf32, #tpu.memory_space<vmem_shared>> -> memref<10000x128xf32, #tpu.memory_space<vmem_shared>>
        tpu.wait_indirect_dma semaphore(%run_scoped3A_243 : memref<!tpu.dma_semaphore, #tpu.memory_space<semaphore_mem>>) src(%dma_wait3A_257 : memref<40x128xf32, #tpu.memory_space<vmem>>) dst(%dma_wait3A_263 : memref<10000x128xf32, #tpu.memory_space<vmem_shared>>)
        tpu.yield
      }) : () -> ()
      %add3A_190 = arith.constant 5 : i32
      %add3A_191 = arith.addi %add3A_177, %add3A_190 : i32
      %lt3A_192 = arith.constant 250 : i32
      %lt3A_193 = arith.cmpi slt, %add3A_191, %lt3A_192 : i32
      %convert_element_type3A_194 = arith.extui %lt3A_193 : i1 to i32
      %cond3A_195 = arith.constant 0 : i32
      %cond3A_196 = arith.cmpi ne, %convert_element_type3A_194, %cond3A_195 : i32
      scf.if %cond3A_196 {
        %add3A_243 = arith.constant 5 : i32
        %add3A_244 = arith.addi %add3A_177, %add3A_243 : i32
        %dma_start3A_245 = arith.constant 2 : i32
        %dma_start3A_246 = arith.constant 0 : i32
        %dma_start3A_247 = arith.constant 0 : i32
        %dma_start3A_248 = tpu.memref_slice %arg8[%dma_start3A_245, %dma_start3A_246, %dma_start3A_247] : memref<5x40x128xf32, #tpu.memory_space<vmem>> -> memref<1x40x128xf32, #tpu.memory_space<vmem>>
        %dma_start3A_249 = tpu.memref_squeeze %dma_start3A_248 : memref<1x40x128xf32, #tpu.memory_space<vmem>> -> memref<40x128xf32, #tpu.memory_space<vmem>>
        %dma_start3A_250 = arith.constant 0 : i32
        %dma_start3A_251 = tpu.memref_slice %arg6[%add3A_244, %dma_start3A_250] : memref<250x40xi32, #tpu.memory_space<vmem>> -> memref<1x40xi32, #tpu.memory_space<vmem>>
        %dma_start3A_252 = tpu.memref_squeeze %dma_start3A_251 : memref<1x40xi32, #tpu.memory_space<vmem>> -> memref<40xi32, #tpu.memory_space<vmem>>
        %dma_start3A_253 = arith.constant 0 : i32
        %dma_start3A_254 = arith.constant 0 : i32
        %dma_start3A_255 = tpu.memref_slice %arg2[%dma_start3A_253, %dma_start3A_254] : memref<10000x128xf32, #tpu.memory_space<hbm>> -> memref<10000x128xf32, #tpu.memory_space<hbm>>
        tpu.enqueue_indirect_dma source(%dma_start3A_255 : memref<10000x128xf32, #tpu.memory_space<hbm>>) target(%dma_start3A_249 : memref<40x128xf32, #tpu.memory_space<vmem>>) offsets(%dma_start3A_252 : memref<40xi32, #tpu.memory_space<vmem>>) semaphore(%arg13 : memref<!tpu.dma_semaphore, #tpu.memory_space<semaphore_mem>>)
      } else {
      }
      %mul3A_197 = arith.constant 5 : i32
      %mul3A_198 = arith.muli %scan3A_130, %mul3A_197 : i32
      %add3A_199 = arith.constant 3 : i32
      %add3A_200 = arith.addi %mul3A_198, %add3A_199 : i32
      %dma_wait3A_201 = arith.constant 3 : i32
      %dma_wait3A_202 = arith.constant 0 : i32
      %dma_wait3A_203 = arith.constant 0 : i32
      %dma_wait3A_204 = tpu.memref_slice %arg8[%dma_wait3A_201, %dma_wait3A_202, %dma_wait3A_203] : memref<5x40x128xf32, #tpu.memory_space<vmem>> -> memref<1x40x128xf32, #tpu.memory_space<vmem>>
      %dma_wait3A_205 = tpu.memref_squeeze %dma_wait3A_204 : memref<1x40x128xf32, #tpu.memory_space<vmem>> -> memref<40x128xf32, #tpu.memory_space<vmem>>
      %dma_wait3A_206 = arith.constant 0 : i32
      %dma_wait3A_207 = tpu.memref_slice %arg6[%add3A_200, %dma_wait3A_206] : memref<250x40xi32, #tpu.memory_space<vmem>> -> memref<1x40xi32, #tpu.memory_space<vmem>>
      %dma_wait3A_208 = tpu.memref_squeeze %dma_wait3A_207 : memref<1x40xi32, #tpu.memory_space<vmem>> -> memref<40xi32, #tpu.memory_space<vmem>>
      %dma_wait3A_209 = arith.constant 0 : i32
      %dma_wait3A_210 = arith.constant 0 : i32
      %dma_wait3A_211 = tpu.memref_slice %arg2[%dma_wait3A_209, %dma_wait3A_210] : memref<10000x128xf32, #tpu.memory_space<hbm>> -> memref<10000x128xf32, #tpu.memory_space<hbm>>
      tpu.wait_indirect_dma semaphore(%arg14 : memref<!tpu.dma_semaphore, #tpu.memory_space<semaphore_mem>>) src(%dma_wait3A_211 : memref<10000x128xf32, #tpu.memory_space<hbm>>) dst(%dma_wait3A_205 : memref<40x128xf32, #tpu.memory_space<vmem>>)
      %run_scoped3A_212 = arith.constant 3 : i32
      "tpu.region"() ({
        %run_scoped3A_243 = tpu.sem_alloc : memref<!tpu.dma_semaphore, #tpu.memory_space<semaphore_mem>>
        %dma_start3A_244 = arith.constant 0 : i32
        %dma_start3A_245 = arith.constant 0 : i32
        %dma_start3A_246 = tpu.memref_slice %arg8[%run_scoped3A_212, %dma_start3A_244, %dma_start3A_245] : memref<5x40x128xf32, #tpu.memory_space<vmem>> -> memref<1x40x128xf32, #tpu.memory_space<vmem>>
        %dma_start3A_247 = tpu.memref_squeeze %dma_start3A_246 : memref<1x40x128xf32, #tpu.memory_space<vmem>> -> memref<40x128xf32, #tpu.memory_space<vmem>>
        %dma_start3A_248 = arith.constant 0 : i32
        %dma_start3A_249 = tpu.memref_slice %arg7[%add3A_200, %dma_start3A_248] : memref<250x40xi32, #tpu.memory_space<vmem>> -> memref<1x40xi32, #tpu.memory_space<vmem>>
        %dma_start3A_250 = tpu.memref_squeeze %dma_start3A_249 : memref<1x40xi32, #tpu.memory_space<vmem>> -> memref<40xi32, #tpu.memory_space<vmem>>
        %dma_start3A_251 = arith.constant 0 : i32
        %dma_start3A_252 = arith.constant 0 : i32
        %dma_start3A_253 = tpu.memref_slice %arg10[%dma_start3A_251, %dma_start3A_252] : memref<10000x128xf32, #tpu.memory_space<vmem_shared>> -> memref<10000x128xf32, #tpu.memory_space<vmem_shared>>
        tpu.enqueue_indirect_dma source(%dma_start3A_247 : memref<40x128xf32, #tpu.memory_space<vmem>>) target(%dma_start3A_253 : memref<10000x128xf32, #tpu.memory_space<vmem_shared>>) offsets(%dma_start3A_250 : memref<40xi32, #tpu.memory_space<vmem>>) semaphore(%run_scoped3A_243 : memref<!tpu.dma_semaphore, #tpu.memory_space<semaphore_mem>>) {add = true}
        %dma_wait3A_254 = arith.constant 0 : i32
        %dma_wait3A_255 = arith.constant 0 : i32
        %dma_wait3A_256 = tpu.memref_slice %arg8[%run_scoped3A_212, %dma_wait3A_254, %dma_wait3A_255] : memref<5x40x128xf32, #tpu.memory_space<vmem>> -> memref<1x40x128xf32, #tpu.memory_space<vmem>>
        %dma_wait3A_257 = tpu.memref_squeeze %dma_wait3A_256 : memref<1x40x128xf32, #tpu.memory_space<vmem>> -> memref<40x128xf32, #tpu.memory_space<vmem>>
        %dma_wait3A_258 = arith.constant 0 : i32
        %dma_wait3A_259 = tpu.memref_slice %arg7[%add3A_200, %dma_wait3A_258] : memref<250x40xi32, #tpu.memory_space<vmem>> -> memref<1x40xi32, #tpu.memory_space<vmem>>
        %dma_wait3A_260 = tpu.memref_squeeze %dma_wait3A_259 : memref<1x40xi32, #tpu.memory_space<vmem>> -> memref<40xi32, #tpu.memory_space<vmem>>
        %dma_wait3A_261 = arith.constant 0 : i32
        %dma_wait3A_262 = arith.constant 0 : i32
        %dma_wait3A_263 = tpu.memref_slice %arg10[%dma_wait3A_261, %dma_wait3A_262] : memref<10000x128xf32, #tpu.memory_space<vmem_shared>> -> memref<10000x128xf32, #tpu.memory_space<vmem_shared>>
        tpu.wait_indirect_dma semaphore(%run_scoped3A_243 : memref<!tpu.dma_semaphore, #tpu.memory_space<semaphore_mem>>) src(%dma_wait3A_257 : memref<40x128xf32, #tpu.memory_space<vmem>>) dst(%dma_wait3A_263 : memref<10000x128xf32, #tpu.memory_space<vmem_shared>>)
        tpu.yield
      }) : () -> ()
      %add3A_213 = arith.constant 5 : i32
      %add3A_214 = arith.addi %add3A_200, %add3A_213 : i32
      %lt3A_215 = arith.constant 250 : i32
      %lt3A_216 = arith.cmpi slt, %add3A_214, %lt3A_215 : i32
      %convert_element_type3A_217 = arith.extui %lt3A_216 : i1 to i32
      %cond3A_218 = arith.constant 0 : i32
      %cond3A_219 = arith.cmpi ne, %convert_element_type3A_217, %cond3A_218 : i32
      scf.if %cond3A_219 {
        %add3A_243 = arith.constant 5 : i32
        %add3A_244 = arith.addi %add3A_200, %add3A_243 : i32
        %dma_start3A_245 = arith.constant 3 : i32
        %dma_start3A_246 = arith.constant 0 : i32
        %dma_start3A_247 = arith.constant 0 : i32
        %dma_start3A_248 = tpu.memref_slice %arg8[%dma_start3A_245, %dma_start3A_246, %dma_start3A_247] : memref<5x40x128xf32, #tpu.memory_space<vmem>> -> memref<1x40x128xf32, #tpu.memory_space<vmem>>
        %dma_start3A_249 = tpu.memref_squeeze %dma_start3A_248 : memref<1x40x128xf32, #tpu.memory_space<vmem>> -> memref<40x128xf32, #tpu.memory_space<vmem>>
        %dma_start3A_250 = arith.constant 0 : i32
        %dma_start3A_251 = tpu.memref_slice %arg6[%add3A_244, %dma_start3A_250] : memref<250x40xi32, #tpu.memory_space<vmem>> -> memref<1x40xi32, #tpu.memory_space<vmem>>
        %dma_start3A_252 = tpu.memref_squeeze %dma_start3A_251 : memref<1x40xi32, #tpu.memory_space<vmem>> -> memref<40xi32, #tpu.memory_space<vmem>>
        %dma_start3A_253 = arith.constant 0 : i32
        %dma_start3A_254 = arith.constant 0 : i32
        %dma_start3A_255 = tpu.memref_slice %arg2[%dma_start3A_253, %dma_start3A_254] : memref<10000x128xf32, #tpu.memory_space<hbm>> -> memref<10000x128xf32, #tpu.memory_space<hbm>>
        tpu.enqueue_indirect_dma source(%dma_start3A_255 : memref<10000x128xf32, #tpu.memory_space<hbm>>) target(%dma_start3A_249 : memref<40x128xf32, #tpu.memory_space<vmem>>) offsets(%dma_start3A_252 : memref<40xi32, #tpu.memory_space<vmem>>) semaphore(%arg14 : memref<!tpu.dma_semaphore, #tpu.memory_space<semaphore_mem>>)
      } else {
      }
      %mul3A_220 = arith.constant 5 : i32
      %mul3A_221 = arith.muli %scan3A_130, %mul3A_220 : i32
      %add3A_222 = arith.constant 4 : i32
      %add3A_223 = arith.addi %mul3A_221, %add3A_222 : i32
      %dma_wait3A_224 = arith.constant 4 : i32
      %dma_wait3A_225 = arith.constant 0 : i32
      %dma_wait3A_226 = arith.constant 0 : i32
      %dma_wait3A_227 = tpu.memref_slice %arg8[%dma_wait3A_224, %dma_wait3A_225, %dma_wait3A_226] : memref<5x40x128xf32, #tpu.memory_space<vmem>> -> memref<1x40x128xf32, #tpu.memory_space<vmem>>
      %dma_wait3A_228 = tpu.memref_squeeze %dma_wait3A_227 : memref<1x40x128xf32, #tpu.memory_space<vmem>> -> memref<40x128xf32, #tpu.memory_space<vmem>>
      %dma_wait3A_229 = arith.constant 0 : i32
      %dma_wait3A_230 = tpu.memref_slice %arg6[%add3A_223, %dma_wait3A_229] : memref<250x40xi32, #tpu.memory_space<vmem>> -> memref<1x40xi32, #tpu.memory_space<vmem>>
      %dma_wait3A_231 = tpu.memref_squeeze %dma_wait3A_230 : memref<1x40xi32, #tpu.memory_space<vmem>> -> memref<40xi32, #tpu.memory_space<vmem>>
      %dma_wait3A_232 = arith.constant 0 : i32
      %dma_wait3A_233 = arith.constant 0 : i32
      %dma_wait3A_234 = tpu.memref_slice %arg2[%dma_wait3A_232, %dma_wait3A_233] : memref<10000x128xf32, #tpu.memory_space<hbm>> -> memref<10000x128xf32, #tpu.memory_space<hbm>>
      tpu.wait_indirect_dma semaphore(%arg15 : memref<!tpu.dma_semaphore, #tpu.memory_space<semaphore_mem>>) src(%dma_wait3A_234 : memref<10000x128xf32, #tpu.memory_space<hbm>>) dst(%dma_wait3A_228 : memref<40x128xf32, #tpu.memory_space<vmem>>)
      %run_scoped3A_235 = arith.constant 4 : i32
      "tpu.region"() ({
        %run_scoped3A_243 = tpu.sem_alloc : memref<!tpu.dma_semaphore, #tpu.memory_space<semaphore_mem>>
        %dma_start3A_244 = arith.constant 0 : i32
        %dma_start3A_245 = arith.constant 0 : i32
        %dma_start3A_246 = tpu.memref_slice %arg8[%run_scoped3A_235, %dma_start3A_244, %dma_start3A_245] : memref<5x40x128xf32, #tpu.memory_space<vmem>> -> memref<1x40x128xf32, #tpu.memory_space<vmem>>
        %dma_start3A_247 = tpu.memref_squeeze %dma_start3A_246 : memref<1x40x128xf32, #tpu.memory_space<vmem>> -> memref<40x128xf32, #tpu.memory_space<vmem>>
        %dma_start3A_248 = arith.constant 0 : i32
        %dma_start3A_249 = tpu.memref_slice %arg7[%add3A_223, %dma_start3A_248] : memref<250x40xi32, #tpu.memory_space<vmem>> -> memref<1x40xi32, #tpu.memory_space<vmem>>
        %dma_start3A_250 = tpu.memref_squeeze %dma_start3A_249 : memref<1x40xi32, #tpu.memory_space<vmem>> -> memref<40xi32, #tpu.memory_space<vmem>>
        %dma_start3A_251 = arith.constant 0 : i32
        %dma_start3A_252 = arith.constant 0 : i32
        %dma_start3A_253 = tpu.memref_slice %arg10[%dma_start3A_251, %dma_start3A_252] : memref<10000x128xf32, #tpu.memory_space<vmem_shared>> -> memref<10000x128xf32, #tpu.memory_space<vmem_shared>>
        tpu.enqueue_indirect_dma source(%dma_start3A_247 : memref<40x128xf32, #tpu.memory_space<vmem>>) target(%dma_start3A_253 : memref<10000x128xf32, #tpu.memory_space<vmem_shared>>) offsets(%dma_start3A_250 : memref<40xi32, #tpu.memory_space<vmem>>) semaphore(%run_scoped3A_243 : memref<!tpu.dma_semaphore, #tpu.memory_space<semaphore_mem>>) {add = true}
        %dma_wait3A_254 = arith.constant 0 : i32
        %dma_wait3A_255 = arith.constant 0 : i32
        %dma_wait3A_256 = tpu.memref_slice %arg8[%run_scoped3A_235, %dma_wait3A_254, %dma_wait3A_255] : memref<5x40x128xf32, #tpu.memory_space<vmem>> -> memref<1x40x128xf32, #tpu.memory_space<vmem>>
        %dma_wait3A_257 = tpu.memref_squeeze %dma_wait3A_256 : memref<1x40x128xf32, #tpu.memory_space<vmem>> -> memref<40x128xf32, #tpu.memory_space<vmem>>
        %dma_wait3A_258 = arith.constant 0 : i32
        %dma_wait3A_259 = tpu.memref_slice %arg7[%add3A_223, %dma_wait3A_258] : memref<250x40xi32, #tpu.memory_space<vmem>> -> memref<1x40xi32, #tpu.memory_space<vmem>>
        %dma_wait3A_260 = tpu.memref_squeeze %dma_wait3A_259 : memref<1x40xi32, #tpu.memory_space<vmem>> -> memref<40xi32, #tpu.memory_space<vmem>>
        %dma_wait3A_261 = arith.constant 0 : i32
        %dma_wait3A_262 = arith.constant 0 : i32
        %dma_wait3A_263 = tpu.memref_slice %arg10[%dma_wait3A_261, %dma_wait3A_262] : memref<10000x128xf32, #tpu.memory_space<vmem_shared>> -> memref<10000x128xf32, #tpu.memory_space<vmem_shared>>
        tpu.wait_indirect_dma semaphore(%run_scoped3A_243 : memref<!tpu.dma_semaphore, #tpu.memory_space<semaphore_mem>>) src(%dma_wait3A_257 : memref<40x128xf32, #tpu.memory_space<vmem>>) dst(%dma_wait3A_263 : memref<10000x128xf32, #tpu.memory_space<vmem_shared>>)
        tpu.yield
      }) : () -> ()
      %add3A_236 = arith.constant 5 : i32
      %add3A_237 = arith.addi %add3A_223, %add3A_236 : i32
      %lt3A_238 = arith.constant 250 : i32
      %lt3A_239 = arith.cmpi slt, %add3A_237, %lt3A_238 : i32
      %convert_element_type3A_240 = arith.extui %lt3A_239 : i1 to i32
      %cond3A_241 = arith.constant 0 : i32
      %cond3A_242 = arith.cmpi ne, %convert_element_type3A_240, %cond3A_241 : i32
      scf.if %cond3A_242 {
        %add3A_243 = arith.constant 5 : i32
        %add3A_244 = arith.addi %add3A_223, %add3A_243 : i32
        %dma_start3A_245 = arith.constant 4 : i32
        %dma_start3A_246 = arith.constant 0 : i32
        %dma_start3A_247 = arith.constant 0 : i32
        %dma_start3A_248 = tpu.memref_slice %arg8[%dma_start3A_245, %dma_start3A_246, %dma_start3A_247] : memref<5x40x128xf32, #tpu.memory_space<vmem>> -> memref<1x40x128xf32, #tpu.memory_space<vmem>>
        %dma_start3A_249 = tpu.memref_squeeze %dma_start3A_248 : memref<1x40x128xf32, #tpu.memory_space<vmem>> -> memref<40x128xf32, #tpu.memory_space<vmem>>
        %dma_start3A_250 = arith.constant 0 : i32
        %dma_start3A_251 = tpu.memref_slice %arg6[%add3A_244, %dma_start3A_250] : memref<250x40xi32, #tpu.memory_space<vmem>> -> memref<1x40xi32, #tpu.memory_space<vmem>>
        %dma_start3A_252 = tpu.memref_squeeze %dma_start3A_251 : memref<1x40xi32, #tpu.memory_space<vmem>> -> memref<40xi32, #tpu.memory_space<vmem>>
        %dma_start3A_253 = arith.constant 0 : i32
        %dma_start3A_254 = arith.constant 0 : i32
        %dma_start3A_255 = tpu.memref_slice %arg2[%dma_start3A_253, %dma_start3A_254] : memref<10000x128xf32, #tpu.memory_space<hbm>> -> memref<10000x128xf32, #tpu.memory_space<hbm>>
        tpu.enqueue_indirect_dma source(%dma_start3A_255 : memref<10000x128xf32, #tpu.memory_space<hbm>>) target(%dma_start3A_249 : memref<40x128xf32, #tpu.memory_space<vmem>>) offsets(%dma_start3A_252 : memref<40xi32, #tpu.memory_space<vmem>>) semaphore(%arg15 : memref<!tpu.dma_semaphore, #tpu.memory_space<semaphore_mem>>)
      } else {
      }
    }
    %scan3A_123 = arith.constant 50 : i32
    %barrier3A_124 = arith.constant 0 : index
    tpu.barrier barrier_id(%barrier3A_124)
    "tpu.region"() ({
      %run_scoped3A = tpu.sem_alloc : memref<!tpu.dma_semaphore, #tpu.memory_space<semaphore_mem>>
      %dma_start3A_130 = arith.constant 0 : i32
      %dma_start3A_131 = tpu.memref_slice %arg5[%arg0, %mul3A_5, %dma_start3A_130] : memref<2x10000x128xf32, #tpu.memory_space<hbm>> -> memref<1x624x128xf32, #tpu.memory_space<hbm>>
      %dma_start3A_132 = tpu.memref_squeeze %dma_start3A_131 : memref<1x624x128xf32, #tpu.memory_space<hbm>> -> memref<624x128xf32, #tpu.memory_space<hbm>>
      %dma_start3A_133 = arith.constant 0 : i32
      %dma_start3A_134 = tpu.memref_slice %arg10[%mul3A_5, %dma_start3A_133] : memref<10000x128xf32, #tpu.memory_space<vmem_shared>> -> memref<624x128xf32, #tpu.memory_space<vmem_shared>>
      tpu.enqueue_dma source(%dma_start3A_134 : memref<624x128xf32, #tpu.memory_space<vmem_shared>>) target(%dma_start3A_132 : memref<624x128xf32, #tpu.memory_space<hbm>>) target_semaphore(%run_scoped3A : memref<!tpu.dma_semaphore, #tpu.memory_space<semaphore_mem>>)
      %dma_wait3A = arith.constant 0 : i32
      %dma_wait3A_135 = tpu.memref_slice %arg5[%arg0, %mul3A_5, %dma_wait3A] : memref<2x10000x128xf32, #tpu.memory_space<hbm>> -> memref<1x624x128xf32, #tpu.memory_space<hbm>>
      %dma_wait3A_136 = tpu.memref_squeeze %dma_wait3A_135 : memref<1x624x128xf32, #tpu.memory_space<hbm>> -> memref<624x128xf32, #tpu.memory_space<hbm>>
      %dma_wait3A_137 = arith.constant 0 : i32
      %dma_wait3A_138 = tpu.memref_slice %arg10[%mul3A_5, %dma_wait3A_137] : memref<10000x128xf32, #tpu.memory_space<vmem_shared>> -> memref<624x128xf32, #tpu.memory_space<vmem_shared>>
      tpu.wait_dma2 semaphore(%run_scoped3A : memref<!tpu.dma_semaphore, #tpu.memory_space<semaphore_mem>>) src(%dma_wait3A_138 : memref<624x128xf32, #tpu.memory_space<vmem_shared>>) dst(%dma_wait3A_136 : memref<624x128xf32, #tpu.memory_space<hbm>>)
      tpu.yield
    }) : () -> ()
    %eq3A_125 = arith.constant 15 : i32
    %eq3A_126 = arith.cmpi eq, %arg1, %eq3A_125 : i32
    %convert_element_type3A_127 = arith.extui %eq3A_126 : i1 to i32
    %cond3A_128 = arith.constant 0 : i32
    %cond3A_129 = arith.cmpi ne, %convert_element_type3A_127, %cond3A_128 : i32
    scf.if %cond3A_129 {
      "tpu.region"() ({
        %run_scoped3A = tpu.sem_alloc : memref<!tpu.dma_semaphore, #tpu.memory_space<semaphore_mem>>
        %dma_start3A_130 = arith.constant 9984 : i32
        %dma_start3A_131 = arith.constant 0 : i32
        %dma_start3A_132 = tpu.memref_slice %arg5[%arg0, %dma_start3A_130, %dma_start3A_131] : memref<2x10000x128xf32, #tpu.memory_space<hbm>> -> memref<1x16x128xf32, #tpu.memory_space<hbm>>
        %dma_start3A_133 = tpu.memref_squeeze %dma_start3A_132 : memref<1x16x128xf32, #tpu.memory_space<hbm>> -> memref<16x128xf32, #tpu.memory_space<hbm>>
        %dma_start3A_134 = arith.constant 9984 : i32
        %dma_start3A_135 = arith.constant 0 : i32
        %dma_start3A_136 = tpu.memref_slice %arg10[%dma_start3A_134, %dma_start3A_135] : memref<10000x128xf32, #tpu.memory_space<vmem_shared>> -> memref<16x128xf32, #tpu.memory_space<vmem_shared>>
        tpu.enqueue_dma source(%dma_start3A_136 : memref<16x128xf32, #tpu.memory_space<vmem_shared>>) target(%dma_start3A_133 : memref<16x128xf32, #tpu.memory_space<hbm>>) target_semaphore(%run_scoped3A : memref<!tpu.dma_semaphore, #tpu.memory_space<semaphore_mem>>)
        %dma_wait3A = arith.constant 9984 : i32
        %dma_wait3A_137 = arith.constant 0 : i32
        %dma_wait3A_138 = tpu.memref_slice %arg5[%arg0, %dma_wait3A, %dma_wait3A_137] : memref<2x10000x128xf32, #tpu.memory_space<hbm>> -> memref<1x16x128xf32, #tpu.memory_space<hbm>>
        %dma_wait3A_139 = tpu.memref_squeeze %dma_wait3A_138 : memref<1x16x128xf32, #tpu.memory_space<hbm>> -> memref<16x128xf32, #tpu.memory_space<hbm>>
        %dma_wait3A_140 = arith.constant 9984 : i32
        %dma_wait3A_141 = arith.constant 0 : i32
        %dma_wait3A_142 = tpu.memref_slice %arg10[%dma_wait3A_140, %dma_wait3A_141] : memref<10000x128xf32, #tpu.memory_space<vmem_shared>> -> memref<16x128xf32, #tpu.memory_space<vmem_shared>>
        tpu.wait_dma2 semaphore(%run_scoped3A : memref<!tpu.dma_semaphore, #tpu.memory_space<semaphore_mem>>) src(%dma_wait3A_142 : memref<16x128xf32, #tpu.memory_space<vmem_shared>>) dst(%dma_wait3A_139 : memref<16x128xf32, #tpu.memory_space<hbm>>)
        tpu.yield
      }) : () -> ()
    } else {
    }
    return
  }
}

#map = affine_map<(d0, d1) -> (0, 0)>
#map1 = affine_map<(d0, d1) -> (0, 0, 0, 0)>
#map2 = affine_map<(d0, d1) -> (0, 0, 0)>
module attributes {stable_mosaic.version = 14 : i64} {
  func.func @_sc_scatter_body(%arg0: i32, %arg1: i32, %arg2: memref<10000x128xf32, #tpu.memory_space<hbm>>, %arg3: memref<2x16x250x40xi32, #tpu.memory_space<hbm>>, %arg4: memref<2x16x250x40xi32, #tpu.memory_space<hbm>>, %arg5: memref<2x10000x128xf32, #tpu.memory_space<hbm>>, %arg6: memref<250x40xi32, #tpu.memory_space<vmem>>, %arg7: memref<250x40xi32, #tpu.memory_space<vmem>>, %arg8: memref<5x40x128xf32, #tpu.memory_space<vmem>>, %arg9: memref<24x128xf32, #tpu.memory_space<vmem>>, %arg10: memref<10000x128xf32, #tpu.memory_space<vmem_shared>>, %arg11: memref<!tpu.dma_semaphore, #tpu.memory_space<semaphore_mem>>, %arg12: memref<!tpu.dma_semaphore, #tpu.memory_space<semaphore_mem>>, %arg13: memref<!tpu.dma_semaphore, #tpu.memory_space<semaphore_mem>>, %arg14: memref<!tpu.dma_semaphore, #tpu.memory_space<semaphore_mem>>, %arg15: memref<!tpu.dma_semaphore, #tpu.memory_space<semaphore_mem>>) attributes {dimension_semantics = [#tpu.dimension_semantics<core_parallel>, #tpu.dimension_semantics<subcore_parallel>], iteration_bounds = array<i64: 2, 16>, scalar_prefetch = 0 : i64, scratch_operands = 10 : i64, tpu.core_type = #tpu.core_type<sc_vector_subcore>, window_params = [{transform_indices = #map}, {transform_indices = #map1}, {transform_indices = #map1}, {transform_indices = #map2}]} {
    "tpu.region"() ({
      %run_scoped3A = tpu.sem_alloc : memref<!tpu.dma_semaphore, #tpu.memory_space<semaphore_mem>>
      %dma_start3A_130 = arith.constant 0 : i32
      %dma_start3A_131 = arith.constant 0 : i32
      %dma_start3A_132 = tpu.memref_slice %arg3[%arg0, %arg1, %dma_start3A_130, %dma_start3A_131] : memref<2x16x250x40xi32, #tpu.memory_space<hbm>> -> memref<1x1x250x40xi32, #tpu.memory_space<hbm>>
      %dma_start3A_133 = tpu.memref_squeeze %dma_start3A_132 : memref<1x1x250x40xi32, #tpu.memory_space<hbm>> -> memref<250x40xi32, #tpu.memory_space<hbm>>
      %dma_start3A_134 = arith.constant 0 : i32
      %dma_start3A_135 = arith.constant 0 : i32
      %dma_start3A_136 = tpu.memref_slice %arg3[%arg0, %arg1, %dma_start3A_134, %dma_start3A_135] : memref<2x16x250x40xi32, #tpu.memory_space<hbm>> -> memref<1x1x250x40xi32, #tpu.memory_space<hbm>>
      %dma_start3A_137 = tpu.memref_squeeze %dma_start3A_136 : memref<1x1x250x40xi32, #tpu.memory_space<hbm>> -> memref<250x40xi32, #tpu.memory_space<hbm>>
      tpu.enqueue_dma source(%dma_start3A_137 : memref<250x40xi32, #tpu.memory_space<hbm>>) target(%arg6 : memref<250x40xi32, #tpu.memory_space<vmem>>) target_semaphore(%run_scoped3A : memref<!tpu.dma_semaphore, #tpu.memory_space<semaphore_mem>>)
      %dma_wait3A = arith.constant 0 : i32
      %dma_wait3A_138 = arith.constant 0 : i32
      %dma_wait3A_139 = tpu.memref_slice %arg3[%arg0, %arg1, %dma_wait3A, %dma_wait3A_138] : memref<2x16x250x40xi32, #tpu.memory_space<hbm>> -> memref<1x1x250x40xi32, #tpu.memory_space<hbm>>
      %dma_wait3A_140 = tpu.memref_squeeze %dma_wait3A_139 : memref<1x1x250x40xi32, #tpu.memory_space<hbm>> -> memref<250x40xi32, #tpu.memory_space<hbm>>
      %dma_wait3A_141 = arith.constant 0 : i32
      %dma_wait3A_142 = arith.constant 0 : i32
      %dma_wait3A_143 = tpu.memref_slice %arg3[%arg0, %arg1, %dma_wait3A_141, %dma_wait3A_142] : memref<2x16x250x40xi32, #tpu.memory_space<hbm>> -> memref<1x1x250x40xi32, #tpu.memory_space<hbm>>
      %dma_wait3A_144 = tpu.memref_squeeze %dma_wait3A_143 : memref<1x1x250x40xi32, #tpu.memory_space<hbm>> -> memref<250x40xi32, #tpu.memory_space<hbm>>
      tpu.wait_dma2 semaphore(%run_scoped3A : memref<!tpu.dma_semaphore, #tpu.memory_space<semaphore_mem>>) src(%dma_wait3A_144 : memref<250x40xi32, #tpu.memory_space<hbm>>) dst(%arg6 : memref<250x40xi32, #tpu.memory_space<vmem>>)
      tpu.yield
    }) : () -> ()
    "tpu.region"() ({
      %run_scoped3A = tpu.sem_alloc : memref<!tpu.dma_semaphore, #tpu.memory_space<semaphore_mem>>
      %dma_start3A_130 = arith.constant 0 : i32
      %dma_start3A_131 = arith.constant 0 : i32
      %dma_start3A_132 = tpu.memref_slice %arg4[%arg0, %arg1, %dma_start3A_130, %dma_start3A_131] : memref<2x16x250x40xi32, #tpu.memory_space<hbm>> -> memref<1x1x250x40xi32, #tpu.memory_space<hbm>>
      %dma_start3A_133 = tpu.memref_squeeze %dma_start3A_132 : memref<1x1x250x40xi32, #tpu.memory_space<hbm>> -> memref<250x40xi32, #tpu.memory_space<hbm>>
      %dma_start3A_134 = arith.constant 0 : i32
      %dma_start3A_135 = arith.constant 0 : i32
      %dma_start3A_136 = tpu.memref_slice %arg4[%arg0, %arg1, %dma_start3A_134, %dma_start3A_135] : memref<2x16x250x40xi32, #tpu.memory_space<hbm>> -> memref<1x1x250x40xi32, #tpu.memory_space<hbm>>
      %dma_start3A_137 = tpu.memref_squeeze %dma_start3A_136 : memref<1x1x250x40xi32, #tpu.memory_space<hbm>> -> memref<250x40xi32, #tpu.memory_space<hbm>>
      tpu.enqueue_dma source(%dma_start3A_137 : memref<250x40xi32, #tpu.memory_space<hbm>>) target(%arg7 : memref<250x40xi32, #tpu.memory_space<vmem>>) target_semaphore(%run_scoped3A : memref<!tpu.dma_semaphore, #tpu.memory_space<semaphore_mem>>)
      %dma_wait3A = arith.constant 0 : i32
      %dma_wait3A_138 = arith.constant 0 : i32
      %dma_wait3A_139 = tpu.memref_slice %arg4[%arg0, %arg1, %dma_wait3A, %dma_wait3A_138] : memref<2x16x250x40xi32, #tpu.memory_space<hbm>> -> memref<1x1x250x40xi32, #tpu.memory_space<hbm>>
      %dma_wait3A_140 = tpu.memref_squeeze %dma_wait3A_139 : memref<1x1x250x40xi32, #tpu.memory_space<hbm>> -> memref<250x40xi32, #tpu.memory_space<hbm>>
      %dma_wait3A_141 = arith.constant 0 : i32
      %dma_wait3A_142 = arith.constant 0 : i32
      %dma_wait3A_143 = tpu.memref_slice %arg4[%arg0, %arg1, %dma_wait3A_141, %dma_wait3A_142] : memref<2x16x250x40xi32, #tpu.memory_space<hbm>> -> memref<1x1x250x40xi32, #tpu.memory_space<hbm>>
      %dma_wait3A_144 = tpu.memref_squeeze %dma_wait3A_143 : memref<1x1x250x40xi32, #tpu.memory_space<hbm>> -> memref<250x40xi32, #tpu.memory_space<hbm>>
      tpu.wait_dma2 semaphore(%run_scoped3A : memref<!tpu.dma_semaphore, #tpu.memory_space<semaphore_mem>>) src(%dma_wait3A_144 : memref<250x40xi32, #tpu.memory_space<hbm>>) dst(%arg7 : memref<250x40xi32, #tpu.memory_space<vmem>>)
      tpu.yield
    }) : () -> ()
    %scan3A = arith.constant 0 : i32
    %scan3A_0 = arith.constant 0 : i32
    %scan3A_1 = arith.constant 24 : i32
    %scan3A_2 = arith.addi %scan3A_0, %scan3A_1 : i32
    %scan3A_3 = arith.constant 1 : i32
    scf.for %scan3A_130 = %scan3A_0 to %scan3A_2 step %scan3A_3  : i32 {
      %broadcast_in_dim3A = arith.constant 0.000000e+00 : f32
      %broadcast_in_dim3A_131 = vector.broadcast %broadcast_in_dim3A : f32 to vector<16xf32>
      %swap3A = arith.index_cast %scan3A_130 : i32 to index
      %swap3A_132 = arith.constant 0 : index
      %swap3A_133 = tpu.vector_load %arg9[%swap3A, %swap3A_132] {strides = array<i32>} : memref<24x128xf32, #tpu.memory_space<vmem>>, vector<1x16xf32>,
      %swap3A_134 = vector.shape_cast %swap3A_133 : vector<1x16xf32> to vector<16xf32>
      %swap3A_135 = vector.shape_cast %broadcast_in_dim3A_131 : vector<16xf32> to vector<1x16xf32>
      tpu.vector_store %arg9[%swap3A, %swap3A_132], %swap3A_135 {strides = array<i32>} : memref<24x128xf32, #tpu.memory_space<vmem>>, vector<1x16xf32>,
      %broadcast_in_dim3A_136 = arith.constant 0.000000e+00 : f32
      %broadcast_in_dim3A_137 = vector.broadcast %broadcast_in_dim3A_136 : f32 to vector<16xf32>
      %swap3A_138 = arith.index_cast %scan3A_130 : i32 to index
      %swap3A_139 = arith.constant 16 : index
      %swap3A_140 = tpu.vector_load %arg9[%swap3A_138, %swap3A_139] {strides = array<i32>} : memref<24x128xf32, #tpu.memory_space<vmem>>, vector<1x16xf32>,
      %swap3A_141 = vector.shape_cast %swap3A_140 : vector<1x16xf32> to vector<16xf32>
      %swap3A_142 = vector.shape_cast %broadcast_in_dim3A_137 : vector<16xf32> to vector<1x16xf32>
      tpu.vector_store %arg9[%swap3A_138, %swap3A_139], %swap3A_142 {strides = array<i32>} : memref<24x128xf32, #tpu.memory_space<vmem>>, vector<1x16xf32>,
      %broadcast_in_dim3A_143 = arith.constant 0.000000e+00 : f32
      %broadcast_in_dim3A_144 = vector.broadcast %broadcast_in_dim3A_143 : f32 to vector<16xf32>
      %swap3A_145 = arith.index_cast %scan3A_130 : i32 to index
      %swap3A_146 = arith.constant 32 : index
      %swap3A_147 = tpu.vector_load %arg9[%swap3A_145, %swap3A_146] {strides = array<i32>} : memref<24x128xf32, #tpu.memory_space<vmem>>, vector<1x16xf32>,
      %swap3A_148 = vector.shape_cast %swap3A_147 : vector<1x16xf32> to vector<16xf32>
      %swap3A_149 = vector.shape_cast %broadcast_in_dim3A_144 : vector<16xf32> to vector<1x16xf32>
      tpu.vector_store %arg9[%swap3A_145, %swap3A_146], %swap3A_149 {strides = array<i32>} : memref<24x128xf32, #tpu.memory_space<vmem>>, vector<1x16xf32>,
      %broadcast_in_dim3A_150 = arith.constant 0.000000e+00 : f32
      %broadcast_in_dim3A_151 = vector.broadcast %broadcast_in_dim3A_150 : f32 to vector<16xf32>
      %swap3A_152 = arith.index_cast %scan3A_130 : i32 to index
      %swap3A_153 = arith.constant 48 : index
      %swap3A_154 = tpu.vector_load %arg9[%swap3A_152, %swap3A_153] {strides = array<i32>} : memref<24x128xf32, #tpu.memory_space<vmem>>, vector<1x16xf32>,
      %swap3A_155 = vector.shape_cast %swap3A_154 : vector<1x16xf32> to vector<16xf32>
      %swap3A_156 = vector.shape_cast %broadcast_in_dim3A_151 : vector<16xf32> to vector<1x16xf32>
      tpu.vector_store %arg9[%swap3A_152, %swap3A_153], %swap3A_156 {strides = array<i32>} : memref<24x128xf32, #tpu.memory_space<vmem>>, vector<1x16xf32>,
      %broadcast_in_dim3A_157 = arith.constant 0.000000e+00 : f32
      %broadcast_in_dim3A_158 = vector.broadcast %broadcast_in_dim3A_157 : f32 to vector<16xf32>
      %swap3A_159 = arith.index_cast %scan3A_130 : i32 to index
      %swap3A_160 = arith.constant 64 : index
      %swap3A_161 = tpu.vector_load %arg9[%swap3A_159, %swap3A_160] {strides = array<i32>} : memref<24x128xf32, #tpu.memory_space<vmem>>, vector<1x16xf32>,
      %swap3A_162 = vector.shape_cast %swap3A_161 : vector<1x16xf32> to vector<16xf32>
      %swap3A_163 = vector.shape_cast %broadcast_in_dim3A_158 : vector<16xf32> to vector<1x16xf32>
      tpu.vector_store %arg9[%swap3A_159, %swap3A_160], %swap3A_163 {strides = array<i32>} : memref<24x128xf32, #tpu.memory_space<vmem>>, vector<1x16xf32>,
      %broadcast_in_dim3A_164 = arith.constant 0.000000e+00 : f32
      %broadcast_in_dim3A_165 = vector.broadcast %broadcast_in_dim3A_164 : f32 to vector<16xf32>
      %swap3A_166 = arith.index_cast %scan3A_130 : i32 to index
      %swap3A_167 = arith.constant 80 : index
      %swap3A_168 = tpu.vector_load %arg9[%swap3A_166, %swap3A_167] {strides = array<i32>} : memref<24x128xf32, #tpu.memory_space<vmem>>, vector<1x16xf32>,
      %swap3A_169 = vector.shape_cast %swap3A_168 : vector<1x16xf32> to vector<16xf32>
      %swap3A_170 = vector.shape_cast %broadcast_in_dim3A_165 : vector<16xf32> to vector<1x16xf32>
      tpu.vector_store %arg9[%swap3A_166, %swap3A_167], %swap3A_170 {strides = array<i32>} : memref<24x128xf32, #tpu.memory_space<vmem>>, vector<1x16xf32>,
      %broadcast_in_dim3A_171 = arith.constant 0.000000e+00 : f32
      %broadcast_in_dim3A_172 = vector.broadcast %broadcast_in_dim3A_171 : f32 to vector<16xf32>
      %swap3A_173 = arith.index_cast %scan3A_130 : i32 to index
      %swap3A_174 = arith.constant 96 : index
      %swap3A_175 = tpu.vector_load %arg9[%swap3A_173, %swap3A_174] {strides = array<i32>} : memref<24x128xf32, #tpu.memory_space<vmem>>, vector<1x16xf32>,
      %swap3A_176 = vector.shape_cast %swap3A_175 : vector<1x16xf32> to vector<16xf32>
      %swap3A_177 = vector.shape_cast %broadcast_in_dim3A_172 : vector<16xf32> to vector<1x16xf32>
      tpu.vector_store %arg9[%swap3A_173, %swap3A_174], %swap3A_177 {strides = array<i32>} : memref<24x128xf32, #tpu.memory_space<vmem>>, vector<1x16xf32>,
      %broadcast_in_dim3A_178 = arith.constant 0.000000e+00 : f32
      %broadcast_in_dim3A_179 = vector.broadcast %broadcast_in_dim3A_178 : f32 to vector<16xf32>
      %swap3A_180 = arith.index_cast %scan3A_130 : i32 to index
      %swap3A_181 = arith.constant 112 : index
      %swap3A_182 = tpu.vector_load %arg9[%swap3A_180, %swap3A_181] {strides = array<i32>} : memref<24x128xf32, #tpu.memory_space<vmem>>, vector<1x16xf32>,
      %swap3A_183 = vector.shape_cast %swap3A_182 : vector<1x16xf32> to vector<16xf32>
      %swap3A_184 = vector.shape_cast %broadcast_in_dim3A_179 : vector<16xf32> to vector<1x16xf32>
      tpu.vector_store %arg9[%swap3A_180, %swap3A_181], %swap3A_184 {strides = array<i32>} : memref<24x128xf32, #tpu.memory_space<vmem>>, vector<1x16xf32>,
    }
    %scan3A_4 = arith.constant 24 : i32
    %mul3A = arith.constant 624 : i32
    %mul3A_5 = arith.muli %arg1, %mul3A : i32
    %add3A = arith.constant 0 : i32
    %add3A_6 = arith.addi %mul3A_5, %add3A : i32
    "tpu.region"() ({
      %run_scoped3A = tpu.sem_alloc : memref<!tpu.dma_semaphore, #tpu.memory_space<semaphore_mem>>
      %dma_start3A_130 = arith.constant 0 : i32
      %dma_start3A_131 = tpu.memref_slice %arg10[%add3A_6, %dma_start3A_130] : memref<10000x128xf32, #tpu.memory_space<vmem_shared>> -> memref<24x128xf32, #tpu.memory_space<vmem_shared>>
      %dma_start3A_132 = arith.constant 0 : i32
      %dma_start3A_133 = tpu.memref_slice %arg10[%add3A_6, %dma_start3A_132] : memref<10000x128xf32, #tpu.memory_space<vmem_shared>> -> memref<24x128xf32, #tpu.memory_space<vmem_shared>>
      tpu.enqueue_dma source(%arg9 : memref<24x128xf32, #tpu.memory_space<vmem>>) target(%dma_start3A_133 : memref<24x128xf32, #tpu.memory_space<vmem_shared>>) target_semaphore(%run_scoped3A : memref<!tpu.dma_semaphore, #tpu.memory_space<semaphore_mem>>)
      %dma_wait3A = arith.constant 0 : i32
      %dma_wait3A_134 = tpu.memref_slice %arg10[%add3A_6, %dma_wait3A] : memref<10000x128xf32, #tpu.memory_space<vmem_shared>> -> memref<24x128xf32, #tpu.memory_space<vmem_shared>>
      %dma_wait3A_135 = arith.constant 0 : i32
      %dma_wait3A_136 = tpu.memref_slice %arg10[%add3A_6, %dma_wait3A_135] : memref<10000x128xf32, #tpu.memory_space<vmem_shared>> -> memref<24x128xf32, #tpu.memory_space<vmem_shared>>
      tpu.wait_dma2 semaphore(%run_scoped3A : memref<!tpu.dma_semaphore, #tpu.memory_space<semaphore_mem>>) src(%arg9 : memref<24x128xf32, #tpu.memory_space<vmem>>) dst(%dma_wait3A_136 : memref<24x128xf32, #tpu.memory_space<vmem_shared>>)
      tpu.yield
    }) : () -> ()
    %add3A_7 = arith.constant 24 : i32
    %add3A_8 = arith.addi %mul3A_5, %add3A_7 : i32
    "tpu.region"() ({
      %run_scoped3A = tpu.sem_alloc : memref<!tpu.dma_semaphore, #tpu.memory_space<semaphore_mem>>
      %dma_start3A_130 = arith.constant 0 : i32
      %dma_start3A_131 = tpu.memref_slice %arg10[%add3A_8, %dma_start3A_130] : memref<10000x128xf32, #tpu.memory_space<vmem_shared>> -> memref<24x128xf32, #tpu.memory_space<vmem_shared>>
      %dma_start3A_132 = arith.constant 0 : i32
      %dma_start3A_133 = tpu.memref_slice %arg10[%add3A_8, %dma_start3A_132] : memref<10000x128xf32, #tpu.memory_space<vmem_shared>> -> memref<24x128xf32, #tpu.memory_space<vmem_shared>>
      tpu.enqueue_dma source(%arg9 : memref<24x128xf32, #tpu.memory_space<vmem>>) target(%dma_start3A_133 : memref<24x128xf32, #tpu.memory_space<vmem_shared>>) target_semaphore(%run_scoped3A : memref<!tpu.dma_semaphore, #tpu.memory_space<semaphore_mem>>)
      %dma_wait3A = arith.constant 0 : i32
      %dma_wait3A_134 = tpu.memref_slice %arg10[%add3A_8, %dma_wait3A] : memref<10000x128xf32, #tpu.memory_space<vmem_shared>> -> memref<24x128xf32, #tpu.memory_space<vmem_shared>>
      %dma_wait3A_135 = arith.constant 0 : i32
      %dma_wait3A_136 = tpu.memref_slice %arg10[%add3A_8, %dma_wait3A_135] : memref<10000x128xf32, #tpu.memory_space<vmem_shared>> -> memref<24x128xf32, #tpu.memory_space<vmem_shared>>
      tpu.wait_dma2 semaphore(%run_scoped3A : memref<!tpu.dma_semaphore, #tpu.memory_space<semaphore_mem>>) src(%arg9 : memref<24x128xf32, #tpu.memory_space<vmem>>) dst(%dma_wait3A_136 : memref<24x128xf32, #tpu.memory_space<vmem_shared>>)
      tpu.yield
    }) : () -> ()
    %add3A_9 = arith.constant 48 : i32
    %add3A_10 = arith.addi %mul3A_5, %add3A_9 : i32
    "tpu.region"() ({
      %run_scoped3A = tpu.sem_alloc : memref<!tpu.dma_semaphore, #tpu.memory_space<semaphore_mem>>
      %dma_start3A_130 = arith.constant 0 : i32
      %dma_start3A_131 = tpu.memref_slice %arg10[%add3A_10, %dma_start3A_130] : memref<10000x128xf32, #tpu.memory_space<vmem_shared>> -> memref<24x128xf32, #tpu.memory_space<vmem_shared>>
      %dma_start3A_132 = arith.constant 0 : i32
      %dma_start3A_133 = tpu.memref_slice %arg10[%add3A_10, %dma_start3A_132] : memref<10000x128xf32, #tpu.memory_space<vmem_shared>> -> memref<24x128xf32, #tpu.memory_space<vmem_shared>>
      tpu.enqueue_dma source(%arg9 : memref<24x128xf32, #tpu.memory_space<vmem>>) target(%dma_start3A_133 : memref<24x128xf32, #tpu.memory_space<vmem_shared>>) target_semaphore(%run_scoped3A : memref<!tpu.dma_semaphore, #tpu.memory_space<semaphore_mem>>)
      %dma_wait3A = arith.constant 0 : i32
      %dma_wait3A_134 = tpu.memref_slice %arg10[%add3A_10, %dma_wait3A] : memref<10000x128xf32, #tpu.memory_space<vmem_shared>> -> memref<24x128xf32, #tpu.memory_space<vmem_shared>>
      %dma_wait3A_135 = arith.constant 0 : i32
      %dma_wait3A_136 = tpu.memref_slice %arg10[%add3A_10, %dma_wait3A_135] : memref<10000x128xf32, #tpu.memory_space<vmem_shared>> -> memref<24x128xf32, #tpu.memory_space<vmem_shared>>
      tpu.wait_dma2 semaphore(%run_scoped3A : memref<!tpu.dma_semaphore, #tpu.memory_space<semaphore_mem>>) src(%arg9 : memref<24x128xf32, #tpu.memory_space<vmem>>) dst(%dma_wait3A_136 : memref<24x128xf32, #tpu.memory_space<vmem_shared>>)
      tpu.yield
    }) : () -> ()
    %add3A_11 = arith.constant 72 : i32
    %add3A_12 = arith.addi %mul3A_5, %add3A_11 : i32
    "tpu.region"() ({
      %run_scoped3A = tpu.sem_alloc : memref<!tpu.dma_semaphore, #tpu.memory_space<semaphore_mem>>
      %dma_start3A_130 = arith.constant 0 : i32
      %dma_start3A_131 = tpu.memref_slice %arg10[%add3A_12, %dma_start3A_130] : memref<10000x128xf32, #tpu.memory_space<vmem_shared>> -> memref<24x128xf32, #tpu.memory_space<vmem_shared>>
      %dma_start3A_132 = arith.constant 0 : i32
      %dma_start3A_133 = tpu.memref_slice %arg10[%add3A_12, %dma_start3A_132] : memref<10000x128xf32, #tpu.memory_space<vmem_shared>> -> memref<24x128xf32, #tpu.memory_space<vmem_shared>>
      tpu.enqueue_dma source(%arg9 : memref<24x128xf32, #tpu.memory_space<vmem>>) target(%dma_start3A_133 : memref<24x128xf32, #tpu.memory_space<vmem_shared>>) target_semaphore(%run_scoped3A : memref<!tpu.dma_semaphore, #tpu.memory_space<semaphore_mem>>)
      %dma_wait3A = arith.constant 0 : i32
      %dma_wait3A_134 = tpu.memref_slice %arg10[%add3A_12, %dma_wait3A] : memref<10000x128xf32, #tpu.memory_space<vmem_shared>> -> memref<24x128xf32, #tpu.memory_space<vmem_shared>>
      %dma_wait3A_135 = arith.constant 0 : i32
      %dma_wait3A_136 = tpu.memref_slice %arg10[%add3A_12, %dma_wait3A_135] : memref<10000x128xf32, #tpu.memory_space<vmem_shared>> -> memref<24x128xf32, #tpu.memory_space<vmem_shared>>
      tpu.wait_dma2 semaphore(%run_scoped3A : memref<!tpu.dma_semaphore, #tpu.memory_space<semaphore_mem>>) src(%arg9 : memref<24x128xf32, #tpu.memory_space<vmem>>) dst(%dma_wait3A_136 : memref<24x128xf32, #tpu.memory_space<vmem_shared>>)
      tpu.yield
    }) : () -> ()
    %add3A_13 = arith.constant 96 : i32
    %add3A_14 = arith.addi %mul3A_5, %add3A_13 : i32
    "tpu.region"() ({
      %run_scoped3A = tpu.sem_alloc : memref<!tpu.dma_semaphore, #tpu.memory_space<semaphore_mem>>
      %dma_start3A_130 = arith.constant 0 : i32
      %dma_start3A_131 = tpu.memref_slice %arg10[%add3A_14, %dma_start3A_130] : memref<10000x128xf32, #tpu.memory_space<vmem_shared>> -> memref<24x128xf32, #tpu.memory_space<vmem_shared>>
      %dma_start3A_132 = arith.constant 0 : i32
      %dma_start3A_133 = tpu.memref_slice %arg10[%add3A_14, %dma_start3A_132] : memref<10000x128xf32, #tpu.memory_space<vmem_shared>> -> memref<24x128xf32, #tpu.memory_space<vmem_shared>>
      tpu.enqueue_dma source(%arg9 : memref<24x128xf32, #tpu.memory_space<vmem>>) target(%dma_start3A_133 : memref<24x128xf32, #tpu.memory_space<vmem_shared>>) target_semaphore(%run_scoped3A : memref<!tpu.dma_semaphore, #tpu.memory_space<semaphore_mem>>)
      %dma_wait3A = arith.constant 0 : i32
      %dma_wait3A_134 = tpu.memref_slice %arg10[%add3A_14, %dma_wait3A] : memref<10000x128xf32, #tpu.memory_space<vmem_shared>> -> memref<24x128xf32, #tpu.memory_space<vmem_shared>>
      %dma_wait3A_135 = arith.constant 0 : i32
      %dma_wait3A_136 = tpu.memref_slice %arg10[%add3A_14, %dma_wait3A_135] : memref<10000x128xf32, #tpu.memory_space<vmem_shared>> -> memref<24x128xf32, #tpu.memory_space<vmem_shared>>
      tpu.wait_dma2 semaphore(%run_scoped3A : memref<!tpu.dma_semaphore, #tpu.memory_space<semaphore_mem>>) src(%arg9 : memref<24x128xf32, #tpu.memory_space<vmem>>) dst(%dma_wait3A_136 : memref<24x128xf32, #tpu.memory_space<vmem_shared>>)
      tpu.yield
    }) : () -> ()
    %add3A_15 = arith.constant 120 : i32
    %add3A_16 = arith.addi %mul3A_5, %add3A_15 : i32
    "tpu.region"() ({
      %run_scoped3A = tpu.sem_alloc : memref<!tpu.dma_semaphore, #tpu.memory_space<semaphore_mem>>
      %dma_start3A_130 = arith.constant 0 : i32
      %dma_start3A_131 = tpu.memref_slice %arg10[%add3A_16, %dma_start3A_130] : memref<10000x128xf32, #tpu.memory_space<vmem_shared>> -> memref<24x128xf32, #tpu.memory_space<vmem_shared>>
      %dma_start3A_132 = arith.constant 0 : i32
      %dma_start3A_133 = tpu.memref_slice %arg10[%add3A_16, %dma_start3A_132] : memref<10000x128xf32, #tpu.memory_space<vmem_shared>> -> memref<24x128xf32, #tpu.memory_space<vmem_shared>>
      tpu.enqueue_dma source(%arg9 : memref<24x128xf32, #tpu.memory_space<vmem>>) target(%dma_start3A_133 : memref<24x128xf32, #tpu.memory_space<vmem_shared>>) target_semaphore(%run_scoped3A : memref<!tpu.dma_semaphore, #tpu.memory_space<semaphore_mem>>)
      %dma_wait3A = arith.constant 0 : i32
      %dma_wait3A_134 = tpu.memref_slice %arg10[%add3A_16, %dma_wait3A] : memref<10000x128xf32, #tpu.memory_space<vmem_shared>> -> memref<24x128xf32, #tpu.memory_space<vmem_shared>>
      %dma_wait3A_135 = arith.constant 0 : i32
      %dma_wait3A_136 = tpu.memref_slice %arg10[%add3A_16, %dma_wait3A_135] : memref<10000x128xf32, #tpu.memory_space<vmem_shared>> -> memref<24x128xf32, #tpu.memory_space<vmem_shared>>
      tpu.wait_dma2 semaphore(%run_scoped3A : memref<!tpu.dma_semaphore, #tpu.memory_space<semaphore_mem>>) src(%arg9 : memref<24x128xf32, #tpu.memory_space<vmem>>) dst(%dma_wait3A_136 : memref<24x128xf32, #tpu.memory_space<vmem_shared>>)
      tpu.yield
    }) : () -> ()
    %add3A_17 = arith.constant 144 : i32
    %add3A_18 = arith.addi %mul3A_5, %add3A_17 : i32
    "tpu.region"() ({
      %run_scoped3A = tpu.sem_alloc : memref<!tpu.dma_semaphore, #tpu.memory_space<semaphore_mem>>
      %dma_start3A_130 = arith.constant 0 : i32
      %dma_start3A_131 = tpu.memref_slice %arg10[%add3A_18, %dma_start3A_130] : memref<10000x128xf32, #tpu.memory_space<vmem_shared>> -> memref<24x128xf32, #tpu.memory_space<vmem_shared>>
      %dma_start3A_132 = arith.constant 0 : i32
      %dma_start3A_133 = tpu.memref_slice %arg10[%add3A_18, %dma_start3A_132] : memref<10000x128xf32, #tpu.memory_space<vmem_shared>> -> memref<24x128xf32, #tpu.memory_space<vmem_shared>>
      tpu.enqueue_dma source(%arg9 : memref<24x128xf32, #tpu.memory_space<vmem>>) target(%dma_start3A_133 : memref<24x128xf32, #tpu.memory_space<vmem_shared>>) target_semaphore(%run_scoped3A : memref<!tpu.dma_semaphore, #tpu.memory_space<semaphore_mem>>)
      %dma_wait3A = arith.constant 0 : i32
      %dma_wait3A_134 = tpu.memref_slice %arg10[%add3A_18, %dma_wait3A] : memref<10000x128xf32, #tpu.memory_space<vmem_shared>> -> memref<24x128xf32, #tpu.memory_space<vmem_shared>>
      %dma_wait3A_135 = arith.constant 0 : i32
      %dma_wait3A_136 = tpu.memref_slice %arg10[%add3A_18, %dma_wait3A_135] : memref<10000x128xf32, #tpu.memory_space<vmem_shared>> -> memref<24x128xf32, #tpu.memory_space<vmem_shared>>
      tpu.wait_dma2 semaphore(%run_scoped3A : memref<!tpu.dma_semaphore, #tpu.memory_space<semaphore_mem>>) src(%arg9 : memref<24x128xf32, #tpu.memory_space<vmem>>) dst(%dma_wait3A_136 : memref<24x128xf32, #tpu.memory_space<vmem_shared>>)
      tpu.yield
    }) : () -> ()
    %add3A_19 = arith.constant 168 : i32
    %add3A_20 = arith.addi %mul3A_5, %add3A_19 : i32
    "tpu.region"() ({
      %run_scoped3A = tpu.sem_alloc : memref<!tpu.dma_semaphore, #tpu.memory_space<semaphore_mem>>
      %dma_start3A_130 = arith.constant 0 : i32
      %dma_start3A_131 = tpu.memref_slice %arg10[%add3A_20, %dma_start3A_130] : memref<10000x128xf32, #tpu.memory_space<vmem_shared>> -> memref<24x128xf32, #tpu.memory_space<vmem_shared>>
      %dma_start3A_132 = arith.constant 0 : i32
      %dma_start3A_133 = tpu.memref_slice %arg10[%add3A_20, %dma_start3A_132] : memref<10000x128xf32, #tpu.memory_space<vmem_shared>> -> memref<24x128xf32, #tpu.memory_space<vmem_shared>>
      tpu.enqueue_dma source(%arg9 : memref<24x128xf32, #tpu.memory_space<vmem>>) target(%dma_start3A_133 : memref<24x128xf32, #tpu.memory_space<vmem_shared>>) target_semaphore(%run_scoped3A : memref<!tpu.dma_semaphore, #tpu.memory_space<semaphore_mem>>)
      %dma_wait3A = arith.constant 0 : i32
      %dma_wait3A_134 = tpu.memref_slice %arg10[%add3A_20, %dma_wait3A] : memref<10000x128xf32, #tpu.memory_space<vmem_shared>> -> memref<24x128xf32, #tpu.memory_space<vmem_shared>>
      %dma_wait3A_135 = arith.constant 0 : i32
      %dma_wait3A_136 = tpu.memref_slice %arg10[%add3A_20, %dma_wait3A_135] : memref<10000x128xf32, #tpu.memory_space<vmem_shared>> -> memref<24x128xf32, #tpu.memory_space<vmem_shared>>
      tpu.wait_dma2 semaphore(%run_scoped3A : memref<!tpu.dma_semaphore, #tpu.memory_space<semaphore_mem>>) src(%arg9 : memref<24x128xf32, #tpu.memory_space<vmem>>) dst(%dma_wait3A_136 : memref<24x128xf32, #tpu.memory_space<vmem_shared>>)
      tpu.yield
    }) : () -> ()
    %add3A_21 = arith.constant 192 : i32
    %add3A_22 = arith.addi %mul3A_5, %add3A_21 : i32
    "tpu.region"() ({
      %run_scoped3A = tpu.sem_alloc : memref<!tpu.dma_semaphore, #tpu.memory_space<semaphore_mem>>
      %dma_start3A_130 = arith.constant 0 : i32
      %dma_start3A_131 = tpu.memref_slice %arg10[%add3A_22, %dma_start3A_130] : memref<10000x128xf32, #tpu.memory_space<vmem_shared>> -> memref<24x128xf32, #tpu.memory_space<vmem_shared>>
      %dma_start3A_132 = arith.constant 0 : i32
      %dma_start3A_133 = tpu.memref_slice %arg10[%add3A_22, %dma_start3A_132] : memref<10000x128xf32, #tpu.memory_space<vmem_shared>> -> memref<24x128xf32, #tpu.memory_space<vmem_shared>>
      tpu.enqueue_dma source(%arg9 : memref<24x128xf32, #tpu.memory_space<vmem>>) target(%dma_start3A_133 : memref<24x128xf32, #tpu.memory_space<vmem_shared>>) target_semaphore(%run_scoped3A : memref<!tpu.dma_semaphore, #tpu.memory_space<semaphore_mem>>)
      %dma_wait3A = arith.constant 0 : i32
      %dma_wait3A_134 = tpu.memref_slice %arg10[%add3A_22, %dma_wait3A] : memref<10000x128xf32, #tpu.memory_space<vmem_shared>> -> memref<24x128xf32, #tpu.memory_space<vmem_shared>>
      %dma_wait3A_135 = arith.constant 0 : i32
      %dma_wait3A_136 = tpu.memref_slice %arg10[%add3A_22, %dma_wait3A_135] : memref<10000x128xf32, #tpu.memory_space<vmem_shared>> -> memref<24x128xf32, #tpu.memory_space<vmem_shared>>
      tpu.wait_dma2 semaphore(%run_scoped3A : memref<!tpu.dma_semaphore, #tpu.memory_space<semaphore_mem>>) src(%arg9 : memref<24x128xf32, #tpu.memory_space<vmem>>) dst(%dma_wait3A_136 : memref<24x128xf32, #tpu.memory_space<vmem_shared>>)
      tpu.yield
    }) : () -> ()
    %add3A_23 = arith.constant 216 : i32
    %add3A_24 = arith.addi %mul3A_5, %add3A_23 : i32
    "tpu.region"() ({
      %run_scoped3A = tpu.sem_alloc : memref<!tpu.dma_semaphore, #tpu.memory_space<semaphore_mem>>
      %dma_start3A_130 = arith.constant 0 : i32
      %dma_start3A_131 = tpu.memref_slice %arg10[%add3A_24, %dma_start3A_130] : memref<10000x128xf32, #tpu.memory_space<vmem_shared>> -> memref<24x128xf32, #tpu.memory_space<vmem_shared>>
      %dma_start3A_132 = arith.constant 0 : i32
      %dma_start3A_133 = tpu.memref_slice %arg10[%add3A_24, %dma_start3A_132] : memref<10000x128xf32, #tpu.memory_space<vmem_shared>> -> memref<24x128xf32, #tpu.memory_space<vmem_shared>>
      tpu.enqueue_dma source(%arg9 : memref<24x128xf32, #tpu.memory_space<vmem>>) target(%dma_start3A_133 : memref<24x128xf32, #tpu.memory_space<vmem_shared>>) target_semaphore(%run_scoped3A : memref<!tpu.dma_semaphore, #tpu.memory_space<semaphore_mem>>)
      %dma_wait3A = arith.constant 0 : i32
      %dma_wait3A_134 = tpu.memref_slice %arg10[%add3A_24, %dma_wait3A] : memref<10000x128xf32, #tpu.memory_space<vmem_shared>> -> memref<24x128xf32, #tpu.memory_space<vmem_shared>>
      %dma_wait3A_135 = arith.constant 0 : i32
      %dma_wait3A_136 = tpu.memref_slice %arg10[%add3A_24, %dma_wait3A_135] : memref<10000x128xf32, #tpu.memory_space<vmem_shared>> -> memref<24x128xf32, #tpu.memory_space<vmem_shared>>
      tpu.wait_dma2 semaphore(%run_scoped3A : memref<!tpu.dma_semaphore, #tpu.memory_space<semaphore_mem>>) src(%arg9 : memref<24x128xf32, #tpu.memory_space<vmem>>) dst(%dma_wait3A_136 : memref<24x128xf32, #tpu.memory_space<vmem_shared>>)
      tpu.yield
    }) : () -> ()
    %add3A_25 = arith.constant 240 : i32
    %add3A_26 = arith.addi %mul3A_5, %add3A_25 : i32
    "tpu.region"() ({
      %run_scoped3A = tpu.sem_alloc : memref<!tpu.dma_semaphore, #tpu.memory_space<semaphore_mem>>
      %dma_start3A_130 = arith.constant 0 : i32
      %dma_start3A_131 = tpu.memref_slice %arg10[%add3A_26, %dma_start3A_130] : memref<10000x128xf32, #tpu.memory_space<vmem_shared>> -> memref<24x128xf32, #tpu.memory_space<vmem_shared>>
      %dma_start3A_132 = arith.constant 0 : i32
      %dma_start3A_133 = tpu.memref_slice %arg10[%add3A_26, %dma_start3A_132] : memref<10000x128xf32, #tpu.memory_space<vmem_shared>> -> memref<24x128xf32, #tpu.memory_space<vmem_shared>>
      tpu.enqueue_dma source(%arg9 : memref<24x128xf32, #tpu.memory_space<vmem>>) target(%dma_start3A_133 : memref<24x128xf32, #tpu.memory_space<vmem_shared>>) target_semaphore(%run_scoped3A : memref<!tpu.dma_semaphore, #tpu.memory_space<semaphore_mem>>)
      %dma_wait3A = arith.constant 0 : i32
      %dma_wait3A_134 = tpu.memref_slice %arg10[%add3A_26, %dma_wait3A] : memref<10000x128xf32, #tpu.memory_space<vmem_shared>> -> memref<24x128xf32, #tpu.memory_space<vmem_shared>>
      %dma_wait3A_135 = arith.constant 0 : i32
      %dma_wait3A_136 = tpu.memref_slice %arg10[%add3A_26, %dma_wait3A_135] : memref<10000x128xf32, #tpu.memory_space<vmem_shared>> -> memref<24x128xf32, #tpu.memory_space<vmem_shared>>
      tpu.wait_dma2 semaphore(%run_scoped3A : memref<!tpu.dma_semaphore, #tpu.memory_space<semaphore_mem>>) src(%arg9 : memref<24x128xf32, #tpu.memory_space<vmem>>) dst(%dma_wait3A_136 : memref<24x128xf32, #tpu.memory_space<vmem_shared>>)
      tpu.yield
    }) : () -> ()
    %add3A_27 = arith.constant 264 : i32
    %add3A_28 = arith.addi %mul3A_5, %add3A_27 : i32
    "tpu.region"() ({
      %run_scoped3A = tpu.sem_alloc : memref<!tpu.dma_semaphore, #tpu.memory_space<semaphore_mem>>
      %dma_start3A_130 = arith.constant 0 : i32
      %dma_start3A_131 = tpu.memref_slice %arg10[%add3A_28, %dma_start3A_130] : memref<10000x128xf32, #tpu.memory_space<vmem_shared>> -> memref<24x128xf32, #tpu.memory_space<vmem_shared>>
      %dma_start3A_132 = arith.constant 0 : i32
      %dma_start3A_133 = tpu.memref_slice %arg10[%add3A_28, %dma_start3A_132] : memref<10000x128xf32, #tpu.memory_space<vmem_shared>> -> memref<24x128xf32, #tpu.memory_space<vmem_shared>>
      tpu.enqueue_dma source(%arg9 : memref<24x128xf32, #tpu.memory_space<vmem>>) target(%dma_start3A_133 : memref<24x128xf32, #tpu.memory_space<vmem_shared>>) target_semaphore(%run_scoped3A : memref<!tpu.dma_semaphore, #tpu.memory_space<semaphore_mem>>)
      %dma_wait3A = arith.constant 0 : i32
      %dma_wait3A_134 = tpu.memref_slice %arg10[%add3A_28, %dma_wait3A] : memref<10000x128xf32, #tpu.memory_space<vmem_shared>> -> memref<24x128xf32, #tpu.memory_space<vmem_shared>>
      %dma_wait3A_135 = arith.constant 0 : i32
      %dma_wait3A_136 = tpu.memref_slice %arg10[%add3A_28, %dma_wait3A_135] : memref<10000x128xf32, #tpu.memory_space<vmem_shared>> -> memref<24x128xf32, #tpu.memory_space<vmem_shared>>
      tpu.wait_dma2 semaphore(%run_scoped3A : memref<!tpu.dma_semaphore, #tpu.memory_space<semaphore_mem>>) src(%arg9 : memref<24x128xf32, #tpu.memory_space<vmem>>) dst(%dma_wait3A_136 : memref<24x128xf32, #tpu.memory_space<vmem_shared>>)
      tpu.yield
    }) : () -> ()
    %add3A_29 = arith.constant 288 : i32
    %add3A_30 = arith.addi %mul3A_5, %add3A_29 : i32
    "tpu.region"() ({
      %run_scoped3A = tpu.sem_alloc : memref<!tpu.dma_semaphore, #tpu.memory_space<semaphore_mem>>
      %dma_start3A_130 = arith.constant 0 : i32
      %dma_start3A_131 = tpu.memref_slice %arg10[%add3A_30, %dma_start3A_130] : memref<10000x128xf32, #tpu.memory_space<vmem_shared>> -> memref<24x128xf32, #tpu.memory_space<vmem_shared>>
      %dma_start3A_132 = arith.constant 0 : i32
      %dma_start3A_133 = tpu.memref_slice %arg10[%add3A_30, %dma_start3A_132] : memref<10000x128xf32, #tpu.memory_space<vmem_shared>> -> memref<24x128xf32, #tpu.memory_space<vmem_shared>>
      tpu.enqueue_dma source(%arg9 : memref<24x128xf32, #tpu.memory_space<vmem>>) target(%dma_start3A_133 : memref<24x128xf32, #tpu.memory_space<vmem_shared>>) target_semaphore(%run_scoped3A : memref<!tpu.dma_semaphore, #tpu.memory_space<semaphore_mem>>)
      %dma_wait3A = arith.constant 0 : i32
      %dma_wait3A_134 = tpu.memref_slice %arg10[%add3A_30, %dma_wait3A] : memref<10000x128xf32, #tpu.memory_space<vmem_shared>> -> memref<24x128xf32, #tpu.memory_space<vmem_shared>>
      %dma_wait3A_135 = arith.constant 0 : i32
      %dma_wait3A_136 = tpu.memref_slice %arg10[%add3A_30, %dma_wait3A_135] : memref<10000x128xf32, #tpu.memory_space<vmem_shared>> -> memref<24x128xf32, #tpu.memory_space<vmem_shared>>
      tpu.wait_dma2 semaphore(%run_scoped3A : memref<!tpu.dma_semaphore, #tpu.memory_space<semaphore_mem>>) src(%arg9 : memref<24x128xf32, #tpu.memory_space<vmem>>) dst(%dma_wait3A_136 : memref<24x128xf32, #tpu.memory_space<vmem_shared>>)
      tpu.yield
    }) : () -> ()
    %add3A_31 = arith.constant 312 : i32
    %add3A_32 = arith.addi %mul3A_5, %add3A_31 : i32
    "tpu.region"() ({
      %run_scoped3A = tpu.sem_alloc : memref<!tpu.dma_semaphore, #tpu.memory_space<semaphore_mem>>
      %dma_start3A_130 = arith.constant 0 : i32
      %dma_start3A_131 = tpu.memref_slice %arg10[%add3A_32, %dma_start3A_130] : memref<10000x128xf32, #tpu.memory_space<vmem_shared>> -> memref<24x128xf32, #tpu.memory_space<vmem_shared>>
      %dma_start3A_132 = arith.constant 0 : i32
      %dma_start3A_133 = tpu.memref_slice %arg10[%add3A_32, %dma_start3A_132] : memref<10000x128xf32, #tpu.memory_space<vmem_shared>> -> memref<24x128xf32, #tpu.memory_space<vmem_shared>>
      tpu.enqueue_dma source(%arg9 : memref<24x128xf32, #tpu.memory_space<vmem>>) target(%dma_start3A_133 : memref<24x128xf32, #tpu.memory_space<vmem_shared>>) target_semaphore(%run_scoped3A : memref<!tpu.dma_semaphore, #tpu.memory_space<semaphore_mem>>)
      %dma_wait3A = arith.constant 0 : i32
      %dma_wait3A_134 = tpu.memref_slice %arg10[%add3A_32, %dma_wait3A] : memref<10000x128xf32, #tpu.memory_space<vmem_shared>> -> memref<24x128xf32, #tpu.memory_space<vmem_shared>>
      %dma_wait3A_135 = arith.constant 0 : i32
      %dma_wait3A_136 = tpu.memref_slice %arg10[%add3A_32, %dma_wait3A_135] : memref<10000x128xf32, #tpu.memory_space<vmem_shared>> -> memref<24x128xf32, #tpu.memory_space<vmem_shared>>
      tpu.wait_dma2 semaphore(%run_scoped3A : memref<!tpu.dma_semaphore, #tpu.memory_space<semaphore_mem>>) src(%arg9 : memref<24x128xf32, #tpu.memory_space<vmem>>) dst(%dma_wait3A_136 : memref<24x128xf32, #tpu.memory_space<vmem_shared>>)
      tpu.yield
    }) : () -> ()
    %add3A_33 = arith.constant 336 : i32
    %add3A_34 = arith.addi %mul3A_5, %add3A_33 : i32
    "tpu.region"() ({
      %run_scoped3A = tpu.sem_alloc : memref<!tpu.dma_semaphore, #tpu.memory_space<semaphore_mem>>
      %dma_start3A_130 = arith.constant 0 : i32
      %dma_start3A_131 = tpu.memref_slice %arg10[%add3A_34, %dma_start3A_130] : memref<10000x128xf32, #tpu.memory_space<vmem_shared>> -> memref<24x128xf32, #tpu.memory_space<vmem_shared>>
      %dma_start3A_132 = arith.constant 0 : i32
      %dma_start3A_133 = tpu.memref_slice %arg10[%add3A_34, %dma_start3A_132] : memref<10000x128xf32, #tpu.memory_space<vmem_shared>> -> memref<24x128xf32, #tpu.memory_space<vmem_shared>>
      tpu.enqueue_dma source(%arg9 : memref<24x128xf32, #tpu.memory_space<vmem>>) target(%dma_start3A_133 : memref<24x128xf32, #tpu.memory_space<vmem_shared>>) target_semaphore(%run_scoped3A : memref<!tpu.dma_semaphore, #tpu.memory_space<semaphore_mem>>)
      %dma_wait3A = arith.constant 0 : i32
      %dma_wait3A_134 = tpu.memref_slice %arg10[%add3A_34, %dma_wait3A] : memref<10000x128xf32, #tpu.memory_space<vmem_shared>> -> memref<24x128xf32, #tpu.memory_space<vmem_shared>>
      %dma_wait3A_135 = arith.constant 0 : i32
      %dma_wait3A_136 = tpu.memref_slice %arg10[%add3A_34, %dma_wait3A_135] : memref<10000x128xf32, #tpu.memory_space<vmem_shared>> -> memref<24x128xf32, #tpu.memory_space<vmem_shared>>
      tpu.wait_dma2 semaphore(%run_scoped3A : memref<!tpu.dma_semaphore, #tpu.memory_space<semaphore_mem>>) src(%arg9 : memref<24x128xf32, #tpu.memory_space<vmem>>) dst(%dma_wait3A_136 : memref<24x128xf32, #tpu.memory_space<vmem_shared>>)
      tpu.yield
    }) : () -> ()
    %add3A_35 = arith.constant 360 : i32
    %add3A_36 = arith.addi %mul3A_5, %add3A_35 : i32
    "tpu.region"() ({
      %run_scoped3A = tpu.sem_alloc : memref<!tpu.dma_semaphore, #tpu.memory_space<semaphore_mem>>
      %dma_start3A_130 = arith.constant 0 : i32
      %dma_start3A_131 = tpu.memref_slice %arg10[%add3A_36, %dma_start3A_130] : memref<10000x128xf32, #tpu.memory_space<vmem_shared>> -> memref<24x128xf32, #tpu.memory_space<vmem_shared>>
      %dma_start3A_132 = arith.constant 0 : i32
      %dma_start3A_133 = tpu.memref_slice %arg10[%add3A_36, %dma_start3A_132] : memref<10000x128xf32, #tpu.memory_space<vmem_shared>> -> memref<24x128xf32, #tpu.memory_space<vmem_shared>>
      tpu.enqueue_dma source(%arg9 : memref<24x128xf32, #tpu.memory_space<vmem>>) target(%dma_start3A_133 : memref<24x128xf32, #tpu.memory_space<vmem_shared>>) target_semaphore(%run_scoped3A : memref<!tpu.dma_semaphore, #tpu.memory_space<semaphore_mem>>)
      %dma_wait3A = arith.constant 0 : i32
      %dma_wait3A_134 = tpu.memref_slice %arg10[%add3A_36, %dma_wait3A] : memref<10000x128xf32, #tpu.memory_space<vmem_shared>> -> memref<24x128xf32, #tpu.memory_space<vmem_shared>>
      %dma_wait3A_135 = arith.constant 0 : i32
      %dma_wait3A_136 = tpu.memref_slice %arg10[%add3A_36, %dma_wait3A_135] : memref<10000x128xf32, #tpu.memory_space<vmem_shared>> -> memref<24x128xf32, #tpu.memory_space<vmem_shared>>
      tpu.wait_dma2 semaphore(%run_scoped3A : memref<!tpu.dma_semaphore, #tpu.memory_space<semaphore_mem>>) src(%arg9 : memref<24x128xf32, #tpu.memory_space<vmem>>) dst(%dma_wait3A_136 : memref<24x128xf32, #tpu.memory_space<vmem_shared>>)
      tpu.yield
    }) : () -> ()
    %add3A_37 = arith.constant 384 : i32
    %add3A_38 = arith.addi %mul3A_5, %add3A_37 : i32
    "tpu.region"() ({
      %run_scoped3A = tpu.sem_alloc : memref<!tpu.dma_semaphore, #tpu.memory_space<semaphore_mem>>
      %dma_start3A_130 = arith.constant 0 : i32
      %dma_start3A_131 = tpu.memref_slice %arg10[%add3A_38, %dma_start3A_130] : memref<10000x128xf32, #tpu.memory_space<vmem_shared>> -> memref<24x128xf32, #tpu.memory_space<vmem_shared>>
      %dma_start3A_132 = arith.constant 0 : i32
      %dma_start3A_133 = tpu.memref_slice %arg10[%add3A_38, %dma_start3A_132] : memref<10000x128xf32, #tpu.memory_space<vmem_shared>> -> memref<24x128xf32, #tpu.memory_space<vmem_shared>>
      tpu.enqueue_dma source(%arg9 : memref<24x128xf32, #tpu.memory_space<vmem>>) target(%dma_start3A_133 : memref<24x128xf32, #tpu.memory_space<vmem_shared>>) target_semaphore(%run_scoped3A : memref<!tpu.dma_semaphore, #tpu.memory_space<semaphore_mem>>)
      %dma_wait3A = arith.constant 0 : i32
      %dma_wait3A_134 = tpu.memref_slice %arg10[%add3A_38, %dma_wait3A] : memref<10000x128xf32, #tpu.memory_space<vmem_shared>> -> memref<24x128xf32, #tpu.memory_space<vmem_shared>>
      %dma_wait3A_135 = arith.constant 0 : i32
      %dma_wait3A_136 = tpu.memref_slice %arg10[%add3A_38, %dma_wait3A_135] : memref<10000x128xf32, #tpu.memory_space<vmem_shared>> -> memref<24x128xf32, #tpu.memory_space<vmem_shared>>
      tpu.wait_dma2 semaphore(%run_scoped3A : memref<!tpu.dma_semaphore, #tpu.memory_space<semaphore_mem>>) src(%arg9 : memref<24x128xf32, #tpu.memory_space<vmem>>) dst(%dma_wait3A_136 : memref<24x128xf32, #tpu.memory_space<vmem_shared>>)
      tpu.yield
    }) : () -> ()
    %add3A_39 = arith.constant 408 : i32
    %add3A_40 = arith.addi %mul3A_5, %add3A_39 : i32
    "tpu.region"() ({
      %run_scoped3A = tpu.sem_alloc : memref<!tpu.dma_semaphore, #tpu.memory_space<semaphore_mem>>
      %dma_start3A_130 = arith.constant 0 : i32
      %dma_start3A_131 = tpu.memref_slice %arg10[%add3A_40, %dma_start3A_130] : memref<10000x128xf32, #tpu.memory_space<vmem_shared>> -> memref<24x128xf32, #tpu.memory_space<vmem_shared>>
      %dma_start3A_132 = arith.constant 0 : i32
      %dma_start3A_133 = tpu.memref_slice %arg10[%add3A_40, %dma_start3A_132] : memref<10000x128xf32, #tpu.memory_space<vmem_shared>> -> memref<24x128xf32, #tpu.memory_space<vmem_shared>>
      tpu.enqueue_dma source(%arg9 : memref<24x128xf32, #tpu.memory_space<vmem>>) target(%dma_start3A_133 : memref<24x128xf32, #tpu.memory_space<vmem_shared>>) target_semaphore(%run_scoped3A : memref<!tpu.dma_semaphore, #tpu.memory_space<semaphore_mem>>)
      %dma_wait3A = arith.constant 0 : i32
      %dma_wait3A_134 = tpu.memref_slice %arg10[%add3A_40, %dma_wait3A] : memref<10000x128xf32, #tpu.memory_space<vmem_shared>> -> memref<24x128xf32, #tpu.memory_space<vmem_shared>>
      %dma_wait3A_135 = arith.constant 0 : i32
      %dma_wait3A_136 = tpu.memref_slice %arg10[%add3A_40, %dma_wait3A_135] : memref<10000x128xf32, #tpu.memory_space<vmem_shared>> -> memref<24x128xf32, #tpu.memory_space<vmem_shared>>
      tpu.wait_dma2 semaphore(%run_scoped3A : memref<!tpu.dma_semaphore, #tpu.memory_space<semaphore_mem>>) src(%arg9 : memref<24x128xf32, #tpu.memory_space<vmem>>) dst(%dma_wait3A_136 : memref<24x128xf32, #tpu.memory_space<vmem_shared>>)
      tpu.yield
    }) : () -> ()
    %add3A_41 = arith.constant 432 : i32
    %add3A_42 = arith.addi %mul3A_5, %add3A_41 : i32
    "tpu.region"() ({
      %run_scoped3A = tpu.sem_alloc : memref<!tpu.dma_semaphore, #tpu.memory_space<semaphore_mem>>
      %dma_start3A_130 = arith.constant 0 : i32
      %dma_start3A_131 = tpu.memref_slice %arg10[%add3A_42, %dma_start3A_130] : memref<10000x128xf32, #tpu.memory_space<vmem_shared>> -> memref<24x128xf32, #tpu.memory_space<vmem_shared>>
      %dma_start3A_132 = arith.constant 0 : i32
      %dma_start3A_133 = tpu.memref_slice %arg10[%add3A_42, %dma_start3A_132] : memref<10000x128xf32, #tpu.memory_space<vmem_shared>> -> memref<24x128xf32, #tpu.memory_space<vmem_shared>>
      tpu.enqueue_dma source(%arg9 : memref<24x128xf32, #tpu.memory_space<vmem>>) target(%dma_start3A_133 : memref<24x128xf32, #tpu.memory_space<vmem_shared>>) target_semaphore(%run_scoped3A : memref<!tpu.dma_semaphore, #tpu.memory_space<semaphore_mem>>)
      %dma_wait3A = arith.constant 0 : i32
      %dma_wait3A_134 = tpu.memref_slice %arg10[%add3A_42, %dma_wait3A] : memref<10000x128xf32, #tpu.memory_space<vmem_shared>> -> memref<24x128xf32, #tpu.memory_space<vmem_shared>>
      %dma_wait3A_135 = arith.constant 0 : i32
      %dma_wait3A_136 = tpu.memref_slice %arg10[%add3A_42, %dma_wait3A_135] : memref<10000x128xf32, #tpu.memory_space<vmem_shared>> -> memref<24x128xf32, #tpu.memory_space<vmem_shared>>
      tpu.wait_dma2 semaphore(%run_scoped3A : memref<!tpu.dma_semaphore, #tpu.memory_space<semaphore_mem>>) src(%arg9 : memref<24x128xf32, #tpu.memory_space<vmem>>) dst(%dma_wait3A_136 : memref<24x128xf32, #tpu.memory_space<vmem_shared>>)
      tpu.yield
    }) : () -> ()
    %add3A_43 = arith.constant 456 : i32
    %add3A_44 = arith.addi %mul3A_5, %add3A_43 : i32
    "tpu.region"() ({
      %run_scoped3A = tpu.sem_alloc : memref<!tpu.dma_semaphore, #tpu.memory_space<semaphore_mem>>
      %dma_start3A_130 = arith.constant 0 : i32
      %dma_start3A_131 = tpu.memref_slice %arg10[%add3A_44, %dma_start3A_130] : memref<10000x128xf32, #tpu.memory_space<vmem_shared>> -> memref<24x128xf32, #tpu.memory_space<vmem_shared>>
      %dma_start3A_132 = arith.constant 0 : i32
      %dma_start3A_133 = tpu.memref_slice %arg10[%add3A_44, %dma_start3A_132] : memref<10000x128xf32, #tpu.memory_space<vmem_shared>> -> memref<24x128xf32, #tpu.memory_space<vmem_shared>>
      tpu.enqueue_dma source(%arg9 : memref<24x128xf32, #tpu.memory_space<vmem>>) target(%dma_start3A_133 : memref<24x128xf32, #tpu.memory_space<vmem_shared>>) target_semaphore(%run_scoped3A : memref<!tpu.dma_semaphore, #tpu.memory_space<semaphore_mem>>)
      %dma_wait3A = arith.constant 0 : i32
      %dma_wait3A_134 = tpu.memref_slice %arg10[%add3A_44, %dma_wait3A] : memref<10000x128xf32, #tpu.memory_space<vmem_shared>> -> memref<24x128xf32, #tpu.memory_space<vmem_shared>>
      %dma_wait3A_135 = arith.constant 0 : i32
      %dma_wait3A_136 = tpu.memref_slice %arg10[%add3A_44, %dma_wait3A_135] : memref<10000x128xf32, #tpu.memory_space<vmem_shared>> -> memref<24x128xf32, #tpu.memory_space<vmem_shared>>
      tpu.wait_dma2 semaphore(%run_scoped3A : memref<!tpu.dma_semaphore, #tpu.memory_space<semaphore_mem>>) src(%arg9 : memref<24x128xf32, #tpu.memory_space<vmem>>) dst(%dma_wait3A_136 : memref<24x128xf32, #tpu.memory_space<vmem_shared>>)
      tpu.yield
    }) : () -> ()
    %add3A_45 = arith.constant 480 : i32
    %add3A_46 = arith.addi %mul3A_5, %add3A_45 : i32
    "tpu.region"() ({
      %run_scoped3A = tpu.sem_alloc : memref<!tpu.dma_semaphore, #tpu.memory_space<semaphore_mem>>
      %dma_start3A_130 = arith.constant 0 : i32
      %dma_start3A_131 = tpu.memref_slice %arg10[%add3A_46, %dma_start3A_130] : memref<10000x128xf32, #tpu.memory_space<vmem_shared>> -> memref<24x128xf32, #tpu.memory_space<vmem_shared>>
      %dma_start3A_132 = arith.constant 0 : i32
      %dma_start3A_133 = tpu.memref_slice %arg10[%add3A_46, %dma_start3A_132] : memref<10000x128xf32, #tpu.memory_space<vmem_shared>> -> memref<24x128xf32, #tpu.memory_space<vmem_shared>>
      tpu.enqueue_dma source(%arg9 : memref<24x128xf32, #tpu.memory_space<vmem>>) target(%dma_start3A_133 : memref<24x128xf32, #tpu.memory_space<vmem_shared>>) target_semaphore(%run_scoped3A : memref<!tpu.dma_semaphore, #tpu.memory_space<semaphore_mem>>)
      %dma_wait3A = arith.constant 0 : i32
      %dma_wait3A_134 = tpu.memref_slice %arg10[%add3A_46, %dma_wait3A] : memref<10000x128xf32, #tpu.memory_space<vmem_shared>> -> memref<24x128xf32, #tpu.memory_space<vmem_shared>>
      %dma_wait3A_135 = arith.constant 0 : i32
      %dma_wait3A_136 = tpu.memref_slice %arg10[%add3A_46, %dma_wait3A_135] : memref<10000x128xf32, #tpu.memory_space<vmem_shared>> -> memref<24x128xf32, #tpu.memory_space<vmem_shared>>
      tpu.wait_dma2 semaphore(%run_scoped3A : memref<!tpu.dma_semaphore, #tpu.memory_space<semaphore_mem>>) src(%arg9 : memref<24x128xf32, #tpu.memory_space<vmem>>) dst(%dma_wait3A_136 : memref<24x128xf32, #tpu.memory_space<vmem_shared>>)
      tpu.yield
    }) : () -> ()
    %add3A_47 = arith.constant 504 : i32
    %add3A_48 = arith.addi %mul3A_5, %add3A_47 : i32
    "tpu.region"() ({
      %run_scoped3A = tpu.sem_alloc : memref<!tpu.dma_semaphore, #tpu.memory_space<semaphore_mem>>
      %dma_start3A_130 = arith.constant 0 : i32
      %dma_start3A_131 = tpu.memref_slice %arg10[%add3A_48, %dma_start3A_130] : memref<10000x128xf32, #tpu.memory_space<vmem_shared>> -> memref<24x128xf32, #tpu.memory_space<vmem_shared>>
      %dma_start3A_132 = arith.constant 0 : i32
      %dma_start3A_133 = tpu.memref_slice %arg10[%add3A_48, %dma_start3A_132] : memref<10000x128xf32, #tpu.memory_space<vmem_shared>> -> memref<24x128xf32, #tpu.memory_space<vmem_shared>>
      tpu.enqueue_dma source(%arg9 : memref<24x128xf32, #tpu.memory_space<vmem>>) target(%dma_start3A_133 : memref<24x128xf32, #tpu.memory_space<vmem_shared>>) target_semaphore(%run_scoped3A : memref<!tpu.dma_semaphore, #tpu.memory_space<semaphore_mem>>)
      %dma_wait3A = arith.constant 0 : i32
      %dma_wait3A_134 = tpu.memref_slice %arg10[%add3A_48, %dma_wait3A] : memref<10000x128xf32, #tpu.memory_space<vmem_shared>> -> memref<24x128xf32, #tpu.memory_space<vmem_shared>>
      %dma_wait3A_135 = arith.constant 0 : i32
      %dma_wait3A_136 = tpu.memref_slice %arg10[%add3A_48, %dma_wait3A_135] : memref<10000x128xf32, #tpu.memory_space<vmem_shared>> -> memref<24x128xf32, #tpu.memory_space<vmem_shared>>
      tpu.wait_dma2 semaphore(%run_scoped3A : memref<!tpu.dma_semaphore, #tpu.memory_space<semaphore_mem>>) src(%arg9 : memref<24x128xf32, #tpu.memory_space<vmem>>) dst(%dma_wait3A_136 : memref<24x128xf32, #tpu.memory_space<vmem_shared>>)
      tpu.yield
    }) : () -> ()
    %add3A_49 = arith.constant 528 : i32
    %add3A_50 = arith.addi %mul3A_5, %add3A_49 : i32
    "tpu.region"() ({
      %run_scoped3A = tpu.sem_alloc : memref<!tpu.dma_semaphore, #tpu.memory_space<semaphore_mem>>
      %dma_start3A_130 = arith.constant 0 : i32
      %dma_start3A_131 = tpu.memref_slice %arg10[%add3A_50, %dma_start3A_130] : memref<10000x128xf32, #tpu.memory_space<vmem_shared>> -> memref<24x128xf32, #tpu.memory_space<vmem_shared>>
      %dma_start3A_132 = arith.constant 0 : i32
      %dma_start3A_133 = tpu.memref_slice %arg10[%add3A_50, %dma_start3A_132] : memref<10000x128xf32, #tpu.memory_space<vmem_shared>> -> memref<24x128xf32, #tpu.memory_space<vmem_shared>>
      tpu.enqueue_dma source(%arg9 : memref<24x128xf32, #tpu.memory_space<vmem>>) target(%dma_start3A_133 : memref<24x128xf32, #tpu.memory_space<vmem_shared>>) target_semaphore(%run_scoped3A : memref<!tpu.dma_semaphore, #tpu.memory_space<semaphore_mem>>)
      %dma_wait3A = arith.constant 0 : i32
      %dma_wait3A_134 = tpu.memref_slice %arg10[%add3A_50, %dma_wait3A] : memref<10000x128xf32, #tpu.memory_space<vmem_shared>> -> memref<24x128xf32, #tpu.memory_space<vmem_shared>>
      %dma_wait3A_135 = arith.constant 0 : i32
      %dma_wait3A_136 = tpu.memref_slice %arg10[%add3A_50, %dma_wait3A_135] : memref<10000x128xf32, #tpu.memory_space<vmem_shared>> -> memref<24x128xf32, #tpu.memory_space<vmem_shared>>
      tpu.wait_dma2 semaphore(%run_scoped3A : memref<!tpu.dma_semaphore, #tpu.memory_space<semaphore_mem>>) src(%arg9 : memref<24x128xf32, #tpu.memory_space<vmem>>) dst(%dma_wait3A_136 : memref<24x128xf32, #tpu.memory_space<vmem_shared>>)
      tpu.yield
    }) : () -> ()
    %add3A_51 = arith.constant 552 : i32
    %add3A_52 = arith.addi %mul3A_5, %add3A_51 : i32
    "tpu.region"() ({
      %run_scoped3A = tpu.sem_alloc : memref<!tpu.dma_semaphore, #tpu.memory_space<semaphore_mem>>
      %dma_start3A_130 = arith.constant 0 : i32
      %dma_start3A_131 = tpu.memref_slice %arg10[%add3A_52, %dma_start3A_130] : memref<10000x128xf32, #tpu.memory_space<vmem_shared>> -> memref<24x128xf32, #tpu.memory_space<vmem_shared>>
      %dma_start3A_132 = arith.constant 0 : i32
      %dma_start3A_133 = tpu.memref_slice %arg10[%add3A_52, %dma_start3A_132] : memref<10000x128xf32, #tpu.memory_space<vmem_shared>> -> memref<24x128xf32, #tpu.memory_space<vmem_shared>>
      tpu.enqueue_dma source(%arg9 : memref<24x128xf32, #tpu.memory_space<vmem>>) target(%dma_start3A_133 : memref<24x128xf32, #tpu.memory_space<vmem_shared>>) target_semaphore(%run_scoped3A : memref<!tpu.dma_semaphore, #tpu.memory_space<semaphore_mem>>)
      %dma_wait3A = arith.constant 0 : i32
      %dma_wait3A_134 = tpu.memref_slice %arg10[%add3A_52, %dma_wait3A] : memref<10000x128xf32, #tpu.memory_space<vmem_shared>> -> memref<24x128xf32, #tpu.memory_space<vmem_shared>>
      %dma_wait3A_135 = arith.constant 0 : i32
      %dma_wait3A_136 = tpu.memref_slice %arg10[%add3A_52, %dma_wait3A_135] : memref<10000x128xf32, #tpu.memory_space<vmem_shared>> -> memref<24x128xf32, #tpu.memory_space<vmem_shared>>
      tpu.wait_dma2 semaphore(%run_scoped3A : memref<!tpu.dma_semaphore, #tpu.memory_space<semaphore_mem>>) src(%arg9 : memref<24x128xf32, #tpu.memory_space<vmem>>) dst(%dma_wait3A_136 : memref<24x128xf32, #tpu.memory_space<vmem_shared>>)
      tpu.yield
    }) : () -> ()
    %add3A_53 = arith.constant 576 : i32
    %add3A_54 = arith.addi %mul3A_5, %add3A_53 : i32
    "tpu.region"() ({
      %run_scoped3A = tpu.sem_alloc : memref<!tpu.dma_semaphore, #tpu.memory_space<semaphore_mem>>
      %dma_start3A_130 = arith.constant 0 : i32
      %dma_start3A_131 = tpu.memref_slice %arg10[%add3A_54, %dma_start3A_130] : memref<10000x128xf32, #tpu.memory_space<vmem_shared>> -> memref<24x128xf32, #tpu.memory_space<vmem_shared>>
      %dma_start3A_132 = arith.constant 0 : i32
      %dma_start3A_133 = tpu.memref_slice %arg10[%add3A_54, %dma_start3A_132] : memref<10000x128xf32, #tpu.memory_space<vmem_shared>> -> memref<24x128xf32, #tpu.memory_space<vmem_shared>>
      tpu.enqueue_dma source(%arg9 : memref<24x128xf32, #tpu.memory_space<vmem>>) target(%dma_start3A_133 : memref<24x128xf32, #tpu.memory_space<vmem_shared>>) target_semaphore(%run_scoped3A : memref<!tpu.dma_semaphore, #tpu.memory_space<semaphore_mem>>)
      %dma_wait3A = arith.constant 0 : i32
      %dma_wait3A_134 = tpu.memref_slice %arg10[%add3A_54, %dma_wait3A] : memref<10000x128xf32, #tpu.memory_space<vmem_shared>> -> memref<24x128xf32, #tpu.memory_space<vmem_shared>>
      %dma_wait3A_135 = arith.constant 0 : i32
      %dma_wait3A_136 = tpu.memref_slice %arg10[%add3A_54, %dma_wait3A_135] : memref<10000x128xf32, #tpu.memory_space<vmem_shared>> -> memref<24x128xf32, #tpu.memory_space<vmem_shared>>
      tpu.wait_dma2 semaphore(%run_scoped3A : memref<!tpu.dma_semaphore, #tpu.memory_space<semaphore_mem>>) src(%arg9 : memref<24x128xf32, #tpu.memory_space<vmem>>) dst(%dma_wait3A_136 : memref<24x128xf32, #tpu.memory_space<vmem_shared>>)
      tpu.yield
    }) : () -> ()
    %add3A_55 = arith.constant 600 : i32
    %add3A_56 = arith.addi %mul3A_5, %add3A_55 : i32
    "tpu.region"() ({
      %run_scoped3A = tpu.sem_alloc : memref<!tpu.dma_semaphore, #tpu.memory_space<semaphore_mem>>
      %dma_start3A_130 = arith.constant 0 : i32
      %dma_start3A_131 = tpu.memref_slice %arg10[%add3A_56, %dma_start3A_130] : memref<10000x128xf32, #tpu.memory_space<vmem_shared>> -> memref<24x128xf32, #tpu.memory_space<vmem_shared>>
      %dma_start3A_132 = arith.constant 0 : i32
      %dma_start3A_133 = tpu.memref_slice %arg10[%add3A_56, %dma_start3A_132] : memref<10000x128xf32, #tpu.memory_space<vmem_shared>> -> memref<24x128xf32, #tpu.memory_space<vmem_shared>>
      tpu.enqueue_dma source(%arg9 : memref<24x128xf32, #tpu.memory_space<vmem>>) target(%dma_start3A_133 : memref<24x128xf32, #tpu.memory_space<vmem_shared>>) target_semaphore(%run_scoped3A : memref<!tpu.dma_semaphore, #tpu.memory_space<semaphore_mem>>)
      %dma_wait3A = arith.constant 0 : i32
      %dma_wait3A_134 = tpu.memref_slice %arg10[%add3A_56, %dma_wait3A] : memref<10000x128xf32, #tpu.memory_space<vmem_shared>> -> memref<24x128xf32, #tpu.memory_space<vmem_shared>>
      %dma_wait3A_135 = arith.constant 0 : i32
      %dma_wait3A_136 = tpu.memref_slice %arg10[%add3A_56, %dma_wait3A_135] : memref<10000x128xf32, #tpu.memory_space<vmem_shared>> -> memref<24x128xf32, #tpu.memory_space<vmem_shared>>
      tpu.wait_dma2 semaphore(%run_scoped3A : memref<!tpu.dma_semaphore, #tpu.memory_space<semaphore_mem>>) src(%arg9 : memref<24x128xf32, #tpu.memory_space<vmem>>) dst(%dma_wait3A_136 : memref<24x128xf32, #tpu.memory_space<vmem_shared>>)
      tpu.yield
    }) : () -> ()
    %eq3A = arith.constant 15 : i32
    %eq3A_57 = arith.cmpi eq, %arg1, %eq3A : i32
    %convert_element_type3A = arith.extui %eq3A_57 : i1 to i32
    %cond3A = arith.constant 0 : i32
    %cond3A_58 = arith.cmpi ne, %convert_element_type3A, %cond3A : i32
    scf.if %cond3A_58 {
      "tpu.region"() ({
        %run_scoped3A = tpu.sem_alloc : memref<!tpu.dma_semaphore, #tpu.memory_space<semaphore_mem>>
        %dma_start3A_130 = arith.constant 0 : i32
        %dma_start3A_131 = arith.constant 0 : i32
        %dma_start3A_132 = tpu.memref_slice %arg9[%dma_start3A_130, %dma_start3A_131] : memref<24x128xf32, #tpu.memory_space<vmem>> -> memref<16x128xf32, #tpu.memory_space<vmem>>
        %dma_start3A_133 = arith.constant 9984 : i32
        %dma_start3A_134 = arith.constant 0 : i32
        %dma_start3A_135 = tpu.memref_slice %arg10[%dma_start3A_133, %dma_start3A_134] : memref<10000x128xf32, #tpu.memory_space<vmem_shared>> -> memref<16x128xf32, #tpu.memory_space<vmem_shared>>
        %dma_start3A_136 = arith.constant 9984 : i32
        %dma_start3A_137 = arith.constant 0 : i32
        %dma_start3A_138 = tpu.memref_slice %arg10[%dma_start3A_136, %dma_start3A_137] : memref<10000x128xf32, #tpu.memory_space<vmem_shared>> -> memref<16x128xf32, #tpu.memory_space<vmem_shared>>
        %dma_start3A_139 = arith.constant 0 : i32
        %dma_start3A_140 = arith.constant 0 : i32
        %dma_start3A_141 = tpu.memref_slice %arg9[%dma_start3A_139, %dma_start3A_140] : memref<24x128xf32, #tpu.memory_space<vmem>> -> memref<16x128xf32, #tpu.memory_space<vmem>>
        tpu.enqueue_dma source(%dma_start3A_141 : memref<16x128xf32, #tpu.memory_space<vmem>>) target(%dma_start3A_138 : memref<16x128xf32, #tpu.memory_space<vmem_shared>>) target_semaphore(%run_scoped3A : memref<!tpu.dma_semaphore, #tpu.memory_space<semaphore_mem>>)
        %dma_wait3A = arith.constant 0 : i32
        %dma_wait3A_142 = arith.constant 0 : i32
        %dma_wait3A_143 = tpu.memref_slice %arg9[%dma_wait3A, %dma_wait3A_142] : memref<24x128xf32, #tpu.memory_space<vmem>> -> memref<16x128xf32, #tpu.memory_space<vmem>>
        %dma_wait3A_144 = arith.constant 9984 : i32
        %dma_wait3A_145 = arith.constant 0 : i32
        %dma_wait3A_146 = tpu.memref_slice %arg10[%dma_wait3A_144, %dma_wait3A_145] : memref<10000x128xf32, #tpu.memory_space<vmem_shared>> -> memref<16x128xf32, #tpu.memory_space<vmem_shared>>
        %dma_wait3A_147 = arith.constant 9984 : i32
        %dma_wait3A_148 = arith.constant 0 : i32
        %dma_wait3A_149 = tpu.memref_slice %arg10[%dma_wait3A_147, %dma_wait3A_148] : memref<10000x128xf32, #tpu.memory_space<vmem_shared>> -> memref<16x128xf32, #tpu.memory_space<vmem_shared>>
        %dma_wait3A_150 = arith.constant 0 : i32
        %dma_wait3A_151 = arith.constant 0 : i32
        %dma_wait3A_152 = tpu.memref_slice %arg9[%dma_wait3A_150, %dma_wait3A_151] : memref<24x128xf32, #tpu.memory_space<vmem>> -> memref<16x128xf32, #tpu.memory_space<vmem>>
        tpu.wait_dma2 semaphore(%run_scoped3A : memref<!tpu.dma_semaphore, #tpu.memory_space<semaphore_mem>>) src(%dma_wait3A_152 : memref<16x128xf32, #tpu.memory_space<vmem>>) dst(%dma_wait3A_149 : memref<16x128xf32, #tpu.memory_space<vmem_shared>>)
        tpu.yield
      }) : () -> ()
    } else {
    }
    %barrier3A = arith.constant 0 : index
    tpu.barrier barrier_id(%barrier3A)
    %dma_start3A = arith.constant 0 : i32
    %dma_start3A_59 = arith.constant 0 : i32
    %dma_start3A_60 = arith.constant 0 : i32
    %dma_start3A_61 = arith.constant 0 : i32
    %dma_start3A_62 = tpu.memref_slice %arg8[%dma_start3A_59, %dma_start3A_60, %dma_start3A_61] : memref<5x40x128xf32, #tpu.memory_space<vmem>> -> memref<1x40x128xf32, #tpu.memory_space<vmem>>
    %dma_start3A_63 = tpu.memref_squeeze %dma_start3A_62 : memref<1x40x128xf32, #tpu.memory_space<vmem>> -> memref<40x128xf32, #tpu.memory_space<vmem>>
    %dma_start3A_64 = arith.constant 0 : i32
    %dma_start3A_65 = tpu.memref_slice %arg6[%dma_start3A, %dma_start3A_64] : memref<250x40xi32, #tpu.memory_space<vmem>> -> memref<1x40xi32, #tpu.memory_space<vmem>>
    %dma_start3A_66 = tpu.memref_squeeze %dma_start3A_65 : memref<1x40xi32, #tpu.memory_space<vmem>> -> memref<40xi32, #tpu.memory_space<vmem>>
    %dma_start3A_67 = arith.constant 0 : i32
    %dma_start3A_68 = arith.constant 0 : i32
    %dma_start3A_69 = tpu.memref_slice %arg2[%dma_start3A_67, %dma_start3A_68] : memref<10000x128xf32, #tpu.memory_space<hbm>> -> memref<10000x128xf32, #tpu.memory_space<hbm>>
    tpu.enqueue_indirect_dma source(%dma_start3A_69 : memref<10000x128xf32, #tpu.memory_space<hbm>>) target(%dma_start3A_63 : memref<40x128xf32, #tpu.memory_space<vmem>>) offsets(%dma_start3A_66 : memref<40xi32, #tpu.memory_space<vmem>>) semaphore(%arg11 : memref<!tpu.dma_semaphore, #tpu.memory_space<semaphore_mem>>)
    %dma_start3A_70 = arith.constant 1 : i32
    %dma_start3A_71 = arith.constant 1 : i32
    %dma_start3A_72 = arith.constant 0 : i32
    %dma_start3A_73 = arith.constant 0 : i32
    %dma_start3A_74 = tpu.memref_slice %arg8[%dma_start3A_71, %dma_start3A_72, %dma_start3A_73] : memref<5x40x128xf32, #tpu.memory_space<vmem>> -> memref<1x40x128xf32, #tpu.memory_space<vmem>>
    %dma_start3A_75 = tpu.memref_squeeze %dma_start3A_74 : memref<1x40x128xf32, #tpu.memory_space<vmem>> -> memref<40x128xf32, #tpu.memory_space<vmem>>
    %dma_start3A_76 = arith.constant 0 : i32
    %dma_start3A_77 = tpu.memref_slice %arg6[%dma_start3A_70, %dma_start3A_76] : memref<250x40xi32, #tpu.memory_space<vmem>> -> memref<1x40xi32, #tpu.memory_space<vmem>>
    %dma_start3A_78 = tpu.memref_squeeze %dma_start3A_77 : memref<1x40xi32, #tpu.memory_space<vmem>> -> memref<40xi32, #tpu.memory_space<vmem>>
    %dma_start3A_79 = arith.constant 0 : i32
    %dma_start3A_80 = arith.constant 0 : i32
    %dma_start3A_81 = tpu.memref_slice %arg2[%dma_start3A_79, %dma_start3A_80] : memref<10000x128xf32, #tpu.memory_space<hbm>> -> memref<10000x128xf32, #tpu.memory_space<hbm>>
    tpu.enqueue_indirect_dma source(%dma_start3A_81 : memref<10000x128xf32, #tpu.memory_space<hbm>>) target(%dma_start3A_75 : memref<40x128xf32, #tpu.memory_space<vmem>>) offsets(%dma_start3A_78 : memref<40xi32, #tpu.memory_space<vmem>>) semaphore(%arg12 : memref<!tpu.dma_semaphore, #tpu.memory_space<semaphore_mem>>)
    %dma_start3A_82 = arith.constant 2 : i32
    %dma_start3A_83 = arith.constant 2 : i32
    %dma_start3A_84 = arith.constant 0 : i32
    %dma_start3A_85 = arith.constant 0 : i32
    %dma_start3A_86 = tpu.memref_slice %arg8[%dma_start3A_83, %dma_start3A_84, %dma_start3A_85] : memref<5x40x128xf32, #tpu.memory_space<vmem>> -> memref<1x40x128xf32, #tpu.memory_space<vmem>>
    %dma_start3A_87 = tpu.memref_squeeze %dma_start3A_86 : memref<1x40x128xf32, #tpu.memory_space<vmem>> -> memref<40x128xf32, #tpu.memory_space<vmem>>
    %dma_start3A_88 = arith.constant 0 : i32
    %dma_start3A_89 = tpu.memref_slice %arg6[%dma_start3A_82, %dma_start3A_88] : memref<250x40xi32, #tpu.memory_space<vmem>> -> memref<1x40xi32, #tpu.memory_space<vmem>>
    %dma_start3A_90 = tpu.memref_squeeze %dma_start3A_89 : memref<1x40xi32, #tpu.memory_space<vmem>> -> memref<40xi32, #tpu.memory_space<vmem>>
    %dma_start3A_91 = arith.constant 0 : i32
    %dma_start3A_92 = arith.constant 0 : i32
    %dma_start3A_93 = tpu.memref_slice %arg2[%dma_start3A_91, %dma_start3A_92] : memref<10000x128xf32, #tpu.memory_space<hbm>> -> memref<10000x128xf32, #tpu.memory_space<hbm>>
    tpu.enqueue_indirect_dma source(%dma_start3A_93 : memref<10000x128xf32, #tpu.memory_space<hbm>>) target(%dma_start3A_87 : memref<40x128xf32, #tpu.memory_space<vmem>>) offsets(%dma_start3A_90 : memref<40xi32, #tpu.memory_space<vmem>>) semaphore(%arg13 : memref<!tpu.dma_semaphore, #tpu.memory_space<semaphore_mem>>)
    %dma_start3A_94 = arith.constant 3 : i32
    %dma_start3A_95 = arith.constant 3 : i32
    %dma_start3A_96 = arith.constant 0 : i32
    %dma_start3A_97 = arith.constant 0 : i32
    %dma_start3A_98 = tpu.memref_slice %arg8[%dma_start3A_95, %dma_start3A_96, %dma_start3A_97] : memref<5x40x128xf32, #tpu.memory_space<vmem>> -> memref<1x40x128xf32, #tpu.memory_space<vmem>>
    %dma_start3A_99 = tpu.memref_squeeze %dma_start3A_98 : memref<1x40x128xf32, #tpu.memory_space<vmem>> -> memref<40x128xf32, #tpu.memory_space<vmem>>
    %dma_start3A_100 = arith.constant 0 : i32
    %dma_start3A_101 = tpu.memref_slice %arg6[%dma_start3A_94, %dma_start3A_100] : memref<250x40xi32, #tpu.memory_space<vmem>> -> memref<1x40xi32, #tpu.memory_space<vmem>>
    %dma_start3A_102 = tpu.memref_squeeze %dma_start3A_101 : memref<1x40xi32, #tpu.memory_space<vmem>> -> memref<40xi32, #tpu.memory_space<vmem>>
    %dma_start3A_103 = arith.constant 0 : i32
    %dma_start3A_104 = arith.constant 0 : i32
    %dma_start3A_105 = tpu.memref_slice %arg2[%dma_start3A_103, %dma_start3A_104] : memref<10000x128xf32, #tpu.memory_space<hbm>> -> memref<10000x128xf32, #tpu.memory_space<hbm>>
    tpu.enqueue_indirect_dma source(%dma_start3A_105 : memref<10000x128xf32, #tpu.memory_space<hbm>>) target(%dma_start3A_99 : memref<40x128xf32, #tpu.memory_space<vmem>>) offsets(%dma_start3A_102 : memref<40xi32, #tpu.memory_space<vmem>>) semaphore(%arg14 : memref<!tpu.dma_semaphore, #tpu.memory_space<semaphore_mem>>)
    %dma_start3A_106 = arith.constant 4 : i32
    %dma_start3A_107 = arith.constant 4 : i32
    %dma_start3A_108 = arith.constant 0 : i32
    %dma_start3A_109 = arith.constant 0 : i32
    %dma_start3A_110 = tpu.memref_slice %arg8[%dma_start3A_107, %dma_start3A_108, %dma_start3A_109] : memref<5x40x128xf32, #tpu.memory_space<vmem>> -> memref<1x40x128xf32, #tpu.memory_space<vmem>>
    %dma_start3A_111 = tpu.memref_squeeze %dma_start3A_110 : memref<1x40x128xf32, #tpu.memory_space<vmem>> -> memref<40x128xf32, #tpu.memory_space<vmem>>
    %dma_start3A_112 = arith.constant 0 : i32
    %dma_start3A_113 = tpu.memref_slice %arg6[%dma_start3A_106, %dma_start3A_112] : memref<250x40xi32, #tpu.memory_space<vmem>> -> memref<1x40xi32, #tpu.memory_space<vmem>>
    %dma_start3A_114 = tpu.memref_squeeze %dma_start3A_113 : memref<1x40xi32, #tpu.memory_space<vmem>> -> memref<40xi32, #tpu.memory_space<vmem>>
    %dma_start3A_115 = arith.constant 0 : i32
    %dma_start3A_116 = arith.constant 0 : i32
    %dma_start3A_117 = tpu.memref_slice %arg2[%dma_start3A_115, %dma_start3A_116] : memref<10000x128xf32, #tpu.memory_space<hbm>> -> memref<10000x128xf32, #tpu.memory_space<hbm>>
    tpu.enqueue_indirect_dma source(%dma_start3A_117 : memref<10000x128xf32, #tpu.memory_space<hbm>>) target(%dma_start3A_111 : memref<40x128xf32, #tpu.memory_space<vmem>>) offsets(%dma_start3A_114 : memref<40xi32, #tpu.memory_space<vmem>>) semaphore(%arg15 : memref<!tpu.dma_semaphore, #tpu.memory_space<semaphore_mem>>)
    %scan3A_118 = arith.constant 0 : i32
    %scan3A_119 = arith.constant 0 : i32
    %scan3A_120 = arith.constant 50 : i32
    %scan3A_121 = arith.addi %scan3A_119, %scan3A_120 : i32
    %scan3A_122 = arith.constant 1 : i32
    scf.for %scan3A_130 = %scan3A_119 to %scan3A_121 step %scan3A_122  : i32 {
      %mul3A_131 = arith.constant 5 : i32
      %mul3A_132 = arith.muli %scan3A_130, %mul3A_131 : i32
      %add3A_133 = arith.constant 0 : i32
      %add3A_134 = arith.addi %mul3A_132, %add3A_133 : i32
      %dma_wait3A = arith.constant 0 : i32
      %dma_wait3A_135 = arith.constant 0 : i32
      %dma_wait3A_136 = arith.constant 0 : i32
      %dma_wait3A_137 = tpu.memref_slice %arg8[%dma_wait3A, %dma_wait3A_135, %dma_wait3A_136] : memref<5x40x128xf32, #tpu.memory_space<vmem>> -> memref<1x40x128xf32, #tpu.memory_space<vmem>>
      %dma_wait3A_138 = tpu.memref_squeeze %dma_wait3A_137 : memref<1x40x128xf32, #tpu.memory_space<vmem>> -> memref<40x128xf32, #tpu.memory_space<vmem>>
      %dma_wait3A_139 = arith.constant 0 : i32
      %dma_wait3A_140 = tpu.memref_slice %arg6[%add3A_134, %dma_wait3A_139] : memref<250x40xi32, #tpu.memory_space<vmem>> -> memref<1x40xi32, #tpu.memory_space<vmem>>
      %dma_wait3A_141 = tpu.memref_squeeze %dma_wait3A_140 : memref<1x40xi32, #tpu.memory_space<vmem>> -> memref<40xi32, #tpu.memory_space<vmem>>
      %dma_wait3A_142 = arith.constant 0 : i32
      %dma_wait3A_143 = arith.constant 0 : i32
      %dma_wait3A_144 = tpu.memref_slice %arg2[%dma_wait3A_142, %dma_wait3A_143] : memref<10000x128xf32, #tpu.memory_space<hbm>> -> memref<10000x128xf32, #tpu.memory_space<hbm>>
      tpu.wait_indirect_dma semaphore(%arg11 : memref<!tpu.dma_semaphore, #tpu.memory_space<semaphore_mem>>) src(%dma_wait3A_144 : memref<10000x128xf32, #tpu.memory_space<hbm>>) dst(%dma_wait3A_138 : memref<40x128xf32, #tpu.memory_space<vmem>>)
      %run_scoped3A = arith.constant 0 : i32
      "tpu.region"() ({
        %run_scoped3A_243 = tpu.sem_alloc : memref<!tpu.dma_semaphore, #tpu.memory_space<semaphore_mem>>
        %dma_start3A_244 = arith.constant 0 : i32
        %dma_start3A_245 = arith.constant 0 : i32
        %dma_start3A_246 = tpu.memref_slice %arg8[%run_scoped3A, %dma_start3A_244, %dma_start3A_245] : memref<5x40x128xf32, #tpu.memory_space<vmem>> -> memref<1x40x128xf32, #tpu.memory_space<vmem>>
        %dma_start3A_247 = tpu.memref_squeeze %dma_start3A_246 : memref<1x40x128xf32, #tpu.memory_space<vmem>> -> memref<40x128xf32, #tpu.memory_space<vmem>>
        %dma_start3A_248 = arith.constant 0 : i32
        %dma_start3A_249 = tpu.memref_slice %arg7[%add3A_134, %dma_start3A_248] : memref<250x40xi32, #tpu.memory_space<vmem>> -> memref<1x40xi32, #tpu.memory_space<vmem>>
        %dma_start3A_250 = tpu.memref_squeeze %dma_start3A_249 : memref<1x40xi32, #tpu.memory_space<vmem>> -> memref<40xi32, #tpu.memory_space<vmem>>
        %dma_start3A_251 = arith.constant 0 : i32
        %dma_start3A_252 = arith.constant 0 : i32
        %dma_start3A_253 = tpu.memref_slice %arg10[%dma_start3A_251, %dma_start3A_252] : memref<10000x128xf32, #tpu.memory_space<vmem_shared>> -> memref<10000x128xf32, #tpu.memory_space<vmem_shared>>
        tpu.enqueue_indirect_dma source(%dma_start3A_247 : memref<40x128xf32, #tpu.memory_space<vmem>>) target(%dma_start3A_253 : memref<10000x128xf32, #tpu.memory_space<vmem_shared>>) offsets(%dma_start3A_250 : memref<40xi32, #tpu.memory_space<vmem>>) semaphore(%run_scoped3A_243 : memref<!tpu.dma_semaphore, #tpu.memory_space<semaphore_mem>>) {add = true}
        %dma_wait3A_254 = arith.constant 0 : i32
        %dma_wait3A_255 = arith.constant 0 : i32
        %dma_wait3A_256 = tpu.memref_slice %arg8[%run_scoped3A, %dma_wait3A_254, %dma_wait3A_255] : memref<5x40x128xf32, #tpu.memory_space<vmem>> -> memref<1x40x128xf32, #tpu.memory_space<vmem>>
        %dma_wait3A_257 = tpu.memref_squeeze %dma_wait3A_256 : memref<1x40x128xf32, #tpu.memory_space<vmem>> -> memref<40x128xf32, #tpu.memory_space<vmem>>
        %dma_wait3A_258 = arith.constant 0 : i32
        %dma_wait3A_259 = tpu.memref_slice %arg7[%add3A_134, %dma_wait3A_258] : memref<250x40xi32, #tpu.memory_space<vmem>> -> memref<1x40xi32, #tpu.memory_space<vmem>>
        %dma_wait3A_260 = tpu.memref_squeeze %dma_wait3A_259 : memref<1x40xi32, #tpu.memory_space<vmem>> -> memref<40xi32, #tpu.memory_space<vmem>>
        %dma_wait3A_261 = arith.constant 0 : i32
        %dma_wait3A_262 = arith.constant 0 : i32
        %dma_wait3A_263 = tpu.memref_slice %arg10[%dma_wait3A_261, %dma_wait3A_262] : memref<10000x128xf32, #tpu.memory_space<vmem_shared>> -> memref<10000x128xf32, #tpu.memory_space<vmem_shared>>
        tpu.wait_indirect_dma semaphore(%run_scoped3A_243 : memref<!tpu.dma_semaphore, #tpu.memory_space<semaphore_mem>>) src(%dma_wait3A_257 : memref<40x128xf32, #tpu.memory_space<vmem>>) dst(%dma_wait3A_263 : memref<10000x128xf32, #tpu.memory_space<vmem_shared>>)
        tpu.yield
      }) : () -> ()
      %add3A_145 = arith.constant 5 : i32
      %add3A_146 = arith.addi %add3A_134, %add3A_145 : i32
      %lt3A = arith.constant 250 : i32
      %lt3A_147 = arith.cmpi slt, %add3A_146, %lt3A : i32
      %convert_element_type3A_148 = arith.extui %lt3A_147 : i1 to i32
      %cond3A_149 = arith.constant 0 : i32
      %cond3A_150 = arith.cmpi ne, %convert_element_type3A_148, %cond3A_149 : i32
      scf.if %cond3A_150 {
        %add3A_243 = arith.constant 5 : i32
        %add3A_244 = arith.addi %add3A_134, %add3A_243 : i32
        %dma_start3A_245 = arith.constant 0 : i32
        %dma_start3A_246 = arith.constant 0 : i32
        %dma_start3A_247 = arith.constant 0 : i32
        %dma_start3A_248 = tpu.memref_slice %arg8[%dma_start3A_245, %dma_start3A_246, %dma_start3A_247] : memref<5x40x128xf32, #tpu.memory_space<vmem>> -> memref<1x40x128xf32, #tpu.memory_space<vmem>>
        %dma_start3A_249 = tpu.memref_squeeze %dma_start3A_248 : memref<1x40x128xf32, #tpu.memory_space<vmem>> -> memref<40x128xf32, #tpu.memory_space<vmem>>
        %dma_start3A_250 = arith.constant 0 : i32
        %dma_start3A_251 = tpu.memref_slice %arg6[%add3A_244, %dma_start3A_250] : memref<250x40xi32, #tpu.memory_space<vmem>> -> memref<1x40xi32, #tpu.memory_space<vmem>>
        %dma_start3A_252 = tpu.memref_squeeze %dma_start3A_251 : memref<1x40xi32, #tpu.memory_space<vmem>> -> memref<40xi32, #tpu.memory_space<vmem>>
        %dma_start3A_253 = arith.constant 0 : i32
        %dma_start3A_254 = arith.constant 0 : i32
        %dma_start3A_255 = tpu.memref_slice %arg2[%dma_start3A_253, %dma_start3A_254] : memref<10000x128xf32, #tpu.memory_space<hbm>> -> memref<10000x128xf32, #tpu.memory_space<hbm>>
        tpu.enqueue_indirect_dma source(%dma_start3A_255 : memref<10000x128xf32, #tpu.memory_space<hbm>>) target(%dma_start3A_249 : memref<40x128xf32, #tpu.memory_space<vmem>>) offsets(%dma_start3A_252 : memref<40xi32, #tpu.memory_space<vmem>>) semaphore(%arg11 : memref<!tpu.dma_semaphore, #tpu.memory_space<semaphore_mem>>)
      } else {
      }
      %mul3A_151 = arith.constant 5 : i32
      %mul3A_152 = arith.muli %scan3A_130, %mul3A_151 : i32
      %add3A_153 = arith.constant 1 : i32
      %add3A_154 = arith.addi %mul3A_152, %add3A_153 : i32
      %dma_wait3A_155 = arith.constant 1 : i32
      %dma_wait3A_156 = arith.constant 0 : i32
      %dma_wait3A_157 = arith.constant 0 : i32
      %dma_wait3A_158 = tpu.memref_slice %arg8[%dma_wait3A_155, %dma_wait3A_156, %dma_wait3A_157] : memref<5x40x128xf32, #tpu.memory_space<vmem>> -> memref<1x40x128xf32, #tpu.memory_space<vmem>>
      %dma_wait3A_159 = tpu.memref_squeeze %dma_wait3A_158 : memref<1x40x128xf32, #tpu.memory_space<vmem>> -> memref<40x128xf32, #tpu.memory_space<vmem>>
      %dma_wait3A_160 = arith.constant 0 : i32
      %dma_wait3A_161 = tpu.memref_slice %arg6[%add3A_154, %dma_wait3A_160] : memref<250x40xi32, #tpu.memory_space<vmem>> -> memref<1x40xi32, #tpu.memory_space<vmem>>
      %dma_wait3A_162 = tpu.memref_squeeze %dma_wait3A_161 : memref<1x40xi32, #tpu.memory_space<vmem>> -> memref<40xi32, #tpu.memory_space<vmem>>
      %dma_wait3A_163 = arith.constant 0 : i32
      %dma_wait3A_164 = arith.constant 0 : i32
      %dma_wait3A_165 = tpu.memref_slice %arg2[%dma_wait3A_163, %dma_wait3A_164] : memref<10000x128xf32, #tpu.memory_space<hbm>> -> memref<10000x128xf32, #tpu.memory_space<hbm>>
      tpu.wait_indirect_dma semaphore(%arg12 : memref<!tpu.dma_semaphore, #tpu.memory_space<semaphore_mem>>) src(%dma_wait3A_165 : memref<10000x128xf32, #tpu.memory_space<hbm>>) dst(%dma_wait3A_159 : memref<40x128xf32, #tpu.memory_space<vmem>>)
      %run_scoped3A_166 = arith.constant 1 : i32
      "tpu.region"() ({
        %run_scoped3A_243 = tpu.sem_alloc : memref<!tpu.dma_semaphore, #tpu.memory_space<semaphore_mem>>
        %dma_start3A_244 = arith.constant 0 : i32
        %dma_start3A_245 = arith.constant 0 : i32
        %dma_start3A_246 = tpu.memref_slice %arg8[%run_scoped3A_166, %dma_start3A_244, %dma_start3A_245] : memref<5x40x128xf32, #tpu.memory_space<vmem>> -> memref<1x40x128xf32, #tpu.memory_space<vmem>>
        %dma_start3A_247 = tpu.memref_squeeze %dma_start3A_246 : memref<1x40x128xf32, #tpu.memory_space<vmem>> -> memref<40x128xf32, #tpu.memory_space<vmem>>
        %dma_start3A_248 = arith.constant 0 : i32
        %dma_start3A_249 = tpu.memref_slice %arg7[%add3A_154, %dma_start3A_248] : memref<250x40xi32, #tpu.memory_space<vmem>> -> memref<1x40xi32, #tpu.memory_space<vmem>>
        %dma_start3A_250 = tpu.memref_squeeze %dma_start3A_249 : memref<1x40xi32, #tpu.memory_space<vmem>> -> memref<40xi32, #tpu.memory_space<vmem>>
        %dma_start3A_251 = arith.constant 0 : i32
        %dma_start3A_252 = arith.constant 0 : i32
        %dma_start3A_253 = tpu.memref_slice %arg10[%dma_start3A_251, %dma_start3A_252] : memref<10000x128xf32, #tpu.memory_space<vmem_shared>> -> memref<10000x128xf32, #tpu.memory_space<vmem_shared>>
        tpu.enqueue_indirect_dma source(%dma_start3A_247 : memref<40x128xf32, #tpu.memory_space<vmem>>) target(%dma_start3A_253 : memref<10000x128xf32, #tpu.memory_space<vmem_shared>>) offsets(%dma_start3A_250 : memref<40xi32, #tpu.memory_space<vmem>>) semaphore(%run_scoped3A_243 : memref<!tpu.dma_semaphore, #tpu.memory_space<semaphore_mem>>) {add = true}
        %dma_wait3A_254 = arith.constant 0 : i32
        %dma_wait3A_255 = arith.constant 0 : i32
        %dma_wait3A_256 = tpu.memref_slice %arg8[%run_scoped3A_166, %dma_wait3A_254, %dma_wait3A_255] : memref<5x40x128xf32, #tpu.memory_space<vmem>> -> memref<1x40x128xf32, #tpu.memory_space<vmem>>
        %dma_wait3A_257 = tpu.memref_squeeze %dma_wait3A_256 : memref<1x40x128xf32, #tpu.memory_space<vmem>> -> memref<40x128xf32, #tpu.memory_space<vmem>>
        %dma_wait3A_258 = arith.constant 0 : i32
        %dma_wait3A_259 = tpu.memref_slice %arg7[%add3A_154, %dma_wait3A_258] : memref<250x40xi32, #tpu.memory_space<vmem>> -> memref<1x40xi32, #tpu.memory_space<vmem>>
        %dma_wait3A_260 = tpu.memref_squeeze %dma_wait3A_259 : memref<1x40xi32, #tpu.memory_space<vmem>> -> memref<40xi32, #tpu.memory_space<vmem>>
        %dma_wait3A_261 = arith.constant 0 : i32
        %dma_wait3A_262 = arith.constant 0 : i32
        %dma_wait3A_263 = tpu.memref_slice %arg10[%dma_wait3A_261, %dma_wait3A_262] : memref<10000x128xf32, #tpu.memory_space<vmem_shared>> -> memref<10000x128xf32, #tpu.memory_space<vmem_shared>>
        tpu.wait_indirect_dma semaphore(%run_scoped3A_243 : memref<!tpu.dma_semaphore, #tpu.memory_space<semaphore_mem>>) src(%dma_wait3A_257 : memref<40x128xf32, #tpu.memory_space<vmem>>) dst(%dma_wait3A_263 : memref<10000x128xf32, #tpu.memory_space<vmem_shared>>)
        tpu.yield
      }) : () -> ()
      %add3A_167 = arith.constant 5 : i32
      %add3A_168 = arith.addi %add3A_154, %add3A_167 : i32
      %lt3A_169 = arith.constant 250 : i32
      %lt3A_170 = arith.cmpi slt, %add3A_168, %lt3A_169 : i32
      %convert_element_type3A_171 = arith.extui %lt3A_170 : i1 to i32
      %cond3A_172 = arith.constant 0 : i32
      %cond3A_173 = arith.cmpi ne, %convert_element_type3A_171, %cond3A_172 : i32
      scf.if %cond3A_173 {
        %add3A_243 = arith.constant 5 : i32
        %add3A_244 = arith.addi %add3A_154, %add3A_243 : i32
        %dma_start3A_245 = arith.constant 1 : i32
        %dma_start3A_246 = arith.constant 0 : i32
        %dma_start3A_247 = arith.constant 0 : i32
        %dma_start3A_248 = tpu.memref_slice %arg8[%dma_start3A_245, %dma_start3A_246, %dma_start3A_247] : memref<5x40x128xf32, #tpu.memory_space<vmem>> -> memref<1x40x128xf32, #tpu.memory_space<vmem>>
        %dma_start3A_249 = tpu.memref_squeeze %dma_start3A_248 : memref<1x40x128xf32, #tpu.memory_space<vmem>> -> memref<40x128xf32, #tpu.memory_space<vmem>>
        %dma_start3A_250 = arith.constant 0 : i32
        %dma_start3A_251 = tpu.memref_slice %arg6[%add3A_244, %dma_start3A_250] : memref<250x40xi32, #tpu.memory_space<vmem>> -> memref<1x40xi32, #tpu.memory_space<vmem>>
        %dma_start3A_252 = tpu.memref_squeeze %dma_start3A_251 : memref<1x40xi32, #tpu.memory_space<vmem>> -> memref<40xi32, #tpu.memory_space<vmem>>
        %dma_start3A_253 = arith.constant 0 : i32
        %dma_start3A_254 = arith.constant 0 : i32
        %dma_start3A_255 = tpu.memref_slice %arg2[%dma_start3A_253, %dma_start3A_254] : memref<10000x128xf32, #tpu.memory_space<hbm>> -> memref<10000x128xf32, #tpu.memory_space<hbm>>
        tpu.enqueue_indirect_dma source(%dma_start3A_255 : memref<10000x128xf32, #tpu.memory_space<hbm>>) target(%dma_start3A_249 : memref<40x128xf32, #tpu.memory_space<vmem>>) offsets(%dma_start3A_252 : memref<40xi32, #tpu.memory_space<vmem>>) semaphore(%arg12 : memref<!tpu.dma_semaphore, #tpu.memory_space<semaphore_mem>>)
      } else {
      }
      %mul3A_174 = arith.constant 5 : i32
      %mul3A_175 = arith.muli %scan3A_130, %mul3A_174 : i32
      %add3A_176 = arith.constant 2 : i32
      %add3A_177 = arith.addi %mul3A_175, %add3A_176 : i32
      %dma_wait3A_178 = arith.constant 2 : i32
      %dma_wait3A_179 = arith.constant 0 : i32
      %dma_wait3A_180 = arith.constant 0 : i32
      %dma_wait3A_181 = tpu.memref_slice %arg8[%dma_wait3A_178, %dma_wait3A_179, %dma_wait3A_180] : memref<5x40x128xf32, #tpu.memory_space<vmem>> -> memref<1x40x128xf32, #tpu.memory_space<vmem>>
      %dma_wait3A_182 = tpu.memref_squeeze %dma_wait3A_181 : memref<1x40x128xf32, #tpu.memory_space<vmem>> -> memref<40x128xf32, #tpu.memory_space<vmem>>
      %dma_wait3A_183 = arith.constant 0 : i32
      %dma_wait3A_184 = tpu.memref_slice %arg6[%add3A_177, %dma_wait3A_183] : memref<250x40xi32, #tpu.memory_space<vmem>> -> memref<1x40xi32, #tpu.memory_space<vmem>>
      %dma_wait3A_185 = tpu.memref_squeeze %dma_wait3A_184 : memref<1x40xi32, #tpu.memory_space<vmem>> -> memref<40xi32, #tpu.memory_space<vmem>>
      %dma_wait3A_186 = arith.constant 0 : i32
      %dma_wait3A_187 = arith.constant 0 : i32
      %dma_wait3A_188 = tpu.memref_slice %arg2[%dma_wait3A_186, %dma_wait3A_187] : memref<10000x128xf32, #tpu.memory_space<hbm>> -> memref<10000x128xf32, #tpu.memory_space<hbm>>
      tpu.wait_indirect_dma semaphore(%arg13 : memref<!tpu.dma_semaphore, #tpu.memory_space<semaphore_mem>>) src(%dma_wait3A_188 : memref<10000x128xf32, #tpu.memory_space<hbm>>) dst(%dma_wait3A_182 : memref<40x128xf32, #tpu.memory_space<vmem>>)
      %run_scoped3A_189 = arith.constant 2 : i32
      "tpu.region"() ({
        %run_scoped3A_243 = tpu.sem_alloc : memref<!tpu.dma_semaphore, #tpu.memory_space<semaphore_mem>>
        %dma_start3A_244 = arith.constant 0 : i32
        %dma_start3A_245 = arith.constant 0 : i32
        %dma_start3A_246 = tpu.memref_slice %arg8[%run_scoped3A_189, %dma_start3A_244, %dma_start3A_245] : memref<5x40x128xf32, #tpu.memory_space<vmem>> -> memref<1x40x128xf32, #tpu.memory_space<vmem>>
        %dma_start3A_247 = tpu.memref_squeeze %dma_start3A_246 : memref<1x40x128xf32, #tpu.memory_space<vmem>> -> memref<40x128xf32, #tpu.memory_space<vmem>>
        %dma_start3A_248 = arith.constant 0 : i32
        %dma_start3A_249 = tpu.memref_slice %arg7[%add3A_177, %dma_start3A_248] : memref<250x40xi32, #tpu.memory_space<vmem>> -> memref<1x40xi32, #tpu.memory_space<vmem>>
        %dma_start3A_250 = tpu.memref_squeeze %dma_start3A_249 : memref<1x40xi32, #tpu.memory_space<vmem>> -> memref<40xi32, #tpu.memory_space<vmem>>
        %dma_start3A_251 = arith.constant 0 : i32
        %dma_start3A_252 = arith.constant 0 : i32
        %dma_start3A_253 = tpu.memref_slice %arg10[%dma_start3A_251, %dma_start3A_252] : memref<10000x128xf32, #tpu.memory_space<vmem_shared>> -> memref<10000x128xf32, #tpu.memory_space<vmem_shared>>
        tpu.enqueue_indirect_dma source(%dma_start3A_247 : memref<40x128xf32, #tpu.memory_space<vmem>>) target(%dma_start3A_253 : memref<10000x128xf32, #tpu.memory_space<vmem_shared>>) offsets(%dma_start3A_250 : memref<40xi32, #tpu.memory_space<vmem>>) semaphore(%run_scoped3A_243 : memref<!tpu.dma_semaphore, #tpu.memory_space<semaphore_mem>>) {add = true}
        %dma_wait3A_254 = arith.constant 0 : i32
        %dma_wait3A_255 = arith.constant 0 : i32
        %dma_wait3A_256 = tpu.memref_slice %arg8[%run_scoped3A_189, %dma_wait3A_254, %dma_wait3A_255] : memref<5x40x128xf32, #tpu.memory_space<vmem>> -> memref<1x40x128xf32, #tpu.memory_space<vmem>>
        %dma_wait3A_257 = tpu.memref_squeeze %dma_wait3A_256 : memref<1x40x128xf32, #tpu.memory_space<vmem>> -> memref<40x128xf32, #tpu.memory_space<vmem>>
        %dma_wait3A_258 = arith.constant 0 : i32
        %dma_wait3A_259 = tpu.memref_slice %arg7[%add3A_177, %dma_wait3A_258] : memref<250x40xi32, #tpu.memory_space<vmem>> -> memref<1x40xi32, #tpu.memory_space<vmem>>
        %dma_wait3A_260 = tpu.memref_squeeze %dma_wait3A_259 : memref<1x40xi32, #tpu.memory_space<vmem>> -> memref<40xi32, #tpu.memory_space<vmem>>
        %dma_wait3A_261 = arith.constant 0 : i32
        %dma_wait3A_262 = arith.constant 0 : i32
        %dma_wait3A_263 = tpu.memref_slice %arg10[%dma_wait3A_261, %dma_wait3A_262] : memref<10000x128xf32, #tpu.memory_space<vmem_shared>> -> memref<10000x128xf32, #tpu.memory_space<vmem_shared>>
        tpu.wait_indirect_dma semaphore(%run_scoped3A_243 : memref<!tpu.dma_semaphore, #tpu.memory_space<semaphore_mem>>) src(%dma_wait3A_257 : memref<40x128xf32, #tpu.memory_space<vmem>>) dst(%dma_wait3A_263 : memref<10000x128xf32, #tpu.memory_space<vmem_shared>>)
        tpu.yield
      }) : () -> ()
      %add3A_190 = arith.constant 5 : i32
      %add3A_191 = arith.addi %add3A_177, %add3A_190 : i32
      %lt3A_192 = arith.constant 250 : i32
      %lt3A_193 = arith.cmpi slt, %add3A_191, %lt3A_192 : i32
      %convert_element_type3A_194 = arith.extui %lt3A_193 : i1 to i32
      %cond3A_195 = arith.constant 0 : i32
      %cond3A_196 = arith.cmpi ne, %convert_element_type3A_194, %cond3A_195 : i32
      scf.if %cond3A_196 {
        %add3A_243 = arith.constant 5 : i32
        %add3A_244 = arith.addi %add3A_177, %add3A_243 : i32
        %dma_start3A_245 = arith.constant 2 : i32
        %dma_start3A_246 = arith.constant 0 : i32
        %dma_start3A_247 = arith.constant 0 : i32
        %dma_start3A_248 = tpu.memref_slice %arg8[%dma_start3A_245, %dma_start3A_246, %dma_start3A_247] : memref<5x40x128xf32, #tpu.memory_space<vmem>> -> memref<1x40x128xf32, #tpu.memory_space<vmem>>
        %dma_start3A_249 = tpu.memref_squeeze %dma_start3A_248 : memref<1x40x128xf32, #tpu.memory_space<vmem>> -> memref<40x128xf32, #tpu.memory_space<vmem>>
        %dma_start3A_250 = arith.constant 0 : i32
        %dma_start3A_251 = tpu.memref_slice %arg6[%add3A_244, %dma_start3A_250] : memref<250x40xi32, #tpu.memory_space<vmem>> -> memref<1x40xi32, #tpu.memory_space<vmem>>
        %dma_start3A_252 = tpu.memref_squeeze %dma_start3A_251 : memref<1x40xi32, #tpu.memory_space<vmem>> -> memref<40xi32, #tpu.memory_space<vmem>>
        %dma_start3A_253 = arith.constant 0 : i32
        %dma_start3A_254 = arith.constant 0 : i32
        %dma_start3A_255 = tpu.memref_slice %arg2[%dma_start3A_253, %dma_start3A_254] : memref<10000x128xf32, #tpu.memory_space<hbm>> -> memref<10000x128xf32, #tpu.memory_space<hbm>>
        tpu.enqueue_indirect_dma source(%dma_start3A_255 : memref<10000x128xf32, #tpu.memory_space<hbm>>) target(%dma_start3A_249 : memref<40x128xf32, #tpu.memory_space<vmem>>) offsets(%dma_start3A_252 : memref<40xi32, #tpu.memory_space<vmem>>) semaphore(%arg13 : memref<!tpu.dma_semaphore, #tpu.memory_space<semaphore_mem>>)
      } else {
      }
      %mul3A_197 = arith.constant 5 : i32
      %mul3A_198 = arith.muli %scan3A_130, %mul3A_197 : i32
      %add3A_199 = arith.constant 3 : i32
      %add3A_200 = arith.addi %mul3A_198, %add3A_199 : i32
      %dma_wait3A_201 = arith.constant 3 : i32
      %dma_wait3A_202 = arith.constant 0 : i32
      %dma_wait3A_203 = arith.constant 0 : i32
      %dma_wait3A_204 = tpu.memref_slice %arg8[%dma_wait3A_201, %dma_wait3A_202, %dma_wait3A_203] : memref<5x40x128xf32, #tpu.memory_space<vmem>> -> memref<1x40x128xf32, #tpu.memory_space<vmem>>
      %dma_wait3A_205 = tpu.memref_squeeze %dma_wait3A_204 : memref<1x40x128xf32, #tpu.memory_space<vmem>> -> memref<40x128xf32, #tpu.memory_space<vmem>>
      %dma_wait3A_206 = arith.constant 0 : i32
      %dma_wait3A_207 = tpu.memref_slice %arg6[%add3A_200, %dma_wait3A_206] : memref<250x40xi32, #tpu.memory_space<vmem>> -> memref<1x40xi32, #tpu.memory_space<vmem>>
      %dma_wait3A_208 = tpu.memref_squeeze %dma_wait3A_207 : memref<1x40xi32, #tpu.memory_space<vmem>> -> memref<40xi32, #tpu.memory_space<vmem>>
      %dma_wait3A_209 = arith.constant 0 : i32
      %dma_wait3A_210 = arith.constant 0 : i32
      %dma_wait3A_211 = tpu.memref_slice %arg2[%dma_wait3A_209, %dma_wait3A_210] : memref<10000x128xf32, #tpu.memory_space<hbm>> -> memref<10000x128xf32, #tpu.memory_space<hbm>>
      tpu.wait_indirect_dma semaphore(%arg14 : memref<!tpu.dma_semaphore, #tpu.memory_space<semaphore_mem>>) src(%dma_wait3A_211 : memref<10000x128xf32, #tpu.memory_space<hbm>>) dst(%dma_wait3A_205 : memref<40x128xf32, #tpu.memory_space<vmem>>)
      %run_scoped3A_212 = arith.constant 3 : i32
      "tpu.region"() ({
        %run_scoped3A_243 = tpu.sem_alloc : memref<!tpu.dma_semaphore, #tpu.memory_space<semaphore_mem>>
        %dma_start3A_244 = arith.constant 0 : i32
        %dma_start3A_245 = arith.constant 0 : i32
        %dma_start3A_246 = tpu.memref_slice %arg8[%run_scoped3A_212, %dma_start3A_244, %dma_start3A_245] : memref<5x40x128xf32, #tpu.memory_space<vmem>> -> memref<1x40x128xf32, #tpu.memory_space<vmem>>
        %dma_start3A_247 = tpu.memref_squeeze %dma_start3A_246 : memref<1x40x128xf32, #tpu.memory_space<vmem>> -> memref<40x128xf32, #tpu.memory_space<vmem>>
        %dma_start3A_248 = arith.constant 0 : i32
        %dma_start3A_249 = tpu.memref_slice %arg7[%add3A_200, %dma_start3A_248] : memref<250x40xi32, #tpu.memory_space<vmem>> -> memref<1x40xi32, #tpu.memory_space<vmem>>
        %dma_start3A_250 = tpu.memref_squeeze %dma_start3A_249 : memref<1x40xi32, #tpu.memory_space<vmem>> -> memref<40xi32, #tpu.memory_space<vmem>>
        %dma_start3A_251 = arith.constant 0 : i32
        %dma_start3A_252 = arith.constant 0 : i32
        %dma_start3A_253 = tpu.memref_slice %arg10[%dma_start3A_251, %dma_start3A_252] : memref<10000x128xf32, #tpu.memory_space<vmem_shared>> -> memref<10000x128xf32, #tpu.memory_space<vmem_shared>>
        tpu.enqueue_indirect_dma source(%dma_start3A_247 : memref<40x128xf32, #tpu.memory_space<vmem>>) target(%dma_start3A_253 : memref<10000x128xf32, #tpu.memory_space<vmem_shared>>) offsets(%dma_start3A_250 : memref<40xi32, #tpu.memory_space<vmem>>) semaphore(%run_scoped3A_243 : memref<!tpu.dma_semaphore, #tpu.memory_space<semaphore_mem>>) {add = true}
        %dma_wait3A_254 = arith.constant 0 : i32
        %dma_wait3A_255 = arith.constant 0 : i32
        %dma_wait3A_256 = tpu.memref_slice %arg8[%run_scoped3A_212, %dma_wait3A_254, %dma_wait3A_255] : memref<5x40x128xf32, #tpu.memory_space<vmem>> -> memref<1x40x128xf32, #tpu.memory_space<vmem>>
        %dma_wait3A_257 = tpu.memref_squeeze %dma_wait3A_256 : memref<1x40x128xf32, #tpu.memory_space<vmem>> -> memref<40x128xf32, #tpu.memory_space<vmem>>
        %dma_wait3A_258 = arith.constant 0 : i32
        %dma_wait3A_259 = tpu.memref_slice %arg7[%add3A_200, %dma_wait3A_258] : memref<250x40xi32, #tpu.memory_space<vmem>> -> memref<1x40xi32, #tpu.memory_space<vmem>>
        %dma_wait3A_260 = tpu.memref_squeeze %dma_wait3A_259 : memref<1x40xi32, #tpu.memory_space<vmem>> -> memref<40xi32, #tpu.memory_space<vmem>>
        %dma_wait3A_261 = arith.constant 0 : i32
        %dma_wait3A_262 = arith.constant 0 : i32
        %dma_wait3A_263 = tpu.memref_slice %arg10[%dma_wait3A_261, %dma_wait3A_262] : memref<10000x128xf32, #tpu.memory_space<vmem_shared>> -> memref<10000x128xf32, #tpu.memory_space<vmem_shared>>
        tpu.wait_indirect_dma semaphore(%run_scoped3A_243 : memref<!tpu.dma_semaphore, #tpu.memory_space<semaphore_mem>>) src(%dma_wait3A_257 : memref<40x128xf32, #tpu.memory_space<vmem>>) dst(%dma_wait3A_263 : memref<10000x128xf32, #tpu.memory_space<vmem_shared>>)
        tpu.yield
      }) : () -> ()
      %add3A_213 = arith.constant 5 : i32
      %add3A_214 = arith.addi %add3A_200, %add3A_213 : i32
      %lt3A_215 = arith.constant 250 : i32
      %lt3A_216 = arith.cmpi slt, %add3A_214, %lt3A_215 : i32
      %convert_element_type3A_217 = arith.extui %lt3A_216 : i1 to i32
      %cond3A_218 = arith.constant 0 : i32
      %cond3A_219 = arith.cmpi ne, %convert_element_type3A_217, %cond3A_218 : i32
      scf.if %cond3A_219 {
        %add3A_243 = arith.constant 5 : i32
        %add3A_244 = arith.addi %add3A_200, %add3A_243 : i32
        %dma_start3A_245 = arith.constant 3 : i32
        %dma_start3A_246 = arith.constant 0 : i32
        %dma_start3A_247 = arith.constant 0 : i32
        %dma_start3A_248 = tpu.memref_slice %arg8[%dma_start3A_245, %dma_start3A_246, %dma_start3A_247] : memref<5x40x128xf32, #tpu.memory_space<vmem>> -> memref<1x40x128xf32, #tpu.memory_space<vmem>>
        %dma_start3A_249 = tpu.memref_squeeze %dma_start3A_248 : memref<1x40x128xf32, #tpu.memory_space<vmem>> -> memref<40x128xf32, #tpu.memory_space<vmem>>
        %dma_start3A_250 = arith.constant 0 : i32
        %dma_start3A_251 = tpu.memref_slice %arg6[%add3A_244, %dma_start3A_250] : memref<250x40xi32, #tpu.memory_space<vmem>> -> memref<1x40xi32, #tpu.memory_space<vmem>>
        %dma_start3A_252 = tpu.memref_squeeze %dma_start3A_251 : memref<1x40xi32, #tpu.memory_space<vmem>> -> memref<40xi32, #tpu.memory_space<vmem>>
        %dma_start3A_253 = arith.constant 0 : i32
        %dma_start3A_254 = arith.constant 0 : i32
        %dma_start3A_255 = tpu.memref_slice %arg2[%dma_start3A_253, %dma_start3A_254] : memref<10000x128xf32, #tpu.memory_space<hbm>> -> memref<10000x128xf32, #tpu.memory_space<hbm>>
        tpu.enqueue_indirect_dma source(%dma_start3A_255 : memref<10000x128xf32, #tpu.memory_space<hbm>>) target(%dma_start3A_249 : memref<40x128xf32, #tpu.memory_space<vmem>>) offsets(%dma_start3A_252 : memref<40xi32, #tpu.memory_space<vmem>>) semaphore(%arg14 : memref<!tpu.dma_semaphore, #tpu.memory_space<semaphore_mem>>)
      } else {
      }
      %mul3A_220 = arith.constant 5 : i32
      %mul3A_221 = arith.muli %scan3A_130, %mul3A_220 : i32
      %add3A_222 = arith.constant 4 : i32
      %add3A_223 = arith.addi %mul3A_221, %add3A_222 : i32
      %dma_wait3A_224 = arith.constant 4 : i32
      %dma_wait3A_225 = arith.constant 0 : i32
      %dma_wait3A_226 = arith.constant 0 : i32
      %dma_wait3A_227 = tpu.memref_slice %arg8[%dma_wait3A_224, %dma_wait3A_225, %dma_wait3A_226] : memref<5x40x128xf32, #tpu.memory_space<vmem>> -> memref<1x40x128xf32, #tpu.memory_space<vmem>>
      %dma_wait3A_228 = tpu.memref_squeeze %dma_wait3A_227 : memref<1x40x128xf32, #tpu.memory_space<vmem>> -> memref<40x128xf32, #tpu.memory_space<vmem>>
      %dma_wait3A_229 = arith.constant 0 : i32
      %dma_wait3A_230 = tpu.memref_slice %arg6[%add3A_223, %dma_wait3A_229] : memref<250x40xi32, #tpu.memory_space<vmem>> -> memref<1x40xi32, #tpu.memory_space<vmem>>
      %dma_wait3A_231 = tpu.memref_squeeze %dma_wait3A_230 : memref<1x40xi32, #tpu.memory_space<vmem>> -> memref<40xi32, #tpu.memory_space<vmem>>
      %dma_wait3A_232 = arith.constant 0 : i32
      %dma_wait3A_233 = arith.constant 0 : i32
      %dma_wait3A_234 = tpu.memref_slice %arg2[%dma_wait3A_232, %dma_wait3A_233] : memref<10000x128xf32, #tpu.memory_space<hbm>> -> memref<10000x128xf32, #tpu.memory_space<hbm>>
      tpu.wait_indirect_dma semaphore(%arg15 : memref<!tpu.dma_semaphore, #tpu.memory_space<semaphore_mem>>) src(%dma_wait3A_234 : memref<10000x128xf32, #tpu.memory_space<hbm>>) dst(%dma_wait3A_228 : memref<40x128xf32, #tpu.memory_space<vmem>>)
      %run_scoped3A_235 = arith.constant 4 : i32
      "tpu.region"() ({
        %run_scoped3A_243 = tpu.sem_alloc : memref<!tpu.dma_semaphore, #tpu.memory_space<semaphore_mem>>
        %dma_start3A_244 = arith.constant 0 : i32
        %dma_start3A_245 = arith.constant 0 : i32
        %dma_start3A_246 = tpu.memref_slice %arg8[%run_scoped3A_235, %dma_start3A_244, %dma_start3A_245] : memref<5x40x128xf32, #tpu.memory_space<vmem>> -> memref<1x40x128xf32, #tpu.memory_space<vmem>>
        %dma_start3A_247 = tpu.memref_squeeze %dma_start3A_246 : memref<1x40x128xf32, #tpu.memory_space<vmem>> -> memref<40x128xf32, #tpu.memory_space<vmem>>
        %dma_start3A_248 = arith.constant 0 : i32
        %dma_start3A_249 = tpu.memref_slice %arg7[%add3A_223, %dma_start3A_248] : memref<250x40xi32, #tpu.memory_space<vmem>> -> memref<1x40xi32, #tpu.memory_space<vmem>>
        %dma_start3A_250 = tpu.memref_squeeze %dma_start3A_249 : memref<1x40xi32, #tpu.memory_space<vmem>> -> memref<40xi32, #tpu.memory_space<vmem>>
        %dma_start3A_251 = arith.constant 0 : i32
        %dma_start3A_252 = arith.constant 0 : i32
        %dma_start3A_253 = tpu.memref_slice %arg10[%dma_start3A_251, %dma_start3A_252] : memref<10000x128xf32, #tpu.memory_space<vmem_shared>> -> memref<10000x128xf32, #tpu.memory_space<vmem_shared>>
        tpu.enqueue_indirect_dma source(%dma_start3A_247 : memref<40x128xf32, #tpu.memory_space<vmem>>) target(%dma_start3A_253 : memref<10000x128xf32, #tpu.memory_space<vmem_shared>>) offsets(%dma_start3A_250 : memref<40xi32, #tpu.memory_space<vmem>>) semaphore(%run_scoped3A_243 : memref<!tpu.dma_semaphore, #tpu.memory_space<semaphore_mem>>) {add = true}
        %dma_wait3A_254 = arith.constant 0 : i32
        %dma_wait3A_255 = arith.constant 0 : i32
        %dma_wait3A_256 = tpu.memref_slice %arg8[%run_scoped3A_235, %dma_wait3A_254, %dma_wait3A_255] : memref<5x40x128xf32, #tpu.memory_space<vmem>> -> memref<1x40x128xf32, #tpu.memory_space<vmem>>
        %dma_wait3A_257 = tpu.memref_squeeze %dma_wait3A_256 : memref<1x40x128xf32, #tpu.memory_space<vmem>> -> memref<40x128xf32, #tpu.memory_space<vmem>>
        %dma_wait3A_258 = arith.constant 0 : i32
        %dma_wait3A_259 = tpu.memref_slice %arg7[%add3A_223, %dma_wait3A_258] : memref<250x40xi32, #tpu.memory_space<vmem>> -> memref<1x40xi32, #tpu.memory_space<vmem>>
        %dma_wait3A_260 = tpu.memref_squeeze %dma_wait3A_259 : memref<1x40xi32, #tpu.memory_space<vmem>> -> memref<40xi32, #tpu.memory_space<vmem>>
        %dma_wait3A_261 = arith.constant 0 : i32
        %dma_wait3A_262 = arith.constant 0 : i32
        %dma_wait3A_263 = tpu.memref_slice %arg10[%dma_wait3A_261, %dma_wait3A_262] : memref<10000x128xf32, #tpu.memory_space<vmem_shared>> -> memref<10000x128xf32, #tpu.memory_space<vmem_shared>>
        tpu.wait_indirect_dma semaphore(%run_scoped3A_243 : memref<!tpu.dma_semaphore, #tpu.memory_space<semaphore_mem>>) src(%dma_wait3A_257 : memref<40x128xf32, #tpu.memory_space<vmem>>) dst(%dma_wait3A_263 : memref<10000x128xf32, #tpu.memory_space<vmem_shared>>)
        tpu.yield
      }) : () -> ()
      %add3A_236 = arith.constant 5 : i32
      %add3A_237 = arith.addi %add3A_223, %add3A_236 : i32
      %lt3A_238 = arith.constant 250 : i32
      %lt3A_239 = arith.cmpi slt, %add3A_237, %lt3A_238 : i32
      %convert_element_type3A_240 = arith.extui %lt3A_239 : i1 to i32
      %cond3A_241 = arith.constant 0 : i32
      %cond3A_242 = arith.cmpi ne, %convert_element_type3A_240, %cond3A_241 : i32
      scf.if %cond3A_242 {
        %add3A_243 = arith.constant 5 : i32
        %add3A_244 = arith.addi %add3A_223, %add3A_243 : i32
        %dma_start3A_245 = arith.constant 4 : i32
        %dma_start3A_246 = arith.constant 0 : i32
        %dma_start3A_247 = arith.constant 0 : i32
        %dma_start3A_248 = tpu.memref_slice %arg8[%dma_start3A_245, %dma_start3A_246, %dma_start3A_247] : memref<5x40x128xf32, #tpu.memory_space<vmem>> -> memref<1x40x128xf32, #tpu.memory_space<vmem>>
        %dma_start3A_249 = tpu.memref_squeeze %dma_start3A_248 : memref<1x40x128xf32, #tpu.memory_space<vmem>> -> memref<40x128xf32, #tpu.memory_space<vmem>>
        %dma_start3A_250 = arith.constant 0 : i32
        %dma_start3A_251 = tpu.memref_slice %arg6[%add3A_244, %dma_start3A_250] : memref<250x40xi32, #tpu.memory_space<vmem>> -> memref<1x40xi32, #tpu.memory_space<vmem>>
        %dma_start3A_252 = tpu.memref_squeeze %dma_start3A_251 : memref<1x40xi32, #tpu.memory_space<vmem>> -> memref<40xi32, #tpu.memory_space<vmem>>
        %dma_start3A_253 = arith.constant 0 : i32
        %dma_start3A_254 = arith.constant 0 : i32
        %dma_start3A_255 = tpu.memref_slice %arg2[%dma_start3A_253, %dma_start3A_254] : memref<10000x128xf32, #tpu.memory_space<hbm>> -> memref<10000x128xf32, #tpu.memory_space<hbm>>
        tpu.enqueue_indirect_dma source(%dma_start3A_255 : memref<10000x128xf32, #tpu.memory_space<hbm>>) target(%dma_start3A_249 : memref<40x128xf32, #tpu.memory_space<vmem>>) offsets(%dma_start3A_252 : memref<40xi32, #tpu.memory_space<vmem>>) semaphore(%arg15 : memref<!tpu.dma_semaphore, #tpu.memory_space<semaphore_mem>>)
      } else {
      }
    }
    %scan3A_123 = arith.constant 50 : i32
    %barrier3A_124 = arith.constant 0 : index
    tpu.barrier barrier_id(%barrier3A_124)
    "tpu.region"() ({
      %run_scoped3A = tpu.sem_alloc : memref<!tpu.dma_semaphore, #tpu.memory_space<semaphore_mem>>
      %dma_start3A_130 = arith.constant 0 : i32
      %dma_start3A_131 = tpu.memref_slice %arg5[%arg0, %mul3A_5, %dma_start3A_130] : memref<2x10000x128xf32, #tpu.memory_space<hbm>> -> memref<1x624x128xf32, #tpu.memory_space<hbm>>
      %dma_start3A_132 = tpu.memref_squeeze %dma_start3A_131 : memref<1x624x128xf32, #tpu.memory_space<hbm>> -> memref<624x128xf32, #tpu.memory_space<hbm>>
      %dma_start3A_133 = arith.constant 0 : i32
      %dma_start3A_134 = tpu.memref_slice %arg10[%mul3A_5, %dma_start3A_133] : memref<10000x128xf32, #tpu.memory_space<vmem_shared>> -> memref<624x128xf32, #tpu.memory_space<vmem_shared>>
      tpu.enqueue_dma source(%dma_start3A_134 : memref<624x128xf32, #tpu.memory_space<vmem_shared>>) target(%dma_start3A_132 : memref<624x128xf32, #tpu.memory_space<hbm>>) target_semaphore(%run_scoped3A : memref<!tpu.dma_semaphore, #tpu.memory_space<semaphore_mem>>)
      %dma_wait3A = arith.constant 0 : i32
      %dma_wait3A_135 = tpu.memref_slice %arg5[%arg0, %mul3A_5, %dma_wait3A] : memref<2x10000x128xf32, #tpu.memory_space<hbm>> -> memref<1x624x128xf32, #tpu.memory_space<hbm>>
      %dma_wait3A_136 = tpu.memref_squeeze %dma_wait3A_135 : memref<1x624x128xf32, #tpu.memory_space<hbm>> -> memref<624x128xf32, #tpu.memory_space<hbm>>
      %dma_wait3A_137 = arith.constant 0 : i32
      %dma_wait3A_138 = tpu.memref_slice %arg10[%mul3A_5, %dma_wait3A_137] : memref<10000x128xf32, #tpu.memory_space<vmem_shared>> -> memref<624x128xf32, #tpu.memory_space<vmem_shared>>
      tpu.wait_dma2 semaphore(%run_scoped3A : memref<!tpu.dma_semaphore, #tpu.memory_space<semaphore_mem>>) src(%dma_wait3A_138 : memref<624x128xf32, #tpu.memory_space<vmem_shared>>) dst(%dma_wait3A_136 : memref<624x128xf32, #tpu.memory_space<hbm>>)
      tpu.yield
    }) : () -> ()
    %eq3A_125 = arith.constant 15 : i32
    %eq3A_126 = arith.cmpi eq, %arg1, %eq3A_125 : i32
    %convert_element_type3A_127 = arith.extui %eq3A_126 : i1 to i32
    %cond3A_128 = arith.constant 0 : i32
    %cond3A_129 = arith.cmpi ne, %convert_element_type3A_127, %cond3A_128 : i32
    scf.if %cond3A_129 {
      "tpu.region"() ({
        %run_scoped3A = tpu.sem_alloc : memref<!tpu.dma_semaphore, #tpu.memory_space<semaphore_mem>>
        %dma_start3A_130 = arith.constant 9984 : i32
        %dma_start3A_131 = arith.constant 0 : i32
        %dma_start3A_132 = tpu.memref_slice %arg5[%arg0, %dma_start3A_130, %dma_start3A_131] : memref<2x10000x128xf32, #tpu.memory_space<hbm>> -> memref<1x16x128xf32, #tpu.memory_space<hbm>>
        %dma_start3A_133 = tpu.memref_squeeze %dma_start3A_132 : memref<1x16x128xf32, #tpu.memory_space<hbm>> -> memref<16x128xf32, #tpu.memory_space<hbm>>
        %dma_start3A_134 = arith.constant 9984 : i32
        %dma_start3A_135 = arith.constant 0 : i32
        %dma_start3A_136 = tpu.memref_slice %arg10[%dma_start3A_134, %dma_start3A_135] : memref<10000x128xf32, #tpu.memory_space<vmem_shared>> -> memref<16x128xf32, #tpu.memory_space<vmem_shared>>
        tpu.enqueue_dma source(%dma_start3A_136 : memref<16x128xf32, #tpu.memory_space<vmem_shared>>) target(%dma_start3A_133 : memref<16x128xf32, #tpu.memory_space<hbm>>) target_semaphore(%run_scoped3A : memref<!tpu.dma_semaphore, #tpu.memory_space<semaphore_mem>>)
        %dma_wait3A = arith.constant 9984 : i32
        %dma_wait3A_137 = arith.constant 0 : i32
        %dma_wait3A_138 = tpu.memref_slice %arg5[%arg0, %dma_wait3A, %dma_wait3A_137] : memref<2x10000x128xf32, #tpu.memory_space<hbm>> -> memref<1x16x128xf32, #tpu.memory_space<hbm>>
        %dma_wait3A_139 = tpu.memref_squeeze %dma_wait3A_138 : memref<1x16x128xf32, #tpu.memory_space<hbm>> -> memref<16x128xf32, #tpu.memory_space<hbm>>
        %dma_wait3A_140 = arith.constant 9984 : i32
        %dma_wait3A_141 = arith.constant 0 : i32
        %dma_wait3A_142 = tpu.memref_slice %arg10[%dma_wait3A_140, %dma_wait3A_141] : memref<10000x128xf32, #tpu.memory_space<vmem_shared>> -> memref<16x128xf32, #tpu.memory_space<vmem_shared>>
        tpu.wait_dma2 semaphore(%run_scoped3A : memref<!tpu.dma_semaphore, #tpu.memory_space<semaphore_mem>>) src(%dma_wait3A_142 : memref<16x128xf32, #tpu.memory_space<vmem_shared>>) dst(%dma_wait3A_139 : memref<16x128xf32, #tpu.memory_space<hbm>>)
        tpu.yield
      }) : () -> ()
    } else {
    }
    return
  }
}

#map = affine_map<(d0, d1) -> (0, 0)>
#map1 = affine_map<(d0, d1) -> (0, 0, 0, 0)>
#map2 = affine_map<(d0, d1) -> (0, 0, 0)>
module attributes {stable_mosaic.version = 14 : i64} {
  func.func @_sc_scatter_body(%arg0: i32, %arg1: i32, %arg2: memref<10000x128xf32, #tpu.memory_space<hbm>>, %arg3: memref<2x16x250x40xi32, #tpu.memory_space<hbm>>, %arg4: memref<2x16x250x40xi32, #tpu.memory_space<hbm>>, %arg5: memref<2x10000x128xf32, #tpu.memory_space<hbm>>, %arg6: memref<250x40xi32, #tpu.memory_space<vmem>>, %arg7: memref<250x40xi32, #tpu.memory_space<vmem>>, %arg8: memref<5x40x128xf32, #tpu.memory_space<vmem>>, %arg9: memref<24x128xf32, #tpu.memory_space<vmem>>, %arg10: memref<10000x128xf32, #tpu.memory_space<vmem_shared>>, %arg11: memref<!tpu.dma_semaphore, #tpu.memory_space<semaphore_mem>>, %arg12: memref<!tpu.dma_semaphore, #tpu.memory_space<semaphore_mem>>, %arg13: memref<!tpu.dma_semaphore, #tpu.memory_space<semaphore_mem>>, %arg14: memref<!tpu.dma_semaphore, #tpu.memory_space<semaphore_mem>>, %arg15: memref<!tpu.dma_semaphore, #tpu.memory_space<semaphore_mem>>) attributes {dimension_semantics = [#tpu.dimension_semantics<core_parallel>, #tpu.dimension_semantics<subcore_parallel>], iteration_bounds = array<i64: 2, 16>, scalar_prefetch = 0 : i64, scratch_operands = 10 : i64, tpu.core_type = #tpu.core_type<sc_vector_subcore>, window_params = [{transform_indices = #map}, {transform_indices = #map1}, {transform_indices = #map1}, {transform_indices = #map2}]} {
    "tpu.region"() ({
      %run_scoped3A = tpu.sem_alloc : memref<!tpu.dma_semaphore, #tpu.memory_space<semaphore_mem>>
      %dma_start3A_130 = arith.constant 0 : i32
      %dma_start3A_131 = arith.constant 0 : i32
      %dma_start3A_132 = tpu.memref_slice %arg3[%arg0, %arg1, %dma_start3A_130, %dma_start3A_131] : memref<2x16x250x40xi32, #tpu.memory_space<hbm>> -> memref<1x1x250x40xi32, #tpu.memory_space<hbm>>
      %dma_start3A_133 = tpu.memref_squeeze %dma_start3A_132 : memref<1x1x250x40xi32, #tpu.memory_space<hbm>> -> memref<250x40xi32, #tpu.memory_space<hbm>>
      %dma_start3A_134 = arith.constant 0 : i32
      %dma_start3A_135 = arith.constant 0 : i32
      %dma_start3A_136 = tpu.memref_slice %arg3[%arg0, %arg1, %dma_start3A_134, %dma_start3A_135] : memref<2x16x250x40xi32, #tpu.memory_space<hbm>> -> memref<1x1x250x40xi32, #tpu.memory_space<hbm>>
      %dma_start3A_137 = tpu.memref_squeeze %dma_start3A_136 : memref<1x1x250x40xi32, #tpu.memory_space<hbm>> -> memref<250x40xi32, #tpu.memory_space<hbm>>
      tpu.enqueue_dma source(%dma_start3A_137 : memref<250x40xi32, #tpu.memory_space<hbm>>) target(%arg6 : memref<250x40xi32, #tpu.memory_space<vmem>>) target_semaphore(%run_scoped3A : memref<!tpu.dma_semaphore, #tpu.memory_space<semaphore_mem>>)
      %dma_wait3A = arith.constant 0 : i32
      %dma_wait3A_138 = arith.constant 0 : i32
      %dma_wait3A_139 = tpu.memref_slice %arg3[%arg0, %arg1, %dma_wait3A, %dma_wait3A_138] : memref<2x16x250x40xi32, #tpu.memory_space<hbm>> -> memref<1x1x250x40xi32, #tpu.memory_space<hbm>>
      %dma_wait3A_140 = tpu.memref_squeeze %dma_wait3A_139 : memref<1x1x250x40xi32, #tpu.memory_space<hbm>> -> memref<250x40xi32, #tpu.memory_space<hbm>>
      %dma_wait3A_141 = arith.constant 0 : i32
      %dma_wait3A_142 = arith.constant 0 : i32
      %dma_wait3A_143 = tpu.memref_slice %arg3[%arg0, %arg1, %dma_wait3A_141, %dma_wait3A_142] : memref<2x16x250x40xi32, #tpu.memory_space<hbm>> -> memref<1x1x250x40xi32, #tpu.memory_space<hbm>>
      %dma_wait3A_144 = tpu.memref_squeeze %dma_wait3A_143 : memref<1x1x250x40xi32, #tpu.memory_space<hbm>> -> memref<250x40xi32, #tpu.memory_space<hbm>>
      tpu.wait_dma2 semaphore(%run_scoped3A : memref<!tpu.dma_semaphore, #tpu.memory_space<semaphore_mem>>) src(%dma_wait3A_144 : memref<250x40xi32, #tpu.memory_space<hbm>>) dst(%arg6 : memref<250x40xi32, #tpu.memory_space<vmem>>)
      tpu.yield
    }) : () -> ()
    "tpu.region"() ({
      %run_scoped3A = tpu.sem_alloc : memref<!tpu.dma_semaphore, #tpu.memory_space<semaphore_mem>>
      %dma_start3A_130 = arith.constant 0 : i32
      %dma_start3A_131 = arith.constant 0 : i32
      %dma_start3A_132 = tpu.memref_slice %arg4[%arg0, %arg1, %dma_start3A_130, %dma_start3A_131] : memref<2x16x250x40xi32, #tpu.memory_space<hbm>> -> memref<1x1x250x40xi32, #tpu.memory_space<hbm>>
      %dma_start3A_133 = tpu.memref_squeeze %dma_start3A_132 : memref<1x1x250x40xi32, #tpu.memory_space<hbm>> -> memref<250x40xi32, #tpu.memory_space<hbm>>
      %dma_start3A_134 = arith.constant 0 : i32
      %dma_start3A_135 = arith.constant 0 : i32
      %dma_start3A_136 = tpu.memref_slice %arg4[%arg0, %arg1, %dma_start3A_134, %dma_start3A_135] : memref<2x16x250x40xi32, #tpu.memory_space<hbm>> -> memref<1x1x250x40xi32, #tpu.memory_space<hbm>>
      %dma_start3A_137 = tpu.memref_squeeze %dma_start3A_136 : memref<1x1x250x40xi32, #tpu.memory_space<hbm>> -> memref<250x40xi32, #tpu.memory_space<hbm>>
      tpu.enqueue_dma source(%dma_start3A_137 : memref<250x40xi32, #tpu.memory_space<hbm>>) target(%arg7 : memref<250x40xi32, #tpu.memory_space<vmem>>) target_semaphore(%run_scoped3A : memref<!tpu.dma_semaphore, #tpu.memory_space<semaphore_mem>>)
      %dma_wait3A = arith.constant 0 : i32
      %dma_wait3A_138 = arith.constant 0 : i32
      %dma_wait3A_139 = tpu.memref_slice %arg4[%arg0, %arg1, %dma_wait3A, %dma_wait3A_138] : memref<2x16x250x40xi32, #tpu.memory_space<hbm>> -> memref<1x1x250x40xi32, #tpu.memory_space<hbm>>
      %dma_wait3A_140 = tpu.memref_squeeze %dma_wait3A_139 : memref<1x1x250x40xi32, #tpu.memory_space<hbm>> -> memref<250x40xi32, #tpu.memory_space<hbm>>
      %dma_wait3A_141 = arith.constant 0 : i32
      %dma_wait3A_142 = arith.constant 0 : i32
      %dma_wait3A_143 = tpu.memref_slice %arg4[%arg0, %arg1, %dma_wait3A_141, %dma_wait3A_142] : memref<2x16x250x40xi32, #tpu.memory_space<hbm>> -> memref<1x1x250x40xi32, #tpu.memory_space<hbm>>
      %dma_wait3A_144 = tpu.memref_squeeze %dma_wait3A_143 : memref<1x1x250x40xi32, #tpu.memory_space<hbm>> -> memref<250x40xi32, #tpu.memory_space<hbm>>
      tpu.wait_dma2 semaphore(%run_scoped3A : memref<!tpu.dma_semaphore, #tpu.memory_space<semaphore_mem>>) src(%dma_wait3A_144 : memref<250x40xi32, #tpu.memory_space<hbm>>) dst(%arg7 : memref<250x40xi32, #tpu.memory_space<vmem>>)
      tpu.yield
    }) : () -> ()
    %scan3A = arith.constant 0 : i32
    %scan3A_0 = arith.constant 0 : i32
    %scan3A_1 = arith.constant 24 : i32
    %scan3A_2 = arith.addi %scan3A_0, %scan3A_1 : i32
    %scan3A_3 = arith.constant 1 : i32
    scf.for %scan3A_130 = %scan3A_0 to %scan3A_2 step %scan3A_3  : i32 {
      %broadcast_in_dim3A = arith.constant 0.000000e+00 : f32
      %broadcast_in_dim3A_131 = vector.broadcast %broadcast_in_dim3A : f32 to vector<16xf32>
      %swap3A = arith.index_cast %scan3A_130 : i32 to index
      %swap3A_132 = arith.constant 0 : index
      %swap3A_133 = tpu.vector_load %arg9[%swap3A, %swap3A_132] {strides = array<i32>} : memref<24x128xf32, #tpu.memory_space<vmem>>, vector<1x16xf32>,
      %swap3A_134 = vector.shape_cast %swap3A_133 : vector<1x16xf32> to vector<16xf32>
      %swap3A_135 = vector.shape_cast %broadcast_in_dim3A_131 : vector<16xf32> to vector<1x16xf32>
      tpu.vector_store %arg9[%swap3A, %swap3A_132], %swap3A_135 {strides = array<i32>} : memref<24x128xf32, #tpu.memory_space<vmem>>, vector<1x16xf32>,
      %broadcast_in_dim3A_136 = arith.constant 0.000000e+00 : f32
      %broadcast_in_dim3A_137 = vector.broadcast %broadcast_in_dim3A_136 : f32 to vector<16xf32>
      %swap3A_138 = arith.index_cast %scan3A_130 : i32 to index
      %swap3A_139 = arith.constant 16 : index
      %swap3A_140 = tpu.vector_load %arg9[%swap3A_138, %swap3A_139] {strides = array<i32>} : memref<24x128xf32, #tpu.memory_space<vmem>>, vector<1x16xf32>,
      %swap3A_141 = vector.shape_cast %swap3A_140 : vector<1x16xf32> to vector<16xf32>
      %swap3A_142 = vector.shape_cast %broadcast_in_dim3A_137 : vector<16xf32> to vector<1x16xf32>
      tpu.vector_store %arg9[%swap3A_138, %swap3A_139], %swap3A_142 {strides = array<i32>} : memref<24x128xf32, #tpu.memory_space<vmem>>, vector<1x16xf32>,
      %broadcast_in_dim3A_143 = arith.constant 0.000000e+00 : f32
      %broadcast_in_dim3A_144 = vector.broadcast %broadcast_in_dim3A_143 : f32 to vector<16xf32>
      %swap3A_145 = arith.index_cast %scan3A_130 : i32 to index
      %swap3A_146 = arith.constant 32 : index
      %swap3A_147 = tpu.vector_load %arg9[%swap3A_145, %swap3A_146] {strides = array<i32>} : memref<24x128xf32, #tpu.memory_space<vmem>>, vector<1x16xf32>,
      %swap3A_148 = vector.shape_cast %swap3A_147 : vector<1x16xf32> to vector<16xf32>
      %swap3A_149 = vector.shape_cast %broadcast_in_dim3A_144 : vector<16xf32> to vector<1x16xf32>
      tpu.vector_store %arg9[%swap3A_145, %swap3A_146], %swap3A_149 {strides = array<i32>} : memref<24x128xf32, #tpu.memory_space<vmem>>, vector<1x16xf32>,
      %broadcast_in_dim3A_150 = arith.constant 0.000000e+00 : f32
      %broadcast_in_dim3A_151 = vector.broadcast %broadcast_in_dim3A_150 : f32 to vector<16xf32>
      %swap3A_152 = arith.index_cast %scan3A_130 : i32 to index
      %swap3A_153 = arith.constant 48 : index
      %swap3A_154 = tpu.vector_load %arg9[%swap3A_152, %swap3A_153] {strides = array<i32>} : memref<24x128xf32, #tpu.memory_space<vmem>>, vector<1x16xf32>,
      %swap3A_155 = vector.shape_cast %swap3A_154 : vector<1x16xf32> to vector<16xf32>
      %swap3A_156 = vector.shape_cast %broadcast_in_dim3A_151 : vector<16xf32> to vector<1x16xf32>
      tpu.vector_store %arg9[%swap3A_152, %swap3A_153], %swap3A_156 {strides = array<i32>} : memref<24x128xf32, #tpu.memory_space<vmem>>, vector<1x16xf32>,
      %broadcast_in_dim3A_157 = arith.constant 0.000000e+00 : f32
      %broadcast_in_dim3A_158 = vector.broadcast %broadcast_in_dim3A_157 : f32 to vector<16xf32>
      %swap3A_159 = arith.index_cast %scan3A_130 : i32 to index
      %swap3A_160 = arith.constant 64 : index
      %swap3A_161 = tpu.vector_load %arg9[%swap3A_159, %swap3A_160] {strides = array<i32>} : memref<24x128xf32, #tpu.memory_space<vmem>>, vector<1x16xf32>,
      %swap3A_162 = vector.shape_cast %swap3A_161 : vector<1x16xf32> to vector<16xf32>
      %swap3A_163 = vector.shape_cast %broadcast_in_dim3A_158 : vector<16xf32> to vector<1x16xf32>
      tpu.vector_store %arg9[%swap3A_159, %swap3A_160], %swap3A_163 {strides = array<i32>} : memref<24x128xf32, #tpu.memory_space<vmem>>, vector<1x16xf32>,
      %broadcast_in_dim3A_164 = arith.constant 0.000000e+00 : f32
      %broadcast_in_dim3A_165 = vector.broadcast %broadcast_in_dim3A_164 : f32 to vector<16xf32>
      %swap3A_166 = arith.index_cast %scan3A_130 : i32 to index
      %swap3A_167 = arith.constant 80 : index
      %swap3A_168 = tpu.vector_load %arg9[%swap3A_166, %swap3A_167] {strides = array<i32>} : memref<24x128xf32, #tpu.memory_space<vmem>>, vector<1x16xf32>,
      %swap3A_169 = vector.shape_cast %swap3A_168 : vector<1x16xf32> to vector<16xf32>
      %swap3A_170 = vector.shape_cast %broadcast_in_dim3A_165 : vector<16xf32> to vector<1x16xf32>
      tpu.vector_store %arg9[%swap3A_166, %swap3A_167], %swap3A_170 {strides = array<i32>} : memref<24x128xf32, #tpu.memory_space<vmem>>, vector<1x16xf32>,
      %broadcast_in_dim3A_171 = arith.constant 0.000000e+00 : f32
      %broadcast_in_dim3A_172 = vector.broadcast %broadcast_in_dim3A_171 : f32 to vector<16xf32>
      %swap3A_173 = arith.index_cast %scan3A_130 : i32 to index
      %swap3A_174 = arith.constant 96 : index
      %swap3A_175 = tpu.vector_load %arg9[%swap3A_173, %swap3A_174] {strides = array<i32>} : memref<24x128xf32, #tpu.memory_space<vmem>>, vector<1x16xf32>,
      %swap3A_176 = vector.shape_cast %swap3A_175 : vector<1x16xf32> to vector<16xf32>
      %swap3A_177 = vector.shape_cast %broadcast_in_dim3A_172 : vector<16xf32> to vector<1x16xf32>
      tpu.vector_store %arg9[%swap3A_173, %swap3A_174], %swap3A_177 {strides = array<i32>} : memref<24x128xf32, #tpu.memory_space<vmem>>, vector<1x16xf32>,
      %broadcast_in_dim3A_178 = arith.constant 0.000000e+00 : f32
      %broadcast_in_dim3A_179 = vector.broadcast %broadcast_in_dim3A_178 : f32 to vector<16xf32>
      %swap3A_180 = arith.index_cast %scan3A_130 : i32 to index
      %swap3A_181 = arith.constant 112 : index
      %swap3A_182 = tpu.vector_load %arg9[%swap3A_180, %swap3A_181] {strides = array<i32>} : memref<24x128xf32, #tpu.memory_space<vmem>>, vector<1x16xf32>,
      %swap3A_183 = vector.shape_cast %swap3A_182 : vector<1x16xf32> to vector<16xf32>
      %swap3A_184 = vector.shape_cast %broadcast_in_dim3A_179 : vector<16xf32> to vector<1x16xf32>
      tpu.vector_store %arg9[%swap3A_180, %swap3A_181], %swap3A_184 {strides = array<i32>} : memref<24x128xf32, #tpu.memory_space<vmem>>, vector<1x16xf32>,
    }
    %scan3A_4 = arith.constant 24 : i32
    %mul3A = arith.constant 624 : i32
    %mul3A_5 = arith.muli %arg1, %mul3A : i32
    %add3A = arith.constant 0 : i32
    %add3A_6 = arith.addi %mul3A_5, %add3A : i32
    "tpu.region"() ({
      %run_scoped3A = tpu.sem_alloc : memref<!tpu.dma_semaphore, #tpu.memory_space<semaphore_mem>>
      %dma_start3A_130 = arith.constant 0 : i32
      %dma_start3A_131 = tpu.memref_slice %arg10[%add3A_6, %dma_start3A_130] : memref<10000x128xf32, #tpu.memory_space<vmem_shared>> -> memref<24x128xf32, #tpu.memory_space<vmem_shared>>
      %dma_start3A_132 = arith.constant 0 : i32
      %dma_start3A_133 = tpu.memref_slice %arg10[%add3A_6, %dma_start3A_132] : memref<10000x128xf32, #tpu.memory_space<vmem_shared>> -> memref<24x128xf32, #tpu.memory_space<vmem_shared>>
      tpu.enqueue_dma source(%arg9 : memref<24x128xf32, #tpu.memory_space<vmem>>) target(%dma_start3A_133 : memref<24x128xf32, #tpu.memory_space<vmem_shared>>) target_semaphore(%run_scoped3A : memref<!tpu.dma_semaphore, #tpu.memory_space<semaphore_mem>>)
      %dma_wait3A = arith.constant 0 : i32
      %dma_wait3A_134 = tpu.memref_slice %arg10[%add3A_6, %dma_wait3A] : memref<10000x128xf32, #tpu.memory_space<vmem_shared>> -> memref<24x128xf32, #tpu.memory_space<vmem_shared>>
      %dma_wait3A_135 = arith.constant 0 : i32
      %dma_wait3A_136 = tpu.memref_slice %arg10[%add3A_6, %dma_wait3A_135] : memref<10000x128xf32, #tpu.memory_space<vmem_shared>> -> memref<24x128xf32, #tpu.memory_space<vmem_shared>>
      tpu.wait_dma2 semaphore(%run_scoped3A : memref<!tpu.dma_semaphore, #tpu.memory_space<semaphore_mem>>) src(%arg9 : memref<24x128xf32, #tpu.memory_space<vmem>>) dst(%dma_wait3A_136 : memref<24x128xf32, #tpu.memory_space<vmem_shared>>)
      tpu.yield
    }) : () -> ()
    %add3A_7 = arith.constant 24 : i32
    %add3A_8 = arith.addi %mul3A_5, %add3A_7 : i32
    "tpu.region"() ({
      %run_scoped3A = tpu.sem_alloc : memref<!tpu.dma_semaphore, #tpu.memory_space<semaphore_mem>>
      %dma_start3A_130 = arith.constant 0 : i32
      %dma_start3A_131 = tpu.memref_slice %arg10[%add3A_8, %dma_start3A_130] : memref<10000x128xf32, #tpu.memory_space<vmem_shared>> -> memref<24x128xf32, #tpu.memory_space<vmem_shared>>
      %dma_start3A_132 = arith.constant 0 : i32
      %dma_start3A_133 = tpu.memref_slice %arg10[%add3A_8, %dma_start3A_132] : memref<10000x128xf32, #tpu.memory_space<vmem_shared>> -> memref<24x128xf32, #tpu.memory_space<vmem_shared>>
      tpu.enqueue_dma source(%arg9 : memref<24x128xf32, #tpu.memory_space<vmem>>) target(%dma_start3A_133 : memref<24x128xf32, #tpu.memory_space<vmem_shared>>) target_semaphore(%run_scoped3A : memref<!tpu.dma_semaphore, #tpu.memory_space<semaphore_mem>>)
      %dma_wait3A = arith.constant 0 : i32
      %dma_wait3A_134 = tpu.memref_slice %arg10[%add3A_8, %dma_wait3A] : memref<10000x128xf32, #tpu.memory_space<vmem_shared>> -> memref<24x128xf32, #tpu.memory_space<vmem_shared>>
      %dma_wait3A_135 = arith.constant 0 : i32
      %dma_wait3A_136 = tpu.memref_slice %arg10[%add3A_8, %dma_wait3A_135] : memref<10000x128xf32, #tpu.memory_space<vmem_shared>> -> memref<24x128xf32, #tpu.memory_space<vmem_shared>>
      tpu.wait_dma2 semaphore(%run_scoped3A : memref<!tpu.dma_semaphore, #tpu.memory_space<semaphore_mem>>) src(%arg9 : memref<24x128xf32, #tpu.memory_space<vmem>>) dst(%dma_wait3A_136 : memref<24x128xf32, #tpu.memory_space<vmem_shared>>)
      tpu.yield
    }) : () -> ()
    %add3A_9 = arith.constant 48 : i32
    %add3A_10 = arith.addi %mul3A_5, %add3A_9 : i32
    "tpu.region"() ({
      %run_scoped3A = tpu.sem_alloc : memref<!tpu.dma_semaphore, #tpu.memory_space<semaphore_mem>>
      %dma_start3A_130 = arith.constant 0 : i32
      %dma_start3A_131 = tpu.memref_slice %arg10[%add3A_10, %dma_start3A_130] : memref<10000x128xf32, #tpu.memory_space<vmem_shared>> -> memref<24x128xf32, #tpu.memory_space<vmem_shared>>
      %dma_start3A_132 = arith.constant 0 : i32
      %dma_start3A_133 = tpu.memref_slice %arg10[%add3A_10, %dma_start3A_132] : memref<10000x128xf32, #tpu.memory_space<vmem_shared>> -> memref<24x128xf32, #tpu.memory_space<vmem_shared>>
      tpu.enqueue_dma source(%arg9 : memref<24x128xf32, #tpu.memory_space<vmem>>) target(%dma_start3A_133 : memref<24x128xf32, #tpu.memory_space<vmem_shared>>) target_semaphore(%run_scoped3A : memref<!tpu.dma_semaphore, #tpu.memory_space<semaphore_mem>>)
      %dma_wait3A = arith.constant 0 : i32
      %dma_wait3A_134 = tpu.memref_slice %arg10[%add3A_10, %dma_wait3A] : memref<10000x128xf32, #tpu.memory_space<vmem_shared>> -> memref<24x128xf32, #tpu.memory_space<vmem_shared>>
      %dma_wait3A_135 = arith.constant 0 : i32
      %dma_wait3A_136 = tpu.memref_slice %arg10[%add3A_10, %dma_wait3A_135] : memref<10000x128xf32, #tpu.memory_space<vmem_shared>> -> memref<24x128xf32, #tpu.memory_space<vmem_shared>>
      tpu.wait_dma2 semaphore(%run_scoped3A : memref<!tpu.dma_semaphore, #tpu.memory_space<semaphore_mem>>) src(%arg9 : memref<24x128xf32, #tpu.memory_space<vmem>>) dst(%dma_wait3A_136 : memref<24x128xf32, #tpu.memory_space<vmem_shared>>)
      tpu.yield
    }) : () -> ()
    %add3A_11 = arith.constant 72 : i32
    %add3A_12 = arith.addi %mul3A_5, %add3A_11 : i32
    "tpu.region"() ({
      %run_scoped3A = tpu.sem_alloc : memref<!tpu.dma_semaphore, #tpu.memory_space<semaphore_mem>>
      %dma_start3A_130 = arith.constant 0 : i32
      %dma_start3A_131 = tpu.memref_slice %arg10[%add3A_12, %dma_start3A_130] : memref<10000x128xf32, #tpu.memory_space<vmem_shared>> -> memref<24x128xf32, #tpu.memory_space<vmem_shared>>
      %dma_start3A_132 = arith.constant 0 : i32
      %dma_start3A_133 = tpu.memref_slice %arg10[%add3A_12, %dma_start3A_132] : memref<10000x128xf32, #tpu.memory_space<vmem_shared>> -> memref<24x128xf32, #tpu.memory_space<vmem_shared>>
      tpu.enqueue_dma source(%arg9 : memref<24x128xf32, #tpu.memory_space<vmem>>) target(%dma_start3A_133 : memref<24x128xf32, #tpu.memory_space<vmem_shared>>) target_semaphore(%run_scoped3A : memref<!tpu.dma_semaphore, #tpu.memory_space<semaphore_mem>>)
      %dma_wait3A = arith.constant 0 : i32
      %dma_wait3A_134 = tpu.memref_slice %arg10[%add3A_12, %dma_wait3A] : memref<10000x128xf32, #tpu.memory_space<vmem_shared>> -> memref<24x128xf32, #tpu.memory_space<vmem_shared>>
      %dma_wait3A_135 = arith.constant 0 : i32
      %dma_wait3A_136 = tpu.memref_slice %arg10[%add3A_12, %dma_wait3A_135] : memref<10000x128xf32, #tpu.memory_space<vmem_shared>> -> memref<24x128xf32, #tpu.memory_space<vmem_shared>>
      tpu.wait_dma2 semaphore(%run_scoped3A : memref<!tpu.dma_semaphore, #tpu.memory_space<semaphore_mem>>) src(%arg9 : memref<24x128xf32, #tpu.memory_space<vmem>>) dst(%dma_wait3A_136 : memref<24x128xf32, #tpu.memory_space<vmem_shared>>)
      tpu.yield
    }) : () -> ()
    %add3A_13 = arith.constant 96 : i32
    %add3A_14 = arith.addi %mul3A_5, %add3A_13 : i32
    "tpu.region"() ({
      %run_scoped3A = tpu.sem_alloc : memref<!tpu.dma_semaphore, #tpu.memory_space<semaphore_mem>>
      %dma_start3A_130 = arith.constant 0 : i32
      %dma_start3A_131 = tpu.memref_slice %arg10[%add3A_14, %dma_start3A_130] : memref<10000x128xf32, #tpu.memory_space<vmem_shared>> -> memref<24x128xf32, #tpu.memory_space<vmem_shared>>
      %dma_start3A_132 = arith.constant 0 : i32
      %dma_start3A_133 = tpu.memref_slice %arg10[%add3A_14, %dma_start3A_132] : memref<10000x128xf32, #tpu.memory_space<vmem_shared>> -> memref<24x128xf32, #tpu.memory_space<vmem_shared>>
      tpu.enqueue_dma source(%arg9 : memref<24x128xf32, #tpu.memory_space<vmem>>) target(%dma_start3A_133 : memref<24x128xf32, #tpu.memory_space<vmem_shared>>) target_semaphore(%run_scoped3A : memref<!tpu.dma_semaphore, #tpu.memory_space<semaphore_mem>>)
      %dma_wait3A = arith.constant 0 : i32
      %dma_wait3A_134 = tpu.memref_slice %arg10[%add3A_14, %dma_wait3A] : memref<10000x128xf32, #tpu.memory_space<vmem_shared>> -> memref<24x128xf32, #tpu.memory_space<vmem_shared>>
      %dma_wait3A_135 = arith.constant 0 : i32
      %dma_wait3A_136 = tpu.memref_slice %arg10[%add3A_14, %dma_wait3A_135] : memref<10000x128xf32, #tpu.memory_space<vmem_shared>> -> memref<24x128xf32, #tpu.memory_space<vmem_shared>>
      tpu.wait_dma2 semaphore(%run_scoped3A : memref<!tpu.dma_semaphore, #tpu.memory_space<semaphore_mem>>) src(%arg9 : memref<24x128xf32, #tpu.memory_space<vmem>>) dst(%dma_wait3A_136 : memref<24x128xf32, #tpu.memory_space<vmem_shared>>)
      tpu.yield
    }) : () -> ()
    %add3A_15 = arith.constant 120 : i32
    %add3A_16 = arith.addi %mul3A_5, %add3A_15 : i32
    "tpu.region"() ({
      %run_scoped3A = tpu.sem_alloc : memref<!tpu.dma_semaphore, #tpu.memory_space<semaphore_mem>>
      %dma_start3A_130 = arith.constant 0 : i32
      %dma_start3A_131 = tpu.memref_slice %arg10[%add3A_16, %dma_start3A_130] : memref<10000x128xf32, #tpu.memory_space<vmem_shared>> -> memref<24x128xf32, #tpu.memory_space<vmem_shared>>
      %dma_start3A_132 = arith.constant 0 : i32
      %dma_start3A_133 = tpu.memref_slice %arg10[%add3A_16, %dma_start3A_132] : memref<10000x128xf32, #tpu.memory_space<vmem_shared>> -> memref<24x128xf32, #tpu.memory_space<vmem_shared>>
      tpu.enqueue_dma source(%arg9 : memref<24x128xf32, #tpu.memory_space<vmem>>) target(%dma_start3A_133 : memref<24x128xf32, #tpu.memory_space<vmem_shared>>) target_semaphore(%run_scoped3A : memref<!tpu.dma_semaphore, #tpu.memory_space<semaphore_mem>>)
      %dma_wait3A = arith.constant 0 : i32
      %dma_wait3A_134 = tpu.memref_slice %arg10[%add3A_16, %dma_wait3A] : memref<10000x128xf32, #tpu.memory_space<vmem_shared>> -> memref<24x128xf32, #tpu.memory_space<vmem_shared>>
      %dma_wait3A_135 = arith.constant 0 : i32
      %dma_wait3A_136 = tpu.memref_slice %arg10[%add3A_16, %dma_wait3A_135] : memref<10000x128xf32, #tpu.memory_space<vmem_shared>> -> memref<24x128xf32, #tpu.memory_space<vmem_shared>>
      tpu.wait_dma2 semaphore(%run_scoped3A : memref<!tpu.dma_semaphore, #tpu.memory_space<semaphore_mem>>) src(%arg9 : memref<24x128xf32, #tpu.memory_space<vmem>>) dst(%dma_wait3A_136 : memref<24x128xf32, #tpu.memory_space<vmem_shared>>)
      tpu.yield
    }) : () -> ()
    %add3A_17 = arith.constant 144 : i32
    %add3A_18 = arith.addi %mul3A_5, %add3A_17 : i32
    "tpu.region"() ({
      %run_scoped3A = tpu.sem_alloc : memref<!tpu.dma_semaphore, #tpu.memory_space<semaphore_mem>>
      %dma_start3A_130 = arith.constant 0 : i32
      %dma_start3A_131 = tpu.memref_slice %arg10[%add3A_18, %dma_start3A_130] : memref<10000x128xf32, #tpu.memory_space<vmem_shared>> -> memref<24x128xf32, #tpu.memory_space<vmem_shared>>
      %dma_start3A_132 = arith.constant 0 : i32
      %dma_start3A_133 = tpu.memref_slice %arg10[%add3A_18, %dma_start3A_132] : memref<10000x128xf32, #tpu.memory_space<vmem_shared>> -> memref<24x128xf32, #tpu.memory_space<vmem_shared>>
      tpu.enqueue_dma source(%arg9 : memref<24x128xf32, #tpu.memory_space<vmem>>) target(%dma_start3A_133 : memref<24x128xf32, #tpu.memory_space<vmem_shared>>) target_semaphore(%run_scoped3A : memref<!tpu.dma_semaphore, #tpu.memory_space<semaphore_mem>>)
      %dma_wait3A = arith.constant 0 : i32
      %dma_wait3A_134 = tpu.memref_slice %arg10[%add3A_18, %dma_wait3A] : memref<10000x128xf32, #tpu.memory_space<vmem_shared>> -> memref<24x128xf32, #tpu.memory_space<vmem_shared>>
      %dma_wait3A_135 = arith.constant 0 : i32
      %dma_wait3A_136 = tpu.memref_slice %arg10[%add3A_18, %dma_wait3A_135] : memref<10000x128xf32, #tpu.memory_space<vmem_shared>> -> memref<24x128xf32, #tpu.memory_space<vmem_shared>>
      tpu.wait_dma2 semaphore(%run_scoped3A : memref<!tpu.dma_semaphore, #tpu.memory_space<semaphore_mem>>) src(%arg9 : memref<24x128xf32, #tpu.memory_space<vmem>>) dst(%dma_wait3A_136 : memref<24x128xf32, #tpu.memory_space<vmem_shared>>)
      tpu.yield
    }) : () -> ()
    %add3A_19 = arith.constant 168 : i32
    %add3A_20 = arith.addi %mul3A_5, %add3A_19 : i32
    "tpu.region"() ({
      %run_scoped3A = tpu.sem_alloc : memref<!tpu.dma_semaphore, #tpu.memory_space<semaphore_mem>>
      %dma_start3A_130 = arith.constant 0 : i32
      %dma_start3A_131 = tpu.memref_slice %arg10[%add3A_20, %dma_start3A_130] : memref<10000x128xf32, #tpu.memory_space<vmem_shared>> -> memref<24x128xf32, #tpu.memory_space<vmem_shared>>
      %dma_start3A_132 = arith.constant 0 : i32
      %dma_start3A_133 = tpu.memref_slice %arg10[%add3A_20, %dma_start3A_132] : memref<10000x128xf32, #tpu.memory_space<vmem_shared>> -> memref<24x128xf32, #tpu.memory_space<vmem_shared>>
      tpu.enqueue_dma source(%arg9 : memref<24x128xf32, #tpu.memory_space<vmem>>) target(%dma_start3A_133 : memref<24x128xf32, #tpu.memory_space<vmem_shared>>) target_semaphore(%run_scoped3A : memref<!tpu.dma_semaphore, #tpu.memory_space<semaphore_mem>>)
      %dma_wait3A = arith.constant 0 : i32
      %dma_wait3A_134 = tpu.memref_slice %arg10[%add3A_20, %dma_wait3A] : memref<10000x128xf32, #tpu.memory_space<vmem_shared>> -> memref<24x128xf32, #tpu.memory_space<vmem_shared>>
      %dma_wait3A_135 = arith.constant 0 : i32
      %dma_wait3A_136 = tpu.memref_slice %arg10[%add3A_20, %dma_wait3A_135] : memref<10000x128xf32, #tpu.memory_space<vmem_shared>> -> memref<24x128xf32, #tpu.memory_space<vmem_shared>>
      tpu.wait_dma2 semaphore(%run_scoped3A : memref<!tpu.dma_semaphore, #tpu.memory_space<semaphore_mem>>) src(%arg9 : memref<24x128xf32, #tpu.memory_space<vmem>>) dst(%dma_wait3A_136 : memref<24x128xf32, #tpu.memory_space<vmem_shared>>)
      tpu.yield
    }) : () -> ()
    %add3A_21 = arith.constant 192 : i32
    %add3A_22 = arith.addi %mul3A_5, %add3A_21 : i32
    "tpu.region"() ({
      %run_scoped3A = tpu.sem_alloc : memref<!tpu.dma_semaphore, #tpu.memory_space<semaphore_mem>>
      %dma_start3A_130 = arith.constant 0 : i32
      %dma_start3A_131 = tpu.memref_slice %arg10[%add3A_22, %dma_start3A_130] : memref<10000x128xf32, #tpu.memory_space<vmem_shared>> -> memref<24x128xf32, #tpu.memory_space<vmem_shared>>
      %dma_start3A_132 = arith.constant 0 : i32
      %dma_start3A_133 = tpu.memref_slice %arg10[%add3A_22, %dma_start3A_132] : memref<10000x128xf32, #tpu.memory_space<vmem_shared>> -> memref<24x128xf32, #tpu.memory_space<vmem_shared>>
      tpu.enqueue_dma source(%arg9 : memref<24x128xf32, #tpu.memory_space<vmem>>) target(%dma_start3A_133 : memref<24x128xf32, #tpu.memory_space<vmem_shared>>) target_semaphore(%run_scoped3A : memref<!tpu.dma_semaphore, #tpu.memory_space<semaphore_mem>>)
      %dma_wait3A = arith.constant 0 : i32
      %dma_wait3A_134 = tpu.memref_slice %arg10[%add3A_22, %dma_wait3A] : memref<10000x128xf32, #tpu.memory_space<vmem_shared>> -> memref<24x128xf32, #tpu.memory_space<vmem_shared>>
      %dma_wait3A_135 = arith.constant 0 : i32
      %dma_wait3A_136 = tpu.memref_slice %arg10[%add3A_22, %dma_wait3A_135] : memref<10000x128xf32, #tpu.memory_space<vmem_shared>> -> memref<24x128xf32, #tpu.memory_space<vmem_shared>>
      tpu.wait_dma2 semaphore(%run_scoped3A : memref<!tpu.dma_semaphore, #tpu.memory_space<semaphore_mem>>) src(%arg9 : memref<24x128xf32, #tpu.memory_space<vmem>>) dst(%dma_wait3A_136 : memref<24x128xf32, #tpu.memory_space<vmem_shared>>)
      tpu.yield
    }) : () -> ()
    %add3A_23 = arith.constant 216 : i32
    %add3A_24 = arith.addi %mul3A_5, %add3A_23 : i32
    "tpu.region"() ({
      %run_scoped3A = tpu.sem_alloc : memref<!tpu.dma_semaphore, #tpu.memory_space<semaphore_mem>>
      %dma_start3A_130 = arith.constant 0 : i32
      %dma_start3A_131 = tpu.memref_slice %arg10[%add3A_24, %dma_start3A_130] : memref<10000x128xf32, #tpu.memory_space<vmem_shared>> -> memref<24x128xf32, #tpu.memory_space<vmem_shared>>
      %dma_start3A_132 = arith.constant 0 : i32
      %dma_start3A_133 = tpu.memref_slice %arg10[%add3A_24, %dma_start3A_132] : memref<10000x128xf32, #tpu.memory_space<vmem_shared>> -> memref<24x128xf32, #tpu.memory_space<vmem_shared>>
      tpu.enqueue_dma source(%arg9 : memref<24x128xf32, #tpu.memory_space<vmem>>) target(%dma_start3A_133 : memref<24x128xf32, #tpu.memory_space<vmem_shared>>) target_semaphore(%run_scoped3A : memref<!tpu.dma_semaphore, #tpu.memory_space<semaphore_mem>>)
      %dma_wait3A = arith.constant 0 : i32
      %dma_wait3A_134 = tpu.memref_slice %arg10[%add3A_24, %dma_wait3A] : memref<10000x128xf32, #tpu.memory_space<vmem_shared>> -> memref<24x128xf32, #tpu.memory_space<vmem_shared>>
      %dma_wait3A_135 = arith.constant 0 : i32
      %dma_wait3A_136 = tpu.memref_slice %arg10[%add3A_24, %dma_wait3A_135] : memref<10000x128xf32, #tpu.memory_space<vmem_shared>> -> memref<24x128xf32, #tpu.memory_space<vmem_shared>>
      tpu.wait_dma2 semaphore(%run_scoped3A : memref<!tpu.dma_semaphore, #tpu.memory_space<semaphore_mem>>) src(%arg9 : memref<24x128xf32, #tpu.memory_space<vmem>>) dst(%dma_wait3A_136 : memref<24x128xf32, #tpu.memory_space<vmem_shared>>)
      tpu.yield
    }) : () -> ()
    %add3A_25 = arith.constant 240 : i32
    %add3A_26 = arith.addi %mul3A_5, %add3A_25 : i32
    "tpu.region"() ({
      %run_scoped3A = tpu.sem_alloc : memref<!tpu.dma_semaphore, #tpu.memory_space<semaphore_mem>>
      %dma_start3A_130 = arith.constant 0 : i32
      %dma_start3A_131 = tpu.memref_slice %arg10[%add3A_26, %dma_start3A_130] : memref<10000x128xf32, #tpu.memory_space<vmem_shared>> -> memref<24x128xf32, #tpu.memory_space<vmem_shared>>
      %dma_start3A_132 = arith.constant 0 : i32
      %dma_start3A_133 = tpu.memref_slice %arg10[%add3A_26, %dma_start3A_132] : memref<10000x128xf32, #tpu.memory_space<vmem_shared>> -> memref<24x128xf32, #tpu.memory_space<vmem_shared>>
      tpu.enqueue_dma source(%arg9 : memref<24x128xf32, #tpu.memory_space<vmem>>) target(%dma_start3A_133 : memref<24x128xf32, #tpu.memory_space<vmem_shared>>) target_semaphore(%run_scoped3A : memref<!tpu.dma_semaphore, #tpu.memory_space<semaphore_mem>>)
      %dma_wait3A = arith.constant 0 : i32
      %dma_wait3A_134 = tpu.memref_slice %arg10[%add3A_26, %dma_wait3A] : memref<10000x128xf32, #tpu.memory_space<vmem_shared>> -> memref<24x128xf32, #tpu.memory_space<vmem_shared>>
      %dma_wait3A_135 = arith.constant 0 : i32
      %dma_wait3A_136 = tpu.memref_slice %arg10[%add3A_26, %dma_wait3A_135] : memref<10000x128xf32, #tpu.memory_space<vmem_shared>> -> memref<24x128xf32, #tpu.memory_space<vmem_shared>>
      tpu.wait_dma2 semaphore(%run_scoped3A : memref<!tpu.dma_semaphore, #tpu.memory_space<semaphore_mem>>) src(%arg9 : memref<24x128xf32, #tpu.memory_space<vmem>>) dst(%dma_wait3A_136 : memref<24x128xf32, #tpu.memory_space<vmem_shared>>)
      tpu.yield
    }) : () -> ()
    %add3A_27 = arith.constant 264 : i32
    %add3A_28 = arith.addi %mul3A_5, %add3A_27 : i32
    "tpu.region"() ({
      %run_scoped3A = tpu.sem_alloc : memref<!tpu.dma_semaphore, #tpu.memory_space<semaphore_mem>>
      %dma_start3A_130 = arith.constant 0 : i32
      %dma_start3A_131 = tpu.memref_slice %arg10[%add3A_28, %dma_start3A_130] : memref<10000x128xf32, #tpu.memory_space<vmem_shared>> -> memref<24x128xf32, #tpu.memory_space<vmem_shared>>
      %dma_start3A_132 = arith.constant 0 : i32
      %dma_start3A_133 = tpu.memref_slice %arg10[%add3A_28, %dma_start3A_132] : memref<10000x128xf32, #tpu.memory_space<vmem_shared>> -> memref<24x128xf32, #tpu.memory_space<vmem_shared>>
      tpu.enqueue_dma source(%arg9 : memref<24x128xf32, #tpu.memory_space<vmem>>) target(%dma_start3A_133 : memref<24x128xf32, #tpu.memory_space<vmem_shared>>) target_semaphore(%run_scoped3A : memref<!tpu.dma_semaphore, #tpu.memory_space<semaphore_mem>>)
      %dma_wait3A = arith.constant 0 : i32
      %dma_wait3A_134 = tpu.memref_slice %arg10[%add3A_28, %dma_wait3A] : memref<10000x128xf32, #tpu.memory_space<vmem_shared>> -> memref<24x128xf32, #tpu.memory_space<vmem_shared>>
      %dma_wait3A_135 = arith.constant 0 : i32
      %dma_wait3A_136 = tpu.memref_slice %arg10[%add3A_28, %dma_wait3A_135] : memref<10000x128xf32, #tpu.memory_space<vmem_shared>> -> memref<24x128xf32, #tpu.memory_space<vmem_shared>>
      tpu.wait_dma2 semaphore(%run_scoped3A : memref<!tpu.dma_semaphore, #tpu.memory_space<semaphore_mem>>) src(%arg9 : memref<24x128xf32, #tpu.memory_space<vmem>>) dst(%dma_wait3A_136 : memref<24x128xf32, #tpu.memory_space<vmem_shared>>)
      tpu.yield
    }) : () -> ()
    %add3A_29 = arith.constant 288 : i32
    %add3A_30 = arith.addi %mul3A_5, %add3A_29 : i32
    "tpu.region"() ({
      %run_scoped3A = tpu.sem_alloc : memref<!tpu.dma_semaphore, #tpu.memory_space<semaphore_mem>>
      %dma_start3A_130 = arith.constant 0 : i32
      %dma_start3A_131 = tpu.memref_slice %arg10[%add3A_30, %dma_start3A_130] : memref<10000x128xf32, #tpu.memory_space<vmem_shared>> -> memref<24x128xf32, #tpu.memory_space<vmem_shared>>
      %dma_start3A_132 = arith.constant 0 : i32
      %dma_start3A_133 = tpu.memref_slice %arg10[%add3A_30, %dma_start3A_132] : memref<10000x128xf32, #tpu.memory_space<vmem_shared>> -> memref<24x128xf32, #tpu.memory_space<vmem_shared>>
      tpu.enqueue_dma source(%arg9 : memref<24x128xf32, #tpu.memory_space<vmem>>) target(%dma_start3A_133 : memref<24x128xf32, #tpu.memory_space<vmem_shared>>) target_semaphore(%run_scoped3A : memref<!tpu.dma_semaphore, #tpu.memory_space<semaphore_mem>>)
      %dma_wait3A = arith.constant 0 : i32
      %dma_wait3A_134 = tpu.memref_slice %arg10[%add3A_30, %dma_wait3A] : memref<10000x128xf32, #tpu.memory_space<vmem_shared>> -> memref<24x128xf32, #tpu.memory_space<vmem_shared>>
      %dma_wait3A_135 = arith.constant 0 : i32
      %dma_wait3A_136 = tpu.memref_slice %arg10[%add3A_30, %dma_wait3A_135] : memref<10000x128xf32, #tpu.memory_space<vmem_shared>> -> memref<24x128xf32, #tpu.memory_space<vmem_shared>>
      tpu.wait_dma2 semaphore(%run_scoped3A : memref<!tpu.dma_semaphore, #tpu.memory_space<semaphore_mem>>) src(%arg9 : memref<24x128xf32, #tpu.memory_space<vmem>>) dst(%dma_wait3A_136 : memref<24x128xf32, #tpu.memory_space<vmem_shared>>)
      tpu.yield
    }) : () -> ()
    %add3A_31 = arith.constant 312 : i32
    %add3A_32 = arith.addi %mul3A_5, %add3A_31 : i32
    "tpu.region"() ({
      %run_scoped3A = tpu.sem_alloc : memref<!tpu.dma_semaphore, #tpu.memory_space<semaphore_mem>>
      %dma_start3A_130 = arith.constant 0 : i32
      %dma_start3A_131 = tpu.memref_slice %arg10[%add3A_32, %dma_start3A_130] : memref<10000x128xf32, #tpu.memory_space<vmem_shared>> -> memref<24x128xf32, #tpu.memory_space<vmem_shared>>
      %dma_start3A_132 = arith.constant 0 : i32
      %dma_start3A_133 = tpu.memref_slice %arg10[%add3A_32, %dma_start3A_132] : memref<10000x128xf32, #tpu.memory_space<vmem_shared>> -> memref<24x128xf32, #tpu.memory_space<vmem_shared>>
      tpu.enqueue_dma source(%arg9 : memref<24x128xf32, #tpu.memory_space<vmem>>) target(%dma_start3A_133 : memref<24x128xf32, #tpu.memory_space<vmem_shared>>) target_semaphore(%run_scoped3A : memref<!tpu.dma_semaphore, #tpu.memory_space<semaphore_mem>>)
      %dma_wait3A = arith.constant 0 : i32
      %dma_wait3A_134 = tpu.memref_slice %arg10[%add3A_32, %dma_wait3A] : memref<10000x128xf32, #tpu.memory_space<vmem_shared>> -> memref<24x128xf32, #tpu.memory_space<vmem_shared>>
      %dma_wait3A_135 = arith.constant 0 : i32
      %dma_wait3A_136 = tpu.memref_slice %arg10[%add3A_32, %dma_wait3A_135] : memref<10000x128xf32, #tpu.memory_space<vmem_shared>> -> memref<24x128xf32, #tpu.memory_space<vmem_shared>>
      tpu.wait_dma2 semaphore(%run_scoped3A : memref<!tpu.dma_semaphore, #tpu.memory_space<semaphore_mem>>) src(%arg9 : memref<24x128xf32, #tpu.memory_space<vmem>>) dst(%dma_wait3A_136 : memref<24x128xf32, #tpu.memory_space<vmem_shared>>)
      tpu.yield
    }) : () -> ()
    %add3A_33 = arith.constant 336 : i32
    %add3A_34 = arith.addi %mul3A_5, %add3A_33 : i32
    "tpu.region"() ({
      %run_scoped3A = tpu.sem_alloc : memref<!tpu.dma_semaphore, #tpu.memory_space<semaphore_mem>>
      %dma_start3A_130 = arith.constant 0 : i32
      %dma_start3A_131 = tpu.memref_slice %arg10[%add3A_34, %dma_start3A_130] : memref<10000x128xf32, #tpu.memory_space<vmem_shared>> -> memref<24x128xf32, #tpu.memory_space<vmem_shared>>
      %dma_start3A_132 = arith.constant 0 : i32
      %dma_start3A_133 = tpu.memref_slice %arg10[%add3A_34, %dma_start3A_132] : memref<10000x128xf32, #tpu.memory_space<vmem_shared>> -> memref<24x128xf32, #tpu.memory_space<vmem_shared>>
      tpu.enqueue_dma source(%arg9 : memref<24x128xf32, #tpu.memory_space<vmem>>) target(%dma_start3A_133 : memref<24x128xf32, #tpu.memory_space<vmem_shared>>) target_semaphore(%run_scoped3A : memref<!tpu.dma_semaphore, #tpu.memory_space<semaphore_mem>>)
      %dma_wait3A = arith.constant 0 : i32
      %dma_wait3A_134 = tpu.memref_slice %arg10[%add3A_34, %dma_wait3A] : memref<10000x128xf32, #tpu.memory_space<vmem_shared>> -> memref<24x128xf32, #tpu.memory_space<vmem_shared>>
      %dma_wait3A_135 = arith.constant 0 : i32
      %dma_wait3A_136 = tpu.memref_slice %arg10[%add3A_34, %dma_wait3A_135] : memref<10000x128xf32, #tpu.memory_space<vmem_shared>> -> memref<24x128xf32, #tpu.memory_space<vmem_shared>>
      tpu.wait_dma2 semaphore(%run_scoped3A : memref<!tpu.dma_semaphore, #tpu.memory_space<semaphore_mem>>) src(%arg9 : memref<24x128xf32, #tpu.memory_space<vmem>>) dst(%dma_wait3A_136 : memref<24x128xf32, #tpu.memory_space<vmem_shared>>)
      tpu.yield
    }) : () -> ()
    %add3A_35 = arith.constant 360 : i32
    %add3A_36 = arith.addi %mul3A_5, %add3A_35 : i32
    "tpu.region"() ({
      %run_scoped3A = tpu.sem_alloc : memref<!tpu.dma_semaphore, #tpu.memory_space<semaphore_mem>>
      %dma_start3A_130 = arith.constant 0 : i32
      %dma_start3A_131 = tpu.memref_slice %arg10[%add3A_36, %dma_start3A_130] : memref<10000x128xf32, #tpu.memory_space<vmem_shared>> -> memref<24x128xf32, #tpu.memory_space<vmem_shared>>
      %dma_start3A_132 = arith.constant 0 : i32
      %dma_start3A_133 = tpu.memref_slice %arg10[%add3A_36, %dma_start3A_132] : memref<10000x128xf32, #tpu.memory_space<vmem_shared>> -> memref<24x128xf32, #tpu.memory_space<vmem_shared>>
      tpu.enqueue_dma source(%arg9 : memref<24x128xf32, #tpu.memory_space<vmem>>) target(%dma_start3A_133 : memref<24x128xf32, #tpu.memory_space<vmem_shared>>) target_semaphore(%run_scoped3A : memref<!tpu.dma_semaphore, #tpu.memory_space<semaphore_mem>>)
      %dma_wait3A = arith.constant 0 : i32
      %dma_wait3A_134 = tpu.memref_slice %arg10[%add3A_36, %dma_wait3A] : memref<10000x128xf32, #tpu.memory_space<vmem_shared>> -> memref<24x128xf32, #tpu.memory_space<vmem_shared>>
      %dma_wait3A_135 = arith.constant 0 : i32
      %dma_wait3A_136 = tpu.memref_slice %arg10[%add3A_36, %dma_wait3A_135] : memref<10000x128xf32, #tpu.memory_space<vmem_shared>> -> memref<24x128xf32, #tpu.memory_space<vmem_shared>>
      tpu.wait_dma2 semaphore(%run_scoped3A : memref<!tpu.dma_semaphore, #tpu.memory_space<semaphore_mem>>) src(%arg9 : memref<24x128xf32, #tpu.memory_space<vmem>>) dst(%dma_wait3A_136 : memref<24x128xf32, #tpu.memory_space<vmem_shared>>)
      tpu.yield
    }) : () -> ()
    %add3A_37 = arith.constant 384 : i32
    %add3A_38 = arith.addi %mul3A_5, %add3A_37 : i32
    "tpu.region"() ({
      %run_scoped3A = tpu.sem_alloc : memref<!tpu.dma_semaphore, #tpu.memory_space<semaphore_mem>>
      %dma_start3A_130 = arith.constant 0 : i32
      %dma_start3A_131 = tpu.memref_slice %arg10[%add3A_38, %dma_start3A_130] : memref<10000x128xf32, #tpu.memory_space<vmem_shared>> -> memref<24x128xf32, #tpu.memory_space<vmem_shared>>
      %dma_start3A_132 = arith.constant 0 : i32
      %dma_start3A_133 = tpu.memref_slice %arg10[%add3A_38, %dma_start3A_132] : memref<10000x128xf32, #tpu.memory_space<vmem_shared>> -> memref<24x128xf32, #tpu.memory_space<vmem_shared>>
      tpu.enqueue_dma source(%arg9 : memref<24x128xf32, #tpu.memory_space<vmem>>) target(%dma_start3A_133 : memref<24x128xf32, #tpu.memory_space<vmem_shared>>) target_semaphore(%run_scoped3A : memref<!tpu.dma_semaphore, #tpu.memory_space<semaphore_mem>>)
      %dma_wait3A = arith.constant 0 : i32
      %dma_wait3A_134 = tpu.memref_slice %arg10[%add3A_38, %dma_wait3A] : memref<10000x128xf32, #tpu.memory_space<vmem_shared>> -> memref<24x128xf32, #tpu.memory_space<vmem_shared>>
      %dma_wait3A_135 = arith.constant 0 : i32
      %dma_wait3A_136 = tpu.memref_slice %arg10[%add3A_38, %dma_wait3A_135] : memref<10000x128xf32, #tpu.memory_space<vmem_shared>> -> memref<24x128xf32, #tpu.memory_space<vmem_shared>>
      tpu.wait_dma2 semaphore(%run_scoped3A : memref<!tpu.dma_semaphore, #tpu.memory_space<semaphore_mem>>) src(%arg9 : memref<24x128xf32, #tpu.memory_space<vmem>>) dst(%dma_wait3A_136 : memref<24x128xf32, #tpu.memory_space<vmem_shared>>)
      tpu.yield
    }) : () -> ()
    %add3A_39 = arith.constant 408 : i32
    %add3A_40 = arith.addi %mul3A_5, %add3A_39 : i32
    "tpu.region"() ({
      %run_scoped3A = tpu.sem_alloc : memref<!tpu.dma_semaphore, #tpu.memory_space<semaphore_mem>>
      %dma_start3A_130 = arith.constant 0 : i32
      %dma_start3A_131 = tpu.memref_slice %arg10[%add3A_40, %dma_start3A_130] : memref<10000x128xf32, #tpu.memory_space<vmem_shared>> -> memref<24x128xf32, #tpu.memory_space<vmem_shared>>
      %dma_start3A_132 = arith.constant 0 : i32
      %dma_start3A_133 = tpu.memref_slice %arg10[%add3A_40, %dma_start3A_132] : memref<10000x128xf32, #tpu.memory_space<vmem_shared>> -> memref<24x128xf32, #tpu.memory_space<vmem_shared>>
      tpu.enqueue_dma source(%arg9 : memref<24x128xf32, #tpu.memory_space<vmem>>) target(%dma_start3A_133 : memref<24x128xf32, #tpu.memory_space<vmem_shared>>) target_semaphore(%run_scoped3A : memref<!tpu.dma_semaphore, #tpu.memory_space<semaphore_mem>>)
      %dma_wait3A = arith.constant 0 : i32
      %dma_wait3A_134 = tpu.memref_slice %arg10[%add3A_40, %dma_wait3A] : memref<10000x128xf32, #tpu.memory_space<vmem_shared>> -> memref<24x128xf32, #tpu.memory_space<vmem_shared>>
      %dma_wait3A_135 = arith.constant 0 : i32
      %dma_wait3A_136 = tpu.memref_slice %arg10[%add3A_40, %dma_wait3A_135] : memref<10000x128xf32, #tpu.memory_space<vmem_shared>> -> memref<24x128xf32, #tpu.memory_space<vmem_shared>>
      tpu.wait_dma2 semaphore(%run_scoped3A : memref<!tpu.dma_semaphore, #tpu.memory_space<semaphore_mem>>) src(%arg9 : memref<24x128xf32, #tpu.memory_space<vmem>>) dst(%dma_wait3A_136 : memref<24x128xf32, #tpu.memory_space<vmem_shared>>)
      tpu.yield
    }) : () -> ()
    %add3A_41 = arith.constant 432 : i32
    %add3A_42 = arith.addi %mul3A_5, %add3A_41 : i32
    "tpu.region"() ({
      %run_scoped3A = tpu.sem_alloc : memref<!tpu.dma_semaphore, #tpu.memory_space<semaphore_mem>>
      %dma_start3A_130 = arith.constant 0 : i32
      %dma_start3A_131 = tpu.memref_slice %arg10[%add3A_42, %dma_start3A_130] : memref<10000x128xf32, #tpu.memory_space<vmem_shared>> -> memref<24x128xf32, #tpu.memory_space<vmem_shared>>
      %dma_start3A_132 = arith.constant 0 : i32
      %dma_start3A_133 = tpu.memref_slice %arg10[%add3A_42, %dma_start3A_132] : memref<10000x128xf32, #tpu.memory_space<vmem_shared>> -> memref<24x128xf32, #tpu.memory_space<vmem_shared>>
      tpu.enqueue_dma source(%arg9 : memref<24x128xf32, #tpu.memory_space<vmem>>) target(%dma_start3A_133 : memref<24x128xf32, #tpu.memory_space<vmem_shared>>) target_semaphore(%run_scoped3A : memref<!tpu.dma_semaphore, #tpu.memory_space<semaphore_mem>>)
      %dma_wait3A = arith.constant 0 : i32
      %dma_wait3A_134 = tpu.memref_slice %arg10[%add3A_42, %dma_wait3A] : memref<10000x128xf32, #tpu.memory_space<vmem_shared>> -> memref<24x128xf32, #tpu.memory_space<vmem_shared>>
      %dma_wait3A_135 = arith.constant 0 : i32
      %dma_wait3A_136 = tpu.memref_slice %arg10[%add3A_42, %dma_wait3A_135] : memref<10000x128xf32, #tpu.memory_space<vmem_shared>> -> memref<24x128xf32, #tpu.memory_space<vmem_shared>>
      tpu.wait_dma2 semaphore(%run_scoped3A : memref<!tpu.dma_semaphore, #tpu.memory_space<semaphore_mem>>) src(%arg9 : memref<24x128xf32, #tpu.memory_space<vmem>>) dst(%dma_wait3A_136 : memref<24x128xf32, #tpu.memory_space<vmem_shared>>)
      tpu.yield
    }) : () -> ()
    %add3A_43 = arith.constant 456 : i32
    %add3A_44 = arith.addi %mul3A_5, %add3A_43 : i32
    "tpu.region"() ({
      %run_scoped3A = tpu.sem_alloc : memref<!tpu.dma_semaphore, #tpu.memory_space<semaphore_mem>>
      %dma_start3A_130 = arith.constant 0 : i32
      %dma_start3A_131 = tpu.memref_slice %arg10[%add3A_44, %dma_start3A_130] : memref<10000x128xf32, #tpu.memory_space<vmem_shared>> -> memref<24x128xf32, #tpu.memory_space<vmem_shared>>
      %dma_start3A_132 = arith.constant 0 : i32
      %dma_start3A_133 = tpu.memref_slice %arg10[%add3A_44, %dma_start3A_132] : memref<10000x128xf32, #tpu.memory_space<vmem_shared>> -> memref<24x128xf32, #tpu.memory_space<vmem_shared>>
      tpu.enqueue_dma source(%arg9 : memref<24x128xf32, #tpu.memory_space<vmem>>) target(%dma_start3A_133 : memref<24x128xf32, #tpu.memory_space<vmem_shared>>) target_semaphore(%run_scoped3A : memref<!tpu.dma_semaphore, #tpu.memory_space<semaphore_mem>>)
      %dma_wait3A = arith.constant 0 : i32
      %dma_wait3A_134 = tpu.memref_slice %arg10[%add3A_44, %dma_wait3A] : memref<10000x128xf32, #tpu.memory_space<vmem_shared>> -> memref<24x128xf32, #tpu.memory_space<vmem_shared>>
      %dma_wait3A_135 = arith.constant 0 : i32
      %dma_wait3A_136 = tpu.memref_slice %arg10[%add3A_44, %dma_wait3A_135] : memref<10000x128xf32, #tpu.memory_space<vmem_shared>> -> memref<24x128xf32, #tpu.memory_space<vmem_shared>>
      tpu.wait_dma2 semaphore(%run_scoped3A : memref<!tpu.dma_semaphore, #tpu.memory_space<semaphore_mem>>) src(%arg9 : memref<24x128xf32, #tpu.memory_space<vmem>>) dst(%dma_wait3A_136 : memref<24x128xf32, #tpu.memory_space<vmem_shared>>)
      tpu.yield
    }) : () -> ()
    %add3A_45 = arith.constant 480 : i32
    %add3A_46 = arith.addi %mul3A_5, %add3A_45 : i32
    "tpu.region"() ({
      %run_scoped3A = tpu.sem_alloc : memref<!tpu.dma_semaphore, #tpu.memory_space<semaphore_mem>>
      %dma_start3A_130 = arith.constant 0 : i32
      %dma_start3A_131 = tpu.memref_slice %arg10[%add3A_46, %dma_start3A_130] : memref<10000x128xf32, #tpu.memory_space<vmem_shared>> -> memref<24x128xf32, #tpu.memory_space<vmem_shared>>
      %dma_start3A_132 = arith.constant 0 : i32
      %dma_start3A_133 = tpu.memref_slice %arg10[%add3A_46, %dma_start3A_132] : memref<10000x128xf32, #tpu.memory_space<vmem_shared>> -> memref<24x128xf32, #tpu.memory_space<vmem_shared>>
      tpu.enqueue_dma source(%arg9 : memref<24x128xf32, #tpu.memory_space<vmem>>) target(%dma_start3A_133 : memref<24x128xf32, #tpu.memory_space<vmem_shared>>) target_semaphore(%run_scoped3A : memref<!tpu.dma_semaphore, #tpu.memory_space<semaphore_mem>>)
      %dma_wait3A = arith.constant 0 : i32
      %dma_wait3A_134 = tpu.memref_slice %arg10[%add3A_46, %dma_wait3A] : memref<10000x128xf32, #tpu.memory_space<vmem_shared>> -> memref<24x128xf32, #tpu.memory_space<vmem_shared>>
      %dma_wait3A_135 = arith.constant 0 : i32
      %dma_wait3A_136 = tpu.memref_slice %arg10[%add3A_46, %dma_wait3A_135] : memref<10000x128xf32, #tpu.memory_space<vmem_shared>> -> memref<24x128xf32, #tpu.memory_space<vmem_shared>>
      tpu.wait_dma2 semaphore(%run_scoped3A : memref<!tpu.dma_semaphore, #tpu.memory_space<semaphore_mem>>) src(%arg9 : memref<24x128xf32, #tpu.memory_space<vmem>>) dst(%dma_wait3A_136 : memref<24x128xf32, #tpu.memory_space<vmem_shared>>)
      tpu.yield
    }) : () -> ()
    %add3A_47 = arith.constant 504 : i32
    %add3A_48 = arith.addi %mul3A_5, %add3A_47 : i32
    "tpu.region"() ({
      %run_scoped3A = tpu.sem_alloc : memref<!tpu.dma_semaphore, #tpu.memory_space<semaphore_mem>>
      %dma_start3A_130 = arith.constant 0 : i32
      %dma_start3A_131 = tpu.memref_slice %arg10[%add3A_48, %dma_start3A_130] : memref<10000x128xf32, #tpu.memory_space<vmem_shared>> -> memref<24x128xf32, #tpu.memory_space<vmem_shared>>
      %dma_start3A_132 = arith.constant 0 : i32
      %dma_start3A_133 = tpu.memref_slice %arg10[%add3A_48, %dma_start3A_132] : memref<10000x128xf32, #tpu.memory_space<vmem_shared>> -> memref<24x128xf32, #tpu.memory_space<vmem_shared>>
      tpu.enqueue_dma source(%arg9 : memref<24x128xf32, #tpu.memory_space<vmem>>) target(%dma_start3A_133 : memref<24x128xf32, #tpu.memory_space<vmem_shared>>) target_semaphore(%run_scoped3A : memref<!tpu.dma_semaphore, #tpu.memory_space<semaphore_mem>>)
      %dma_wait3A = arith.constant 0 : i32
      %dma_wait3A_134 = tpu.memref_slice %arg10[%add3A_48, %dma_wait3A] : memref<10000x128xf32, #tpu.memory_space<vmem_shared>> -> memref<24x128xf32, #tpu.memory_space<vmem_shared>>
      %dma_wait3A_135 = arith.constant 0 : i32
      %dma_wait3A_136 = tpu.memref_slice %arg10[%add3A_48, %dma_wait3A_135] : memref<10000x128xf32, #tpu.memory_space<vmem_shared>> -> memref<24x128xf32, #tpu.memory_space<vmem_shared>>
      tpu.wait_dma2 semaphore(%run_scoped3A : memref<!tpu.dma_semaphore, #tpu.memory_space<semaphore_mem>>) src(%arg9 : memref<24x128xf32, #tpu.memory_space<vmem>>) dst(%dma_wait3A_136 : memref<24x128xf32, #tpu.memory_space<vmem_shared>>)
      tpu.yield
    }) : () -> ()
    %add3A_49 = arith.constant 528 : i32
    %add3A_50 = arith.addi %mul3A_5, %add3A_49 : i32
    "tpu.region"() ({
      %run_scoped3A = tpu.sem_alloc : memref<!tpu.dma_semaphore, #tpu.memory_space<semaphore_mem>>
      %dma_start3A_130 = arith.constant 0 : i32
      %dma_start3A_131 = tpu.memref_slice %arg10[%add3A_50, %dma_start3A_130] : memref<10000x128xf32, #tpu.memory_space<vmem_shared>> -> memref<24x128xf32, #tpu.memory_space<vmem_shared>>
      %dma_start3A_132 = arith.constant 0 : i32
      %dma_start3A_133 = tpu.memref_slice %arg10[%add3A_50, %dma_start3A_132] : memref<10000x128xf32, #tpu.memory_space<vmem_shared>> -> memref<24x128xf32, #tpu.memory_space<vmem_shared>>
      tpu.enqueue_dma source(%arg9 : memref<24x128xf32, #tpu.memory_space<vmem>>) target(%dma_start3A_133 : memref<24x128xf32, #tpu.memory_space<vmem_shared>>) target_semaphore(%run_scoped3A : memref<!tpu.dma_semaphore, #tpu.memory_space<semaphore_mem>>)
      %dma_wait3A = arith.constant 0 : i32
      %dma_wait3A_134 = tpu.memref_slice %arg10[%add3A_50, %dma_wait3A] : memref<10000x128xf32, #tpu.memory_space<vmem_shared>> -> memref<24x128xf32, #tpu.memory_space<vmem_shared>>
      %dma_wait3A_135 = arith.constant 0 : i32
      %dma_wait3A_136 = tpu.memref_slice %arg10[%add3A_50, %dma_wait3A_135] : memref<10000x128xf32, #tpu.memory_space<vmem_shared>> -> memref<24x128xf32, #tpu.memory_space<vmem_shared>>
      tpu.wait_dma2 semaphore(%run_scoped3A : memref<!tpu.dma_semaphore, #tpu.memory_space<semaphore_mem>>) src(%arg9 : memref<24x128xf32, #tpu.memory_space<vmem>>) dst(%dma_wait3A_136 : memref<24x128xf32, #tpu.memory_space<vmem_shared>>)
      tpu.yield
    }) : () -> ()
    %add3A_51 = arith.constant 552 : i32
    %add3A_52 = arith.addi %mul3A_5, %add3A_51 : i32
    "tpu.region"() ({
      %run_scoped3A = tpu.sem_alloc : memref<!tpu.dma_semaphore, #tpu.memory_space<semaphore_mem>>
      %dma_start3A_130 = arith.constant 0 : i32
      %dma_start3A_131 = tpu.memref_slice %arg10[%add3A_52, %dma_start3A_130] : memref<10000x128xf32, #tpu.memory_space<vmem_shared>> -> memref<24x128xf32, #tpu.memory_space<vmem_shared>>
      %dma_start3A_132 = arith.constant 0 : i32
      %dma_start3A_133 = tpu.memref_slice %arg10[%add3A_52, %dma_start3A_132] : memref<10000x128xf32, #tpu.memory_space<vmem_shared>> -> memref<24x128xf32, #tpu.memory_space<vmem_shared>>
      tpu.enqueue_dma source(%arg9 : memref<24x128xf32, #tpu.memory_space<vmem>>) target(%dma_start3A_133 : memref<24x128xf32, #tpu.memory_space<vmem_shared>>) target_semaphore(%run_scoped3A : memref<!tpu.dma_semaphore, #tpu.memory_space<semaphore_mem>>)
      %dma_wait3A = arith.constant 0 : i32
      %dma_wait3A_134 = tpu.memref_slice %arg10[%add3A_52, %dma_wait3A] : memref<10000x128xf32, #tpu.memory_space<vmem_shared>> -> memref<24x128xf32, #tpu.memory_space<vmem_shared>>
      %dma_wait3A_135 = arith.constant 0 : i32
      %dma_wait3A_136 = tpu.memref_slice %arg10[%add3A_52, %dma_wait3A_135] : memref<10000x128xf32, #tpu.memory_space<vmem_shared>> -> memref<24x128xf32, #tpu.memory_space<vmem_shared>>
      tpu.wait_dma2 semaphore(%run_scoped3A : memref<!tpu.dma_semaphore, #tpu.memory_space<semaphore_mem>>) src(%arg9 : memref<24x128xf32, #tpu.memory_space<vmem>>) dst(%dma_wait3A_136 : memref<24x128xf32, #tpu.memory_space<vmem_shared>>)
      tpu.yield
    }) : () -> ()
    %add3A_53 = arith.constant 576 : i32
    %add3A_54 = arith.addi %mul3A_5, %add3A_53 : i32
    "tpu.region"() ({
      %run_scoped3A = tpu.sem_alloc : memref<!tpu.dma_semaphore, #tpu.memory_space<semaphore_mem>>
      %dma_start3A_130 = arith.constant 0 : i32
      %dma_start3A_131 = tpu.memref_slice %arg10[%add3A_54, %dma_start3A_130] : memref<10000x128xf32, #tpu.memory_space<vmem_shared>> -> memref<24x128xf32, #tpu.memory_space<vmem_shared>>
      %dma_start3A_132 = arith.constant 0 : i32
      %dma_start3A_133 = tpu.memref_slice %arg10[%add3A_54, %dma_start3A_132] : memref<10000x128xf32, #tpu.memory_space<vmem_shared>> -> memref<24x128xf32, #tpu.memory_space<vmem_shared>>
      tpu.enqueue_dma source(%arg9 : memref<24x128xf32, #tpu.memory_space<vmem>>) target(%dma_start3A_133 : memref<24x128xf32, #tpu.memory_space<vmem_shared>>) target_semaphore(%run_scoped3A : memref<!tpu.dma_semaphore, #tpu.memory_space<semaphore_mem>>)
      %dma_wait3A = arith.constant 0 : i32
      %dma_wait3A_134 = tpu.memref_slice %arg10[%add3A_54, %dma_wait3A] : memref<10000x128xf32, #tpu.memory_space<vmem_shared>> -> memref<24x128xf32, #tpu.memory_space<vmem_shared>>
      %dma_wait3A_135 = arith.constant 0 : i32
      %dma_wait3A_136 = tpu.memref_slice %arg10[%add3A_54, %dma_wait3A_135] : memref<10000x128xf32, #tpu.memory_space<vmem_shared>> -> memref<24x128xf32, #tpu.memory_space<vmem_shared>>
      tpu.wait_dma2 semaphore(%run_scoped3A : memref<!tpu.dma_semaphore, #tpu.memory_space<semaphore_mem>>) src(%arg9 : memref<24x128xf32, #tpu.memory_space<vmem>>) dst(%dma_wait3A_136 : memref<24x128xf32, #tpu.memory_space<vmem_shared>>)
      tpu.yield
    }) : () -> ()
    %add3A_55 = arith.constant 600 : i32
    %add3A_56 = arith.addi %mul3A_5, %add3A_55 : i32
    "tpu.region"() ({
      %run_scoped3A = tpu.sem_alloc : memref<!tpu.dma_semaphore, #tpu.memory_space<semaphore_mem>>
      %dma_start3A_130 = arith.constant 0 : i32
      %dma_start3A_131 = tpu.memref_slice %arg10[%add3A_56, %dma_start3A_130] : memref<10000x128xf32, #tpu.memory_space<vmem_shared>> -> memref<24x128xf32, #tpu.memory_space<vmem_shared>>
      %dma_start3A_132 = arith.constant 0 : i32
      %dma_start3A_133 = tpu.memref_slice %arg10[%add3A_56, %dma_start3A_132] : memref<10000x128xf32, #tpu.memory_space<vmem_shared>> -> memref<24x128xf32, #tpu.memory_space<vmem_shared>>
      tpu.enqueue_dma source(%arg9 : memref<24x128xf32, #tpu.memory_space<vmem>>) target(%dma_start3A_133 : memref<24x128xf32, #tpu.memory_space<vmem_shared>>) target_semaphore(%run_scoped3A : memref<!tpu.dma_semaphore, #tpu.memory_space<semaphore_mem>>)
      %dma_wait3A = arith.constant 0 : i32
      %dma_wait3A_134 = tpu.memref_slice %arg10[%add3A_56, %dma_wait3A] : memref<10000x128xf32, #tpu.memory_space<vmem_shared>> -> memref<24x128xf32, #tpu.memory_space<vmem_shared>>
      %dma_wait3A_135 = arith.constant 0 : i32
      %dma_wait3A_136 = tpu.memref_slice %arg10[%add3A_56, %dma_wait3A_135] : memref<10000x128xf32, #tpu.memory_space<vmem_shared>> -> memref<24x128xf32, #tpu.memory_space<vmem_shared>>
      tpu.wait_dma2 semaphore(%run_scoped3A : memref<!tpu.dma_semaphore, #tpu.memory_space<semaphore_mem>>) src(%arg9 : memref<24x128xf32, #tpu.memory_space<vmem>>) dst(%dma_wait3A_136 : memref<24x128xf32, #tpu.memory_space<vmem_shared>>)
      tpu.yield
    }) : () -> ()
    %eq3A = arith.constant 15 : i32
    %eq3A_57 = arith.cmpi eq, %arg1, %eq3A : i32
    %convert_element_type3A = arith.extui %eq3A_57 : i1 to i32
    %cond3A = arith.constant 0 : i32
    %cond3A_58 = arith.cmpi ne, %convert_element_type3A, %cond3A : i32
    scf.if %cond3A_58 {
      "tpu.region"() ({
        %run_scoped3A = tpu.sem_alloc : memref<!tpu.dma_semaphore, #tpu.memory_space<semaphore_mem>>
        %dma_start3A_130 = arith.constant 0 : i32
        %dma_start3A_131 = arith.constant 0 : i32
        %dma_start3A_132 = tpu.memref_slice %arg9[%dma_start3A_130, %dma_start3A_131] : memref<24x128xf32, #tpu.memory_space<vmem>> -> memref<16x128xf32, #tpu.memory_space<vmem>>
        %dma_start3A_133 = arith.constant 9984 : i32
        %dma_start3A_134 = arith.constant 0 : i32
        %dma_start3A_135 = tpu.memref_slice %arg10[%dma_start3A_133, %dma_start3A_134] : memref<10000x128xf32, #tpu.memory_space<vmem_shared>> -> memref<16x128xf32, #tpu.memory_space<vmem_shared>>
        %dma_start3A_136 = arith.constant 9984 : i32
        %dma_start3A_137 = arith.constant 0 : i32
        %dma_start3A_138 = tpu.memref_slice %arg10[%dma_start3A_136, %dma_start3A_137] : memref<10000x128xf32, #tpu.memory_space<vmem_shared>> -> memref<16x128xf32, #tpu.memory_space<vmem_shared>>
        %dma_start3A_139 = arith.constant 0 : i32
        %dma_start3A_140 = arith.constant 0 : i32
        %dma_start3A_141 = tpu.memref_slice %arg9[%dma_start3A_139, %dma_start3A_140] : memref<24x128xf32, #tpu.memory_space<vmem>> -> memref<16x128xf32, #tpu.memory_space<vmem>>
        tpu.enqueue_dma source(%dma_start3A_141 : memref<16x128xf32, #tpu.memory_space<vmem>>) target(%dma_start3A_138 : memref<16x128xf32, #tpu.memory_space<vmem_shared>>) target_semaphore(%run_scoped3A : memref<!tpu.dma_semaphore, #tpu.memory_space<semaphore_mem>>)
        %dma_wait3A = arith.constant 0 : i32
        %dma_wait3A_142 = arith.constant 0 : i32
        %dma_wait3A_143 = tpu.memref_slice %arg9[%dma_wait3A, %dma_wait3A_142] : memref<24x128xf32, #tpu.memory_space<vmem>> -> memref<16x128xf32, #tpu.memory_space<vmem>>
        %dma_wait3A_144 = arith.constant 9984 : i32
        %dma_wait3A_145 = arith.constant 0 : i32
        %dma_wait3A_146 = tpu.memref_slice %arg10[%dma_wait3A_144, %dma_wait3A_145] : memref<10000x128xf32, #tpu.memory_space<vmem_shared>> -> memref<16x128xf32, #tpu.memory_space<vmem_shared>>
        %dma_wait3A_147 = arith.constant 9984 : i32
        %dma_wait3A_148 = arith.constant 0 : i32
        %dma_wait3A_149 = tpu.memref_slice %arg10[%dma_wait3A_147, %dma_wait3A_148] : memref<10000x128xf32, #tpu.memory_space<vmem_shared>> -> memref<16x128xf32, #tpu.memory_space<vmem_shared>>
        %dma_wait3A_150 = arith.constant 0 : i32
        %dma_wait3A_151 = arith.constant 0 : i32
        %dma_wait3A_152 = tpu.memref_slice %arg9[%dma_wait3A_150, %dma_wait3A_151] : memref<24x128xf32, #tpu.memory_space<vmem>> -> memref<16x128xf32, #tpu.memory_space<vmem>>
        tpu.wait_dma2 semaphore(%run_scoped3A : memref<!tpu.dma_semaphore, #tpu.memory_space<semaphore_mem>>) src(%dma_wait3A_152 : memref<16x128xf32, #tpu.memory_space<vmem>>) dst(%dma_wait3A_149 : memref<16x128xf32, #tpu.memory_space<vmem_shared>>)
        tpu.yield
      }) : () -> ()
    } else {
    }
    %barrier3A = arith.constant 0 : index
    tpu.barrier barrier_id(%barrier3A)
    %dma_start3A = arith.constant 0 : i32
    %dma_start3A_59 = arith.constant 0 : i32
    %dma_start3A_60 = arith.constant 0 : i32
    %dma_start3A_61 = arith.constant 0 : i32
    %dma_start3A_62 = tpu.memref_slice %arg8[%dma_start3A_59, %dma_start3A_60, %dma_start3A_61] : memref<5x40x128xf32, #tpu.memory_space<vmem>> -> memref<1x40x128xf32, #tpu.memory_space<vmem>>
    %dma_start3A_63 = tpu.memref_squeeze %dma_start3A_62 : memref<1x40x128xf32, #tpu.memory_space<vmem>> -> memref<40x128xf32, #tpu.memory_space<vmem>>
    %dma_start3A_64 = arith.constant 0 : i32
    %dma_start3A_65 = tpu.memref_slice %arg6[%dma_start3A, %dma_start3A_64] : memref<250x40xi32, #tpu.memory_space<vmem>> -> memref<1x40xi32, #tpu.memory_space<vmem>>
    %dma_start3A_66 = tpu.memref_squeeze %dma_start3A_65 : memref<1x40xi32, #tpu.memory_space<vmem>> -> memref<40xi32, #tpu.memory_space<vmem>>
    %dma_start3A_67 = arith.constant 0 : i32
    %dma_start3A_68 = arith.constant 0 : i32
    %dma_start3A_69 = tpu.memref_slice %arg2[%dma_start3A_67, %dma_start3A_68] : memref<10000x128xf32, #tpu.memory_space<hbm>> -> memref<10000x128xf32, #tpu.memory_space<hbm>>
    tpu.enqueue_indirect_dma source(%dma_start3A_69 : memref<10000x128xf32, #tpu.memory_space<hbm>>) target(%dma_start3A_63 : memref<40x128xf32, #tpu.memory_space<vmem>>) offsets(%dma_start3A_66 : memref<40xi32, #tpu.memory_space<vmem>>) semaphore(%arg11 : memref<!tpu.dma_semaphore, #tpu.memory_space<semaphore_mem>>)
    %dma_start3A_70 = arith.constant 1 : i32
    %dma_start3A_71 = arith.constant 1 : i32
    %dma_start3A_72 = arith.constant 0 : i32
    %dma_start3A_73 = arith.constant 0 : i32
    %dma_start3A_74 = tpu.memref_slice %arg8[%dma_start3A_71, %dma_start3A_72, %dma_start3A_73] : memref<5x40x128xf32, #tpu.memory_space<vmem>> -> memref<1x40x128xf32, #tpu.memory_space<vmem>>
    %dma_start3A_75 = tpu.memref_squeeze %dma_start3A_74 : memref<1x40x128xf32, #tpu.memory_space<vmem>> -> memref<40x128xf32, #tpu.memory_space<vmem>>
    %dma_start3A_76 = arith.constant 0 : i32
    %dma_start3A_77 = tpu.memref_slice %arg6[%dma_start3A_70, %dma_start3A_76] : memref<250x40xi32, #tpu.memory_space<vmem>> -> memref<1x40xi32, #tpu.memory_space<vmem>>
    %dma_start3A_78 = tpu.memref_squeeze %dma_start3A_77 : memref<1x40xi32, #tpu.memory_space<vmem>> -> memref<40xi32, #tpu.memory_space<vmem>>
    %dma_start3A_79 = arith.constant 0 : i32
    %dma_start3A_80 = arith.constant 0 : i32
    %dma_start3A_81 = tpu.memref_slice %arg2[%dma_start3A_79, %dma_start3A_80] : memref<10000x128xf32, #tpu.memory_space<hbm>> -> memref<10000x128xf32, #tpu.memory_space<hbm>>
    tpu.enqueue_indirect_dma source(%dma_start3A_81 : memref<10000x128xf32, #tpu.memory_space<hbm>>) target(%dma_start3A_75 : memref<40x128xf32, #tpu.memory_space<vmem>>) offsets(%dma_start3A_78 : memref<40xi32, #tpu.memory_space<vmem>>) semaphore(%arg12 : memref<!tpu.dma_semaphore, #tpu.memory_space<semaphore_mem>>)
    %dma_start3A_82 = arith.constant 2 : i32
    %dma_start3A_83 = arith.constant 2 : i32
    %dma_start3A_84 = arith.constant 0 : i32
    %dma_start3A_85 = arith.constant 0 : i32
    %dma_start3A_86 = tpu.memref_slice %arg8[%dma_start3A_83, %dma_start3A_84, %dma_start3A_85] : memref<5x40x128xf32, #tpu.memory_space<vmem>> -> memref<1x40x128xf32, #tpu.memory_space<vmem>>
    %dma_start3A_87 = tpu.memref_squeeze %dma_start3A_86 : memref<1x40x128xf32, #tpu.memory_space<vmem>> -> memref<40x128xf32, #tpu.memory_space<vmem>>
    %dma_start3A_88 = arith.constant 0 : i32
    %dma_start3A_89 = tpu.memref_slice %arg6[%dma_start3A_82, %dma_start3A_88] : memref<250x40xi32, #tpu.memory_space<vmem>> -> memref<1x40xi32, #tpu.memory_space<vmem>>
    %dma_start3A_90 = tpu.memref_squeeze %dma_start3A_89 : memref<1x40xi32, #tpu.memory_space<vmem>> -> memref<40xi32, #tpu.memory_space<vmem>>
    %dma_start3A_91 = arith.constant 0 : i32
    %dma_start3A_92 = arith.constant 0 : i32
    %dma_start3A_93 = tpu.memref_slice %arg2[%dma_start3A_91, %dma_start3A_92] : memref<10000x128xf32, #tpu.memory_space<hbm>> -> memref<10000x128xf32, #tpu.memory_space<hbm>>
    tpu.enqueue_indirect_dma source(%dma_start3A_93 : memref<10000x128xf32, #tpu.memory_space<hbm>>) target(%dma_start3A_87 : memref<40x128xf32, #tpu.memory_space<vmem>>) offsets(%dma_start3A_90 : memref<40xi32, #tpu.memory_space<vmem>>) semaphore(%arg13 : memref<!tpu.dma_semaphore, #tpu.memory_space<semaphore_mem>>)
    %dma_start3A_94 = arith.constant 3 : i32
    %dma_start3A_95 = arith.constant 3 : i32
    %dma_start3A_96 = arith.constant 0 : i32
    %dma_start3A_97 = arith.constant 0 : i32
    %dma_start3A_98 = tpu.memref_slice %arg8[%dma_start3A_95, %dma_start3A_96, %dma_start3A_97] : memref<5x40x128xf32, #tpu.memory_space<vmem>> -> memref<1x40x128xf32, #tpu.memory_space<vmem>>
    %dma_start3A_99 = tpu.memref_squeeze %dma_start3A_98 : memref<1x40x128xf32, #tpu.memory_space<vmem>> -> memref<40x128xf32, #tpu.memory_space<vmem>>
    %dma_start3A_100 = arith.constant 0 : i32
    %dma_start3A_101 = tpu.memref_slice %arg6[%dma_start3A_94, %dma_start3A_100] : memref<250x40xi32, #tpu.memory_space<vmem>> -> memref<1x40xi32, #tpu.memory_space<vmem>>
    %dma_start3A_102 = tpu.memref_squeeze %dma_start3A_101 : memref<1x40xi32, #tpu.memory_space<vmem>> -> memref<40xi32, #tpu.memory_space<vmem>>
    %dma_start3A_103 = arith.constant 0 : i32
    %dma_start3A_104 = arith.constant 0 : i32
    %dma_start3A_105 = tpu.memref_slice %arg2[%dma_start3A_103, %dma_start3A_104] : memref<10000x128xf32, #tpu.memory_space<hbm>> -> memref<10000x128xf32, #tpu.memory_space<hbm>>
    tpu.enqueue_indirect_dma source(%dma_start3A_105 : memref<10000x128xf32, #tpu.memory_space<hbm>>) target(%dma_start3A_99 : memref<40x128xf32, #tpu.memory_space<vmem>>) offsets(%dma_start3A_102 : memref<40xi32, #tpu.memory_space<vmem>>) semaphore(%arg14 : memref<!tpu.dma_semaphore, #tpu.memory_space<semaphore_mem>>)
    %dma_start3A_106 = arith.constant 4 : i32
    %dma_start3A_107 = arith.constant 4 : i32
    %dma_start3A_108 = arith.constant 0 : i32
    %dma_start3A_109 = arith.constant 0 : i32
    %dma_start3A_110 = tpu.memref_slice %arg8[%dma_start3A_107, %dma_start3A_108, %dma_start3A_109] : memref<5x40x128xf32, #tpu.memory_space<vmem>> -> memref<1x40x128xf32, #tpu.memory_space<vmem>>
    %dma_start3A_111 = tpu.memref_squeeze %dma_start3A_110 : memref<1x40x128xf32, #tpu.memory_space<vmem>> -> memref<40x128xf32, #tpu.memory_space<vmem>>
    %dma_start3A_112 = arith.constant 0 : i32
    %dma_start3A_113 = tpu.memref_slice %arg6[%dma_start3A_106, %dma_start3A_112] : memref<250x40xi32, #tpu.memory_space<vmem>> -> memref<1x40xi32, #tpu.memory_space<vmem>>
    %dma_start3A_114 = tpu.memref_squeeze %dma_start3A_113 : memref<1x40xi32, #tpu.memory_space<vmem>> -> memref<40xi32, #tpu.memory_space<vmem>>
    %dma_start3A_115 = arith.constant 0 : i32
    %dma_start3A_116 = arith.constant 0 : i32
    %dma_start3A_117 = tpu.memref_slice %arg2[%dma_start3A_115, %dma_start3A_116] : memref<10000x128xf32, #tpu.memory_space<hbm>> -> memref<10000x128xf32, #tpu.memory_space<hbm>>
    tpu.enqueue_indirect_dma source(%dma_start3A_117 : memref<10000x128xf32, #tpu.memory_space<hbm>>) target(%dma_start3A_111 : memref<40x128xf32, #tpu.memory_space<vmem>>) offsets(%dma_start3A_114 : memref<40xi32, #tpu.memory_space<vmem>>) semaphore(%arg15 : memref<!tpu.dma_semaphore, #tpu.memory_space<semaphore_mem>>)
    %scan3A_118 = arith.constant 0 : i32
    %scan3A_119 = arith.constant 0 : i32
    %scan3A_120 = arith.constant 50 : i32
    %scan3A_121 = arith.addi %scan3A_119, %scan3A_120 : i32
    %scan3A_122 = arith.constant 1 : i32
    scf.for %scan3A_130 = %scan3A_119 to %scan3A_121 step %scan3A_122  : i32 {
      %mul3A_131 = arith.constant 5 : i32
      %mul3A_132 = arith.muli %scan3A_130, %mul3A_131 : i32
      %add3A_133 = arith.constant 0 : i32
      %add3A_134 = arith.addi %mul3A_132, %add3A_133 : i32
      %dma_wait3A = arith.constant 0 : i32
      %dma_wait3A_135 = arith.constant 0 : i32
      %dma_wait3A_136 = arith.constant 0 : i32
      %dma_wait3A_137 = tpu.memref_slice %arg8[%dma_wait3A, %dma_wait3A_135, %dma_wait3A_136] : memref<5x40x128xf32, #tpu.memory_space<vmem>> -> memref<1x40x128xf32, #tpu.memory_space<vmem>>
      %dma_wait3A_138 = tpu.memref_squeeze %dma_wait3A_137 : memref<1x40x128xf32, #tpu.memory_space<vmem>> -> memref<40x128xf32, #tpu.memory_space<vmem>>
      %dma_wait3A_139 = arith.constant 0 : i32
      %dma_wait3A_140 = tpu.memref_slice %arg6[%add3A_134, %dma_wait3A_139] : memref<250x40xi32, #tpu.memory_space<vmem>> -> memref<1x40xi32, #tpu.memory_space<vmem>>
      %dma_wait3A_141 = tpu.memref_squeeze %dma_wait3A_140 : memref<1x40xi32, #tpu.memory_space<vmem>> -> memref<40xi32, #tpu.memory_space<vmem>>
      %dma_wait3A_142 = arith.constant 0 : i32
      %dma_wait3A_143 = arith.constant 0 : i32
      %dma_wait3A_144 = tpu.memref_slice %arg2[%dma_wait3A_142, %dma_wait3A_143] : memref<10000x128xf32, #tpu.memory_space<hbm>> -> memref<10000x128xf32, #tpu.memory_space<hbm>>
      tpu.wait_indirect_dma semaphore(%arg11 : memref<!tpu.dma_semaphore, #tpu.memory_space<semaphore_mem>>) src(%dma_wait3A_144 : memref<10000x128xf32, #tpu.memory_space<hbm>>) dst(%dma_wait3A_138 : memref<40x128xf32, #tpu.memory_space<vmem>>)
      %run_scoped3A = arith.constant 0 : i32
      "tpu.region"() ({
        %run_scoped3A_243 = tpu.sem_alloc : memref<!tpu.dma_semaphore, #tpu.memory_space<semaphore_mem>>
        %dma_start3A_244 = arith.constant 0 : i32
        %dma_start3A_245 = arith.constant 0 : i32
        %dma_start3A_246 = tpu.memref_slice %arg8[%run_scoped3A, %dma_start3A_244, %dma_start3A_245] : memref<5x40x128xf32, #tpu.memory_space<vmem>> -> memref<1x40x128xf32, #tpu.memory_space<vmem>>
        %dma_start3A_247 = tpu.memref_squeeze %dma_start3A_246 : memref<1x40x128xf32, #tpu.memory_space<vmem>> -> memref<40x128xf32, #tpu.memory_space<vmem>>
        %dma_start3A_248 = arith.constant 0 : i32
        %dma_start3A_249 = tpu.memref_slice %arg7[%add3A_134, %dma_start3A_248] : memref<250x40xi32, #tpu.memory_space<vmem>> -> memref<1x40xi32, #tpu.memory_space<vmem>>
        %dma_start3A_250 = tpu.memref_squeeze %dma_start3A_249 : memref<1x40xi32, #tpu.memory_space<vmem>> -> memref<40xi32, #tpu.memory_space<vmem>>
        %dma_start3A_251 = arith.constant 0 : i32
        %dma_start3A_252 = arith.constant 0 : i32
        %dma_start3A_253 = tpu.memref_slice %arg10[%dma_start3A_251, %dma_start3A_252] : memref<10000x128xf32, #tpu.memory_space<vmem_shared>> -> memref<10000x128xf32, #tpu.memory_space<vmem_shared>>
        tpu.enqueue_indirect_dma source(%dma_start3A_247 : memref<40x128xf32, #tpu.memory_space<vmem>>) target(%dma_start3A_253 : memref<10000x128xf32, #tpu.memory_space<vmem_shared>>) offsets(%dma_start3A_250 : memref<40xi32, #tpu.memory_space<vmem>>) semaphore(%run_scoped3A_243 : memref<!tpu.dma_semaphore, #tpu.memory_space<semaphore_mem>>) {add = true}
        %dma_wait3A_254 = arith.constant 0 : i32
        %dma_wait3A_255 = arith.constant 0 : i32
        %dma_wait3A_256 = tpu.memref_slice %arg8[%run_scoped3A, %dma_wait3A_254, %dma_wait3A_255] : memref<5x40x128xf32, #tpu.memory_space<vmem>> -> memref<1x40x128xf32, #tpu.memory_space<vmem>>
        %dma_wait3A_257 = tpu.memref_squeeze %dma_wait3A_256 : memref<1x40x128xf32, #tpu.memory_space<vmem>> -> memref<40x128xf32, #tpu.memory_space<vmem>>
        %dma_wait3A_258 = arith.constant 0 : i32
        %dma_wait3A_259 = tpu.memref_slice %arg7[%add3A_134, %dma_wait3A_258] : memref<250x40xi32, #tpu.memory_space<vmem>> -> memref<1x40xi32, #tpu.memory_space<vmem>>
        %dma_wait3A_260 = tpu.memref_squeeze %dma_wait3A_259 : memref<1x40xi32, #tpu.memory_space<vmem>> -> memref<40xi32, #tpu.memory_space<vmem>>
        %dma_wait3A_261 = arith.constant 0 : i32
        %dma_wait3A_262 = arith.constant 0 : i32
        %dma_wait3A_263 = tpu.memref_slice %arg10[%dma_wait3A_261, %dma_wait3A_262] : memref<10000x128xf32, #tpu.memory_space<vmem_shared>> -> memref<10000x128xf32, #tpu.memory_space<vmem_shared>>
        tpu.wait_indirect_dma semaphore(%run_scoped3A_243 : memref<!tpu.dma_semaphore, #tpu.memory_space<semaphore_mem>>) src(%dma_wait3A_257 : memref<40x128xf32, #tpu.memory_space<vmem>>) dst(%dma_wait3A_263 : memref<10000x128xf32, #tpu.memory_space<vmem_shared>>)
        tpu.yield
      }) : () -> ()
      %add3A_145 = arith.constant 5 : i32
      %add3A_146 = arith.addi %add3A_134, %add3A_145 : i32
      %lt3A = arith.constant 250 : i32
      %lt3A_147 = arith.cmpi slt, %add3A_146, %lt3A : i32
      %convert_element_type3A_148 = arith.extui %lt3A_147 : i1 to i32
      %cond3A_149 = arith.constant 0 : i32
      %cond3A_150 = arith.cmpi ne, %convert_element_type3A_148, %cond3A_149 : i32
      scf.if %cond3A_150 {
        %add3A_243 = arith.constant 5 : i32
        %add3A_244 = arith.addi %add3A_134, %add3A_243 : i32
        %dma_start3A_245 = arith.constant 0 : i32
        %dma_start3A_246 = arith.constant 0 : i32
        %dma_start3A_247 = arith.constant 0 : i32
        %dma_start3A_248 = tpu.memref_slice %arg8[%dma_start3A_245, %dma_start3A_246, %dma_start3A_247] : memref<5x40x128xf32, #tpu.memory_space<vmem>> -> memref<1x40x128xf32, #tpu.memory_space<vmem>>
        %dma_start3A_249 = tpu.memref_squeeze %dma_start3A_248 : memref<1x40x128xf32, #tpu.memory_space<vmem>> -> memref<40x128xf32, #tpu.memory_space<vmem>>
        %dma_start3A_250 = arith.constant 0 : i32
        %dma_start3A_251 = tpu.memref_slice %arg6[%add3A_244, %dma_start3A_250] : memref<250x40xi32, #tpu.memory_space<vmem>> -> memref<1x40xi32, #tpu.memory_space<vmem>>
        %dma_start3A_252 = tpu.memref_squeeze %dma_start3A_251 : memref<1x40xi32, #tpu.memory_space<vmem>> -> memref<40xi32, #tpu.memory_space<vmem>>
        %dma_start3A_253 = arith.constant 0 : i32
        %dma_start3A_254 = arith.constant 0 : i32
        %dma_start3A_255 = tpu.memref_slice %arg2[%dma_start3A_253, %dma_start3A_254] : memref<10000x128xf32, #tpu.memory_space<hbm>> -> memref<10000x128xf32, #tpu.memory_space<hbm>>
        tpu.enqueue_indirect_dma source(%dma_start3A_255 : memref<10000x128xf32, #tpu.memory_space<hbm>>) target(%dma_start3A_249 : memref<40x128xf32, #tpu.memory_space<vmem>>) offsets(%dma_start3A_252 : memref<40xi32, #tpu.memory_space<vmem>>) semaphore(%arg11 : memref<!tpu.dma_semaphore, #tpu.memory_space<semaphore_mem>>)
      } else {
      }
      %mul3A_151 = arith.constant 5 : i32
      %mul3A_152 = arith.muli %scan3A_130, %mul3A_151 : i32
      %add3A_153 = arith.constant 1 : i32
      %add3A_154 = arith.addi %mul3A_152, %add3A_153 : i32
      %dma_wait3A_155 = arith.constant 1 : i32
      %dma_wait3A_156 = arith.constant 0 : i32
      %dma_wait3A_157 = arith.constant 0 : i32
      %dma_wait3A_158 = tpu.memref_slice %arg8[%dma_wait3A_155, %dma_wait3A_156, %dma_wait3A_157] : memref<5x40x128xf32, #tpu.memory_space<vmem>> -> memref<1x40x128xf32, #tpu.memory_space<vmem>>
      %dma_wait3A_159 = tpu.memref_squeeze %dma_wait3A_158 : memref<1x40x128xf32, #tpu.memory_space<vmem>> -> memref<40x128xf32, #tpu.memory_space<vmem>>
      %dma_wait3A_160 = arith.constant 0 : i32
      %dma_wait3A_161 = tpu.memref_slice %arg6[%add3A_154, %dma_wait3A_160] : memref<250x40xi32, #tpu.memory_space<vmem>> -> memref<1x40xi32, #tpu.memory_space<vmem>>
      %dma_wait3A_162 = tpu.memref_squeeze %dma_wait3A_161 : memref<1x40xi32, #tpu.memory_space<vmem>> -> memref<40xi32, #tpu.memory_space<vmem>>
      %dma_wait3A_163 = arith.constant 0 : i32
      %dma_wait3A_164 = arith.constant 0 : i32
      %dma_wait3A_165 = tpu.memref_slice %arg2[%dma_wait3A_163, %dma_wait3A_164] : memref<10000x128xf32, #tpu.memory_space<hbm>> -> memref<10000x128xf32, #tpu.memory_space<hbm>>
      tpu.wait_indirect_dma semaphore(%arg12 : memref<!tpu.dma_semaphore, #tpu.memory_space<semaphore_mem>>) src(%dma_wait3A_165 : memref<10000x128xf32, #tpu.memory_space<hbm>>) dst(%dma_wait3A_159 : memref<40x128xf32, #tpu.memory_space<vmem>>)
      %run_scoped3A_166 = arith.constant 1 : i32
      "tpu.region"() ({
        %run_scoped3A_243 = tpu.sem_alloc : memref<!tpu.dma_semaphore, #tpu.memory_space<semaphore_mem>>
        %dma_start3A_244 = arith.constant 0 : i32
        %dma_start3A_245 = arith.constant 0 : i32
        %dma_start3A_246 = tpu.memref_slice %arg8[%run_scoped3A_166, %dma_start3A_244, %dma_start3A_245] : memref<5x40x128xf32, #tpu.memory_space<vmem>> -> memref<1x40x128xf32, #tpu.memory_space<vmem>>
        %dma_start3A_247 = tpu.memref_squeeze %dma_start3A_246 : memref<1x40x128xf32, #tpu.memory_space<vmem>> -> memref<40x128xf32, #tpu.memory_space<vmem>>
        %dma_start3A_248 = arith.constant 0 : i32
        %dma_start3A_249 = tpu.memref_slice %arg7[%add3A_154, %dma_start3A_248] : memref<250x40xi32, #tpu.memory_space<vmem>> -> memref<1x40xi32, #tpu.memory_space<vmem>>
        %dma_start3A_250 = tpu.memref_squeeze %dma_start3A_249 : memref<1x40xi32, #tpu.memory_space<vmem>> -> memref<40xi32, #tpu.memory_space<vmem>>
        %dma_start3A_251 = arith.constant 0 : i32
        %dma_start3A_252 = arith.constant 0 : i32
        %dma_start3A_253 = tpu.memref_slice %arg10[%dma_start3A_251, %dma_start3A_252] : memref<10000x128xf32, #tpu.memory_space<vmem_shared>> -> memref<10000x128xf32, #tpu.memory_space<vmem_shared>>
        tpu.enqueue_indirect_dma source(%dma_start3A_247 : memref<40x128xf32, #tpu.memory_space<vmem>>) target(%dma_start3A_253 : memref<10000x128xf32, #tpu.memory_space<vmem_shared>>) offsets(%dma_start3A_250 : memref<40xi32, #tpu.memory_space<vmem>>) semaphore(%run_scoped3A_243 : memref<!tpu.dma_semaphore, #tpu.memory_space<semaphore_mem>>) {add = true}
        %dma_wait3A_254 = arith.constant 0 : i32
        %dma_wait3A_255 = arith.constant 0 : i32
        %dma_wait3A_256 = tpu.memref_slice %arg8[%run_scoped3A_166, %dma_wait3A_254, %dma_wait3A_255] : memref<5x40x128xf32, #tpu.memory_space<vmem>> -> memref<1x40x128xf32, #tpu.memory_space<vmem>>
        %dma_wait3A_257 = tpu.memref_squeeze %dma_wait3A_256 : memref<1x40x128xf32, #tpu.memory_space<vmem>> -> memref<40x128xf32, #tpu.memory_space<vmem>>
        %dma_wait3A_258 = arith.constant 0 : i32
        %dma_wait3A_259 = tpu.memref_slice %arg7[%add3A_154, %dma_wait3A_258] : memref<250x40xi32, #tpu.memory_space<vmem>> -> memref<1x40xi32, #tpu.memory_space<vmem>>
        %dma_wait3A_260 = tpu.memref_squeeze %dma_wait3A_259 : memref<1x40xi32, #tpu.memory_space<vmem>> -> memref<40xi32, #tpu.memory_space<vmem>>
        %dma_wait3A_261 = arith.constant 0 : i32
        %dma_wait3A_262 = arith.constant 0 : i32
        %dma_wait3A_263 = tpu.memref_slice %arg10[%dma_wait3A_261, %dma_wait3A_262] : memref<10000x128xf32, #tpu.memory_space<vmem_shared>> -> memref<10000x128xf32, #tpu.memory_space<vmem_shared>>
        tpu.wait_indirect_dma semaphore(%run_scoped3A_243 : memref<!tpu.dma_semaphore, #tpu.memory_space<semaphore_mem>>) src(%dma_wait3A_257 : memref<40x128xf32, #tpu.memory_space<vmem>>) dst(%dma_wait3A_263 : memref<10000x128xf32, #tpu.memory_space<vmem_shared>>)
        tpu.yield
      }) : () -> ()
      %add3A_167 = arith.constant 5 : i32
      %add3A_168 = arith.addi %add3A_154, %add3A_167 : i32
      %lt3A_169 = arith.constant 250 : i32
      %lt3A_170 = arith.cmpi slt, %add3A_168, %lt3A_169 : i32
      %convert_element_type3A_171 = arith.extui %lt3A_170 : i1 to i32
      %cond3A_172 = arith.constant 0 : i32
      %cond3A_173 = arith.cmpi ne, %convert_element_type3A_171, %cond3A_172 : i32
      scf.if %cond3A_173 {
        %add3A_243 = arith.constant 5 : i32
        %add3A_244 = arith.addi %add3A_154, %add3A_243 : i32
        %dma_start3A_245 = arith.constant 1 : i32
        %dma_start3A_246 = arith.constant 0 : i32
        %dma_start3A_247 = arith.constant 0 : i32
        %dma_start3A_248 = tpu.memref_slice %arg8[%dma_start3A_245, %dma_start3A_246, %dma_start3A_247] : memref<5x40x128xf32, #tpu.memory_space<vmem>> -> memref<1x40x128xf32, #tpu.memory_space<vmem>>
        %dma_start3A_249 = tpu.memref_squeeze %dma_start3A_248 : memref<1x40x128xf32, #tpu.memory_space<vmem>> -> memref<40x128xf32, #tpu.memory_space<vmem>>
        %dma_start3A_250 = arith.constant 0 : i32
        %dma_start3A_251 = tpu.memref_slice %arg6[%add3A_244, %dma_start3A_250] : memref<250x40xi32, #tpu.memory_space<vmem>> -> memref<1x40xi32, #tpu.memory_space<vmem>>
        %dma_start3A_252 = tpu.memref_squeeze %dma_start3A_251 : memref<1x40xi32, #tpu.memory_space<vmem>> -> memref<40xi32, #tpu.memory_space<vmem>>
        %dma_start3A_253 = arith.constant 0 : i32
        %dma_start3A_254 = arith.constant 0 : i32
        %dma_start3A_255 = tpu.memref_slice %arg2[%dma_start3A_253, %dma_start3A_254] : memref<10000x128xf32, #tpu.memory_space<hbm>> -> memref<10000x128xf32, #tpu.memory_space<hbm>>
        tpu.enqueue_indirect_dma source(%dma_start3A_255 : memref<10000x128xf32, #tpu.memory_space<hbm>>) target(%dma_start3A_249 : memref<40x128xf32, #tpu.memory_space<vmem>>) offsets(%dma_start3A_252 : memref<40xi32, #tpu.memory_space<vmem>>) semaphore(%arg12 : memref<!tpu.dma_semaphore, #tpu.memory_space<semaphore_mem>>)
      } else {
      }
      %mul3A_174 = arith.constant 5 : i32
      %mul3A_175 = arith.muli %scan3A_130, %mul3A_174 : i32
      %add3A_176 = arith.constant 2 : i32
      %add3A_177 = arith.addi %mul3A_175, %add3A_176 : i32
      %dma_wait3A_178 = arith.constant 2 : i32
      %dma_wait3A_179 = arith.constant 0 : i32
      %dma_wait3A_180 = arith.constant 0 : i32
      %dma_wait3A_181 = tpu.memref_slice %arg8[%dma_wait3A_178, %dma_wait3A_179, %dma_wait3A_180] : memref<5x40x128xf32, #tpu.memory_space<vmem>> -> memref<1x40x128xf32, #tpu.memory_space<vmem>>
      %dma_wait3A_182 = tpu.memref_squeeze %dma_wait3A_181 : memref<1x40x128xf32, #tpu.memory_space<vmem>> -> memref<40x128xf32, #tpu.memory_space<vmem>>
      %dma_wait3A_183 = arith.constant 0 : i32
      %dma_wait3A_184 = tpu.memref_slice %arg6[%add3A_177, %dma_wait3A_183] : memref<250x40xi32, #tpu.memory_space<vmem>> -> memref<1x40xi32, #tpu.memory_space<vmem>>
      %dma_wait3A_185 = tpu.memref_squeeze %dma_wait3A_184 : memref<1x40xi32, #tpu.memory_space<vmem>> -> memref<40xi32, #tpu.memory_space<vmem>>
      %dma_wait3A_186 = arith.constant 0 : i32
      %dma_wait3A_187 = arith.constant 0 : i32
      %dma_wait3A_188 = tpu.memref_slice %arg2[%dma_wait3A_186, %dma_wait3A_187] : memref<10000x128xf32, #tpu.memory_space<hbm>> -> memref<10000x128xf32, #tpu.memory_space<hbm>>
      tpu.wait_indirect_dma semaphore(%arg13 : memref<!tpu.dma_semaphore, #tpu.memory_space<semaphore_mem>>) src(%dma_wait3A_188 : memref<10000x128xf32, #tpu.memory_space<hbm>>) dst(%dma_wait3A_182 : memref<40x128xf32, #tpu.memory_space<vmem>>)
      %run_scoped3A_189 = arith.constant 2 : i32
      "tpu.region"() ({
        %run_scoped3A_243 = tpu.sem_alloc : memref<!tpu.dma_semaphore, #tpu.memory_space<semaphore_mem>>
        %dma_start3A_244 = arith.constant 0 : i32
        %dma_start3A_245 = arith.constant 0 : i32
        %dma_start3A_246 = tpu.memref_slice %arg8[%run_scoped3A_189, %dma_start3A_244, %dma_start3A_245] : memref<5x40x128xf32, #tpu.memory_space<vmem>> -> memref<1x40x128xf32, #tpu.memory_space<vmem>>
        %dma_start3A_247 = tpu.memref_squeeze %dma_start3A_246 : memref<1x40x128xf32, #tpu.memory_space<vmem>> -> memref<40x128xf32, #tpu.memory_space<vmem>>
        %dma_start3A_248 = arith.constant 0 : i32
        %dma_start3A_249 = tpu.memref_slice %arg7[%add3A_177, %dma_start3A_248] : memref<250x40xi32, #tpu.memory_space<vmem>> -> memref<1x40xi32, #tpu.memory_space<vmem>>
        %dma_start3A_250 = tpu.memref_squeeze %dma_start3A_249 : memref<1x40xi32, #tpu.memory_space<vmem>> -> memref<40xi32, #tpu.memory_space<vmem>>
        %dma_start3A_251 = arith.constant 0 : i32
        %dma_start3A_252 = arith.constant 0 : i32
        %dma_start3A_253 = tpu.memref_slice %arg10[%dma_start3A_251, %dma_start3A_252] : memref<10000x128xf32, #tpu.memory_space<vmem_shared>> -> memref<10000x128xf32, #tpu.memory_space<vmem_shared>>
        tpu.enqueue_indirect_dma source(%dma_start3A_247 : memref<40x128xf32, #tpu.memory_space<vmem>>) target(%dma_start3A_253 : memref<10000x128xf32, #tpu.memory_space<vmem_shared>>) offsets(%dma_start3A_250 : memref<40xi32, #tpu.memory_space<vmem>>) semaphore(%run_scoped3A_243 : memref<!tpu.dma_semaphore, #tpu.memory_space<semaphore_mem>>) {add = true}
        %dma_wait3A_254 = arith.constant 0 : i32
        %dma_wait3A_255 = arith.constant 0 : i32
        %dma_wait3A_256 = tpu.memref_slice %arg8[%run_scoped3A_189, %dma_wait3A_254, %dma_wait3A_255] : memref<5x40x128xf32, #tpu.memory_space<vmem>> -> memref<1x40x128xf32, #tpu.memory_space<vmem>>
        %dma_wait3A_257 = tpu.memref_squeeze %dma_wait3A_256 : memref<1x40x128xf32, #tpu.memory_space<vmem>> -> memref<40x128xf32, #tpu.memory_space<vmem>>
        %dma_wait3A_258 = arith.constant 0 : i32
        %dma_wait3A_259 = tpu.memref_slice %arg7[%add3A_177, %dma_wait3A_258] : memref<250x40xi32, #tpu.memory_space<vmem>> -> memref<1x40xi32, #tpu.memory_space<vmem>>
        %dma_wait3A_260 = tpu.memref_squeeze %dma_wait3A_259 : memref<1x40xi32, #tpu.memory_space<vmem>> -> memref<40xi32, #tpu.memory_space<vmem>>
        %dma_wait3A_261 = arith.constant 0 : i32
        %dma_wait3A_262 = arith.constant 0 : i32
        %dma_wait3A_263 = tpu.memref_slice %arg10[%dma_wait3A_261, %dma_wait3A_262] : memref<10000x128xf32, #tpu.memory_space<vmem_shared>> -> memref<10000x128xf32, #tpu.memory_space<vmem_shared>>
        tpu.wait_indirect_dma semaphore(%run_scoped3A_243 : memref<!tpu.dma_semaphore, #tpu.memory_space<semaphore_mem>>) src(%dma_wait3A_257 : memref<40x128xf32, #tpu.memory_space<vmem>>) dst(%dma_wait3A_263 : memref<10000x128xf32, #tpu.memory_space<vmem_shared>>)
        tpu.yield
      }) : () -> ()
      %add3A_190 = arith.constant 5 : i32
      %add3A_191 = arith.addi %add3A_177, %add3A_190 : i32
      %lt3A_192 = arith.constant 250 : i32
      %lt3A_193 = arith.cmpi slt, %add3A_191, %lt3A_192 : i32
      %convert_element_type3A_194 = arith.extui %lt3A_193 : i1 to i32
      %cond3A_195 = arith.constant 0 : i32
      %cond3A_196 = arith.cmpi ne, %convert_element_type3A_194, %cond3A_195 : i32
      scf.if %cond3A_196 {
        %add3A_243 = arith.constant 5 : i32
        %add3A_244 = arith.addi %add3A_177, %add3A_243 : i32
        %dma_start3A_245 = arith.constant 2 : i32
        %dma_start3A_246 = arith.constant 0 : i32
        %dma_start3A_247 = arith.constant 0 : i32
        %dma_start3A_248 = tpu.memref_slice %arg8[%dma_start3A_245, %dma_start3A_246, %dma_start3A_247] : memref<5x40x128xf32, #tpu.memory_space<vmem>> -> memref<1x40x128xf32, #tpu.memory_space<vmem>>
        %dma_start3A_249 = tpu.memref_squeeze %dma_start3A_248 : memref<1x40x128xf32, #tpu.memory_space<vmem>> -> memref<40x128xf32, #tpu.memory_space<vmem>>
        %dma_start3A_250 = arith.constant 0 : i32
        %dma_start3A_251 = tpu.memref_slice %arg6[%add3A_244, %dma_start3A_250] : memref<250x40xi32, #tpu.memory_space<vmem>> -> memref<1x40xi32, #tpu.memory_space<vmem>>
        %dma_start3A_252 = tpu.memref_squeeze %dma_start3A_251 : memref<1x40xi32, #tpu.memory_space<vmem>> -> memref<40xi32, #tpu.memory_space<vmem>>
        %dma_start3A_253 = arith.constant 0 : i32
        %dma_start3A_254 = arith.constant 0 : i32
        %dma_start3A_255 = tpu.memref_slice %arg2[%dma_start3A_253, %dma_start3A_254] : memref<10000x128xf32, #tpu.memory_space<hbm>> -> memref<10000x128xf32, #tpu.memory_space<hbm>>
        tpu.enqueue_indirect_dma source(%dma_start3A_255 : memref<10000x128xf32, #tpu.memory_space<hbm>>) target(%dma_start3A_249 : memref<40x128xf32, #tpu.memory_space<vmem>>) offsets(%dma_start3A_252 : memref<40xi32, #tpu.memory_space<vmem>>) semaphore(%arg13 : memref<!tpu.dma_semaphore, #tpu.memory_space<semaphore_mem>>)
      } else {
      }
      %mul3A_197 = arith.constant 5 : i32
      %mul3A_198 = arith.muli %scan3A_130, %mul3A_197 : i32
      %add3A_199 = arith.constant 3 : i32
      %add3A_200 = arith.addi %mul3A_198, %add3A_199 : i32
      %dma_wait3A_201 = arith.constant 3 : i32
      %dma_wait3A_202 = arith.constant 0 : i32
      %dma_wait3A_203 = arith.constant 0 : i32
      %dma_wait3A_204 = tpu.memref_slice %arg8[%dma_wait3A_201, %dma_wait3A_202, %dma_wait3A_203] : memref<5x40x128xf32, #tpu.memory_space<vmem>> -> memref<1x40x128xf32, #tpu.memory_space<vmem>>
      %dma_wait3A_205 = tpu.memref_squeeze %dma_wait3A_204 : memref<1x40x128xf32, #tpu.memory_space<vmem>> -> memref<40x128xf32, #tpu.memory_space<vmem>>
      %dma_wait3A_206 = arith.constant 0 : i32
      %dma_wait3A_207 = tpu.memref_slice %arg6[%add3A_200, %dma_wait3A_206] : memref<250x40xi32, #tpu.memory_space<vmem>> -> memref<1x40xi32, #tpu.memory_space<vmem>>
      %dma_wait3A_208 = tpu.memref_squeeze %dma_wait3A_207 : memref<1x40xi32, #tpu.memory_space<vmem>> -> memref<40xi32, #tpu.memory_space<vmem>>
      %dma_wait3A_209 = arith.constant 0 : i32
      %dma_wait3A_210 = arith.constant 0 : i32
      %dma_wait3A_211 = tpu.memref_slice %arg2[%dma_wait3A_209, %dma_wait3A_210] : memref<10000x128xf32, #tpu.memory_space<hbm>> -> memref<10000x128xf32, #tpu.memory_space<hbm>>
      tpu.wait_indirect_dma semaphore(%arg14 : memref<!tpu.dma_semaphore, #tpu.memory_space<semaphore_mem>>) src(%dma_wait3A_211 : memref<10000x128xf32, #tpu.memory_space<hbm>>) dst(%dma_wait3A_205 : memref<40x128xf32, #tpu.memory_space<vmem>>)
      %run_scoped3A_212 = arith.constant 3 : i32
      "tpu.region"() ({
        %run_scoped3A_243 = tpu.sem_alloc : memref<!tpu.dma_semaphore, #tpu.memory_space<semaphore_mem>>
        %dma_start3A_244 = arith.constant 0 : i32
        %dma_start3A_245 = arith.constant 0 : i32
        %dma_start3A_246 = tpu.memref_slice %arg8[%run_scoped3A_212, %dma_start3A_244, %dma_start3A_245] : memref<5x40x128xf32, #tpu.memory_space<vmem>> -> memref<1x40x128xf32, #tpu.memory_space<vmem>>
        %dma_start3A_247 = tpu.memref_squeeze %dma_start3A_246 : memref<1x40x128xf32, #tpu.memory_space<vmem>> -> memref<40x128xf32, #tpu.memory_space<vmem>>
        %dma_start3A_248 = arith.constant 0 : i32
        %dma_start3A_249 = tpu.memref_slice %arg7[%add3A_200, %dma_start3A_248] : memref<250x40xi32, #tpu.memory_space<vmem>> -> memref<1x40xi32, #tpu.memory_space<vmem>>
        %dma_start3A_250 = tpu.memref_squeeze %dma_start3A_249 : memref<1x40xi32, #tpu.memory_space<vmem>> -> memref<40xi32, #tpu.memory_space<vmem>>
        %dma_start3A_251 = arith.constant 0 : i32
        %dma_start3A_252 = arith.constant 0 : i32
        %dma_start3A_253 = tpu.memref_slice %arg10[%dma_start3A_251, %dma_start3A_252] : memref<10000x128xf32, #tpu.memory_space<vmem_shared>> -> memref<10000x128xf32, #tpu.memory_space<vmem_shared>>
        tpu.enqueue_indirect_dma source(%dma_start3A_247 : memref<40x128xf32, #tpu.memory_space<vmem>>) target(%dma_start3A_253 : memref<10000x128xf32, #tpu.memory_space<vmem_shared>>) offsets(%dma_start3A_250 : memref<40xi32, #tpu.memory_space<vmem>>) semaphore(%run_scoped3A_243 : memref<!tpu.dma_semaphore, #tpu.memory_space<semaphore_mem>>) {add = true}
        %dma_wait3A_254 = arith.constant 0 : i32
        %dma_wait3A_255 = arith.constant 0 : i32
        %dma_wait3A_256 = tpu.memref_slice %arg8[%run_scoped3A_212, %dma_wait3A_254, %dma_wait3A_255] : memref<5x40x128xf32, #tpu.memory_space<vmem>> -> memref<1x40x128xf32, #tpu.memory_space<vmem>>
        %dma_wait3A_257 = tpu.memref_squeeze %dma_wait3A_256 : memref<1x40x128xf32, #tpu.memory_space<vmem>> -> memref<40x128xf32, #tpu.memory_space<vmem>>
        %dma_wait3A_258 = arith.constant 0 : i32
        %dma_wait3A_259 = tpu.memref_slice %arg7[%add3A_200, %dma_wait3A_258] : memref<250x40xi32, #tpu.memory_space<vmem>> -> memref<1x40xi32, #tpu.memory_space<vmem>>
        %dma_wait3A_260 = tpu.memref_squeeze %dma_wait3A_259 : memref<1x40xi32, #tpu.memory_space<vmem>> -> memref<40xi32, #tpu.memory_space<vmem>>
        %dma_wait3A_261 = arith.constant 0 : i32
        %dma_wait3A_262 = arith.constant 0 : i32
        %dma_wait3A_263 = tpu.memref_slice %arg10[%dma_wait3A_261, %dma_wait3A_262] : memref<10000x128xf32, #tpu.memory_space<vmem_shared>> -> memref<10000x128xf32, #tpu.memory_space<vmem_shared>>
        tpu.wait_indirect_dma semaphore(%run_scoped3A_243 : memref<!tpu.dma_semaphore, #tpu.memory_space<semaphore_mem>>) src(%dma_wait3A_257 : memref<40x128xf32, #tpu.memory_space<vmem>>) dst(%dma_wait3A_263 : memref<10000x128xf32, #tpu.memory_space<vmem_shared>>)
        tpu.yield
      }) : () -> ()
      %add3A_213 = arith.constant 5 : i32
      %add3A_214 = arith.addi %add3A_200, %add3A_213 : i32
      %lt3A_215 = arith.constant 250 : i32
      %lt3A_216 = arith.cmpi slt, %add3A_214, %lt3A_215 : i32
      %convert_element_type3A_217 = arith.extui %lt3A_216 : i1 to i32
      %cond3A_218 = arith.constant 0 : i32
      %cond3A_219 = arith.cmpi ne, %convert_element_type3A_217, %cond3A_218 : i32
      scf.if %cond3A_219 {
        %add3A_243 = arith.constant 5 : i32
        %add3A_244 = arith.addi %add3A_200, %add3A_243 : i32
        %dma_start3A_245 = arith.constant 3 : i32
        %dma_start3A_246 = arith.constant 0 : i32
        %dma_start3A_247 = arith.constant 0 : i32
        %dma_start3A_248 = tpu.memref_slice %arg8[%dma_start3A_245, %dma_start3A_246, %dma_start3A_247] : memref<5x40x128xf32, #tpu.memory_space<vmem>> -> memref<1x40x128xf32, #tpu.memory_space<vmem>>
        %dma_start3A_249 = tpu.memref_squeeze %dma_start3A_248 : memref<1x40x128xf32, #tpu.memory_space<vmem>> -> memref<40x128xf32, #tpu.memory_space<vmem>>
        %dma_start3A_250 = arith.constant 0 : i32
        %dma_start3A_251 = tpu.memref_slice %arg6[%add3A_244, %dma_start3A_250] : memref<250x40xi32, #tpu.memory_space<vmem>> -> memref<1x40xi32, #tpu.memory_space<vmem>>
        %dma_start3A_252 = tpu.memref_squeeze %dma_start3A_251 : memref<1x40xi32, #tpu.memory_space<vmem>> -> memref<40xi32, #tpu.memory_space<vmem>>
        %dma_start3A_253 = arith.constant 0 : i32
        %dma_start3A_254 = arith.constant 0 : i32
        %dma_start3A_255 = tpu.memref_slice %arg2[%dma_start3A_253, %dma_start3A_254] : memref<10000x128xf32, #tpu.memory_space<hbm>> -> memref<10000x128xf32, #tpu.memory_space<hbm>>
        tpu.enqueue_indirect_dma source(%dma_start3A_255 : memref<10000x128xf32, #tpu.memory_space<hbm>>) target(%dma_start3A_249 : memref<40x128xf32, #tpu.memory_space<vmem>>) offsets(%dma_start3A_252 : memref<40xi32, #tpu.memory_space<vmem>>) semaphore(%arg14 : memref<!tpu.dma_semaphore, #tpu.memory_space<semaphore_mem>>)
      } else {
      }
      %mul3A_220 = arith.constant 5 : i32
      %mul3A_221 = arith.muli %scan3A_130, %mul3A_220 : i32
      %add3A_222 = arith.constant 4 : i32
      %add3A_223 = arith.addi %mul3A_221, %add3A_222 : i32
      %dma_wait3A_224 = arith.constant 4 : i32
      %dma_wait3A_225 = arith.constant 0 : i32
      %dma_wait3A_226 = arith.constant 0 : i32
      %dma_wait3A_227 = tpu.memref_slice %arg8[%dma_wait3A_224, %dma_wait3A_225, %dma_wait3A_226] : memref<5x40x128xf32, #tpu.memory_space<vmem>> -> memref<1x40x128xf32, #tpu.memory_space<vmem>>
      %dma_wait3A_228 = tpu.memref_squeeze %dma_wait3A_227 : memref<1x40x128xf32, #tpu.memory_space<vmem>> -> memref<40x128xf32, #tpu.memory_space<vmem>>
      %dma_wait3A_229 = arith.constant 0 : i32
      %dma_wait3A_230 = tpu.memref_slice %arg6[%add3A_223, %dma_wait3A_229] : memref<250x40xi32, #tpu.memory_space<vmem>> -> memref<1x40xi32, #tpu.memory_space<vmem>>
      %dma_wait3A_231 = tpu.memref_squeeze %dma_wait3A_230 : memref<1x40xi32, #tpu.memory_space<vmem>> -> memref<40xi32, #tpu.memory_space<vmem>>
      %dma_wait3A_232 = arith.constant 0 : i32
      %dma_wait3A_233 = arith.constant 0 : i32
      %dma_wait3A_234 = tpu.memref_slice %arg2[%dma_wait3A_232, %dma_wait3A_233] : memref<10000x128xf32, #tpu.memory_space<hbm>> -> memref<10000x128xf32, #tpu.memory_space<hbm>>
      tpu.wait_indirect_dma semaphore(%arg15 : memref<!tpu.dma_semaphore, #tpu.memory_space<semaphore_mem>>) src(%dma_wait3A_234 : memref<10000x128xf32, #tpu.memory_space<hbm>>) dst(%dma_wait3A_228 : memref<40x128xf32, #tpu.memory_space<vmem>>)
      %run_scoped3A_235 = arith.constant 4 : i32
      "tpu.region"() ({
        %run_scoped3A_243 = tpu.sem_alloc : memref<!tpu.dma_semaphore, #tpu.memory_space<semaphore_mem>>
        %dma_start3A_244 = arith.constant 0 : i32
        %dma_start3A_245 = arith.constant 0 : i32
        %dma_start3A_246 = tpu.memref_slice %arg8[%run_scoped3A_235, %dma_start3A_244, %dma_start3A_245] : memref<5x40x128xf32, #tpu.memory_space<vmem>> -> memref<1x40x128xf32, #tpu.memory_space<vmem>>
        %dma_start3A_247 = tpu.memref_squeeze %dma_start3A_246 : memref<1x40x128xf32, #tpu.memory_space<vmem>> -> memref<40x128xf32, #tpu.memory_space<vmem>>
        %dma_start3A_248 = arith.constant 0 : i32
        %dma_start3A_249 = tpu.memref_slice %arg7[%add3A_223, %dma_start3A_248] : memref<250x40xi32, #tpu.memory_space<vmem>> -> memref<1x40xi32, #tpu.memory_space<vmem>>
        %dma_start3A_250 = tpu.memref_squeeze %dma_start3A_249 : memref<1x40xi32, #tpu.memory_space<vmem>> -> memref<40xi32, #tpu.memory_space<vmem>>
        %dma_start3A_251 = arith.constant 0 : i32
        %dma_start3A_252 = arith.constant 0 : i32
        %dma_start3A_253 = tpu.memref_slice %arg10[%dma_start3A_251, %dma_start3A_252] : memref<10000x128xf32, #tpu.memory_space<vmem_shared>> -> memref<10000x128xf32, #tpu.memory_space<vmem_shared>>
        tpu.enqueue_indirect_dma source(%dma_start3A_247 : memref<40x128xf32, #tpu.memory_space<vmem>>) target(%dma_start3A_253 : memref<10000x128xf32, #tpu.memory_space<vmem_shared>>) offsets(%dma_start3A_250 : memref<40xi32, #tpu.memory_space<vmem>>) semaphore(%run_scoped3A_243 : memref<!tpu.dma_semaphore, #tpu.memory_space<semaphore_mem>>) {add = true}
        %dma_wait3A_254 = arith.constant 0 : i32
        %dma_wait3A_255 = arith.constant 0 : i32
        %dma_wait3A_256 = tpu.memref_slice %arg8[%run_scoped3A_235, %dma_wait3A_254, %dma_wait3A_255] : memref<5x40x128xf32, #tpu.memory_space<vmem>> -> memref<1x40x128xf32, #tpu.memory_space<vmem>>
        %dma_wait3A_257 = tpu.memref_squeeze %dma_wait3A_256 : memref<1x40x128xf32, #tpu.memory_space<vmem>> -> memref<40x128xf32, #tpu.memory_space<vmem>>
        %dma_wait3A_258 = arith.constant 0 : i32
        %dma_wait3A_259 = tpu.memref_slice %arg7[%add3A_223, %dma_wait3A_258] : memref<250x40xi32, #tpu.memory_space<vmem>> -> memref<1x40xi32, #tpu.memory_space<vmem>>
        %dma_wait3A_260 = tpu.memref_squeeze %dma_wait3A_259 : memref<1x40xi32, #tpu.memory_space<vmem>> -> memref<40xi32, #tpu.memory_space<vmem>>
        %dma_wait3A_261 = arith.constant 0 : i32
        %dma_wait3A_262 = arith.constant 0 : i32
        %dma_wait3A_263 = tpu.memref_slice %arg10[%dma_wait3A_261, %dma_wait3A_262] : memref<10000x128xf32, #tpu.memory_space<vmem_shared>> -> memref<10000x128xf32, #tpu.memory_space<vmem_shared>>
        tpu.wait_indirect_dma semaphore(%run_scoped3A_243 : memref<!tpu.dma_semaphore, #tpu.memory_space<semaphore_mem>>) src(%dma_wait3A_257 : memref<40x128xf32, #tpu.memory_space<vmem>>) dst(%dma_wait3A_263 : memref<10000x128xf32, #tpu.memory_space<vmem_shared>>)
        tpu.yield
      }) : () -> ()
      %add3A_236 = arith.constant 5 : i32
      %add3A_237 = arith.addi %add3A_223, %add3A_236 : i32
      %lt3A_238 = arith.constant 250 : i32
      %lt3A_239 = arith.cmpi slt, %add3A_237, %lt3A_238 : i32
      %convert_element_type3A_240 = arith.extui %lt3A_239 : i1 to i32
      %cond3A_241 = arith.constant 0 : i32
      %cond3A_242 = arith.cmpi ne, %convert_element_type3A_240, %cond3A_241 : i32
      scf.if %cond3A_242 {
        %add3A_243 = arith.constant 5 : i32
        %add3A_244 = arith.addi %add3A_223, %add3A_243 : i32
        %dma_start3A_245 = arith.constant 4 : i32
        %dma_start3A_246 = arith.constant 0 : i32
        %dma_start3A_247 = arith.constant 0 : i32
        %dma_start3A_248 = tpu.memref_slice %arg8[%dma_start3A_245, %dma_start3A_246, %dma_start3A_247] : memref<5x40x128xf32, #tpu.memory_space<vmem>> -> memref<1x40x128xf32, #tpu.memory_space<vmem>>
        %dma_start3A_249 = tpu.memref_squeeze %dma_start3A_248 : memref<1x40x128xf32, #tpu.memory_space<vmem>> -> memref<40x128xf32, #tpu.memory_space<vmem>>
        %dma_start3A_250 = arith.constant 0 : i32
        %dma_start3A_251 = tpu.memref_slice %arg6[%add3A_244, %dma_start3A_250] : memref<250x40xi32, #tpu.memory_space<vmem>> -> memref<1x40xi32, #tpu.memory_space<vmem>>
        %dma_start3A_252 = tpu.memref_squeeze %dma_start3A_251 : memref<1x40xi32, #tpu.memory_space<vmem>> -> memref<40xi32, #tpu.memory_space<vmem>>
        %dma_start3A_253 = arith.constant 0 : i32
        %dma_start3A_254 = arith.constant 0 : i32
        %dma_start3A_255 = tpu.memref_slice %arg2[%dma_start3A_253, %dma_start3A_254] : memref<10000x128xf32, #tpu.memory_space<hbm>> -> memref<10000x128xf32, #tpu.memory_space<hbm>>
        tpu.enqueue_indirect_dma source(%dma_start3A_255 : memref<10000x128xf32, #tpu.memory_space<hbm>>) target(%dma_start3A_249 : memref<40x128xf32, #tpu.memory_space<vmem>>) offsets(%dma_start3A_252 : memref<40xi32, #tpu.memory_space<vmem>>) semaphore(%arg15 : memref<!tpu.dma_semaphore, #tpu.memory_space<semaphore_mem>>)
      } else {
      }
    }
    %scan3A_123 = arith.constant 50 : i32
    %barrier3A_124 = arith.constant 0 : index
    tpu.barrier barrier_id(%barrier3A_124)
    "tpu.region"() ({
      %run_scoped3A = tpu.sem_alloc : memref<!tpu.dma_semaphore, #tpu.memory_space<semaphore_mem>>
      %dma_start3A_130 = arith.constant 0 : i32
      %dma_start3A_131 = tpu.memref_slice %arg5[%arg0, %mul3A_5, %dma_start3A_130] : memref<2x10000x128xf32, #tpu.memory_space<hbm>> -> memref<1x624x128xf32, #tpu.memory_space<hbm>>
      %dma_start3A_132 = tpu.memref_squeeze %dma_start3A_131 : memref<1x624x128xf32, #tpu.memory_space<hbm>> -> memref<624x128xf32, #tpu.memory_space<hbm>>
      %dma_start3A_133 = arith.constant 0 : i32
      %dma_start3A_134 = tpu.memref_slice %arg10[%mul3A_5, %dma_start3A_133] : memref<10000x128xf32, #tpu.memory_space<vmem_shared>> -> memref<624x128xf32, #tpu.memory_space<vmem_shared>>
      tpu.enqueue_dma source(%dma_start3A_134 : memref<624x128xf32, #tpu.memory_space<vmem_shared>>) target(%dma_start3A_132 : memref<624x128xf32, #tpu.memory_space<hbm>>) target_semaphore(%run_scoped3A : memref<!tpu.dma_semaphore, #tpu.memory_space<semaphore_mem>>)
      %dma_wait3A = arith.constant 0 : i32
      %dma_wait3A_135 = tpu.memref_slice %arg5[%arg0, %mul3A_5, %dma_wait3A] : memref<2x10000x128xf32, #tpu.memory_space<hbm>> -> memref<1x624x128xf32, #tpu.memory_space<hbm>>
      %dma_wait3A_136 = tpu.memref_squeeze %dma_wait3A_135 : memref<1x624x128xf32, #tpu.memory_space<hbm>> -> memref<624x128xf32, #tpu.memory_space<hbm>>
      %dma_wait3A_137 = arith.constant 0 : i32
      %dma_wait3A_138 = tpu.memref_slice %arg10[%mul3A_5, %dma_wait3A_137] : memref<10000x128xf32, #tpu.memory_space<vmem_shared>> -> memref<624x128xf32, #tpu.memory_space<vmem_shared>>
      tpu.wait_dma2 semaphore(%run_scoped3A : memref<!tpu.dma_semaphore, #tpu.memory_space<semaphore_mem>>) src(%dma_wait3A_138 : memref<624x128xf32, #tpu.memory_space<vmem_shared>>) dst(%dma_wait3A_136 : memref<624x128xf32, #tpu.memory_space<hbm>>)
      tpu.yield
    }) : () -> ()
    %eq3A_125 = arith.constant 15 : i32
    %eq3A_126 = arith.cmpi eq, %arg1, %eq3A_125 : i32
    %convert_element_type3A_127 = arith.extui %eq3A_126 : i1 to i32
    %cond3A_128 = arith.constant 0 : i32
    %cond3A_129 = arith.cmpi ne, %convert_element_type3A_127, %cond3A_128 : i32
    scf.if %cond3A_129 {
      "tpu.region"() ({
        %run_scoped3A = tpu.sem_alloc : memref<!tpu.dma_semaphore, #tpu.memory_space<semaphore_mem>>
        %dma_start3A_130 = arith.constant 9984 : i32
        %dma_start3A_131 = arith.constant 0 : i32
        %dma_start3A_132 = tpu.memref_slice %arg5[%arg0, %dma_start3A_130, %dma_start3A_131] : memref<2x10000x128xf32, #tpu.memory_space<hbm>> -> memref<1x16x128xf32, #tpu.memory_space<hbm>>
        %dma_start3A_133 = tpu.memref_squeeze %dma_start3A_132 : memref<1x16x128xf32, #tpu.memory_space<hbm>> -> memref<16x128xf32, #tpu.memory_space<hbm>>
        %dma_start3A_134 = arith.constant 9984 : i32
        %dma_start3A_135 = arith.constant 0 : i32
        %dma_start3A_136 = tpu.memref_slice %arg10[%dma_start3A_134, %dma_start3A_135] : memref<10000x128xf32, #tpu.memory_space<vmem_shared>> -> memref<16x128xf32, #tpu.memory_space<vmem_shared>>
        tpu.enqueue_dma source(%dma_start3A_136 : memref<16x128xf32, #tpu.memory_space<vmem_shared>>) target(%dma_start3A_133 : memref<16x128xf32, #tpu.memory_space<hbm>>) target_semaphore(%run_scoped3A : memref<!tpu.dma_semaphore, #tpu.memory_space<semaphore_mem>>)
        %dma_wait3A = arith.constant 9984 : i32
        %dma_wait3A_137 = arith.constant 0 : i32
        %dma_wait3A_138 = tpu.memref_slice %arg5[%arg0, %dma_wait3A, %dma_wait3A_137] : memref<2x10000x128xf32, #tpu.memory_space<hbm>> -> memref<1x16x128xf32, #tpu.memory_space<hbm>>
        %dma_wait3A_139 = tpu.memref_squeeze %dma_wait3A_138 : memref<1x16x128xf32, #tpu.memory_space<hbm>> -> memref<16x128xf32, #tpu.memory_space<hbm>>
        %dma_wait3A_140 = arith.constant 9984 : i32
        %dma_wait3A_141 = arith.constant 0 : i32
        %dma_wait3A_142 = tpu.memref_slice %arg10[%dma_wait3A_140, %dma_wait3A_141] : memref<10000x128xf32, #tpu.memory_space<vmem_shared>> -> memref<16x128xf32, #tpu.memory_space<vmem_shared>>
        tpu.wait_dma2 semaphore(%run_scoped3A : memref<!tpu.dma_semaphore, #tpu.memory_space<semaphore_mem>>) src(%dma_wait3A_142 : memref<16x128xf32, #tpu.memory_space<vmem_shared>>) dst(%dma_wait3A_139 : memref<16x128xf32, #tpu.memory_space<hbm>>)
        tpu.yield
      }) : () -> ()
    } else {
    }
    return
  }
}

module attributes {stable_mosaic.version = 14 : i64} {
  func.func @_mlp_fused_body(%arg0: i32, %arg1: i32, %arg2: memref<400x128xf32, #tpu.memory_space<vmem>>, %arg3: memref<2x400x128xf32, #tpu.memory_space<vmem>>, %arg4: memref<128x128xf32, #tpu.memory_space<vmem>>, %arg5: memref<1x128xf32, #tpu.memory_space<vmem>>, %arg6: memref<1x128xf32, #tpu.memory_space<vmem>>, %arg7: memref<1x128xf32, #tpu.memory_space<vmem>>, %arg8: memref<128x128xf32, #tpu.memory_space<vmem>>, %arg9: memref<1x128xf32, #tpu.memory_space<vmem>>, %arg10: memref<1x1x400xi32, #tpu.memory_space<vmem>>, %arg11: memref<400x128xf32, #tpu.memory_space<vmem>>, %arg12: memref<64x128xf32, #tpu.memory_space<vmem>>, %arg13: memref<10000x128xf32, #tpu.memory_space<vmem>>, %arg14: memref<1x128xf32, #tpu.memory_space<vmem>>, %arg15: memref<1x128xf32, #tpu.memory_space<vmem>>, %arg16: memref<1x128xf32, #tpu.memory_space<vmem>>) attributes {dimension_semantics = [#tpu.dimension_semantics<arbitrary>, #tpu.dimension_semantics<arbitrary>], iteration_bounds = array<i64: 2, 25>, scalar_prefetch = 0 : i64, scratch_operands = 4 : i64, tpu.core_type = #tpu.core_type<tc>, window_params = [{transform_indices = @transform_0, window_bounds = array<i64: 400, 128>}, {transform_indices = @transform_1, window_bounds = array<i64: 2, 400, 128>}, {pipeline_mode = #tpu.pipeline_mode<synchronous>, transform_indices = @transform_2, window_bounds = array<i64: 128, 128>}, {pipeline_mode = #tpu.pipeline_mode<synchronous>, transform_indices = @transform_3, window_bounds = array<i64: 1, 128>}, {pipeline_mode = #tpu.pipeline_mode<synchronous>, transform_indices = @transform_4, window_bounds = array<i64: 1, 128>}, {pipeline_mode = #tpu.pipeline_mode<synchronous>, transform_indices = @transform_5, window_bounds = array<i64: 1, 128>}, {pipeline_mode = #tpu.pipeline_mode<synchronous>, transform_indices = @transform_6, window_bounds = array<i64: 128, 128>}, {pipeline_mode = #tpu.pipeline_mode<synchronous>, transform_indices = @transform_7, window_bounds = array<i64: 1, 128>}, {transform_indices = @transform_8, window_bounds = array<i64: 1, 1, 400>}, {transform_indices = @transform_9, window_bounds = array<i64: 400, 128>}, {pipeline_mode = #tpu.pipeline_mode<synchronous>, transform_indices = @transform_10, window_bounds = array<i64: 64, 128>}]} {
    %eq3A = arith.constant 0 : i32
    %eq3A_0 = arith.cmpi eq, %arg0, %eq3A : i32
    %convert_element_type3A = arith.extui %eq3A_0 : i1 to i32
    %cond3A = arith.constant 0 : i32
    %cond3A_1 = arith.cmpi ne, %convert_element_type3A, %cond3A : i32
    scf.if %cond3A_1 {
      %get3A = arith.constant 0 : index
      %get3A_7 = arith.constant 0 : index
      %get3A_8 = vector.load %arg2[%get3A, %get3A_7] : memref<400x128xf32, #tpu.memory_space<vmem>>, vector<400x128xf32>
      %get3A_9 = arith.constant 0 : index
      %get3A_10 = arith.constant 0 : index
      %get3A_11 = arith.constant 0 : index
      %get3A_12 = vector.load %arg3[%get3A_9, %get3A_10, %get3A_11] : memref<2x400x128xf32, #tpu.memory_space<vmem>>, vector<1x400x128xf32>
      %get3A_13 = vector.shape_cast %get3A_12 : vector<1x400x128xf32> to vector<400x128xf32>
      %add3A = arith.addf %get3A_8, %get3A_13 : vector<400x128xf32>
      %get3A_14 = arith.constant 1 : index
      %get3A_15 = arith.constant 0 : index
      %get3A_16 = arith.constant 0 : index
      %get3A_17 = vector.load %arg3[%get3A_14, %get3A_15, %get3A_16] : memref<2x400x128xf32, #tpu.memory_space<vmem>>, vector<1x400x128xf32>
      %get3A_18 = vector.shape_cast %get3A_17 : vector<1x400x128xf32> to vector<400x128xf32>
      %add3A_19 = arith.addf %add3A, %get3A_18 : vector<400x128xf32>
      %get3A_20 = arith.constant 0 : index
      %get3A_21 = arith.constant 0 : index
      %get3A_22 = vector.load %arg4[%get3A_20, %get3A_21] : memref<128x128xf32, #tpu.memory_space<vmem>>, vector<128x128xf32>
      %dot_general3A = arith.constant dense<0.000000e+00> : vector<400x128xf32>
      %dot_general3A_23 = tpu.matmul %add3A_19, %get3A_22, %dot_general3A {dimension_numbers = #tpu.dot_dimension_numbers<[1], [0], [0], [1], [0, 0, 1, 1], [], []>, transpose_lhs_hint = false} : vector<400x128xf32>, vector<128x128xf32>, vector<400x128xf32> -> vector<400x128xf32>
      %get3A_24 = arith.constant 0 : index
      %get3A_25 = arith.constant 0 : index
      %get3A_26 = vector.load %arg5[%get3A_24, %get3A_25] : memref<1x128xf32, #tpu.memory_space<vmem>>, vector<1x128xf32>
      %add3A_27 = vector.broadcast %get3A_26 : vector<1x128xf32> to vector<400x128xf32>
      %add3A_28 = arith.addf %dot_general3A_23, %add3A_27 : vector<400x128xf32>
      %mul3A = arith.constant 400 : i32
      %mul3A_29 = arith.muli %arg1, %mul3A : i32
      %swap3A = arith.index_cast %mul3A_29 : i32 to index
      %swap3A_30 = arith.constant 0 : index
      %swap3A_31 = vector.load %arg13[%swap3A, %swap3A_30] : memref<10000x128xf32, #tpu.memory_space<vmem>>, vector<400x128xf32>
      tpu.vector_store %arg13[%swap3A, %swap3A_30], %add3A_28 {strides = array<i32>} : memref<10000x128xf32, #tpu.memory_space<vmem>>, vector<400x128xf32>,
      %eq3A_32 = arith.constant 0 : i32
      %eq3A_33 = arith.cmpi eq, %arg1, %eq3A_32 : i32
      %convert_element_type3A_34 = arith.extui %eq3A_33 : i1 to i32
      %cond3A_35 = arith.constant 0 : i32
      %cond3A_36 = arith.cmpi ne, %convert_element_type3A_34, %cond3A_35 : i32
      scf.if %cond3A_36 {
        %broadcast_in_dim3A_67 = arith.constant 0.000000e+00 : f32
        %broadcast_in_dim3A_68 = vector.broadcast %broadcast_in_dim3A_67 : f32 to vector<1x128xf32>
        %swap3A_69 = arith.constant 0 : index
        %swap3A_70 = arith.constant 0 : index
        %swap3A_71 = vector.load %arg14[%swap3A_69, %swap3A_70] : memref<1x128xf32, #tpu.memory_space<vmem>>, vector<1x128xf32>
        tpu.vector_store %arg14[%swap3A_69, %swap3A_70], %broadcast_in_dim3A_68 {strides = array<i32>} : memref<1x128xf32, #tpu.memory_space<vmem>>, vector<1x128xf32>,
        %broadcast_in_dim3A_72 = arith.constant 0.000000e+00 : f32
        %broadcast_in_dim3A_73 = vector.broadcast %broadcast_in_dim3A_72 : f32 to vector<1x128xf32>
        %swap3A_74 = arith.constant 0 : index
        %swap3A_75 = arith.constant 0 : index
        %swap3A_76 = vector.load %arg15[%swap3A_74, %swap3A_75] : memref<1x128xf32, #tpu.memory_space<vmem>>, vector<1x128xf32>
        tpu.vector_store %arg15[%swap3A_74, %swap3A_75], %broadcast_in_dim3A_73 {strides = array<i32>} : memref<1x128xf32, #tpu.memory_space<vmem>>, vector<1x128xf32>,
        %broadcast_in_dim3A_77 = arith.constant 0.000000e+00 : f32
        %broadcast_in_dim3A_78 = vector.broadcast %broadcast_in_dim3A_77 : f32 to vector<1x128xf32>
        %swap3A_79 = arith.constant 0 : index
        %swap3A_80 = arith.constant 0 : index
        %swap3A_81 = vector.load %arg16[%swap3A_79, %swap3A_80] : memref<1x128xf32, #tpu.memory_space<vmem>>, vector<1x128xf32>
        tpu.vector_store %arg16[%swap3A_79, %swap3A_80], %broadcast_in_dim3A_78 {strides = array<i32>} : memref<1x128xf32, #tpu.memory_space<vmem>>, vector<1x128xf32>,
      } else {
      }
      %reduce_sum3A = arith.constant dense<0.000000e+00> : vector<128xf32>
      %reduce_sum3A_37 = vector.multi_reduction <add>, %add3A_28, %reduce_sum3A [0] : vector<400x128xf32> to vector<128xf32>
      %broadcast_in_dim3A = vector.shape_cast %reduce_sum3A_37 : vector<128xf32> to vector<1x128xf32>
      %div3A = arith.constant 4.000000e+02 : f32
      %div3A_38 = vector.broadcast %div3A : f32 to vector<1x128xf32>
      %div3A_39 = arith.divf %broadcast_in_dim3A, %div3A_38 : vector<1x128xf32>
      %sub3A = vector.broadcast %div3A_39 : vector<1x128xf32> to vector<400x128xf32>
      %sub3A_40 = arith.subf %add3A_28, %sub3A : vector<400x128xf32>
      %get3A_41 = arith.constant 0 : index
      %get3A_42 = arith.constant 0 : index
      %get3A_43 = vector.load %arg14[%get3A_41, %get3A_42] : memref<1x128xf32, #tpu.memory_space<vmem>>, vector<1x128xf32>
      %add3A_44 = arith.addf %get3A_43, %div3A_39 : vector<1x128xf32>
      %swap3A_45 = arith.constant 0 : index
      %swap3A_46 = arith.constant 0 : index
      %swap3A_47 = vector.load %arg14[%swap3A_45, %swap3A_46] : memref<1x128xf32, #tpu.memory_space<vmem>>, vector<1x128xf32>
      tpu.vector_store %arg14[%swap3A_45, %swap3A_46], %add3A_44 {strides = array<i32>} : memref<1x128xf32, #tpu.memory_space<vmem>>, vector<1x128xf32>,
      %get3A_48 = arith.constant 0 : index
      %get3A_49 = arith.constant 0 : index
      %get3A_50 = vector.load %arg15[%get3A_48, %get3A_49] : memref<1x128xf32, #tpu.memory_space<vmem>>, vector<1x128xf32>
      %mul3A_51 = arith.mulf %div3A_39, %div3A_39 : vector<1x128xf32>
      %add3A_52 = arith.addf %get3A_50, %mul3A_51 : vector<1x128xf32>
      %swap3A_53 = arith.constant 0 : index
      %swap3A_54 = arith.constant 0 : index
      %swap3A_55 = vector.load %arg15[%swap3A_53, %swap3A_54] : memref<1x128xf32, #tpu.memory_space<vmem>>, vector<1x128xf32>
      tpu.vector_store %arg15[%swap3A_53, %swap3A_54], %add3A_52 {strides = array<i32>} : memref<1x128xf32, #tpu.memory_space<vmem>>, vector<1x128xf32>,
      %get3A_56 = arith.constant 0 : index
      %get3A_57 = arith.constant 0 : index
      %get3A_58 = vector.load %arg16[%get3A_56, %get3A_57] : memref<1x128xf32, #tpu.memory_space<vmem>>, vector<1x128xf32>
      %mul3A_59 = arith.mulf %sub3A_40, %sub3A_40 : vector<400x128xf32>
      %reduce_sum3A_60 = arith.constant dense<0.000000e+00> : vector<128xf32>
      %reduce_sum3A_61 = vector.multi_reduction <add>, %mul3A_59, %reduce_sum3A_60 [0] : vector<400x128xf32> to vector<128xf32>
      %broadcast_in_dim3A_62 = vector.shape_cast %reduce_sum3A_61 : vector<128xf32> to vector<1x128xf32>
      %add3A_63 = arith.addf %get3A_58, %broadcast_in_dim3A_62 : vector<1x128xf32>
      %swap3A_64 = arith.constant 0 : index
      %swap3A_65 = arith.constant 0 : index
      %swap3A_66 = vector.load %arg16[%swap3A_64, %swap3A_65] : memref<1x128xf32, #tpu.memory_space<vmem>>, vector<1x128xf32>
      tpu.vector_store %arg16[%swap3A_64, %swap3A_65], %add3A_63 {strides = array<i32>} : memref<1x128xf32, #tpu.memory_space<vmem>>, vector<1x128xf32>,
    } else {
    }
    %eq3A_2 = arith.constant 1 : i32
    %eq3A_3 = arith.cmpi eq, %arg0, %eq3A_2 : i32
    %convert_element_type3A_4 = arith.extui %eq3A_3 : i1 to i32
    %cond3A_5 = arith.constant 0 : i32
    %cond3A_6 = arith.cmpi ne, %convert_element_type3A_4, %cond3A_5 : i32
    scf.if %cond3A_6 {
      %get3A = arith.constant 0 : index
      %get3A_7 = arith.constant 0 : index
      %get3A_8 = vector.load %arg14[%get3A, %get3A_7] : memref<1x128xf32, #tpu.memory_space<vmem>>, vector<1x128xf32>
      %mul3A = arith.constant 4.000000e-02 : f32
      %mul3A_9 = vector.broadcast %mul3A : f32 to vector<1x128xf32>
      %mul3A_10 = arith.mulf %get3A_8, %mul3A_9 : vector<1x128xf32>
      %get3A_11 = arith.constant 0 : index
      %get3A_12 = arith.constant 0 : index
      %get3A_13 = vector.load %arg15[%get3A_11, %get3A_12] : memref<1x128xf32, #tpu.memory_space<vmem>>, vector<1x128xf32>
      %mul3A_14 = arith.constant 2.500000e+01 : f32
      %mul3A_15 = vector.broadcast %mul3A_14 : f32 to vector<1x128xf32>
      %mul3A_16 = arith.mulf %mul3A_15, %mul3A_10 : vector<1x128xf32>
      %mul3A_17 = arith.mulf %mul3A_16, %mul3A_10 : vector<1x128xf32>
      %sub3A = arith.subf %get3A_13, %mul3A_17 : vector<1x128xf32>
      %get3A_18 = arith.constant 0 : index
      %get3A_19 = arith.constant 0 : index
      %get3A_20 = vector.load %arg16[%get3A_18, %get3A_19] : memref<1x128xf32, #tpu.memory_space<vmem>>, vector<1x128xf32>
      %mul3A_21 = arith.constant 4.000000e+02 : f32
      %mul3A_22 = vector.broadcast %mul3A_21 : f32 to vector<1x128xf32>
      %mul3A_23 = arith.mulf %mul3A_22, %sub3A : vector<1x128xf32>
      %add3A = arith.addf %get3A_20, %mul3A_23 : vector<1x128xf32>
      %mul3A_24 = arith.constant 9.99999974E-5 : f32
      %mul3A_25 = vector.broadcast %mul3A_24 : f32 to vector<1x128xf32>
      %mul3A_26 = arith.mulf %add3A, %mul3A_25 : vector<1x128xf32>
      %add3A_27 = arith.constant 9.99999974E-6 : f32
      %add3A_28 = vector.broadcast %add3A_27 : f32 to vector<1x128xf32>
      %add3A_29 = arith.addf %mul3A_26, %add3A_28 : vector<1x128xf32>
      %rsqrt3A = math.rsqrt %add3A_29 : vector<1x128xf32>
      %get3A_30 = arith.constant 0 : index
      %get3A_31 = arith.constant 0 : index
      %get3A_32 = vector.load %arg6[%get3A_30, %get3A_31] : memref<1x128xf32, #tpu.memory_space<vmem>>, vector<1x128xf32>
      %mul3A_33 = arith.mulf %rsqrt3A, %get3A_32 : vector<1x128xf32>
      %mul3A_34 = arith.constant 400 : i32
      %mul3A_35 = arith.muli %arg1, %mul3A_34 : i32
      %get3A_36 = arith.index_cast %mul3A_35 : i32 to index
      %get3A_37 = arith.constant 0 : index
      %get3A_38 = vector.load %arg13[%get3A_36, %get3A_37] : memref<10000x128xf32, #tpu.memory_space<vmem>>, vector<400x128xf32>
      %sub3A_39 = vector.broadcast %mul3A_10 : vector<1x128xf32> to vector<400x128xf32>
      %sub3A_40 = arith.subf %get3A_38, %sub3A_39 : vector<400x128xf32>
      %mul3A_41 = vector.broadcast %mul3A_33 : vector<1x128xf32> to vector<400x128xf32>
      %mul3A_42 = arith.mulf %sub3A_40, %mul3A_41 : vector<400x128xf32>
      %get3A_43 = arith.constant 0 : index
      %get3A_44 = arith.constant 0 : index
      %get3A_45 = vector.load %arg7[%get3A_43, %get3A_44] : memref<1x128xf32, #tpu.memory_space<vmem>>, vector<1x128xf32>
      %add3A_46 = vector.broadcast %get3A_45 : vector<1x128xf32> to vector<400x128xf32>
      %add3A_47 = arith.addf %mul3A_42, %add3A_46 : vector<400x128xf32>
      %max3A = arith.constant 0.000000e+00 : f32
      %max3A_48 = vector.broadcast %max3A : f32 to vector<400x128xf32>
      %max3A_49 = arith.maximumf %add3A_47, %max3A_48 : vector<400x128xf32>
      %get3A_50 = arith.constant 0 : index
      %get3A_51 = arith.constant 0 : index
      %get3A_52 = vector.load %arg8[%get3A_50, %get3A_51] : memref<128x128xf32, #tpu.memory_space<vmem>>, vector<128x128xf32>
      %dot_general3A = arith.constant dense<0.000000e+00> : vector<400x128xf32>
      %dot_general3A_53 = tpu.matmul %max3A_49, %get3A_52, %dot_general3A {dimension_numbers = #tpu.dot_dimension_numbers<[1], [0], [0], [1], [0, 0, 1, 1], [], []>, transpose_lhs_hint = false} : vector<400x128xf32>, vector<128x128xf32>, vector<400x128xf32> -> vector<400x128xf32>
      %get3A_54 = arith.constant 0 : index
      %get3A_55 = arith.constant 0 : index
      %get3A_56 = vector.load %arg9[%get3A_54, %get3A_55] : memref<1x128xf32, #tpu.memory_space<vmem>>, vector<1x128xf32>
      %add3A_57 = vector.broadcast %get3A_56 : vector<1x128xf32> to vector<400x128xf32>
      %add3A_58 = arith.addf %dot_general3A_53, %add3A_57 : vector<400x128xf32>
      %swap3A = arith.constant 0 : index
      %swap3A_59 = arith.constant 0 : index
      %swap3A_60 = vector.load %arg11[%swap3A, %swap3A_59] : memref<400x128xf32, #tpu.memory_space<vmem>>, vector<400x128xf32>
      tpu.vector_store %arg11[%swap3A, %swap3A_59], %add3A_58 {strides = array<i32>} : memref<400x128xf32, #tpu.memory_space<vmem>>, vector<400x128xf32>,
      %iota3A = tpu.iota {dimensions = array<i32: 0>} : vector<64x400xi32>
      %get3A_61 = arith.constant 0 : index
      %get3A_62 = arith.constant 0 : index
      %get3A_63 = arith.constant 0 : index
      %get3A_64 = vector.load %arg10[%get3A_61, %get3A_62, %get3A_63] : memref<1x1x400xi32, #tpu.memory_space<vmem>>, vector<1x1x400xi32>
      %get3A_65 = vector.shape_cast %get3A_64 : vector<1x1x400xi32> to vector<1x400xi32>
      %eq3A_66 = vector.broadcast %get3A_65 : vector<1x400xi32> to vector<64x400xi32>
      %eq3A_67 = arith.cmpi eq, %iota3A, %eq3A_66 : vector<64x400xi32>
      %convert_element_type3A_68 = arith.extui %eq3A_67 : vector<64x400xi1> to vector<64x400xi32>
      %convert_element_type3A_69 = arith.sitofp %convert_element_type3A_68 : vector<64x400xi32> to vector<64x400xf32>
      %eq3A_70 = arith.constant 0 : i32
      %eq3A_71 = arith.cmpi eq, %arg1, %eq3A_70 : i32
      %convert_element_type3A_72 = arith.extui %eq3A_71 : i1 to i32
      %cond3A_73 = arith.constant 0 : i32
      %cond3A_74 = arith.cmpi ne, %convert_element_type3A_72, %cond3A_73 : i32
      scf.if %cond3A_74 {
        %broadcast_in_dim3A = arith.constant 0.000000e+00 : f32
        %broadcast_in_dim3A_84 = vector.broadcast %broadcast_in_dim3A : f32 to vector<64x128xf32>
        %swap3A_85 = arith.constant 0 : index
        %swap3A_86 = arith.constant 0 : index
        %swap3A_87 = vector.load %arg12[%swap3A_85, %swap3A_86] : memref<64x128xf32, #tpu.memory_space<vmem>>, vector<64x128xf32>
        tpu.vector_store %arg12[%swap3A_85, %swap3A_86], %broadcast_in_dim3A_84 {strides = array<i32>} : memref<64x128xf32, #tpu.memory_space<vmem>>, vector<64x128xf32>,
      } else {
      }
      %get3A_75 = arith.constant 0 : index
      %get3A_76 = arith.constant 0 : index
      %get3A_77 = vector.load %arg12[%get3A_75, %get3A_76] : memref<64x128xf32, #tpu.memory_space<vmem>>, vector<64x128xf32>
      %dot_general3A_78 = arith.constant dense<0.000000e+00> : vector<64x128xf32>
      %dot_general3A_79 = tpu.matmul %convert_element_type3A_69, %add3A_58, %dot_general3A_78 {dimension_numbers = #tpu.dot_dimension_numbers<[1], [0], [0], [1], [0, 0, 1, 1], [], []>, precision = #tpu.contract_precision<fp32>, transpose_lhs_hint = false} : vector<64x400xf32>, vector<400x128xf32>, vector<64x128xf32> -> vector<64x128xf32>
      %add3A_80 = arith.addf %get3A_77, %dot_general3A_79 : vector<64x128xf32>
      %swap3A_81 = arith.constant 0 : index
      %swap3A_82 = arith.constant 0 : index
      %swap3A_83 = vector.load %arg12[%swap3A_81, %swap3A_82] : memref<64x128xf32, #tpu.memory_space<vmem>>, vector<64x128xf32>
      tpu.vector_store %arg12[%swap3A_81, %swap3A_82], %add3A_80 {strides = array<i32>} : memref<64x128xf32, #tpu.memory_space<vmem>>, vector<64x128xf32>,
    } else {
    }
    return
  }
  func.func @transform_0(%arg0: i32, %arg1: i32) -> (i32, i32) {
    %sub3A = arith.constant 1 : i32
    %sub3A_0 = arith.subi %sub3A, %arg0 : i32
    %mul3A = arith.muli %sub3A_0, %arg1 : i32
    %c0_i32 = arith.constant 0 : i32
    %c0_i32_1 = arith.constant 0 : i32
    return %mul3A, %c0_i32 : i32, i32
  }
  func.func @transform_1(%arg0: i32, %arg1: i32) -> (i32, i32, i32) {
    %sub3A = arith.constant 1 : i32
    %sub3A_0 = arith.subi %sub3A, %arg0 : i32
    %mul3A = arith.muli %sub3A_0, %arg1 : i32
    %c0_i32 = arith.constant 0 : i32
    %c0_i32_1 = arith.constant 0 : i32
    %c0_i32_2 = arith.constant 0 : i32
    return %c0_i32, %mul3A, %c0_i32_1 : i32, i32, i32
  }
  func.func @transform_2(%arg0: i32, %arg1: i32) -> (i32, i32) {
    %c0_i32 = arith.constant 0 : i32
    %c0_i32_0 = arith.constant 0 : i32
    %c0_i32_1 = arith.constant 0 : i32
    return %c0_i32, %c0_i32_0 : i32, i32
  }
  func.func @transform_3(%arg0: i32, %arg1: i32) -> (i32, i32) {
    %c0_i32 = arith.constant 0 : i32
    %c0_i32_0 = arith.constant 0 : i32
    %c0_i32_1 = arith.constant 0 : i32
    return %c0_i32, %c0_i32_0 : i32, i32
  }
  func.func @transform_4(%arg0: i32, %arg1: i32) -> (i32, i32) {
    %c0_i32 = arith.constant 0 : i32
    %c0_i32_0 = arith.constant 0 : i32
    %c0_i32_1 = arith.constant 0 : i32
    return %c0_i32, %c0_i32_0 : i32, i32
  }
  func.func @transform_5(%arg0: i32, %arg1: i32) -> (i32, i32) {
    %c0_i32 = arith.constant 0 : i32
    %c0_i32_0 = arith.constant 0 : i32
    %c0_i32_1 = arith.constant 0 : i32
    return %c0_i32, %c0_i32_0 : i32, i32
  }
  func.func @transform_6(%arg0: i32, %arg1: i32) -> (i32, i32) {
    %c0_i32 = arith.constant 0 : i32
    %c0_i32_0 = arith.constant 0 : i32
    %c0_i32_1 = arith.constant 0 : i32
    return %c0_i32, %c0_i32_0 : i32, i32
  }
  func.func @transform_7(%arg0: i32, %arg1: i32) -> (i32, i32) {
    %c0_i32 = arith.constant 0 : i32
    %c0_i32_0 = arith.constant 0 : i32
    %c0_i32_1 = arith.constant 0 : i32
    return %c0_i32, %c0_i32_0 : i32, i32
  }
  func.func @transform_8(%arg0: i32, %arg1: i32) -> (i32, i32, i32) {
    %mul3A = arith.muli %arg0, %arg1 : i32
    %c0_i32 = arith.constant 0 : i32
    %c0_i32_0 = arith.constant 0 : i32
    %c0_i32_1 = arith.constant 0 : i32
    return %mul3A, %c0_i32, %c0_i32_0 : i32, i32, i32
  }
  func.func @transform_9(%arg0: i32, %arg1: i32) -> (i32, i32) {
    %mul3A = arith.muli %arg0, %arg1 : i32
    %c0_i32 = arith.constant 0 : i32
    %c0_i32_0 = arith.constant 0 : i32
    return %mul3A, %c0_i32 : i32, i32
  }
  func.func @transform_10(%arg0: i32, %arg1: i32) -> (i32, i32) {
    %c0_i32 = arith.constant 0 : i32
    %c0_i32_0 = arith.constant 0 : i32
    %c0_i32_1 = arith.constant 0 : i32
    return %c0_i32, %c0_i32_0 : i32, i32
  }
}

module attributes {stable_mosaic.version = 14 : i64} {
  func.func @_head_body(%arg0: memref<64x128xf32, #tpu.memory_space<vmem>>, %arg1: memref<64x128xf32, #tpu.memory_space<vmem>>, %arg2: memref<64x128xf32, #tpu.memory_space<vmem>>, %arg3: memref<128x128xf32, #tpu.memory_space<vmem>>, %arg4: memref<128x128xf32, #tpu.memory_space<vmem>>, %arg5: memref<128x128xf32, #tpu.memory_space<vmem>>, %arg6: memref<1x128xf32, #tpu.memory_space<vmem>>, %arg7: memref<1x128xf32, #tpu.memory_space<vmem>>, %arg8: memref<1x128xf32, #tpu.memory_space<vmem>>, %arg9: memref<128x128xf32, #tpu.memory_space<vmem>>, %arg10: memref<1x128xf32, #tpu.memory_space<vmem>>, %arg11: memref<64x128xf32, #tpu.memory_space<vmem>>) attributes {dimension_semantics = [], scalar_prefetch = 0 : i64, scratch_operands = 0 : i64, tpu.core_type = #tpu.core_type<tc>} {
    %get3A = arith.constant 0 : index
    %get3A_0 = arith.constant 0 : index
    %get3A_1 = vector.load %arg0[%get3A, %get3A_0] : memref<64x128xf32, #tpu.memory_space<vmem>>, vector<64x128xf32>
    %get3A_2 = arith.constant 0 : index
    %get3A_3 = arith.constant 0 : index
    %get3A_4 = vector.load %arg3[%get3A_2, %get3A_3] : memref<128x128xf32, #tpu.memory_space<vmem>>, vector<128x128xf32>
    %dot_general3A = arith.constant dense<0.000000e+00> : vector<64x128xf32>
    %dot_general3A_5 = tpu.matmul %get3A_1, %get3A_4, %dot_general3A {dimension_numbers = #tpu.dot_dimension_numbers<[1], [0], [0], [1], [0, 0, 1, 1], [], []>, transpose_lhs_hint = false} : vector<64x128xf32>, vector<128x128xf32>, vector<64x128xf32> -> vector<64x128xf32>
    %get3A_6 = arith.constant 0 : index
    %get3A_7 = arith.constant 0 : index
    %get3A_8 = vector.load %arg1[%get3A_6, %get3A_7] : memref<64x128xf32, #tpu.memory_space<vmem>>, vector<64x128xf32>
    %get3A_9 = arith.constant 0 : index
    %get3A_10 = arith.constant 0 : index
    %get3A_11 = vector.load %arg4[%get3A_9, %get3A_10] : memref<128x128xf32, #tpu.memory_space<vmem>>, vector<128x128xf32>
    %dot_general3A_12 = arith.constant dense<0.000000e+00> : vector<64x128xf32>
    %dot_general3A_13 = tpu.matmul %get3A_8, %get3A_11, %dot_general3A_12 {dimension_numbers = #tpu.dot_dimension_numbers<[1], [0], [0], [1], [0, 0, 1, 1], [], []>, transpose_lhs_hint = false} : vector<64x128xf32>, vector<128x128xf32>, vector<64x128xf32> -> vector<64x128xf32>
    %add3A = arith.addf %dot_general3A_5, %dot_general3A_13 : vector<64x128xf32>
    %get3A_14 = arith.constant 0 : index
    %get3A_15 = arith.constant 0 : index
    %get3A_16 = vector.load %arg2[%get3A_14, %get3A_15] : memref<64x128xf32, #tpu.memory_space<vmem>>, vector<64x128xf32>
    %get3A_17 = arith.constant 0 : index
    %get3A_18 = arith.constant 0 : index
    %get3A_19 = vector.load %arg5[%get3A_17, %get3A_18] : memref<128x128xf32, #tpu.memory_space<vmem>>, vector<128x128xf32>
    %dot_general3A_20 = arith.constant dense<0.000000e+00> : vector<64x128xf32>
    %dot_general3A_21 = tpu.matmul %get3A_16, %get3A_19, %dot_general3A_20 {dimension_numbers = #tpu.dot_dimension_numbers<[1], [0], [0], [1], [0, 0, 1, 1], [], []>, transpose_lhs_hint = false} : vector<64x128xf32>, vector<128x128xf32>, vector<64x128xf32> -> vector<64x128xf32>
    %add3A_22 = arith.addf %add3A, %dot_general3A_21 : vector<64x128xf32>
    %get3A_23 = arith.constant 0 : index
    %get3A_24 = arith.constant 0 : index
    %get3A_25 = vector.load %arg6[%get3A_23, %get3A_24] : memref<1x128xf32, #tpu.memory_space<vmem>>, vector<1x128xf32>
    %add3A_26 = vector.broadcast %get3A_25 : vector<1x128xf32> to vector<64x128xf32>
    %add3A_27 = arith.addf %add3A_22, %add3A_26 : vector<64x128xf32>
    %reduce_sum3A = arith.constant dense<0.000000e+00> : vector<128xf32>
    %reduce_sum3A_28 = vector.multi_reduction <add>, %add3A_27, %reduce_sum3A [0] : vector<64x128xf32> to vector<128xf32>
    %broadcast_in_dim3A = vector.shape_cast %reduce_sum3A_28 : vector<128xf32> to vector<1x128xf32>
    %div3A = arith.constant 6.400000e+01 : f32
    %div3A_29 = vector.broadcast %div3A : f32 to vector<1x128xf32>
    %div3A_30 = arith.divf %broadcast_in_dim3A, %div3A_29 : vector<1x128xf32>
    %sub3A = vector.broadcast %div3A_30 : vector<1x128xf32> to vector<64x128xf32>
    %sub3A_31 = arith.subf %add3A_27, %sub3A : vector<64x128xf32>
    %mul3A = arith.mulf %sub3A_31, %sub3A_31 : vector<64x128xf32>
    %reduce_sum3A_32 = arith.constant dense<0.000000e+00> : vector<128xf32>
    %reduce_sum3A_33 = vector.multi_reduction <add>, %mul3A, %reduce_sum3A_32 [0] : vector<64x128xf32> to vector<128xf32>
    %broadcast_in_dim3A_34 = vector.shape_cast %reduce_sum3A_33 : vector<128xf32> to vector<1x128xf32>
    %div3A_35 = arith.constant 6.400000e+01 : f32
    %div3A_36 = vector.broadcast %div3A_35 : f32 to vector<1x128xf32>
    %div3A_37 = arith.divf %broadcast_in_dim3A_34, %div3A_36 : vector<1x128xf32>
    %add3A_38 = arith.constant 9.99999974E-6 : f32
    %add3A_39 = vector.broadcast %add3A_38 : f32 to vector<1x128xf32>
    %add3A_40 = arith.addf %div3A_37, %add3A_39 : vector<1x128xf32>
    %rsqrt3A = math.rsqrt %add3A_40 : vector<1x128xf32>
    %mul3A_41 = vector.broadcast %rsqrt3A : vector<1x128xf32> to vector<64x128xf32>
    %mul3A_42 = arith.mulf %sub3A_31, %mul3A_41 : vector<64x128xf32>
    %get3A_43 = arith.constant 0 : index
    %get3A_44 = arith.constant 0 : index
    %get3A_45 = vector.load %arg7[%get3A_43, %get3A_44] : memref<1x128xf32, #tpu.memory_space<vmem>>, vector<1x128xf32>
    %mul3A_46 = vector.broadcast %get3A_45 : vector<1x128xf32> to vector<64x128xf32>
    %mul3A_47 = arith.mulf %mul3A_42, %mul3A_46 : vector<64x128xf32>
    %get3A_48 = arith.constant 0 : index
    %get3A_49 = arith.constant 0 : index
    %get3A_50 = vector.load %arg8[%get3A_48, %get3A_49] : memref<1x128xf32, #tpu.memory_space<vmem>>, vector<1x128xf32>
    %add3A_51 = vector.broadcast %get3A_50 : vector<1x128xf32> to vector<64x128xf32>
    %add3A_52 = arith.addf %mul3A_47, %add3A_51 : vector<64x128xf32>
    %max3A = arith.constant 0.000000e+00 : f32
    %max3A_53 = vector.broadcast %max3A : f32 to vector<64x128xf32>
    %max3A_54 = arith.maximumf %add3A_52, %max3A_53 : vector<64x128xf32>
    %get3A_55 = arith.constant 0 : index
    %get3A_56 = arith.constant 0 : index
    %get3A_57 = vector.load %arg9[%get3A_55, %get3A_56] : memref<128x128xf32, #tpu.memory_space<vmem>>, vector<128x128xf32>
    %dot_general3A_58 = arith.constant dense<0.000000e+00> : vector<64x128xf32>
    %dot_general3A_59 = tpu.matmul %max3A_54, %get3A_57, %dot_general3A_58 {dimension_numbers = #tpu.dot_dimension_numbers<[1], [0], [0], [1], [0, 0, 1, 1], [], []>, transpose_lhs_hint = false} : vector<64x128xf32>, vector<128x128xf32>, vector<64x128xf32> -> vector<64x128xf32>
    %get3A_60 = arith.constant 0 : index
    %get3A_61 = arith.constant 0 : index
    %get3A_62 = vector.load %arg10[%get3A_60, %get3A_61] : memref<1x128xf32, #tpu.memory_space<vmem>>, vector<1x128xf32>
    %add3A_63 = vector.broadcast %get3A_62 : vector<1x128xf32> to vector<64x128xf32>
    %add3A_64 = arith.addf %dot_general3A_59, %add3A_63 : vector<64x128xf32>
    %swap3A = arith.constant 0 : index
    %swap3A_65 = arith.constant 0 : index
    %swap3A_66 = vector.load %arg11[%swap3A, %swap3A_65] : memref<64x128xf32, #tpu.memory_space<vmem>>, vector<64x128xf32>
    tpu.vector_store %arg11[%swap3A, %swap3A_65], %add3A_64 {strides = array<i32>} : memref<64x128xf32, #tpu.memory_space<vmem>>, vector<64x128xf32>,
    return
  }
}

module attributes {stable_mosaic.version = 14 : i64} {
  func.func @_mlp_fused_body(%arg0: i32, %arg1: i32, %arg2: memref<400x128xf32, #tpu.memory_space<vmem>>, %arg3: memref<2x400x128xf32, #tpu.memory_space<vmem>>, %arg4: memref<128x128xf32, #tpu.memory_space<vmem>>, %arg5: memref<1x128xf32, #tpu.memory_space<vmem>>, %arg6: memref<1x128xf32, #tpu.memory_space<vmem>>, %arg7: memref<1x128xf32, #tpu.memory_space<vmem>>, %arg8: memref<128x128xf32, #tpu.memory_space<vmem>>, %arg9: memref<1x128xf32, #tpu.memory_space<vmem>>, %arg10: memref<1x1x400xi32, #tpu.memory_space<vmem>>, %arg11: memref<400x128xf32, #tpu.memory_space<vmem>>, %arg12: memref<64x128xf32, #tpu.memory_space<vmem>>, %arg13: memref<10000x128xf32, #tpu.memory_space<vmem>>, %arg14: memref<1x128xf32, #tpu.memory_space<vmem>>, %arg15: memref<1x128xf32, #tpu.memory_space<vmem>>, %arg16: memref<1x128xf32, #tpu.memory_space<vmem>>) attributes {dimension_semantics = [#tpu.dimension_semantics<arbitrary>, #tpu.dimension_semantics<arbitrary>], iteration_bounds = array<i64: 2, 25>, scalar_prefetch = 0 : i64, scratch_operands = 4 : i64, tpu.core_type = #tpu.core_type<tc>, window_params = [{transform_indices = @transform_0, window_bounds = array<i64: 400, 128>}, {transform_indices = @transform_1, window_bounds = array<i64: 2, 400, 128>}, {pipeline_mode = #tpu.pipeline_mode<synchronous>, transform_indices = @transform_2, window_bounds = array<i64: 128, 128>}, {pipeline_mode = #tpu.pipeline_mode<synchronous>, transform_indices = @transform_3, window_bounds = array<i64: 1, 128>}, {pipeline_mode = #tpu.pipeline_mode<synchronous>, transform_indices = @transform_4, window_bounds = array<i64: 1, 128>}, {pipeline_mode = #tpu.pipeline_mode<synchronous>, transform_indices = @transform_5, window_bounds = array<i64: 1, 128>}, {pipeline_mode = #tpu.pipeline_mode<synchronous>, transform_indices = @transform_6, window_bounds = array<i64: 128, 128>}, {pipeline_mode = #tpu.pipeline_mode<synchronous>, transform_indices = @transform_7, window_bounds = array<i64: 1, 128>}, {transform_indices = @transform_8, window_bounds = array<i64: 1, 1, 400>}, {transform_indices = @transform_9, window_bounds = array<i64: 400, 128>}, {pipeline_mode = #tpu.pipeline_mode<synchronous>, transform_indices = @transform_10, window_bounds = array<i64: 64, 128>}]} {
    %eq3A = arith.constant 0 : i32
    %eq3A_0 = arith.cmpi eq, %arg0, %eq3A : i32
    %convert_element_type3A = arith.extui %eq3A_0 : i1 to i32
    %cond3A = arith.constant 0 : i32
    %cond3A_1 = arith.cmpi ne, %convert_element_type3A, %cond3A : i32
    scf.if %cond3A_1 {
      %get3A = arith.constant 0 : index
      %get3A_7 = arith.constant 0 : index
      %get3A_8 = vector.load %arg2[%get3A, %get3A_7] : memref<400x128xf32, #tpu.memory_space<vmem>>, vector<400x128xf32>
      %get3A_9 = arith.constant 0 : index
      %get3A_10 = arith.constant 0 : index
      %get3A_11 = arith.constant 0 : index
      %get3A_12 = vector.load %arg3[%get3A_9, %get3A_10, %get3A_11] : memref<2x400x128xf32, #tpu.memory_space<vmem>>, vector<1x400x128xf32>
      %get3A_13 = vector.shape_cast %get3A_12 : vector<1x400x128xf32> to vector<400x128xf32>
      %add3A = arith.addf %get3A_8, %get3A_13 : vector<400x128xf32>
      %get3A_14 = arith.constant 1 : index
      %get3A_15 = arith.constant 0 : index
      %get3A_16 = arith.constant 0 : index
      %get3A_17 = vector.load %arg3[%get3A_14, %get3A_15, %get3A_16] : memref<2x400x128xf32, #tpu.memory_space<vmem>>, vector<1x400x128xf32>
      %get3A_18 = vector.shape_cast %get3A_17 : vector<1x400x128xf32> to vector<400x128xf32>
      %add3A_19 = arith.addf %add3A, %get3A_18 : vector<400x128xf32>
      %get3A_20 = arith.constant 0 : index
      %get3A_21 = arith.constant 0 : index
      %get3A_22 = vector.load %arg4[%get3A_20, %get3A_21] : memref<128x128xf32, #tpu.memory_space<vmem>>, vector<128x128xf32>
      %dot_general3A = arith.constant dense<0.000000e+00> : vector<400x128xf32>
      %dot_general3A_23 = tpu.matmul %add3A_19, %get3A_22, %dot_general3A {dimension_numbers = #tpu.dot_dimension_numbers<[1], [0], [0], [1], [0, 0, 1, 1], [], []>, transpose_lhs_hint = false} : vector<400x128xf32>, vector<128x128xf32>, vector<400x128xf32> -> vector<400x128xf32>
      %get3A_24 = arith.constant 0 : index
      %get3A_25 = arith.constant 0 : index
      %get3A_26 = vector.load %arg5[%get3A_24, %get3A_25] : memref<1x128xf32, #tpu.memory_space<vmem>>, vector<1x128xf32>
      %add3A_27 = vector.broadcast %get3A_26 : vector<1x128xf32> to vector<400x128xf32>
      %add3A_28 = arith.addf %dot_general3A_23, %add3A_27 : vector<400x128xf32>
      %mul3A = arith.constant 400 : i32
      %mul3A_29 = arith.muli %arg1, %mul3A : i32
      %swap3A = arith.index_cast %mul3A_29 : i32 to index
      %swap3A_30 = arith.constant 0 : index
      %swap3A_31 = vector.load %arg13[%swap3A, %swap3A_30] : memref<10000x128xf32, #tpu.memory_space<vmem>>, vector<400x128xf32>
      tpu.vector_store %arg13[%swap3A, %swap3A_30], %add3A_28 {strides = array<i32>} : memref<10000x128xf32, #tpu.memory_space<vmem>>, vector<400x128xf32>,
      %eq3A_32 = arith.constant 0 : i32
      %eq3A_33 = arith.cmpi eq, %arg1, %eq3A_32 : i32
      %convert_element_type3A_34 = arith.extui %eq3A_33 : i1 to i32
      %cond3A_35 = arith.constant 0 : i32
      %cond3A_36 = arith.cmpi ne, %convert_element_type3A_34, %cond3A_35 : i32
      scf.if %cond3A_36 {
        %broadcast_in_dim3A_67 = arith.constant 0.000000e+00 : f32
        %broadcast_in_dim3A_68 = vector.broadcast %broadcast_in_dim3A_67 : f32 to vector<1x128xf32>
        %swap3A_69 = arith.constant 0 : index
        %swap3A_70 = arith.constant 0 : index
        %swap3A_71 = vector.load %arg14[%swap3A_69, %swap3A_70] : memref<1x128xf32, #tpu.memory_space<vmem>>, vector<1x128xf32>
        tpu.vector_store %arg14[%swap3A_69, %swap3A_70], %broadcast_in_dim3A_68 {strides = array<i32>} : memref<1x128xf32, #tpu.memory_space<vmem>>, vector<1x128xf32>,
        %broadcast_in_dim3A_72 = arith.constant 0.000000e+00 : f32
        %broadcast_in_dim3A_73 = vector.broadcast %broadcast_in_dim3A_72 : f32 to vector<1x128xf32>
        %swap3A_74 = arith.constant 0 : index
        %swap3A_75 = arith.constant 0 : index
        %swap3A_76 = vector.load %arg15[%swap3A_74, %swap3A_75] : memref<1x128xf32, #tpu.memory_space<vmem>>, vector<1x128xf32>
        tpu.vector_store %arg15[%swap3A_74, %swap3A_75], %broadcast_in_dim3A_73 {strides = array<i32>} : memref<1x128xf32, #tpu.memory_space<vmem>>, vector<1x128xf32>,
        %broadcast_in_dim3A_77 = arith.constant 0.000000e+00 : f32
        %broadcast_in_dim3A_78 = vector.broadcast %broadcast_in_dim3A_77 : f32 to vector<1x128xf32>
        %swap3A_79 = arith.constant 0 : index
        %swap3A_80 = arith.constant 0 : index
        %swap3A_81 = vector.load %arg16[%swap3A_79, %swap3A_80] : memref<1x128xf32, #tpu.memory_space<vmem>>, vector<1x128xf32>
        tpu.vector_store %arg16[%swap3A_79, %swap3A_80], %broadcast_in_dim3A_78 {strides = array<i32>} : memref<1x128xf32, #tpu.memory_space<vmem>>, vector<1x128xf32>,
      } else {
      }
      %reduce_sum3A = arith.constant dense<0.000000e+00> : vector<128xf32>
      %reduce_sum3A_37 = vector.multi_reduction <add>, %add3A_28, %reduce_sum3A [0] : vector<400x128xf32> to vector<128xf32>
      %broadcast_in_dim3A = vector.shape_cast %reduce_sum3A_37 : vector<128xf32> to vector<1x128xf32>
      %div3A = arith.constant 4.000000e+02 : f32
      %div3A_38 = vector.broadcast %div3A : f32 to vector<1x128xf32>
      %div3A_39 = arith.divf %broadcast_in_dim3A, %div3A_38 : vector<1x128xf32>
      %sub3A = vector.broadcast %div3A_39 : vector<1x128xf32> to vector<400x128xf32>
      %sub3A_40 = arith.subf %add3A_28, %sub3A : vector<400x128xf32>
      %get3A_41 = arith.constant 0 : index
      %get3A_42 = arith.constant 0 : index
      %get3A_43 = vector.load %arg14[%get3A_41, %get3A_42] : memref<1x128xf32, #tpu.memory_space<vmem>>, vector<1x128xf32>
      %add3A_44 = arith.addf %get3A_43, %div3A_39 : vector<1x128xf32>
      %swap3A_45 = arith.constant 0 : index
      %swap3A_46 = arith.constant 0 : index
      %swap3A_47 = vector.load %arg14[%swap3A_45, %swap3A_46] : memref<1x128xf32, #tpu.memory_space<vmem>>, vector<1x128xf32>
      tpu.vector_store %arg14[%swap3A_45, %swap3A_46], %add3A_44 {strides = array<i32>} : memref<1x128xf32, #tpu.memory_space<vmem>>, vector<1x128xf32>,
      %get3A_48 = arith.constant 0 : index
      %get3A_49 = arith.constant 0 : index
      %get3A_50 = vector.load %arg15[%get3A_48, %get3A_49] : memref<1x128xf32, #tpu.memory_space<vmem>>, vector<1x128xf32>
      %mul3A_51 = arith.mulf %div3A_39, %div3A_39 : vector<1x128xf32>
      %add3A_52 = arith.addf %get3A_50, %mul3A_51 : vector<1x128xf32>
      %swap3A_53 = arith.constant 0 : index
      %swap3A_54 = arith.constant 0 : index
      %swap3A_55 = vector.load %arg15[%swap3A_53, %swap3A_54] : memref<1x128xf32, #tpu.memory_space<vmem>>, vector<1x128xf32>
      tpu.vector_store %arg15[%swap3A_53, %swap3A_54], %add3A_52 {strides = array<i32>} : memref<1x128xf32, #tpu.memory_space<vmem>>, vector<1x128xf32>,
      %get3A_56 = arith.constant 0 : index
      %get3A_57 = arith.constant 0 : index
      %get3A_58 = vector.load %arg16[%get3A_56, %get3A_57] : memref<1x128xf32, #tpu.memory_space<vmem>>, vector<1x128xf32>
      %mul3A_59 = arith.mulf %sub3A_40, %sub3A_40 : vector<400x128xf32>
      %reduce_sum3A_60 = arith.constant dense<0.000000e+00> : vector<128xf32>
      %reduce_sum3A_61 = vector.multi_reduction <add>, %mul3A_59, %reduce_sum3A_60 [0] : vector<400x128xf32> to vector<128xf32>
      %broadcast_in_dim3A_62 = vector.shape_cast %reduce_sum3A_61 : vector<128xf32> to vector<1x128xf32>
      %add3A_63 = arith.addf %get3A_58, %broadcast_in_dim3A_62 : vector<1x128xf32>
      %swap3A_64 = arith.constant 0 : index
      %swap3A_65 = arith.constant 0 : index
      %swap3A_66 = vector.load %arg16[%swap3A_64, %swap3A_65] : memref<1x128xf32, #tpu.memory_space<vmem>>, vector<1x128xf32>
      tpu.vector_store %arg16[%swap3A_64, %swap3A_65], %add3A_63 {strides = array<i32>} : memref<1x128xf32, #tpu.memory_space<vmem>>, vector<1x128xf32>,
    } else {
    }
    %eq3A_2 = arith.constant 1 : i32
    %eq3A_3 = arith.cmpi eq, %arg0, %eq3A_2 : i32
    %convert_element_type3A_4 = arith.extui %eq3A_3 : i1 to i32
    %cond3A_5 = arith.constant 0 : i32
    %cond3A_6 = arith.cmpi ne, %convert_element_type3A_4, %cond3A_5 : i32
    scf.if %cond3A_6 {
      %get3A = arith.constant 0 : index
      %get3A_7 = arith.constant 0 : index
      %get3A_8 = vector.load %arg14[%get3A, %get3A_7] : memref<1x128xf32, #tpu.memory_space<vmem>>, vector<1x128xf32>
      %mul3A = arith.constant 4.000000e-02 : f32
      %mul3A_9 = vector.broadcast %mul3A : f32 to vector<1x128xf32>
      %mul3A_10 = arith.mulf %get3A_8, %mul3A_9 : vector<1x128xf32>
      %get3A_11 = arith.constant 0 : index
      %get3A_12 = arith.constant 0 : index
      %get3A_13 = vector.load %arg15[%get3A_11, %get3A_12] : memref<1x128xf32, #tpu.memory_space<vmem>>, vector<1x128xf32>
      %mul3A_14 = arith.constant 2.500000e+01 : f32
      %mul3A_15 = vector.broadcast %mul3A_14 : f32 to vector<1x128xf32>
      %mul3A_16 = arith.mulf %mul3A_15, %mul3A_10 : vector<1x128xf32>
      %mul3A_17 = arith.mulf %mul3A_16, %mul3A_10 : vector<1x128xf32>
      %sub3A = arith.subf %get3A_13, %mul3A_17 : vector<1x128xf32>
      %get3A_18 = arith.constant 0 : index
      %get3A_19 = arith.constant 0 : index
      %get3A_20 = vector.load %arg16[%get3A_18, %get3A_19] : memref<1x128xf32, #tpu.memory_space<vmem>>, vector<1x128xf32>
      %mul3A_21 = arith.constant 4.000000e+02 : f32
      %mul3A_22 = vector.broadcast %mul3A_21 : f32 to vector<1x128xf32>
      %mul3A_23 = arith.mulf %mul3A_22, %sub3A : vector<1x128xf32>
      %add3A = arith.addf %get3A_20, %mul3A_23 : vector<1x128xf32>
      %mul3A_24 = arith.constant 9.99999974E-5 : f32
      %mul3A_25 = vector.broadcast %mul3A_24 : f32 to vector<1x128xf32>
      %mul3A_26 = arith.mulf %add3A, %mul3A_25 : vector<1x128xf32>
      %add3A_27 = arith.constant 9.99999974E-6 : f32
      %add3A_28 = vector.broadcast %add3A_27 : f32 to vector<1x128xf32>
      %add3A_29 = arith.addf %mul3A_26, %add3A_28 : vector<1x128xf32>
      %rsqrt3A = math.rsqrt %add3A_29 : vector<1x128xf32>
      %get3A_30 = arith.constant 0 : index
      %get3A_31 = arith.constant 0 : index
      %get3A_32 = vector.load %arg6[%get3A_30, %get3A_31] : memref<1x128xf32, #tpu.memory_space<vmem>>, vector<1x128xf32>
      %mul3A_33 = arith.mulf %rsqrt3A, %get3A_32 : vector<1x128xf32>
      %mul3A_34 = arith.constant 400 : i32
      %mul3A_35 = arith.muli %arg1, %mul3A_34 : i32
      %get3A_36 = arith.index_cast %mul3A_35 : i32 to index
      %get3A_37 = arith.constant 0 : index
      %get3A_38 = vector.load %arg13[%get3A_36, %get3A_37] : memref<10000x128xf32, #tpu.memory_space<vmem>>, vector<400x128xf32>
      %sub3A_39 = vector.broadcast %mul3A_10 : vector<1x128xf32> to vector<400x128xf32>
      %sub3A_40 = arith.subf %get3A_38, %sub3A_39 : vector<400x128xf32>
      %mul3A_41 = vector.broadcast %mul3A_33 : vector<1x128xf32> to vector<400x128xf32>
      %mul3A_42 = arith.mulf %sub3A_40, %mul3A_41 : vector<400x128xf32>
      %get3A_43 = arith.constant 0 : index
      %get3A_44 = arith.constant 0 : index
      %get3A_45 = vector.load %arg7[%get3A_43, %get3A_44] : memref<1x128xf32, #tpu.memory_space<vmem>>, vector<1x128xf32>
      %add3A_46 = vector.broadcast %get3A_45 : vector<1x128xf32> to vector<400x128xf32>
      %add3A_47 = arith.addf %mul3A_42, %add3A_46 : vector<400x128xf32>
      %max3A = arith.constant 0.000000e+00 : f32
      %max3A_48 = vector.broadcast %max3A : f32 to vector<400x128xf32>
      %max3A_49 = arith.maximumf %add3A_47, %max3A_48 : vector<400x128xf32>
      %get3A_50 = arith.constant 0 : index
      %get3A_51 = arith.constant 0 : index
      %get3A_52 = vector.load %arg8[%get3A_50, %get3A_51] : memref<128x128xf32, #tpu.memory_space<vmem>>, vector<128x128xf32>
      %dot_general3A = arith.constant dense<0.000000e+00> : vector<400x128xf32>
      %dot_general3A_53 = tpu.matmul %max3A_49, %get3A_52, %dot_general3A {dimension_numbers = #tpu.dot_dimension_numbers<[1], [0], [0], [1], [0, 0, 1, 1], [], []>, transpose_lhs_hint = false} : vector<400x128xf32>, vector<128x128xf32>, vector<400x128xf32> -> vector<400x128xf32>
      %get3A_54 = arith.constant 0 : index
      %get3A_55 = arith.constant 0 : index
      %get3A_56 = vector.load %arg9[%get3A_54, %get3A_55] : memref<1x128xf32, #tpu.memory_space<vmem>>, vector<1x128xf32>
      %add3A_57 = vector.broadcast %get3A_56 : vector<1x128xf32> to vector<400x128xf32>
      %add3A_58 = arith.addf %dot_general3A_53, %add3A_57 : vector<400x128xf32>
      %swap3A = arith.constant 0 : index
      %swap3A_59 = arith.constant 0 : index
      %swap3A_60 = vector.load %arg11[%swap3A, %swap3A_59] : memref<400x128xf32, #tpu.memory_space<vmem>>, vector<400x128xf32>
      tpu.vector_store %arg11[%swap3A, %swap3A_59], %add3A_58 {strides = array<i32>} : memref<400x128xf32, #tpu.memory_space<vmem>>, vector<400x128xf32>,
      %iota3A = tpu.iota {dimensions = array<i32: 0>} : vector<64x400xi32>
      %get3A_61 = arith.constant 0 : index
      %get3A_62 = arith.constant 0 : index
      %get3A_63 = arith.constant 0 : index
      %get3A_64 = vector.load %arg10[%get3A_61, %get3A_62, %get3A_63] : memref<1x1x400xi32, #tpu.memory_space<vmem>>, vector<1x1x400xi32>
      %get3A_65 = vector.shape_cast %get3A_64 : vector<1x1x400xi32> to vector<1x400xi32>
      %eq3A_66 = vector.broadcast %get3A_65 : vector<1x400xi32> to vector<64x400xi32>
      %eq3A_67 = arith.cmpi eq, %iota3A, %eq3A_66 : vector<64x400xi32>
      %convert_element_type3A_68 = arith.extui %eq3A_67 : vector<64x400xi1> to vector<64x400xi32>
      %convert_element_type3A_69 = arith.sitofp %convert_element_type3A_68 : vector<64x400xi32> to vector<64x400xf32>
      %eq3A_70 = arith.constant 0 : i32
      %eq3A_71 = arith.cmpi eq, %arg1, %eq3A_70 : i32
      %convert_element_type3A_72 = arith.extui %eq3A_71 : i1 to i32
      %cond3A_73 = arith.constant 0 : i32
      %cond3A_74 = arith.cmpi ne, %convert_element_type3A_72, %cond3A_73 : i32
      scf.if %cond3A_74 {
        %broadcast_in_dim3A = arith.constant 0.000000e+00 : f32
        %broadcast_in_dim3A_84 = vector.broadcast %broadcast_in_dim3A : f32 to vector<64x128xf32>
        %swap3A_85 = arith.constant 0 : index
        %swap3A_86 = arith.constant 0 : index
        %swap3A_87 = vector.load %arg12[%swap3A_85, %swap3A_86] : memref<64x128xf32, #tpu.memory_space<vmem>>, vector<64x128xf32>
        tpu.vector_store %arg12[%swap3A_85, %swap3A_86], %broadcast_in_dim3A_84 {strides = array<i32>} : memref<64x128xf32, #tpu.memory_space<vmem>>, vector<64x128xf32>,
      } else {
      }
      %get3A_75 = arith.constant 0 : index
      %get3A_76 = arith.constant 0 : index
      %get3A_77 = vector.load %arg12[%get3A_75, %get3A_76] : memref<64x128xf32, #tpu.memory_space<vmem>>, vector<64x128xf32>
      %dot_general3A_78 = arith.constant dense<0.000000e+00> : vector<64x128xf32>
      %dot_general3A_79 = tpu.matmul %convert_element_type3A_69, %add3A_58, %dot_general3A_78 {dimension_numbers = #tpu.dot_dimension_numbers<[1], [0], [0], [1], [0, 0, 1, 1], [], []>, precision = #tpu.contract_precision<fp32>, transpose_lhs_hint = false} : vector<64x400xf32>, vector<400x128xf32>, vector<64x128xf32> -> vector<64x128xf32>
      %add3A_80 = arith.addf %get3A_77, %dot_general3A_79 : vector<64x128xf32>
      %swap3A_81 = arith.constant 0 : index
      %swap3A_82 = arith.constant 0 : index
      %swap3A_83 = vector.load %arg12[%swap3A_81, %swap3A_82] : memref<64x128xf32, #tpu.memory_space<vmem>>, vector<64x128xf32>
      tpu.vector_store %arg12[%swap3A_81, %swap3A_82], %add3A_80 {strides = array<i32>} : memref<64x128xf32, #tpu.memory_space<vmem>>, vector<64x128xf32>,
    } else {
    }
    return
  }
  func.func @transform_0(%arg0: i32, %arg1: i32) -> (i32, i32) {
    %sub3A = arith.constant 1 : i32
    %sub3A_0 = arith.subi %sub3A, %arg0 : i32
    %mul3A = arith.muli %sub3A_0, %arg1 : i32
    %c0_i32 = arith.constant 0 : i32
    %c0_i32_1 = arith.constant 0 : i32
    return %mul3A, %c0_i32 : i32, i32
  }
  func.func @transform_1(%arg0: i32, %arg1: i32) -> (i32, i32, i32) {
    %sub3A = arith.constant 1 : i32
    %sub3A_0 = arith.subi %sub3A, %arg0 : i32
    %mul3A = arith.muli %sub3A_0, %arg1 : i32
    %c0_i32 = arith.constant 0 : i32
    %c0_i32_1 = arith.constant 0 : i32
    %c0_i32_2 = arith.constant 0 : i32
    return %c0_i32, %mul3A, %c0_i32_1 : i32, i32, i32
  }
  func.func @transform_2(%arg0: i32, %arg1: i32) -> (i32, i32) {
    %c0_i32 = arith.constant 0 : i32
    %c0_i32_0 = arith.constant 0 : i32
    %c0_i32_1 = arith.constant 0 : i32
    return %c0_i32, %c0_i32_0 : i32, i32
  }
  func.func @transform_3(%arg0: i32, %arg1: i32) -> (i32, i32) {
    %c0_i32 = arith.constant 0 : i32
    %c0_i32_0 = arith.constant 0 : i32
    %c0_i32_1 = arith.constant 0 : i32
    return %c0_i32, %c0_i32_0 : i32, i32
  }
  func.func @transform_4(%arg0: i32, %arg1: i32) -> (i32, i32) {
    %c0_i32 = arith.constant 0 : i32
    %c0_i32_0 = arith.constant 0 : i32
    %c0_i32_1 = arith.constant 0 : i32
    return %c0_i32, %c0_i32_0 : i32, i32
  }
  func.func @transform_5(%arg0: i32, %arg1: i32) -> (i32, i32) {
    %c0_i32 = arith.constant 0 : i32
    %c0_i32_0 = arith.constant 0 : i32
    %c0_i32_1 = arith.constant 0 : i32
    return %c0_i32, %c0_i32_0 : i32, i32
  }
  func.func @transform_6(%arg0: i32, %arg1: i32) -> (i32, i32) {
    %c0_i32 = arith.constant 0 : i32
    %c0_i32_0 = arith.constant 0 : i32
    %c0_i32_1 = arith.constant 0 : i32
    return %c0_i32, %c0_i32_0 : i32, i32
  }
  func.func @transform_7(%arg0: i32, %arg1: i32) -> (i32, i32) {
    %c0_i32 = arith.constant 0 : i32
    %c0_i32_0 = arith.constant 0 : i32
    %c0_i32_1 = arith.constant 0 : i32
    return %c0_i32, %c0_i32_0 : i32, i32
  }
  func.func @transform_8(%arg0: i32, %arg1: i32) -> (i32, i32, i32) {
    %mul3A = arith.muli %arg0, %arg1 : i32
    %c0_i32 = arith.constant 0 : i32
    %c0_i32_0 = arith.constant 0 : i32
    %c0_i32_1 = arith.constant 0 : i32
    return %mul3A, %c0_i32, %c0_i32_0 : i32, i32, i32
  }
  func.func @transform_9(%arg0: i32, %arg1: i32) -> (i32, i32) {
    %mul3A = arith.muli %arg0, %arg1 : i32
    %c0_i32 = arith.constant 0 : i32
    %c0_i32_0 = arith.constant 0 : i32
    return %mul3A, %c0_i32 : i32, i32
  }
  func.func @transform_10(%arg0: i32, %arg1: i32) -> (i32, i32) {
    %c0_i32 = arith.constant 0 : i32
    %c0_i32_0 = arith.constant 0 : i32
    %c0_i32_1 = arith.constant 0 : i32
    return %c0_i32, %c0_i32_0 : i32, i32
  }
}

</mosaic_0001>

<sc_bundles>
// kernel: kernel.12.cloned.1.call-start
scs
__scs_entry_jumppad:
0x0: {  	(pc) =	sbr.rel $0x88, $3  }
0x1: {  	(tag) =	ssettag $0x0;
	lr =	simm.s32 $0x1  }
0x2: {  	[smem:$0x3F86] =	sst lr;
	_ =	strace $0xD0000000  }
0x3: {  	_ = 	snop  }
0x4: {  	_ = 	snop  }
0x5: {  	_ = 	snop  }
0x6: {  	_ = 	snop  }
0x7: {  	_ = 	snop  }
__scs_overlays_trampoline_lowered:
0x8: {  	[smem:$0x3F95] =	sst s0  }
0x9: {  	[smem:$0x3F96] =	sst s1  }
0xa: {  	[smem:$0x3F97] =	sst s2  }
0xb: {  	[smem:$0x3F98] =	sst s3  }
0xc: {  	[smem:$0x3F99] =	sst s4  }
0xd: {  	[smem:$0x3F9A] =	sst s5  }
0xe: {  	[smem:$0x3F9B] =	sst s6  }
0xf: {  	[smem:$0x3F9C] =	sst s7  }
0x10: {  	[smem:$0x3F9D] =	sst s8  }
0x11: {  	[smem:$0x3F9E] =	sst s9;
	s0 =	simm.s32 @!p0 $0x0  }
0x12: {  	s1 =	sld [smem:$0x3F84];
	s0 =	simm.s32 @p0 $0x1  }
0x13: {  	[smem:$0x3F9F] =	sst s0;
	s0 =	simm.s32 @!p1 $0x0  }
0x14: {  	s2 =	sld [smem:$0x3F83];
	s0 =	simm.s32 @p1 $0x1  }
0x15: {  	[smem:$0x3FA0] =	sst s0;
	s0 =	simm.s32 @!p2 $0x0  }
0x16: {  	s3 =	sld [smem:$0x3FDB];
	s0 =	simm.s32 @p2 $0x1  }
0x17: {  	s4 =	simm.s32 $0x1BF5;
	[smem:$0x3FA2] =	sst s0  }
0x18: {  	s0 =	sld [smem:$0x3F85];
	_ =	swait.ge [sflag:s4], $0x0  }
0x19: {  	s7 =	sld [smem:$0x3F86]  }
0x1a: {  	s8 =	sadd.s32 $0xFFFFE003, lr  }
0x1b: {  	s9 =	sadd.s32 $0xFFFFFEF7, lr;
	s5 =	simm.s32 $0xFFFFFFFF;
	p2 =	slt.u32 s8, $0xFFFFF086  }
0x1c: {  	p1 =	slt.u32 s9, $0xF7A;
	s5 =	simm.s32 @!p2 $0x0  }
0x1d: {  	s5 =	simm.s32 @p1 $0x1;
	p0 =	seq.s32 s7, s2  }
0x1e: {  	s7 =	smul.u32 @!p0 $0xF7A, s2;
	p2 =	seq.s32 @!p0 s5, $0x0  }
0x1f: {  	s9 =	smul.u32 $0xF7A, s1;
	s8 =	simm.s32 @!p0 $0x1BF5;
	p2 =	por !p2, p0  }
0x20: {  	[sflag:s8] =	ssyncset.s32 @!p0 $0xFFFFF086;
	s6 =	sadd.s32 @!p0 s3, s7;
	s7 =	simm.s32 @!p0 $0x108  }
0x21: {  	s3 =	sadd.s32 s3, s9;
	s6 =	sadd.s32 @!p0 $0x88, s6;
	s7 =	simm.s32 @p2 $0x1082  }
0x22: {  	[simem:s7], [sflag:s8] =	dma.local @!p0 [hbm:s6], $0xF7A  }
0x23: {  	s9 =	sor.u32 $0xD0000000, s2;
	s6 =	simm.s32 $0x108;
	_ =	swait.ge @!p0 [sflag:s8], $0x0  }
0x24: {  	s3 =	sadd.s32 $0x88, s3;
	s6 =	simm.s32 @!p1 $0x1082;
	[sflag:s4] =	ssyncset.s32 $0xFFFFF086  }
0x25: {  	[simem:s6], [sflag:s4] =	dma.local [hbm:s3], $0xF7A  }
0x26: {  	[smem:$0x3F86] =	sst s1;
	(tag) =	ssettag s2;
	_ =	strace s9  }
0x27: {  	s1 =	sld [smem:$0x3F96]  }
0x28: {  	s2 =	sld [smem:$0x3F97]  }
0x29: {  	s4 =	sld [smem:$0x3F99]  }
0x2a: {  	p0 =	seq.s32 s5, $0x0;
	s5 =	sld [smem:$0x3F9A]  }
0x2b: {  	s6 =	sld [smem:$0x3F9B]  }
0x2c: {  	s7 =	sld [smem:$0x3F9C]  }
0x2d: {  	s3 =	simm.s32 $0x108;
	s8 =	sld [smem:$0x3F9D]  }
0x2e: {  	s3 =	simm.s32 @!p0 $0x1082;
	s9 =	sld [smem:$0x3F9E]  }
0x2f: {  	lr =	sadd.s32 s0, s3;
	s0 =	sld [smem:$0x3F95]  }
0x30: {  	s3 =	sld [smem:$0x3F98]  }
0x31: {  	[smem:$0x3FA1] =	sst s10  }
0x32: {  	s10 =	sld [smem:$0x3F9F];
	_ =	sdelay $0x3  }
0x33: {  	p0 =	seq.s32 s10, $0x1;
	s10 =	sld [smem:$0x3FA1];
	_ =	sdelay $0x3  }
0x34: {  	[smem:$0x3FA1] =	sst s10  }
0x35: {  	s10 =	sld [smem:$0x3FA0];
	_ =	sdelay $0x3  }
0x36: {  	p1 =	seq.s32 s10, $0x1;
	s10 =	sld [smem:$0x3FA1];
	_ =	sdelay $0x3  }
0x37: {  	[smem:$0x3FA1] =	sst s10  }
0x38: {  	s10 =	sld [smem:$0x3FA2]  }
0x39: {  	_ = 	snop;
	(pc) =	sbr.ind lr, $3  }
0x3a: {  	_ = 	snop  }
0x3b: {  	_ = 	snop  }
0x3c: {  	p2 =	seq.s32 s10, $0x1;
	s10 =	sld [smem:$0x3FA1]  }
0x3d: {  	_ =	shalt  }
0x3e: {  	_ =	shalt  }
0x3f: {  	_ =	shalt  }
0x40: {  	_ =	shalt  }
0x41: {  	_ =	shalt  }
0x42: {  	_ =	shalt  }
0x43: {  	_ =	shalt  }
0x44: {  	_ =	shalt  }
0x45: {  	_ =	shalt  }
0x46: {  	_ =	shalt  }
0x47: {  	_ =	shalt  }
0x48: {  	_ =	shalt  }
0x49: {  	_ =	shalt  }
0x4a: {  	_ =	shalt  }
0x4b: {  	_ =	shalt  }
0x4c: {  	_ =	shalt  }
0x4d: {  	_ =	shalt  }
0x4e: {  	_ =	shalt  }
0x4f: {  	_ =	shalt  }
0x50: {  	_ =	shalt  }
0x51: {  	_ =	shalt  }
0x52: {  	_ =	shalt  }
0x53: {  	_ =	shalt  }
0x54: {  	_ =	shalt  }
0x55: {  	_ =	shalt  }
0x56: {  	_ =	shalt  }
0x57: {  	_ =	shalt  }
0x58: {  	_ =	shalt  }
0x59: {  	_ =	shalt  }
0x5a: {  	_ =	shalt  }
0x5b: {  	_ =	shalt  }
0x5c: {  	_ =	shalt  }
0x5d: {  	_ =	shalt  }
0x5e: {  	_ =	shalt  }
0x5f: {  	_ =	shalt  }
0x60: {  	_ =	shalt  }
0x61: {  	_ =	shalt  }
0x62: {  	_ =	shalt  }
0x63: {  	_ =	shalt  }
0x64: {  	_ =	shalt  }
0x65: {  	_ =	shalt  }
0x66: {  	_ =	shalt  }
0x67: {  	_ =	shalt  }
0x68: {  	_ =	shalt  }
0x69: {  	_ =	shalt  }
0x6a: {  	_ =	shalt  }
0x6b: {  	_ =	shalt  }
0x6c: {  	_ =	shalt  }
0x6d: {  	_ =	shalt  }
0x6e: {  	_ =	shalt  }
0x6f: {  	_ =	shalt  }
0x70: {  	_ =	shalt  }
0x71: {  	_ =	shalt  }
0x72: {  	_ =	shalt  }
0x73: {  	_ =	shalt  }
0x74: {  	_ =	shalt  }
0x75: {  	_ =	shalt  }
0x76: {  	_ =	shalt  }
0x77: {  	_ =	shalt  }
0x78: {  	_ =	shalt  }
0x79: {  	_ =	shalt  }
0x7a: {  	_ =	shalt  }
0x7b: {  	_ =	shalt  }
0x7c: {  	_ =	shalt  }
0x7d: {  	_ =	shalt  }
0x7e: {  	_ =	shalt  }
0x7f: {  	_ =	shalt  }
0x80: {  	_ =	shalt  }
0x81: {  	_ =	shalt  }
0x82: {  	_ =	shalt  }
0x83: {  	_ =	shalt  }
0x84: {  	_ =	shalt  }
0x85: {  	_ =	shalt  }
0x86: {  	_ =	shalt  }
0x87: {  	_ =	shalt  }
.Lfunc_end0:
.L_simem_size_0:
called_computation.1_lowered:
.L_overlay_start_0:
0x88: {  	s2 =	sld [smem:$0x3FD9]  }
0x89: {  	s3 =	sld [smem:$0x3FFE];
	_ =	sdelay $0x1  }
0x8a: {  	s1 =	srdreg.scid  }
0x8b: {  	s0 =	sand.u32 $0x1, s1  }
0x8c: {  	s16 =	sshll.u32 s0, $0xA;
	s2 =	sadd.s32 s3, s2  }
0x8d: {  	s2 =	sadd.s32 s2, s16  }
0x8e: {  	[smem:$0x3FAD] =	sst s2  }
0x8f: {  	_ = 	snop  }
0x90: {  	(tm) =	ssettm $0x1  }
0x91: {  	s17 =	sld [smem:$0x3FFB];
	_ =	sdelay $0x3  }
0x92: {  	_ =	strace s17  }
0x93: {  	s2 =	sld [smem:$0x3FFC];
	_ =	sdelay $0x3  }
0x94: {  	_ =	strace s2  }
0x95: {  	s2 =	sld [smem:$0x3FFD];
	_ =	sdelay $0x3  }
0x96: {  	_ =	strace s2  }
0x97: {  	_ =	strace $0x8FFFFFFF  }
0x98: {  	s18 =	sld [smem:$0x3FDB];
	_ =	sdelay $0x1  }
0x99: {  	s19 =	simm.s32 $_scs_section_size  }
0x9a: {  	s4 =	simm.s32 $_size__tile_overlayer_lowered;
	s5 =	simm.s32 $_tile_overlayer_lowered  }
0x9b: {  	s22 =	simm.s32 $0x1BFF;
	s21 =	sshll.u32 s5, $0x1;
	s2 =	sadd.s32 s19, s18  }
0x9c: {  	s6 =	simm.s32 $0x0;
	s20 =	sshll.u32 s4, $0x1;
	s4 =	sadd.s32 s21, s2  }
0x9d: {  	[timem:s6], [sflag:s22] =	dma.local [hbm:s4], s20  }
0x9e: {  	_ =	swait.ge [sflag:s22], s20  }
0x9f: {  	s3 =	ssub.s32 $0x0, s20;
	[sflag:s22] =	ssyncset.done $0x0  }
0xa0: {  	[sflag:s22] =	ssyncadd.s32 s3;
	_ =	sdelay $0x1  }
0xa1: {  	s23 =	simm.s32 $0x1B8B  }
0xa2: {  	_ =	swait.ge [sflag:s23], $0x1  }
0xa3: {  	[sflag:s23] =	ssyncset.done $0x0  }
0xa4: {  	s25 =	simm.s32 $0x1B8E;
	s24 =	sld [smem:$0x3FFE];
	[sflag:s23] =	ssyncadd.s32 $0xFFFFFFFF  }
0xa5: {  	s26 =	simm.s32 $execute0_lowered;
	[smem:$0x3FD2] =	sst s25  }
0xa6: {  	s4 =	sshll.u32 s26, $0x1;
	_ =	strace $0x80000049;
	[dreg:$0x1] =	wrdreg $0xFFFFFFFF  }
0xa7: {  	s28 =	simm.s32 $_size_execute0_lowered;
	s2 =	sadd.s32 s2, s4;
	[dreg:$0x0] =	wrdreg $0x0  }
0xa8: {  	s4 =	sshll.u32 s28, $0x1;
	[dreg:$0x2] =	wrdreg s2  }
0xa9: {  	[dreg:$0x3] =	wrdreg s4  }
0xaa: {  	[dreg:$0x4] =	wrdreg $0xC0  }
0xab: {  	_ =	task [dreg:s6], $0x5FFFF  }
0xac: {  	[dreg:$0x1] =	wrdreg $0xFFFFFFFF  }
0xad: {  	[dreg:$0x0] =	wrdreg $0x60  }
0xae: {  	[dreg:$0x2] =	wrdreg s24  }
0xaf: {  	[dreg:$0x3] =	wrdreg $0xBE200  }
0xb0: {  	[dreg:$0x4] =	wrdreg $0x9  }
0xb1: {  	_ =	task.clear_ibuf [dreg:s6], $0x5FFFF;
	_ =	strace $0x90000049  }
0xb2: {  	s29 =	simm.s32 $0x9;
	_ =	strace $0x8000004B  }
0xb3: {  	_ =	swait.ge [sflag:s29], $0x1  }
0xb4: {  	[sflag:s29] =	ssyncadd.s32 $0xFFFFFFFF  }
0xb5: {  	_ =	strace $0x9000004B  }
0xb6: {  	_ =	sfence  }
0xb7: {  	s30 =	sld [smem:$0x0];
	_ =	sdelay $0x2  }
0xb8: {  	s31 =	sshll.u32 s1, $0xD;
	s1 =	sshrl.u32 s1, $0x2  }
0xb9: {  	s3 =	sand.u32 $0x4000, s31;
	s1 =	sadd.s32 s1, s30  }
0xba: {  	s0 =	sor.u32 s3, s0;
	s1 =	sshll.u32 s1, $0x11  }
0xbb: {  	s0 =	sor.u32 s1, s0  }
0xbc: {  	s0 =	sadd.s32 $0x8F2B, s0  }
0xbd: {  	[sflag:s0] =	ssyncadd.remote.s32 $0x1  }
0xbe: {  	_ =	sfence.sel $0xFFFF  }
0xbf: {  	[dreg:$0x0] =	wrdreg $0xFFFFFFFF;
	(pc) =	sbr.abs _section_cstart, $3  }
0xc0: {  	[dreg:$0x1] =	wrdreg $0xFFFFFFFF  }
0xc1: {  	_ =	task.clear_ibuf [dreg:s6], $0x2FFFF;
	_ =	strace $0x9FFFFFFF  }
0xc2: {  	(tm) =	ssettm $0x7FFFFFFF  }
0xc3: {  	_ =	shalt  }
tec
execute0_lowered:
.L_overlay_start_1:
0x0: {  	(tag) =	ssettag $0x1  }
0x1: {  	s0 =	rddreg [dreg:$0x0];
	s9 =	stileid.u32  }
0x2: {  	s1 =	srdreg.scid;
	s4 =	smul.u32 $0x2710, s9  }
0x3: {  	s2 =	rddreg [dreg:$0x1];
	s5 =	simm.s32 $0x0;
	s23 =	smul.u32 $0x4E000, s9  }
0x4: {  	s1 =	sand.u32 $0x1, s1;
	[smem:$0x7FF] =	sst s5;
	s8 =	smul.u32 $0x13800, s9  }
0x5: {  	p0 =	sne.s32 s9, $0xF;
	s9 =	simm.s32 $0x6;
	s3 =	smul.u32 $0x27100, s1  }
0x6: {  	_ =	strace $0x8000004A;
	s6 =	ssub.s32 $0x2, s1;
	s5 =	sshrl.u32 s23, $0x2  }
0x7: {  	s1 =	smul.u32 $0x138800, s1;
	s7 =	sshrl.u32 s6, $0x1;
	s5 =	sadd.s32 s5, s2  }
0x8: {  	s3 =	sadd.s32 s4, s3;
	s4 =	sadd.s32 $0x19C00, s0;
	s25 =	sadd.s32 $0xC00, s5  }
0x9: {  	s6 =	ssub.s32 s6, s7;
	s26 =	sadd.s32 $0x1800, s5;
	[dreg:$0x5] =	wrdreg s25  }
0xa: {  	s7 =	sadd.s32 s8, s2;
	s10 =	sadd.s32 $0x2400, s5;
	[dreg:$0x6] =	wrdreg s26  }
0xb: {  	s19 =	sadd.s32 s8, s1;
	s11 =	sadd.s32 $0x3000, s5;
	[dreg:$0x7] =	wrdreg s10  }
0xc: {  	s1 =	sshrl.u32 s1, $0x3;
	s12 =	sadd.s32 $0x3C00, s5;
	[dreg:$0x8] =	wrdreg s11  }
0xd: {  	s8 =	sadd.s32 $0x138000, s2;
	s13 =	sadd.s32 $0x4800, s5;
	[dreg:$0x9] =	wrdreg s12  }
0xe: {  	s3 =	sshrl.u32 s3, $0x3;
	s14 =	sadd.s32 $0x5400, s5;
	[dreg:$0xa] =	wrdreg s13  }
0xf: {  	s15 =	sadd.s32 $0x6000, s5;
	s16 =	sadd.s32 $0x6C00, s5;
	[dreg:$0xb] =	wrdreg s14  }
0x10: {  	s17 =	sadd.s32 $0x7800, s5;
	s18 =	sadd.s32 $0x8400, s5;
	[dreg:$0xc] =	wrdreg s15  }
0x11: {  	s20 =	sadd.s32 $0x9000, s5;
	s21 =	sadd.s32 $0x9C00, s5;
	[dreg:$0xd] =	wrdreg s16  }
0x12: {  	s23 =	sadd.s32 $0xA800, s5;
	s28 =	sadd.s32 $0xE400, s5;
	[dreg:$0xe] =	wrdreg s17  }
0x13: {  	s29 =	sadd.s32 $0xF000, s5;
	s30 =	sadd.s32 $0xFC00, s5;
	[dreg:$0xf] =	wrdreg s18  }
0x14: {  	s31 =	sadd.s32 $0x10800, s5;
	s6 =	smax.u32 s6, $0x1;
	[dreg:$0x10] =	wrdreg s20  }
0x15: {  	s3 =	sadd.s32 s3, s0;
	s0 =	sadd.s32 $0x40E00, s0;
	[dreg:$0x11] =	wrdreg s21  }
0x16: {  	[dreg:$0x13] =	wrdreg s23;
	s25 =	sadd.s32 $0xC000, s5;
	s26 =	sadd.s32 $0xCC00, s5  }
0x17: {  	s10 =	simm.s32 $0xB220;
	s11 =	simm.s32 $0x28;
	s12 =	simm.s32 $0x4E20  }
0x18: {  	s13 =	simm.s32 $0x6220;
	s14 =	simm.s32 $0x7620;
	s15 =	simm.s32 $0x8A20  }
0x19: {  	s16 =	simm.s32 $0x9E20;
	s17 =	simm.s32 $0x1;
	s18 =	simm.s32 $0x2  }
0x1a: {  	s20 =	simm.s32 $0x4;
	s21 =	simm.s32 $0x5;
	[dreg:$0x15] =	wrdreg s25  }
0x1b: {  	s24 =	sadd.s32 $0xFE00, s3;
	s3 =	sadd.s32 $0x6000, s3;
	[dreg:$0x16] =	wrdreg s26  }
0x1c: {  	s22 =	sadd.s32 s0, s1;
	s26 =	sadd.s32 $0xD800, s5;
	[dreg:$0x3] =	wrdreg s24  }
0x1d: {  	[dreg:$0x4] =	wrdreg s3;
	s3 =	sshrl.u32 s19, $0x3;
	s24 =	sadd.s32 $0xB400, s5  }
0x1e: {  	s1 =	sadd.s32 $0x12000, s5;
	s3 =	sadd.s32 s0, s3;
	[dreg:$0x14] =	wrdreg s24  }
0x1f: {  	s19 =	simm.s32 $0x3;
	s0 =	sadd.s32 $0x11400, s5;
	[dreg:$0x12] =	wrdreg s3  }
0x20: {  	v0 =	vimm.f32 $0.0e+00;
	s3 =	sadd.s32 $0x12C00, s5;
	s5 =	sadd.s32 $0x27000, s22;
	s22 =	simm.s32 $0x0  }
.LBB2_1:
0x21: {  	s23 =	simm.s32 $0x0;
	s24 =	rddreg [dreg:$0x3]  }
0x22: {  	[tilespmem:s23], [sflag:$0x6] =	stream.linear.gather [hbm4b:s24+s23], $0x2710, $0x38;
	[tilespmem:$0x1F6A0] =	vst v63  }
0x23: {  	_ =	swait.ge [sflag:s9], $0x2710  }
0x24: {  	[sflag:s9] =	ssyncset.done $0x0  }
0x25: {  	s25 =	simm.s32 $0x2710;
	s24 =	rddreg [dreg:$0x4];
	[sflag:s9] =	ssyncadd.s32 $0xFFFFD8F0  }
0x26: {  	[tilespmem:s25], [sflag:$0x6] =	stream.linear.gather [hbm4b:s24+s23], $0x2710, $0x38;
	[tilespmem:$0x1F6A0] =	vst v63  }
0x27: {  	_ =	swait.ge [sflag:s9], $0x2710  }
0x28: {  	[sflag:s9] =	ssyncset.done $0x0  }
0x29: {  	s23 =	simm.s32 $0x0;
	s24 =	simm.s32 $0x200;
	[sflag:s9] =	ssyncadd.s32 $0xFFFFD8F0  }
.LBB2_2:
0x2a: {  	p1 =	sne.s32 s24, $0x2E00;
	[tilespmem:s23+$0xB290] =	vst v0  }
0x2b: {  	[tilespmem:s23+$0xB220] =	vst v0  }
0x2c: {  	[tilespmem:s23+$0xB230] =	vst v0  }
.Ltmp0:
0x2d: {  	[tilespmem:s23+$0xB240] =	vst v0;
	(pc) =	sbr.rel @p1 .LBB2_2-.Ltmp0, $4  }
0x2e: {  	[tilespmem:s23+$0xB250] =	vst v0  }
0x2f: {  	[tilespmem:s23+$0xB260] =	vst v0  }
0x30: {  	[tilespmem:s23+$0xB270] =	vst v0  }
0x31: {  	[tilespmem:s23+$0xB280] =	vst v0;
	s23 =	sshra.s32 s24, $0x2;
	s24 =	sadd.s32 $0x200, s24  }
0x32: {  	[tilespmem:s23+$0xB290] =	vst v0  }
0x33: {  	[tilespmem:s23+$0xB220] =	vst v0  }
0x34: {  	[tilespmem:s23+$0xB230] =	vst v0  }
0x35: {  	[tilespmem:s23+$0xB240] =	vst v0  }
0x36: {  	[tilespmem:s23+$0xB250] =	vst v0  }
0x37: {  	[tilespmem:s23+$0xB260] =	vst v0  }
0x38: {  	[tilespmem:s23+$0xB270] =	vst v0  }
0x39: {  	[tilespmem:s23+$0xB280] =	vst v0  }
0x3a: {  	[spmem:s7] =	stream.linear.scatter [tilespmem:s10], [sflag:$0x6], $0xC00, $0x38;
	[tilespmem:$0x1F6A0] =	vst v63  }
0x3b: {  	_ =	swait.ge [sflag:s9], $0xC00  }
0x3c: {  	[sflag:s9] =	ssyncset.done $0x0  }
0x3d: {  	s24 =	rddreg [dreg:$0x5];
	[sflag:s9] =	ssyncadd.s32 $0xFFFFF400  }
0x3e: {  	[spmem:s24] =	stream.linear.scatter [tilespmem:s10], [sflag:$0x6], $0xC00, $0x38;
	[tilespmem:$0x1F6A0] =	vst v63  }
0x3f: {  	_ =	swait.ge [sflag:s9], $0xC00  }
0x40: {  	[sflag:s9] =	ssyncset.done $0x0  }
0x41: {  	s25 =	rddreg [dreg:$0x6];
	[sflag:s9] =	ssyncadd.s32 $0xFFFFF400  }
0x42: {  	[spmem:s25] =	stream.linear.scatter [tilespmem:s10], [sflag:$0x6], $0xC00, $0x38;
	[tilespmem:$0x1F6A0] =	vst v63  }
0x43: {  	_ =	swait.ge [sflag:s9], $0xC00  }
0x44: {  	[sflag:s9] =	ssyncset.done $0x0  }
0x45: {  	s24 =	rddreg [dreg:$0x7];
	[sflag:s9] =	ssyncadd.s32 $0xFFFFF400  }
0x46: {  	[spmem:s24] =	stream.linear.scatter [tilespmem:s10], [sflag:$0x6], $0xC00, $0x38;
	[tilespmem:$0x1F6A0] =	vst v63  }
0x47: {  	_ =	swait.ge [sflag:s9], $0xC00  }
0x48: {  	[sflag:s9] =	ssyncset.done $0x0  }
0x49: {  	s25 =	rddreg [dreg:$0x8];
	[sflag:s9] =	ssyncadd.s32 $0xFFFFF400  }
0x4a: {  	[spmem:s25] =	stream.linear.scatter [tilespmem:s10], [sflag:$0x6], $0xC00, $0x38;
	[tilespmem:$0x1F6A0] =	vst v63  }
0x4b: {  	_ =	swait.ge [sflag:s9], $0xC00  }
0x4c: {  	[sflag:s9] =	ssyncset.done $0x0  }
0x4d: {  	s24 =	rddreg [dreg:$0x9];
	[sflag:s9] =	ssyncadd.s32 $0xFFFFF400  }
0x4e: {  	[spmem:s24] =	stream.linear.scatter [tilespmem:s10], [sflag:$0x6], $0xC00, $0x38;
	[tilespmem:$0x1F6A0] =	vst v63  }
0x4f: {  	_ =	swait.ge [sflag:s9], $0xC00  }
0x50: {  	[sflag:s9] =	ssyncset.done $0x0  }
0x51: {  	s25 =	rddreg [dreg:$0xa];
	[sflag:s9] =	ssyncadd.s32 $0xFFFFF400  }
0x52: {  	[spmem:s25] =	stream.linear.scatter [tilespmem:s10], [sflag:$0x6], $0xC00, $0x38;
	[tilespmem:$0x1F6A0] =	vst v63  }
0x53: {  	_ =	swait.ge [sflag:s9], $0xC00  }
0x54: {  	[sflag:s9] =	ssyncset.done $0x0  }
0x55: {  	s24 =	rddreg [dreg:$0xb];
	[sflag:s9] =	ssyncadd.s32 $0xFFFFF400  }
0x56: {  	[spmem:s24] =	stream.linear.scatter [tilespmem:s10], [sflag:$0x6], $0xC00, $0x38;
	[tilespmem:$0x1F6A0] =	vst v63  }
0x57: {  	_ =	swait.ge [sflag:s9], $0xC00  }
0x58: {  	[sflag:s9] =	ssyncset.done $0x0  }
0x59: {  	s25 =	rddreg [dreg:$0xc];
	[sflag:s9] =	ssyncadd.s32 $0xFFFFF400  }
0x5a: {  	[spmem:s25] =	stream.linear.scatter [tilespmem:s10], [sflag:$0x6], $0xC00, $0x38;
	[tilespmem:$0x1F6A0] =	vst v63  }
0x5b: {  	_ =	swait.ge [sflag:s9], $0xC00  }
0x5c: {  	[sflag:s9] =	ssyncset.done $0x0  }
0x5d: {  	s24 =	rddreg [dreg:$0xd];
	[sflag:s9] =	ssyncadd.s32 $0xFFFFF400  }
0x5e: {  	[spmem:s24] =	stream.linear.scatter [tilespmem:s10], [sflag:$0x6], $0xC00, $0x38;
	[tilespmem:$0x1F6A0] =	vst v63  }
0x5f: {  	_ =	swait.ge [sflag:s9], $0xC00  }
0x60: {  	[sflag:s9] =	ssyncset.done $0x0  }
0x61: {  	s25 =	rddreg [dreg:$0xe];
	[sflag:s9] =	ssyncadd.s32 $0xFFFFF400  }
0x62: {  	[spmem:s25] =	stream.linear.scatter [tilespmem:s10], [sflag:$0x6], $0xC00, $0x38;
	[tilespmem:$0x1F6A0] =	vst v63  }
0x63: {  	_ =	swait.ge [sflag:s9], $0xC00  }
0x64: {  	[sflag:s9] =	ssyncset.done $0x0  }
0x65: {  	s24 =	rddreg [dreg:$0xf];
	[sflag:s9] =	ssyncadd.s32 $0xFFFFF400  }
0x66: {  	[spmem:s24] =	stream.linear.scatter [tilespmem:s10], [sflag:$0x6], $0xC00, $0x38;
	[tilespmem:$0x1F6A0] =	vst v63  }
0x67: {  	_ =	swait.ge [sflag:s9], $0xC00  }
0x68: {  	[sflag:s9] =	ssyncset.done $0x0  }
0x69: {  	s25 =	rddreg [dreg:$0x10];
	[sflag:s9] =	ssyncadd.s32 $0xFFFFF400  }
0x6a: {  	[spmem:s25] =	stream.linear.scatter [tilespmem:s10], [sflag:$0x6], $0xC00, $0x38;
	[tilespmem:$0x1F6A0] =	vst v63  }
0x6b: {  	_ =	swait.ge [sflag:s9], $0xC00  }
0x6c: {  	[sflag:s9] =	ssyncset.done $0x0  }
0x6d: {  	s24 =	rddreg [dreg:$0x11];
	[sflag:s9] =	ssyncadd.s32 $0xFFFFF400  }
0x6e: {  	[spmem:s24] =	stream.linear.scatter [tilespmem:s10], [sflag:$0x6], $0xC00, $0x38;
	[tilespmem:$0x1F6A0] =	vst v63  }
0x6f: {  	_ =	swait.ge [sflag:s9], $0xC00  }
0x70: {  	[sflag:s9] =	ssyncset.done $0x0  }
0x71: {  	s25 =	rddreg [dreg:$0x13];
	[sflag:s9] =	ssyncadd.s32 $0xFFFFF400  }
0x72: {  	[spmem:s25] =	stream.linear.scatter [tilespmem:s10], [sflag:$0x6], $0xC00, $0x38;
	[tilespmem:$0x1F6A0] =	vst v63  }
0x73: {  	_ =	swait.ge [sflag:s9], $0xC00  }
0x74: {  	[sflag:s9] =	ssyncset.done $0x0  }
0x75: {  	s24 =	rddreg [dreg:$0x14];
	[sflag:s9] =	ssyncadd.s32 $0xFFFFF400  }
0x76: {  	[spmem:s24] =	stream.linear.scatter [tilespmem:s10], [sflag:$0x6], $0xC00, $0x38;
	[tilespmem:$0x1F6A0] =	vst v63  }
0x77: {  	_ =	swait.ge [sflag:s9], $0xC00  }
0x78: {  	[sflag:s9] =	ssyncset.done $0x0  }
0x79: {  	s25 =	rddreg [dreg:$0x15];
	[sflag:s9] =	ssyncadd.s32 $0xFFFFF400  }
0x7a: {  	[spmem:s25] =	stream.linear.scatter [tilespmem:s10], [sflag:$0x6], $0xC00, $0x38;
	[tilespmem:$0x1F6A0] =	vst v63  }
0x7b: {  	_ =	swait.ge [sflag:s9], $0xC00  }
0x7c: {  	[sflag:s9] =	ssyncset.done $0x0  }
0x7d: {  	s24 =	rddreg [dreg:$0x16];
	[sflag:s9] =	ssyncadd.s32 $0xFFFFF400  }
0x7e: {  	[spmem:s24] =	stream.linear.scatter [tilespmem:s10], [sflag:$0x6], $0xC00, $0x38;
	[tilespmem:$0x1F6A0] =	vst v63  }
0x7f: {  	_ =	swait.ge [sflag:s9], $0xC00  }
0x80: {  	[sflag:s9] =	ssyncset.done $0x0  }
0x81: {  	[sflag:s9] =	ssyncadd.s32 $0xFFFFF400  }
0x82: {  	[spmem:s26] =	stream.linear.scatter [tilespmem:s10], [sflag:$0x6], $0xC00, $0x38;
	[tilespmem:$0x1F6A0] =	vst v63  }
0x83: {  	_ =	swait.ge [sflag:s9], $0xC00  }
0x84: {  	[sflag:s9] =	ssyncset.done $0x0  }
0x85: {  	[sflag:s9] =	ssyncadd.s32 $0xFFFFF400  }
0x86: {  	[spmem:s28] =	stream.linear.scatter [tilespmem:s10], [sflag:$0x6], $0xC00, $0x38;
	[tilespmem:$0x1F6A0] =	vst v63  }
0x87: {  	_ =	swait.ge [sflag:s9], $0xC00  }
0x88: {  	[sflag:s9] =	ssyncset.done $0x0  }
0x89: {  	[sflag:s9] =	ssyncadd.s32 $0xFFFFF400  }
0x8a: {  	[spmem:s29] =	stream.linear.scatter [tilespmem:s10], [sflag:$0x6], $0xC00, $0x38;
	[tilespmem:$0x1F6A0] =	vst v63  }
0x8b: {  	_ =	swait.ge [sflag:s9], $0xC00  }
0x8c: {  	[sflag:s9] =	ssyncset.done $0x0  }
0x8d: {  	[sflag:s9] =	ssyncadd.s32 $0xFFFFF400  }
0x8e: {  	[spmem:s30] =	stream.linear.scatter [tilespmem:s10], [sflag:$0x6], $0xC00, $0x38;
	[tilespmem:$0x1F6A0] =	vst v63  }
0x8f: {  	_ =	swait.ge [sflag:s9], $0xC00  }
0x90: {  	[sflag:s9] =	ssyncset.done $0x0  }
0x91: {  	[sflag:s9] =	ssyncadd.s32 $0xFFFFF400  }
0x92: {  	[spmem:s31] =	stream.linear.scatter [tilespmem:s10], [sflag:$0x6], $0xC00, $0x38;
	[tilespmem:$0x1F6A0] =	vst v63  }
0x93: {  	_ =	swait.ge [sflag:s9], $0xC00  }
0x94: {  	[sflag:s9] =	ssyncset.done $0x0  }
0x95: {  	[sflag:s9] =	ssyncadd.s32 $0xFFFFF400  }
0x96: {  	[spmem:s0] =	stream.linear.scatter [tilespmem:s10], [sflag:$0x6], $0xC00, $0x38;
	[tilespmem:$0x1F6A0] =	vst v63  }
0x97: {  	_ =	swait.ge [sflag:s9], $0xC00  }
0x98: {  	[sflag:s9] =	ssyncset.done $0x0  }
0x99: {  	[sflag:s9] =	ssyncadd.s32 $0xFFFFF400  }
0x9a: {  	[spmem:s1] =	stream.linear.scatter [tilespmem:s10], [sflag:$0x6], $0xC00, $0x38;
	[tilespmem:$0x1F6A0] =	vst v63  }
0x9b: {  	_ =	swait.ge [sflag:s9], $0xC00  }
0x9c: {  	[sflag:s9] =	ssyncset.done $0x0  }
0x9d: {  	[sflag:s9] =	ssyncadd.s32 $0xFFFFF400  }
0x9e: {  	[spmem:s3] =	stream.linear.scatter [tilespmem:s10], [sflag:$0x6], $0xC00, $0x38;
	[tilespmem:$0x1F6A0] =	vst v63  }
0x9f: {  	_ =	swait.ge [sflag:s9], $0xC00  }
0xa0: {  	[sflag:s9] =	ssyncset.done $0x0  }
0xa1: {  	s23 =	simm.s32 @!p0 $0xB220;
	[sflag:s9] =	ssyncadd.s32 $0xFFFFF400  }
0xa2: {  	[spmem:s8] =	stream.linear.scatter @!p0 [tilespmem:s23], [sflag:$0x6], $0x800, $0x38;
	[tilespmem:$0x1F6A0] =	vst v63  }
0xa3: {  	s23 =	simm.s32 @!p0 $0x6  }
0xa4: {  	_ =	swait.ge @!p0 [sflag:s23], $0x800  }
0xa5: {  	[sflag:s23] =	ssyncset.done @!p0 $0x0  }
0xa6: {  	[sflag:s23] =	ssyncadd.s32 @!p0 $0xFFFFF800  }
0xa7: {  	s25 =	simm.s32 $0x0;
	[bflag:$0x0] =	sbarrier.arrive $0xFFFF  }
0xa8: {  	[tilespmem:s12], [sflag:$0x1] =	stream.indirect.gather [hbm4b:s4+s11], $0x80, s25, s11, $0xb8;
	[tilespmem:$0x1F6A0] =	vst v63  }
0xa9: {  	_ = 	snop  }
0xaa: {  	[tilespmem:s13], [sflag:$0x2] =	stream.indirect.gather [hbm4b:s4+s11], $0x80, s11, s11, $0xb8;
	[tilespmem:$0x1F6A0] =	vst v63  }
0xab: {  	s24 =	simm.s32 $0x50  }
0xac: {  	[tilespmem:s14], [sflag:$0x3] =	stream.indirect.gather [hbm4b:s4+s11], $0x80, s24, s11, $0xb8;
	[tilespmem:$0x1F6A0] =	vst v63  }
0xad: {  	s25 =	simm.s32 $0x78  }
0xae: {  	[tilespmem:s15], [sflag:$0x4] =	stream.indirect.gather [hbm4b:s4+s11], $0x80, s25, s11, $0xb8;
	[tilespmem:$0x1F6A0] =	vst v63  }
0xaf: {  	s24 =	simm.s32 $0xA0  }
0xb0: {  	[tilespmem:s16], [sflag:$0x5] =	stream.indirect.gather [hbm4b:s4+s11], $0x80, s24, s11, $0xb8;
	[tilespmem:$0x1F6A0] =	vst v63  }
0xb1: {  	_ =	swait.ge [sflag:s17], $0x1400  }
0xb2: {  	[sflag:s17] =	ssyncset.done $0x0  }
0xb3: {  	s25 =	simm.s32 $0x2710;
	[sflag:s17] =	ssyncadd.s32 $0xFFFFEC00  }
0xb4: {  	[spmem:s2] =	stream.indirect.scatter.add.f32 [tilespmem:s12], [sflag:$0x6], $0x80, s25, s11, $0xb8;
	[tilespmem:$0x1F6A0] =	vst v63  }
0xb5: {  	_ =	swait.ge [sflag:s9], $0x1400  }
0xb6: {  	[sflag:s9] =	ssyncset.done $0x0  }
0xb7: {  	s24 =	simm.s32 $0xC8;
	[sflag:s9] =	ssyncadd.s32 $0xFFFFEC00  }
0xb8: {  	[tilespmem:s12], [sflag:$0x1] =	stream.indirect.gather [hbm4b:s4+s11], $0x80, s24, s11, $0xb8;
	[tilespmem:$0x1F6A0] =	vst v63  }
0xb9: {  	_ =	swait.ge [sflag:s18], $0x1400  }
0xba: {  	[sflag:s18] =	ssyncset.done $0x0  }
0xbb: {  	s25 =	simm.s32 $0x2738;
	[sflag:s18] =	ssyncadd.s32 $0xFFFFEC00  }
0xbc: {  	[spmem:s2] =	stream.indirect.scatter.add.f32 [tilespmem:s13], [sflag:$0x6], $0x80, s25, s11, $0xb8;
	[tilespmem:$0x1F6A0] =	vst v63  }
0xbd: {  	_ =	swait.ge [sflag:s9], $0x1400  }
0xbe: {  	[sflag:s9] =	ssyncset.done $0x0  }
0xbf: {  	s24 =	simm.s32 $0xF0;
	[sflag:s9] =	ssyncadd.s32 $0xFFFFEC00  }
0xc0: {  	[tilespmem:s13], [sflag:$0x2] =	stream.indirect.gather [hbm4b:s4+s11], $0x80, s24, s11, $0xb8;
	[tilespmem:$0x1F6A0] =	vst v63  }
0xc1: {  	_ =	swait.ge [sflag:s19], $0x1400  }
0xc2: {  	[sflag:s19] =	ssyncset.done $0x0  }
0xc3: {  	s25 =	simm.s32 $0x2760;
	[sflag:s19] =	ssyncadd.s32 $0xFFFFEC00  }
0xc4: {  	[spmem:s2] =	stream.indirect.scatter.add.f32 [tilespmem:s14], [sflag:$0x6], $0x80, s25, s11, $0xb8;
	[tilespmem:$0x1F6A0] =	vst v63  }
0xc5: {  	_ =	swait.ge [sflag:s9], $0x1400  }
0xc6: {  	[sflag:s9] =	ssyncset.done $0x0  }
0xc7: {  	s24 =	simm.s32 $0x118;
	[sflag:s9] =	ssyncadd.s32 $0xFFFFEC00  }
0xc8: {  	[tilespmem:s14], [sflag:$0x3] =	stream.indirect.gather [hbm4b:s4+s11], $0x80, s24, s11, $0xb8;
	[tilespmem:$0x1F6A0] =	vst v63  }
0xc9: {  	_ =	swait.ge [sflag:s20], $0x1400  }
0xca: {  	[sflag:s20] =	ssyncset.done $0x0  }
0xcb: {  	s25 =	simm.s32 $0x2788;
	[sflag:s20] =	ssyncadd.s32 $0xFFFFEC00  }
0xcc: {  	[spmem:s2] =	stream.indirect.scatter.add.f32 [tilespmem:s15], [sflag:$0x6], $0x80, s25, s11, $0xb8;
	[tilespmem:$0x1F6A0] =	vst v63  }
0xcd: {  	_ =	swait.ge [sflag:s9], $0x1400  }
0xce: {  	[sflag:s9] =	ssyncset.done $0x0  }
0xcf: {  	s24 =	simm.s32 $0x140;
	[sflag:s9] =	ssyncadd.s32 $0xFFFFEC00  }
0xd0: {  	[tilespmem:s15], [sflag:$0x4] =	stream.indirect.gather [hbm4b:s4+s11], $0x80, s24, s11, $0xb8;
	[tilespmem:$0x1F6A0] =	vst v63  }
0xd1: {  	_ =	swait.ge [sflag:s21], $0x1400  }
0xd2: {  	[sflag:s21] =	ssyncset.done $0x0  }
0xd3: {  	s25 =	simm.s32 $0x27B0;
	[sflag:s21] =	ssyncadd.s32 $0xFFFFEC00  }
0xd4: {  	[spmem:s2] =	stream.indirect.scatter.add.f32 [tilespmem:s16], [sflag:$0x6], $0x80, s25, s11, $0xb8;
	[tilespmem:$0x1F6A0] =	vst v63  }
0xd5: {  	_ =	swait.ge [sflag:s9], $0x1400  }
0xd6: {  	[sflag:s9] =	ssyncset.done $0x0  }
0xd7: {  	s23 =	simm.s32 $0x320;
	s24 =	simm.s32 $0x168;
	[sflag:s9] =	ssyncadd.s32 $0xFFFFEC00  }
.LBB2_4:
0xd8: {  	[tilespmem:s16], [sflag:$0x5] =	stream.indirect.gather [hbm4b:s4+s11], $0x80, s24, s11, $0xb8;
	[tilespmem:$0x1F6A0] =	vst v63  }
0xd9: {  	s24 =	smov.u32 s23  }
0xda: {  	p1 =	sne.s32 s23, $0x9600;
	s23 =	sadd.s32 $0x320, s23;
	_ =	swait.ge [sflag:s17], $0x1400  }
0xdb: {  	s24 =	sshra.s32 s24, $0x2;
	[sflag:s17] =	ssyncset.done $0x0  }
0xdc: {  	s25 =	sadd.s32 $0x2710, s24;
	[sflag:s17] =	ssyncadd.s32 $0xFFFFEC00  }
0xdd: {  	[spmem:s2] =	stream.indirect.scatter.add.f32 [tilespmem:s12], [sflag:$0x6], $0x80, s25, s11, $0xb8;
	[tilespmem:$0x1F6A0] =	vst v63  }
0xde: {  	_ =	swait.ge [sflag:s9], $0x1400  }
0xdf: {  	[sflag:s9] =	ssyncset.done $0x0  }
0xe0: {  	s25 =	sadd.s32 $0xC8, s24;
	[sflag:s9] =	ssyncadd.s32 $0xFFFFEC00  }
0xe1: {  	[tilespmem:s12], [sflag:$0x1] =	stream.indirect.gather [hbm4b:s4+s11], $0x80, s25, s11, $0xb8;
	[tilespmem:$0x1F6A0] =	vst v63  }
0xe2: {  	_ =	swait.ge [sflag:s18], $0x1400  }
0xe3: {  	[sflag:s18] =	ssyncset.done $0x0  }
0xe4: {  	s25 =	sadd.s32 $0x2738, s24;
	[sflag:s18] =	ssyncadd.s32 $0xFFFFEC00  }
0xe5: {  	[spmem:s2] =	stream.indirect.scatter.add.f32 [tilespmem:s13], [sflag:$0x6], $0x80, s25, s11, $0xb8;
	[tilespmem:$0x1F6A0] =	vst v63  }
0xe6: {  	_ =	swait.ge [sflag:s9], $0x1400  }
0xe7: {  	[sflag:s9] =	ssyncset.done $0x0  }
0xe8: {  	s25 =	sadd.s32 $0xF0, s24;
	[sflag:s9] =	ssyncadd.s32 $0xFFFFEC00  }
0xe9: {  	[tilespmem:s13], [sflag:$0x2] =	stream.indirect.gather [hbm4b:s4+s11], $0x80, s25, s11, $0xb8;
	[tilespmem:$0x1F6A0] =	vst v63  }
0xea: {  	_ =	swait.ge [sflag:s19], $0x1400  }
0xeb: {  	[sflag:s19] =	ssyncset.done $0x0  }
0xec: {  	s25 =	sadd.s32 $0x2760, s24;
	[sflag:s19] =	ssyncadd.s32 $0xFFFFEC00  }
0xed: {  	[spmem:s2] =	stream.indirect.scatter.add.f32 [tilespmem:s14], [sflag:$0x6], $0x80, s25, s11, $0xb8;
	[tilespmem:$0x1F6A0] =	vst v63  }
0xee: {  	_ =	swait.ge [sflag:s9], $0x1400  }
0xef: {  	[sflag:s9] =	ssyncset.done $0x0  }
0xf0: {  	s25 =	sadd.s32 $0x118, s24;
	[sflag:s9] =	ssyncadd.s32 $0xFFFFEC00  }
0xf1: {  	[tilespmem:s14], [sflag:$0x3] =	stream.indirect.gather [hbm4b:s4+s11], $0x80, s25, s11, $0xb8;
	[tilespmem:$0x1F6A0] =	vst v63  }
0xf2: {  	_ =	swait.ge [sflag:s20], $0x1400  }
0xf3: {  	[sflag:s20] =	ssyncset.done $0x0  }
0xf4: {  	s25 =	sadd.s32 $0x2788, s24;
	[sflag:s20] =	ssyncadd.s32 $0xFFFFEC00  }
0xf5: {  	[spmem:s2] =	stream.indirect.scatter.add.f32 [tilespmem:s15], [sflag:$0x6], $0x80, s25, s11, $0xb8;
	[tilespmem:$0x1F6A0] =	vst v63  }
0xf6: {  	_ =	swait.ge [sflag:s9], $0x1400  }
0xf7: {  	[sflag:s9] =	ssyncset.done $0x0  }
0xf8: {  	s25 =	sadd.s32 $0x140, s24;
	[sflag:s9] =	ssyncadd.s32 $0xFFFFEC00  }
0xf9: {  	[tilespmem:s15], [sflag:$0x4] =	stream.indirect.gather [hbm4b:s4+s11], $0x80, s25, s11, $0xb8;
	[tilespmem:$0x1F6A0] =	vst v63  }
0xfa: {  	_ =	swait.ge [sflag:s21], $0x1400  }
0xfb: {  	[sflag:s21] =	ssyncset.done $0x0  }
.Ltmp1:
0xfc: {  	s25 =	sadd.s32 $0x27B0, s24;
	[sflag:s21] =	ssyncadd.s32 $0xFFFFEC00;
	(pc) =	sbr.rel @p1 .LBB2_4-.Ltmp1, $4  }
0xfd: {  	[spmem:s2] =	stream.indirect.scatter.add.f32 [tilespmem:s16], [sflag:$0x6], $0x80, s25, s11, $0xb8;
	[tilespmem:$0x1F6A0] =	vst v63  }
0xfe: {  	_ =	swait.ge [sflag:s9], $0x1400  }
0xff: {  	[sflag:s9] =	ssyncset.done $0x0  }
0x100: {  	s24 =	sadd.s32 $0x168, s24;
	[sflag:s9] =	ssyncadd.s32 $0xFFFFEC00  }
0x101: {  	[tilespmem:s16], [sflag:$0x5] =	stream.indirect.gather [hbm4b:s4+s11], $0x80, s24, s11, $0xb8;
	[tilespmem:$0x1F6A0] =	vst v63  }
0x102: {  	_ =	swait.ge [sflag:s17], $0x1400  }
0x103: {  	[sflag:s17] =	ssyncset.done $0x0  }
0x104: {  	s23 =	simm.s32 $0x4D58;
	[sflag:s17] =	ssyncadd.s32 $0xFFFFEC00  }
0x105: {  	[spmem:s2] =	stream.indirect.scatter.add.f32 [tilespmem:s12], [sflag:$0x6], $0x80, s23, s11, $0xb8;
	[tilespmem:$0x1F6A0] =	vst v63  }
0x106: {  	_ =	swait.ge [sflag:s9], $0x1400  }
0x107: {  	[sflag:s9] =	ssyncset.done $0x0  }
0x108: {  	[sflag:s9] =	ssyncadd.s32 $0xFFFFEC00  }
0x109: {  	_ =	swait.ge [sflag:s18], $0x1400  }
0x10a: {  	[sflag:s18] =	ssyncset.done $0x0  }
0x10b: {  	s25 =	simm.s32 $0x4D80;
	[sflag:s18] =	ssyncadd.s32 $0xFFFFEC00  }
0x10c: {  	[spmem:s2] =	stream.indirect.scatter.add.f32 [tilespmem:s13], [sflag:$0x6], $0x80, s25, s11, $0xb8;
	[tilespmem:$0x1F6A0] =	vst v63  }
0x10d: {  	_ =	swait.ge [sflag:s9], $0x1400  }
0x10e: {  	[sflag:s9] =	ssyncset.done $0x0  }
0x10f: {  	[sflag:s9] =	ssyncadd.s32 $0xFFFFEC00  }
0x110: {  	_ =	swait.ge [sflag:s19], $0x1400  }
0x111: {  	[sflag:s19] =	ssyncset.done $0x0  }
0x112: {  	s24 =	simm.s32 $0x4DA8;
	[sflag:s19] =	ssyncadd.s32 $0xFFFFEC00  }
0x113: {  	[spmem:s2] =	stream.indirect.scatter.add.f32 [tilespmem:s14], [sflag:$0x6], $0x80, s24, s11, $0xb8;
	[tilespmem:$0x1F6A0] =	vst v63  }
0x114: {  	_ =	swait.ge [sflag:s9], $0x1400  }
0x115: {  	[sflag:s9] =	ssyncset.done $0x0  }
0x116: {  	[sflag:s9] =	ssyncadd.s32 $0xFFFFEC00  }
0x117: {  	_ =	swait.ge [sflag:s20], $0x1400  }
0x118: {  	[sflag:s20] =	ssyncset.done $0x0  }
0x119: {  	s25 =	simm.s32 $0x4DD0;
	[sflag:s20] =	ssyncadd.s32 $0xFFFFEC00  }
0x11a: {  	[spmem:s2] =	stream.indirect.scatter.add.f32 [tilespmem:s15], [sflag:$0x6], $0x80, s25, s11, $0xb8;
	[tilespmem:$0x1F6A0] =	vst v63  }
0x11b: {  	_ =	swait.ge [sflag:s9], $0x1400  }
0x11c: {  	[sflag:s9] =	ssyncset.done $0x0  }
0x11d: {  	[sflag:s9] =	ssyncadd.s32 $0xFFFFEC00  }
0x11e: {  	_ =	swait.ge [sflag:s21], $0x1400  }
0x11f: {  	[sflag:s21] =	ssyncset.done $0x0  }
0x120: {  	s24 =	simm.s32 $0x4DF8;
	[sflag:s21] =	ssyncadd.s32 $0xFFFFEC00  }
0x121: {  	[spmem:s2] =	stream.indirect.scatter.add.f32 [tilespmem:s16], [sflag:$0x6], $0x80, s24, s11, $0xb8;
	[tilespmem:$0x1F6A0] =	vst v63  }
0x122: {  	_ =	swait.ge [sflag:s9], $0x1400  }
0x123: {  	[sflag:s9] =	ssyncset.done $0x0  }
0x124: {  	s25 =	stileid.u32;
	[sflag:s9] =	ssyncadd.s32 $0xFFFFEC00  }
0x125: {  	s23 =	sshll.u32 s25, $0x6;
	[bflag:$0x0] =	sbarrier.arrive $0xFFFF  }
0x126: {  	s23 =	sor.u32 $0x1C06, s23;
	s24 =	sshrl.u32 s7, $0x3;
	s25 =	rddreg [dreg:$0x12]  }
0x127: {  	[hbm:s25], [sflag:s23] =	dma.local [spmem:s24], $0x2700  }
0x128: {  	_ =	swait.ge [sflag:s9], $0x2700  }
0x129: {  	s22 =	sadd.s32 $0x1, s22;
	[sflag:s9] =	ssyncset.done $0x0  }
0x12a: {  	p1 =	sne.s32 s22, s6;
	s24 =	sshrl.u32 @!p0 s8, $0x3;
	[sflag:s9] =	ssyncadd.s32 $0xFFFFD900  }
0x12b: {  	[hbm:s5], [sflag:s23] =	dma.local @!p0 [spmem:s24], $0x100  }
.Ltmp2:
0x12c: {  	_ = 	snop;
	(pc) =	sbr.rel @p1 .LBB2_1-.Ltmp2, $4  }
0x12d: {  	s23 =	simm.s32 @!p0 $0x6  }
0x12e: {  	_ =	swait.ge @!p0 [sflag:s23], $0x100  }
0x12f: {  	[sflag:s23] =	ssyncset.done @!p0 $0x0  }
0x130: {  	[sflag:s23] =	ssyncadd.s32 @!p0 $0xFFFFFF00  }
0x131: {  	_ =	sfence.sel $0x180000  }
0x132: {  	[bflag:$0x0] =	sbarrier.arrive $0xFFFF  }
0x133: {  	_ =	strace $0x9000004A  }
0x134: {  	s0 =	stileid.u32;
	[bflag:$0x2] =	sbarrier.arrive $0xFFFF  }
0x135: {  	p0 =	sne.s32 s0, $0x0;
	s0 =	rddreg [dreg:$0x2]  }
0x136: {  	s0 =	sadd.s32 @!p0 $0x100000, s0  }
0x137: {  	[sflag:s0] =	ssyncadd.tile.s32 @!p0 $0x1;
	_ =	shalt  }
.Lfunc_end2:
_tile_overlayer_lowered:
.L_overlay_start_2:
0x138: {  	(tag) =	ssettag $0x2  }
0x139: {  	s0 =	rddreg [dreg:$0x0];
	s2 =	stileid.u32  }
0x13a: {  	s1 =	rddreg [dreg:$0x1];
	p0 =	sne.s32 s2, $0x0  }
0x13b: {  	s3 =	rddreg [dreg:$0x2];
	[bflag:$0x3] =	sbarrier.arrive $0xFFFF;
	s2 =	simm.s32 @!p0 $0x1C06  }
0x13c: {  	[timem:s3], [sflag:s2] =	dma.local @!p0 [hbm:s0], s1  }
0x13d: {  	s0 =	simm.s32 @!p0 $0x6  }
0x13e: {  	_ =	swait.ge @!p0 [sflag:s0], s1  }
0x13f: {  	s1 =	ssub.s32 @!p0 $0x0, s1;
	[sflag:s0] =	ssyncset.done @!p0 $0x0  }
0x140: {  	[sflag:s0] =	ssyncadd.s32 @!p0 s1  }
0x141: {  	[bflag:$0x3] =	sbarrier.arrive $0xFFFF  }
0x142: {  	_ =	shalt  }

// kernel: kernel.15.cloned.1.call-start
scs
__scs_entry_jumppad:
0x0: {  	(pc) =	sbr.rel $0x88, $3  }
0x1: {  	(tag) =	ssettag $0x0;
	lr =	simm.s32 $0x1  }
0x2: {  	[smem:$0x3F86] =	sst lr;
	_ =	strace $0xD0000000  }
0x3: {  	_ = 	snop  }
0x4: {  	_ = 	snop  }
0x5: {  	_ = 	snop  }
0x6: {  	_ = 	snop  }
0x7: {  	_ = 	snop  }
__scs_overlays_trampoline_lowered:
0x8: {  	[smem:$0x3F95] =	sst s0  }
0x9: {  	[smem:$0x3F96] =	sst s1  }
0xa: {  	[smem:$0x3F97] =	sst s2  }
0xb: {  	[smem:$0x3F98] =	sst s3  }
0xc: {  	[smem:$0x3F99] =	sst s4  }
0xd: {  	[smem:$0x3F9A] =	sst s5  }
0xe: {  	[smem:$0x3F9B] =	sst s6  }
0xf: {  	[smem:$0x3F9C] =	sst s7  }
0x10: {  	[smem:$0x3F9D] =	sst s8  }
0x11: {  	[smem:$0x3F9E] =	sst s9;
	s0 =	simm.s32 @!p0 $0x0  }
0x12: {  	s1 =	sld [smem:$0x3F84];
	s0 =	simm.s32 @p0 $0x1  }
0x13: {  	[smem:$0x3F9F] =	sst s0;
	s0 =	simm.s32 @!p1 $0x0  }
0x14: {  	s2 =	sld [smem:$0x3F83];
	s0 =	simm.s32 @p1 $0x1  }
0x15: {  	[smem:$0x3FA0] =	sst s0;
	s0 =	simm.s32 @!p2 $0x0  }
0x16: {  	s3 =	sld [smem:$0x3FDB];
	s0 =	simm.s32 @p2 $0x1  }
0x17: {  	s4 =	simm.s32 $0x1BF5;
	[smem:$0x3FA2] =	sst s0  }
0x18: {  	s0 =	sld [smem:$0x3F85];
	_ =	swait.ge [sflag:s4], $0x0  }
0x19: {  	s7 =	sld [smem:$0x3F86]  }
0x1a: {  	s8 =	sadd.s32 $0xFFFFE003, lr  }
0x1b: {  	s9 =	sadd.s32 $0xFFFFFEF7, lr;
	s5 =	simm.s32 $0xFFFFFFFF;
	p2 =	slt.u32 s8, $0xFFFFF086  }
0x1c: {  	p1 =	slt.u32 s9, $0xF7A;
	s5 =	simm.s32 @!p2 $0x0  }
0x1d: {  	s5 =	simm.s32 @p1 $0x1;
	p0 =	seq.s32 s7, s2  }
0x1e: {  	s7 =	smul.u32 @!p0 $0xF7A, s2;
	p2 =	seq.s32 @!p0 s5, $0x0  }
0x1f: {  	s9 =	smul.u32 $0xF7A, s1;
	s8 =	simm.s32 @!p0 $0x1BF5;
	p2 =	por !p2, p0  }
0x20: {  	[sflag:s8] =	ssyncset.s32 @!p0 $0xFFFFF086;
	s6 =	sadd.s32 @!p0 s3, s7;
	s7 =	simm.s32 @!p0 $0x108  }
0x21: {  	s3 =	sadd.s32 s3, s9;
	s6 =	sadd.s32 @!p0 $0x88, s6;
	s7 =	simm.s32 @p2 $0x1082  }
0x22: {  	[simem:s7], [sflag:s8] =	dma.local @!p0 [hbm:s6], $0xF7A  }
0x23: {  	s9 =	sor.u32 $0xD0000000, s2;
	s6 =	simm.s32 $0x108;
	_ =	swait.ge @!p0 [sflag:s8], $0x0  }
0x24: {  	s3 =	sadd.s32 $0x88, s3;
	s6 =	simm.s32 @!p1 $0x1082;
	[sflag:s4] =	ssyncset.s32 $0xFFFFF086  }
0x25: {  	[simem:s6], [sflag:s4] =	dma.local [hbm:s3], $0xF7A  }
0x26: {  	[smem:$0x3F86] =	sst s1;
	(tag) =	ssettag s2;
	_ =	strace s9  }
0x27: {  	s1 =	sld [smem:$0x3F96]  }
0x28: {  	s2 =	sld [smem:$0x3F97]  }
0x29: {  	s4 =	sld [smem:$0x3F99]  }
0x2a: {  	p0 =	seq.s32 s5, $0x0;
	s5 =	sld [smem:$0x3F9A]  }
0x2b: {  	s6 =	sld [smem:$0x3F9B]  }
0x2c: {  	s7 =	sld [smem:$0x3F9C]  }
0x2d: {  	s3 =	simm.s32 $0x108;
	s8 =	sld [smem:$0x3F9D]  }
0x2e: {  	s3 =	simm.s32 @!p0 $0x1082;
	s9 =	sld [smem:$0x3F9E]  }
0x2f: {  	lr =	sadd.s32 s0, s3;
	s0 =	sld [smem:$0x3F95]  }
0x30: {  	s3 =	sld [smem:$0x3F98]  }
0x31: {  	[smem:$0x3FA1] =	sst s10  }
0x32: {  	s10 =	sld [smem:$0x3F9F];
	_ =	sdelay $0x3  }
0x33: {  	p0 =	seq.s32 s10, $0x1;
	s10 =	sld [smem:$0x3FA1];
	_ =	sdelay $0x3  }
0x34: {  	[smem:$0x3FA1] =	sst s10  }
0x35: {  	s10 =	sld [smem:$0x3FA0];
	_ =	sdelay $0x3  }
0x36: {  	p1 =	seq.s32 s10, $0x1;
	s10 =	sld [smem:$0x3FA1];
	_ =	sdelay $0x3  }
0x37: {  	[smem:$0x3FA1] =	sst s10  }
0x38: {  	s10 =	sld [smem:$0x3FA2]  }
0x39: {  	_ = 	snop;
	(pc) =	sbr.ind lr, $3  }
0x3a: {  	_ = 	snop  }
0x3b: {  	_ = 	snop  }
0x3c: {  	p2 =	seq.s32 s10, $0x1;
	s10 =	sld [smem:$0x3FA1]  }
0x3d: {  	_ =	shalt  }
0x3e: {  	_ =	shalt  }
0x3f: {  	_ =	shalt  }
0x40: {  	_ =	shalt  }
0x41: {  	_ =	shalt  }
0x42: {  	_ =	shalt  }
0x43: {  	_ =	shalt  }
0x44: {  	_ =	shalt  }
0x45: {  	_ =	shalt  }
0x46: {  	_ =	shalt  }
0x47: {  	_ =	shalt  }
0x48: {  	_ =	shalt  }
0x49: {  	_ =	shalt  }
0x4a: {  	_ =	shalt  }
0x4b: {  	_ =	shalt  }
0x4c: {  	_ =	shalt  }
0x4d: {  	_ =	shalt  }
0x4e: {  	_ =	shalt  }
0x4f: {  	_ =	shalt  }
0x50: {  	_ =	shalt  }
0x51: {  	_ =	shalt  }
0x52: {  	_ =	shalt  }
0x53: {  	_ =	shalt  }
0x54: {  	_ =	shalt  }
0x55: {  	_ =	shalt  }
0x56: {  	_ =	shalt  }
0x57: {  	_ =	shalt  }
0x58: {  	_ =	shalt  }
0x59: {  	_ =	shalt  }
0x5a: {  	_ =	shalt  }
0x5b: {  	_ =	shalt  }
0x5c: {  	_ =	shalt  }
0x5d: {  	_ =	shalt  }
0x5e: {  	_ =	shalt  }
0x5f: {  	_ =	shalt  }
0x60: {  	_ =	shalt  }
0x61: {  	_ =	shalt  }
0x62: {  	_ =	shalt  }
0x63: {  	_ =	shalt  }
0x64: {  	_ =	shalt  }
0x65: {  	_ =	shalt  }
0x66: {  	_ =	shalt  }
0x67: {  	_ =	shalt  }
0x68: {  	_ =	shalt  }
0x69: {  	_ =	shalt  }
0x6a: {  	_ =	shalt  }
0x6b: {  	_ =	shalt  }
0x6c: {  	_ =	shalt  }
0x6d: {  	_ =	shalt  }
0x6e: {  	_ =	shalt  }
0x6f: {  	_ =	shalt  }
0x70: {  	_ =	shalt  }
0x71: {  	_ =	shalt  }
0x72: {  	_ =	shalt  }
0x73: {  	_ =	shalt  }
0x74: {  	_ =	shalt  }
0x75: {  	_ =	shalt  }
0x76: {  	_ =	shalt  }
0x77: {  	_ =	shalt  }
0x78: {  	_ =	shalt  }
0x79: {  	_ =	shalt  }
0x7a: {  	_ =	shalt  }
0x7b: {  	_ =	shalt  }
0x7c: {  	_ =	shalt  }
0x7d: {  	_ =	shalt  }
0x7e: {  	_ =	shalt  }
0x7f: {  	_ =	shalt  }
0x80: {  	_ =	shalt  }
0x81: {  	_ =	shalt  }
0x82: {  	_ =	shalt  }
0x83: {  	_ =	shalt  }
0x84: {  	_ =	shalt  }
0x85: {  	_ =	shalt  }
0x86: {  	_ =	shalt  }
0x87: {  	_ =	shalt  }
.Lfunc_end0:
.L_simem_size_0:
called_computation.2_lowered:
.L_overlay_start_0:
0x88: {  	s2 =	sld [smem:$0x3FD9]  }
0x89: {  	s3 =	sld [smem:$0x3FFE];
	_ =	sdelay $0x1  }
0x8a: {  	s1 =	srdreg.scid  }
0x8b: {  	s0 =	sand.u32 $0x1, s1  }
0x8c: {  	s16 =	sshll.u32 s0, $0xA;
	s2 =	sadd.s32 s3, s2  }
0x8d: {  	s2 =	sadd.s32 s2, s16  }
0x8e: {  	[smem:$0x3FAD] =	sst s2  }
0x8f: {  	_ = 	snop  }
0x90: {  	(tm) =	ssettm $0x1  }
0x91: {  	s17 =	sld [smem:$0x3FFB];
	_ =	sdelay $0x3  }
0x92: {  	_ =	strace s17  }
0x93: {  	s2 =	sld [smem:$0x3FFC];
	_ =	sdelay $0x3  }
0x94: {  	_ =	strace s2  }
0x95: {  	s2 =	sld [smem:$0x3FFD];
	_ =	sdelay $0x3  }
0x96: {  	_ =	strace s2  }
0x97: {  	_ =	strace $0x8FFFFFFF  }
0x98: {  	s18 =	sld [smem:$0x3FDB];
	_ =	sdelay $0x1  }
0x99: {  	s19 =	simm.s32 $_scs_section_size  }
0x9a: {  	s4 =	simm.s32 $_size__tile_overlayer_lowered;
	s5 =	simm.s32 $_tile_overlayer_lowered  }
0x9b: {  	s22 =	simm.s32 $0x1BFF;
	s21 =	sshll.u32 s5, $0x1;
	s2 =	sadd.s32 s19, s18  }
0x9c: {  	s6 =	simm.s32 $0x0;
	s20 =	sshll.u32 s4, $0x1;
	s4 =	sadd.s32 s21, s2  }
0x9d: {  	[timem:s6], [sflag:s22] =	dma.local [hbm:s4], s20  }
0x9e: {  	_ =	swait.ge [sflag:s22], s20  }
0x9f: {  	s3 =	ssub.s32 $0x0, s20;
	[sflag:s22] =	ssyncset.done $0x0  }
0xa0: {  	[sflag:s22] =	ssyncadd.s32 s3;
	_ =	sdelay $0x1  }
0xa1: {  	s23 =	simm.s32 $0x1B8B  }
0xa2: {  	_ =	swait.ge [sflag:s23], $0x1  }
0xa3: {  	[sflag:s23] =	ssyncset.done $0x0  }
0xa4: {  	s25 =	simm.s32 $0x1B8E;
	s24 =	sld [smem:$0x3FFE];
	[sflag:s23] =	ssyncadd.s32 $0xFFFFFFFF  }
0xa5: {  	s26 =	simm.s32 $execute0_lowered;
	[smem:$0x3FD2] =	sst s25  }
0xa6: {  	s4 =	sshll.u32 s26, $0x1;
	_ =	strace $0x8000004C;
	[dreg:$0x1] =	wrdreg $0xFFFFFFFF  }
0xa7: {  	s28 =	simm.s32 $_size_execute0_lowered;
	s2 =	sadd.s32 s2, s4;
	[dreg:$0x0] =	wrdreg $0x0  }
0xa8: {  	s4 =	sshll.u32 s28, $0x1;
	[dreg:$0x2] =	wrdreg s2  }
0xa9: {  	[dreg:$0x3] =	wrdreg s4  }
0xaa: {  	[dreg:$0x4] =	wrdreg $0xC0  }
0xab: {  	_ =	task [dreg:s6], $0x5FFFF  }
0xac: {  	[dreg:$0x1] =	wrdreg $0xFFFFFFFF  }
0xad: {  	[dreg:$0x0] =	wrdreg $0x60  }
0xae: {  	[dreg:$0x2] =	wrdreg s24  }
0xaf: {  	[dreg:$0x3] =	wrdreg $0xBE200  }
0xb0: {  	[dreg:$0x4] =	wrdreg $0x9  }
0xb1: {  	_ =	task.clear_ibuf [dreg:s6], $0x5FFFF;
	_ =	strace $0x9000004C  }
0xb2: {  	s29 =	simm.s32 $0x9;
	_ =	strace $0x8000004E  }
0xb3: {  	_ =	swait.ge [sflag:s29], $0x1  }
0xb4: {  	[sflag:s29] =	ssyncadd.s32 $0xFFFFFFFF  }
0xb5: {  	_ =	strace $0x9000004E  }
0xb6: {  	_ =	sfence  }
0xb7: {  	s30 =	sld [smem:$0x0];
	_ =	sdelay $0x2  }
0xb8: {  	s31 =	sshll.u32 s1, $0xD;
	s1 =	sshrl.u32 s1, $0x2  }
0xb9: {  	s3 =	sand.u32 $0x4000, s31;
	s1 =	sadd.s32 s1, s30  }
0xba: {  	s0 =	sor.u32 s3, s0;
	s1 =	sshll.u32 s1, $0x11  }
0xbb: {  	s0 =	sor.u32 s1, s0  }
0xbc: {  	s0 =	sadd.s32 $0x8F2B, s0  }
0xbd: {  	[sflag:s0] =	ssyncadd.remote.s32 $0x1  }
0xbe: {  	_ =	sfence.sel $0xFFFF  }
0xbf: {  	[dreg:$0x0] =	wrdreg $0xFFFFFFFF;
	(pc) =	sbr.abs _section_cstart, $3  }
0xc0: {  	[dreg:$0x1] =	wrdreg $0xFFFFFFFF  }
0xc1: {  	_ =	task.clear_ibuf [dreg:s6], $0x2FFFF;
	_ =	strace $0x9FFFFFFF  }
0xc2: {  	(tm) =	ssettm $0x7FFFFFFF  }
0xc3: {  	_ =	shalt  }
tec
execute0_lowered:
.L_overlay_start_1:
0x0: {  	(tag) =	ssettag $0x1  }
0x1: {  	s0 =	rddreg [dreg:$0x0];
	s9 =	stileid.u32  }
0x2: {  	s1 =	srdreg.scid;
	s4 =	smul.u32 $0x2710, s9  }
0x3: {  	s2 =	rddreg [dreg:$0x1];
	s5 =	simm.s32 $0x0;
	s23 =	smul.u32 $0x4E000, s9  }
0x4: {  	s1 =	sand.u32 $0x1, s1;
	[smem:$0x7FF] =	sst s5;
	s8 =	smul.u32 $0x13800, s9  }
0x5: {  	p0 =	sne.s32 s9, $0xF;
	s9 =	simm.s32 $0x6;
	s3 =	smul.u32 $0x27100, s1  }
0x6: {  	_ =	strace $0x8000004D;
	s6 =	ssub.s32 $0x2, s1;
	s5 =	sshrl.u32 s23, $0x2  }
0x7: {  	s1 =	smul.u32 $0x138800, s1;
	s7 =	sshrl.u32 s6, $0x1;
	s5 =	sadd.s32 s5, s2  }
0x8: {  	s3 =	sadd.s32 s4, s3;
	s4 =	sadd.s32 $0x19C00, s0;
	s25 =	sadd.s32 $0xC00, s5  }
0x9: {  	s6 =	ssub.s32 s6, s7;
	s26 =	sadd.s32 $0x1800, s5;
	[dreg:$0x5] =	wrdreg s25  }
0xa: {  	s7 =	sadd.s32 s8, s2;
	s10 =	sadd.s32 $0x2400, s5;
	[dreg:$0x6] =	wrdreg s26  }
0xb: {  	s19 =	sadd.s32 s8, s1;
	s11 =	sadd.s32 $0x3000, s5;
	[dreg:$0x7] =	wrdreg s10  }
0xc: {  	s1 =	sshrl.u32 s1, $0x3;
	s12 =	sadd.s32 $0x3C00, s5;
	[dreg:$0x8] =	wrdreg s11  }
0xd: {  	s8 =	sadd.s32 $0x138000, s2;
	s13 =	sadd.s32 $0x4800, s5;
	[dreg:$0x9] =	wrdreg s12  }
0xe: {  	s3 =	sshrl.u32 s3, $0x3;
	s14 =	sadd.s32 $0x5400, s5;
	[dreg:$0xa] =	wrdreg s13  }
0xf: {  	s15 =	sadd.s32 $0x6000, s5;
	s16 =	sadd.s32 $0x6C00, s5;
	[dreg:$0xb] =	wrdreg s14  }
0x10: {  	s17 =	sadd.s32 $0x7800, s5;
	s18 =	sadd.s32 $0x8400, s5;
	[dreg:$0xc] =	wrdreg s15  }
0x11: {  	s20 =	sadd.s32 $0x9000, s5;
	s21 =	sadd.s32 $0x9C00, s5;
	[dreg:$0xd] =	wrdreg s16  }
0x12: {  	s23 =	sadd.s32 $0xA800, s5;
	s28 =	sadd.s32 $0xE400, s5;
	[dreg:$0xe] =	wrdreg s17  }
0x13: {  	s29 =	sadd.s32 $0xF000, s5;
	s30 =	sadd.s32 $0xFC00, s5;
	[dreg:$0xf] =	wrdreg s18  }
0x14: {  	s31 =	sadd.s32 $0x10800, s5;
	s6 =	smax.u32 s6, $0x1;
	[dreg:$0x10] =	wrdreg s20  }
0x15: {  	s3 =	sadd.s32 s3, s0;
	s0 =	sadd.s32 $0x40E00, s0;
	[dreg:$0x11] =	wrdreg s21  }
0x16: {  	[dreg:$0x13] =	wrdreg s23;
	s25 =	sadd.s32 $0xC000, s5;
	s26 =	sadd.s32 $0xCC00, s5  }
0x17: {  	s10 =	simm.s32 $0xB220;
	s11 =	simm.s32 $0x28;
	s12 =	simm.s32 $0x4E20  }
0x18: {  	s13 =	simm.s32 $0x6220;
	s14 =	simm.s32 $0x7620;
	s15 =	simm.s32 $0x8A20  }
0x19: {  	s16 =	simm.s32 $0x9E20;
	s17 =	simm.s32 $0x1;
	s18 =	simm.s32 $0x2  }
0x1a: {  	s20 =	simm.s32 $0x4;
	s21 =	simm.s32 $0x5;
	[dreg:$0x15] =	wrdreg s25  }
0x1b: {  	s24 =	sadd.s32 $0xFE00, s3;
	s3 =	sadd.s32 $0x6000, s3;
	[dreg:$0x16] =	wrdreg s26  }
0x1c: {  	s22 =	sadd.s32 s0, s1;
	s26 =	sadd.s32 $0xD800, s5;
	[dreg:$0x3] =	wrdreg s24  }
0x1d: {  	[dreg:$0x4] =	wrdreg s3;
	s3 =	sshrl.u32 s19, $0x3;
	s24 =	sadd.s32 $0xB400, s5  }
0x1e: {  	s1 =	sadd.s32 $0x12000, s5;
	s3 =	sadd.s32 s0, s3;
	[dreg:$0x14] =	wrdreg s24  }
0x1f: {  	s19 =	simm.s32 $0x3;
	s0 =	sadd.s32 $0x11400, s5;
	[dreg:$0x12] =	wrdreg s3  }
0x20: {  	v0 =	vimm.f32 $0.0e+00;
	s3 =	sadd.s32 $0x12C00, s5;
	s5 =	sadd.s32 $0x27000, s22;
	s22 =	simm.s32 $0x0  }
.LBB2_1:
0x21: {  	s23 =	simm.s32 $0x0;
	s24 =	rddreg [dreg:$0x3]  }
0x22: {  	[tilespmem:s23], [sflag:$0x6] =	stream.linear.gather [hbm4b:s24+s23], $0x2710, $0x38;
	[tilespmem:$0x1F6A0] =	vst v63  }
0x23: {  	_ =	swait.ge [sflag:s9], $0x2710  }
0x24: {  	[sflag:s9] =	ssyncset.done $0x0  }
0x25: {  	s25 =	simm.s32 $0x2710;
	s24 =	rddreg [dreg:$0x4];
	[sflag:s9] =	ssyncadd.s32 $0xFFFFD8F0  }
0x26: {  	[tilespmem:s25], [sflag:$0x6] =	stream.linear.gather [hbm4b:s24+s23], $0x2710, $0x38;
	[tilespmem:$0x1F6A0] =	vst v63  }
0x27: {  	_ =	swait.ge [sflag:s9], $0x2710  }
0x28: {  	[sflag:s9] =	ssyncset.done $0x0  }
0x29: {  	s23 =	simm.s32 $0x0;
	s24 =	simm.s32 $0x200;
	[sflag:s9] =	ssyncadd.s32 $0xFFFFD8F0  }
.LBB2_2:
0x2a: {  	p1 =	sne.s32 s24, $0x2E00;
	[tilespmem:s23+$0xB290] =	vst v0  }
0x2b: {  	[tilespmem:s23+$0xB220] =	vst v0  }
0x2c: {  	[tilespmem:s23+$0xB230] =	vst v0  }
.Ltmp0:
0x2d: {  	[tilespmem:s23+$0xB240] =	vst v0;
	(pc) =	sbr.rel @p1 .LBB2_2-.Ltmp0, $4  }
0x2e: {  	[tilespmem:s23+$0xB250] =	vst v0  }
0x2f: {  	[tilespmem:s23+$0xB260] =	vst v0  }
0x30: {  	[tilespmem:s23+$0xB270] =	vst v0  }
0x31: {  	[tilespmem:s23+$0xB280] =	vst v0;
	s23 =	sshra.s32 s24, $0x2;
	s24 =	sadd.s32 $0x200, s24  }
0x32: {  	[tilespmem:s23+$0xB290] =	vst v0  }
0x33: {  	[tilespmem:s23+$0xB220] =	vst v0  }
0x34: {  	[tilespmem:s23+$0xB230] =	vst v0  }
0x35: {  	[tilespmem:s23+$0xB240] =	vst v0  }
0x36: {  	[tilespmem:s23+$0xB250] =	vst v0  }
0x37: {  	[tilespmem:s23+$0xB260] =	vst v0  }
0x38: {  	[tilespmem:s23+$0xB270] =	vst v0  }
0x39: {  	[tilespmem:s23+$0xB280] =	vst v0  }
0x3a: {  	[spmem:s7] =	stream.linear.scatter [tilespmem:s10], [sflag:$0x6], $0xC00, $0x38;
	[tilespmem:$0x1F6A0] =	vst v63  }
0x3b: {  	_ =	swait.ge [sflag:s9], $0xC00  }
0x3c: {  	[sflag:s9] =	ssyncset.done $0x0  }
0x3d: {  	s24 =	rddreg [dreg:$0x5];
	[sflag:s9] =	ssyncadd.s32 $0xFFFFF400  }
0x3e: {  	[spmem:s24] =	stream.linear.scatter [tilespmem:s10], [sflag:$0x6], $0xC00, $0x38;
	[tilespmem:$0x1F6A0] =	vst v63  }
0x3f: {  	_ =	swait.ge [sflag:s9], $0xC00  }
0x40: {  	[sflag:s9] =	ssyncset.done $0x0  }
0x41: {  	s25 =	rddreg [dreg:$0x6];
	[sflag:s9] =	ssyncadd.s32 $0xFFFFF400  }
0x42: {  	[spmem:s25] =	stream.linear.scatter [tilespmem:s10], [sflag:$0x6], $0xC00, $0x38;
	[tilespmem:$0x1F6A0] =	vst v63  }
0x43: {  	_ =	swait.ge [sflag:s9], $0xC00  }
0x44: {  	[sflag:s9] =	ssyncset.done $0x0  }
0x45: {  	s24 =	rddreg [dreg:$0x7];
	[sflag:s9] =	ssyncadd.s32 $0xFFFFF400  }
0x46: {  	[spmem:s24] =	stream.linear.scatter [tilespmem:s10], [sflag:$0x6], $0xC00, $0x38;
	[tilespmem:$0x1F6A0] =	vst v63  }
0x47: {  	_ =	swait.ge [sflag:s9], $0xC00  }
0x48: {  	[sflag:s9] =	ssyncset.done $0x0  }
0x49: {  	s25 =	rddreg [dreg:$0x8];
	[sflag:s9] =	ssyncadd.s32 $0xFFFFF400  }
0x4a: {  	[spmem:s25] =	stream.linear.scatter [tilespmem:s10], [sflag:$0x6], $0xC00, $0x38;
	[tilespmem:$0x1F6A0] =	vst v63  }
0x4b: {  	_ =	swait.ge [sflag:s9], $0xC00  }
0x4c: {  	[sflag:s9] =	ssyncset.done $0x0  }
0x4d: {  	s24 =	rddreg [dreg:$0x9];
	[sflag:s9] =	ssyncadd.s32 $0xFFFFF400  }
0x4e: {  	[spmem:s24] =	stream.linear.scatter [tilespmem:s10], [sflag:$0x6], $0xC00, $0x38;
	[tilespmem:$0x1F6A0] =	vst v63  }
0x4f: {  	_ =	swait.ge [sflag:s9], $0xC00  }
0x50: {  	[sflag:s9] =	ssyncset.done $0x0  }
0x51: {  	s25 =	rddreg [dreg:$0xa];
	[sflag:s9] =	ssyncadd.s32 $0xFFFFF400  }
0x52: {  	[spmem:s25] =	stream.linear.scatter [tilespmem:s10], [sflag:$0x6], $0xC00, $0x38;
	[tilespmem:$0x1F6A0] =	vst v63  }
0x53: {  	_ =	swait.ge [sflag:s9], $0xC00  }
0x54: {  	[sflag:s9] =	ssyncset.done $0x0  }
0x55: {  	s24 =	rddreg [dreg:$0xb];
	[sflag:s9] =	ssyncadd.s32 $0xFFFFF400  }
0x56: {  	[spmem:s24] =	stream.linear.scatter [tilespmem:s10], [sflag:$0x6], $0xC00, $0x38;
	[tilespmem:$0x1F6A0] =	vst v63  }
0x57: {  	_ =	swait.ge [sflag:s9], $0xC00  }
0x58: {  	[sflag:s9] =	ssyncset.done $0x0  }
0x59: {  	s25 =	rddreg [dreg:$0xc];
	[sflag:s9] =	ssyncadd.s32 $0xFFFFF400  }
0x5a: {  	[spmem:s25] =	stream.linear.scatter [tilespmem:s10], [sflag:$0x6], $0xC00, $0x38;
	[tilespmem:$0x1F6A0] =	vst v63  }
0x5b: {  	_ =	swait.ge [sflag:s9], $0xC00  }
0x5c: {  	[sflag:s9] =	ssyncset.done $0x0  }
0x5d: {  	s24 =	rddreg [dreg:$0xd];
	[sflag:s9] =	ssyncadd.s32 $0xFFFFF400  }
0x5e: {  	[spmem:s24] =	stream.linear.scatter [tilespmem:s10], [sflag:$0x6], $0xC00, $0x38;
	[tilespmem:$0x1F6A0] =	vst v63  }
0x5f: {  	_ =	swait.ge [sflag:s9], $0xC00  }
0x60: {  	[sflag:s9] =	ssyncset.done $0x0  }
0x61: {  	s25 =	rddreg [dreg:$0xe];
	[sflag:s9] =	ssyncadd.s32 $0xFFFFF400  }
0x62: {  	[spmem:s25] =	stream.linear.scatter [tilespmem:s10], [sflag:$0x6], $0xC00, $0x38;
	[tilespmem:$0x1F6A0] =	vst v63  }
0x63: {  	_ =	swait.ge [sflag:s9], $0xC00  }
0x64: {  	[sflag:s9] =	ssyncset.done $0x0  }
0x65: {  	s24 =	rddreg [dreg:$0xf];
	[sflag:s9] =	ssyncadd.s32 $0xFFFFF400  }
0x66: {  	[spmem:s24] =	stream.linear.scatter [tilespmem:s10], [sflag:$0x6], $0xC00, $0x38;
	[tilespmem:$0x1F6A0] =	vst v63  }
0x67: {  	_ =	swait.ge [sflag:s9], $0xC00  }
0x68: {  	[sflag:s9] =	ssyncset.done $0x0  }
0x69: {  	s25 =	rddreg [dreg:$0x10];
	[sflag:s9] =	ssyncadd.s32 $0xFFFFF400  }
0x6a: {  	[spmem:s25] =	stream.linear.scatter [tilespmem:s10], [sflag:$0x6], $0xC00, $0x38;
	[tilespmem:$0x1F6A0] =	vst v63  }
0x6b: {  	_ =	swait.ge [sflag:s9], $0xC00  }
0x6c: {  	[sflag:s9] =	ssyncset.done $0x0  }
0x6d: {  	s24 =	rddreg [dreg:$0x11];
	[sflag:s9] =	ssyncadd.s32 $0xFFFFF400  }
0x6e: {  	[spmem:s24] =	stream.linear.scatter [tilespmem:s10], [sflag:$0x6], $0xC00, $0x38;
	[tilespmem:$0x1F6A0] =	vst v63  }
0x6f: {  	_ =	swait.ge [sflag:s9], $0xC00  }
0x70: {  	[sflag:s9] =	ssyncset.done $0x0  }
0x71: {  	s25 =	rddreg [dreg:$0x13];
	[sflag:s9] =	ssyncadd.s32 $0xFFFFF400  }
0x72: {  	[spmem:s25] =	stream.linear.scatter [tilespmem:s10], [sflag:$0x6], $0xC00, $0x38;
	[tilespmem:$0x1F6A0] =	vst v63  }
0x73: {  	_ =	swait.ge [sflag:s9], $0xC00  }
0x74: {  	[sflag:s9] =	ssyncset.done $0x0  }
0x75: {  	s24 =	rddreg [dreg:$0x14];
	[sflag:s9] =	ssyncadd.s32 $0xFFFFF400  }
0x76: {  	[spmem:s24] =	stream.linear.scatter [tilespmem:s10], [sflag:$0x6], $0xC00, $0x38;
	[tilespmem:$0x1F6A0] =	vst v63  }
0x77: {  	_ =	swait.ge [sflag:s9], $0xC00  }
0x78: {  	[sflag:s9] =	ssyncset.done $0x0  }
0x79: {  	s25 =	rddreg [dreg:$0x15];
	[sflag:s9] =	ssyncadd.s32 $0xFFFFF400  }
0x7a: {  	[spmem:s25] =	stream.linear.scatter [tilespmem:s10], [sflag:$0x6], $0xC00, $0x38;
	[tilespmem:$0x1F6A0] =	vst v63  }
0x7b: {  	_ =	swait.ge [sflag:s9], $0xC00  }
0x7c: {  	[sflag:s9] =	ssyncset.done $0x0  }
0x7d: {  	s24 =	rddreg [dreg:$0x16];
	[sflag:s9] =	ssyncadd.s32 $0xFFFFF400  }
0x7e: {  	[spmem:s24] =	stream.linear.scatter [tilespmem:s10], [sflag:$0x6], $0xC00, $0x38;
	[tilespmem:$0x1F6A0] =	vst v63  }
0x7f: {  	_ =	swait.ge [sflag:s9], $0xC00  }
0x80: {  	[sflag:s9] =	ssyncset.done $0x0  }
0x81: {  	[sflag:s9] =	ssyncadd.s32 $0xFFFFF400  }
0x82: {  	[spmem:s26] =	stream.linear.scatter [tilespmem:s10], [sflag:$0x6], $0xC00, $0x38;
	[tilespmem:$0x1F6A0] =	vst v63  }
0x83: {  	_ =	swait.ge [sflag:s9], $0xC00  }
0x84: {  	[sflag:s9] =	ssyncset.done $0x0  }
0x85: {  	[sflag:s9] =	ssyncadd.s32 $0xFFFFF400  }
0x86: {  	[spmem:s28] =	stream.linear.scatter [tilespmem:s10], [sflag:$0x6], $0xC00, $0x38;
	[tilespmem:$0x1F6A0] =	vst v63  }
0x87: {  	_ =	swait.ge [sflag:s9], $0xC00  }
0x88: {  	[sflag:s9] =	ssyncset.done $0x0  }
0x89: {  	[sflag:s9] =	ssyncadd.s32 $0xFFFFF400  }
0x8a: {  	[spmem:s29] =	stream.linear.scatter [tilespmem:s10], [sflag:$0x6], $0xC00, $0x38;
	[tilespmem:$0x1F6A0] =	vst v63  }
0x8b: {  	_ =	swait.ge [sflag:s9], $0xC00  }
0x8c: {  	[sflag:s9] =	ssyncset.done $0x0  }
0x8d: {  	[sflag:s9] =	ssyncadd.s32 $0xFFFFF400  }
0x8e: {  	[spmem:s30] =	stream.linear.scatter [tilespmem:s10], [sflag:$0x6], $0xC00, $0x38;
	[tilespmem:$0x1F6A0] =	vst v63  }
0x8f: {  	_ =	swait.ge [sflag:s9], $0xC00  }
0x90: {  	[sflag:s9] =	ssyncset.done $0x0  }
0x91: {  	[sflag:s9] =	ssyncadd.s32 $0xFFFFF400  }
0x92: {  	[spmem:s31] =	stream.linear.scatter [tilespmem:s10], [sflag:$0x6], $0xC00, $0x38;
	[tilespmem:$0x1F6A0] =	vst v63  }
0x93: {  	_ =	swait.ge [sflag:s9], $0xC00  }
0x94: {  	[sflag:s9] =	ssyncset.done $0x0  }
0x95: {  	[sflag:s9] =	ssyncadd.s32 $0xFFFFF400  }
0x96: {  	[spmem:s0] =	stream.linear.scatter [tilespmem:s10], [sflag:$0x6], $0xC00, $0x38;
	[tilespmem:$0x1F6A0] =	vst v63  }
0x97: {  	_ =	swait.ge [sflag:s9], $0xC00  }
0x98: {  	[sflag:s9] =	ssyncset.done $0x0  }
0x99: {  	[sflag:s9] =	ssyncadd.s32 $0xFFFFF400  }
0x9a: {  	[spmem:s1] =	stream.linear.scatter [tilespmem:s10], [sflag:$0x6], $0xC00, $0x38;
	[tilespmem:$0x1F6A0] =	vst v63  }
0x9b: {  	_ =	swait.ge [sflag:s9], $0xC00  }
0x9c: {  	[sflag:s9] =	ssyncset.done $0x0  }
0x9d: {  	[sflag:s9] =	ssyncadd.s32 $0xFFFFF400  }
0x9e: {  	[spmem:s3] =	stream.linear.scatter [tilespmem:s10], [sflag:$0x6], $0xC00, $0x38;
	[tilespmem:$0x1F6A0] =	vst v63  }
0x9f: {  	_ =	swait.ge [sflag:s9], $0xC00  }
0xa0: {  	[sflag:s9] =	ssyncset.done $0x0  }
0xa1: {  	s23 =	simm.s32 @!p0 $0xB220;
	[sflag:s9] =	ssyncadd.s32 $0xFFFFF400  }
0xa2: {  	[spmem:s8] =	stream.linear.scatter @!p0 [tilespmem:s23], [sflag:$0x6], $0x800, $0x38;
	[tilespmem:$0x1F6A0] =	vst v63  }
0xa3: {  	s23 =	simm.s32 @!p0 $0x6  }
0xa4: {  	_ =	swait.ge @!p0 [sflag:s23], $0x800  }
0xa5: {  	[sflag:s23] =	ssyncset.done @!p0 $0x0  }
0xa6: {  	[sflag:s23] =	ssyncadd.s32 @!p0 $0xFFFFF800  }
0xa7: {  	s25 =	simm.s32 $0x0;
	[bflag:$0x0] =	sbarrier.arrive $0xFFFF  }
0xa8: {  	[tilespmem:s12], [sflag:$0x1] =	stream.indirect.gather [hbm4b:s4+s11], $0x80, s25, s11, $0xb8;
	[tilespmem:$0x1F6A0] =	vst v63  }
0xa9: {  	_ = 	snop  }
0xaa: {  	[tilespmem:s13], [sflag:$0x2] =	stream.indirect.gather [hbm4b:s4+s11], $0x80, s11, s11, $0xb8;
	[tilespmem:$0x1F6A0] =	vst v63  }
0xab: {  	s24 =	simm.s32 $0x50  }
0xac: {  	[tilespmem:s14], [sflag:$0x3] =	stream.indirect.gather [hbm4b:s4+s11], $0x80, s24, s11, $0xb8;
	[tilespmem:$0x1F6A0] =	vst v63  }
0xad: {  	s25 =	simm.s32 $0x78  }
0xae: {  	[tilespmem:s15], [sflag:$0x4] =	stream.indirect.gather [hbm4b:s4+s11], $0x80, s25, s11, $0xb8;
	[tilespmem:$0x1F6A0] =	vst v63  }
0xaf: {  	s24 =	simm.s32 $0xA0  }
0xb0: {  	[tilespmem:s16], [sflag:$0x5] =	stream.indirect.gather [hbm4b:s4+s11], $0x80, s24, s11, $0xb8;
	[tilespmem:$0x1F6A0] =	vst v63  }
0xb1: {  	_ =	swait.ge [sflag:s17], $0x1400  }
0xb2: {  	[sflag:s17] =	ssyncset.done $0x0  }
0xb3: {  	s25 =	simm.s32 $0x2710;
	[sflag:s17] =	ssyncadd.s32 $0xFFFFEC00  }
0xb4: {  	[spmem:s2] =	stream.indirect.scatter.add.f32 [tilespmem:s12], [sflag:$0x6], $0x80, s25, s11, $0xb8;
	[tilespmem:$0x1F6A0] =	vst v63  }
0xb5: {  	_ =	swait.ge [sflag:s9], $0x1400  }
0xb6: {  	[sflag:s9] =	ssyncset.done $0x0  }
0xb7: {  	s24 =	simm.s32 $0xC8;
	[sflag:s9] =	ssyncadd.s32 $0xFFFFEC00  }
0xb8: {  	[tilespmem:s12], [sflag:$0x1] =	stream.indirect.gather [hbm4b:s4+s11], $0x80, s24, s11, $0xb8;
	[tilespmem:$0x1F6A0] =	vst v63  }
0xb9: {  	_ =	swait.ge [sflag:s18], $0x1400  }
0xba: {  	[sflag:s18] =	ssyncset.done $0x0  }
0xbb: {  	s25 =	simm.s32 $0x2738;
	[sflag:s18] =	ssyncadd.s32 $0xFFFFEC00  }
0xbc: {  	[spmem:s2] =	stream.indirect.scatter.add.f32 [tilespmem:s13], [sflag:$0x6], $0x80, s25, s11, $0xb8;
	[tilespmem:$0x1F6A0] =	vst v63  }
0xbd: {  	_ =	swait.ge [sflag:s9], $0x1400  }
0xbe: {  	[sflag:s9] =	ssyncset.done $0x0  }
0xbf: {  	s24 =	simm.s32 $0xF0;
	[sflag:s9] =	ssyncadd.s32 $0xFFFFEC00  }
0xc0: {  	[tilespmem:s13], [sflag:$0x2] =	stream.indirect.gather [hbm4b:s4+s11], $0x80, s24, s11, $0xb8;
	[tilespmem:$0x1F6A0] =	vst v63  }
0xc1: {  	_ =	swait.ge [sflag:s19], $0x1400  }
0xc2: {  	[sflag:s19] =	ssyncset.done $0x0  }
0xc3: {  	s25 =	simm.s32 $0x2760;
	[sflag:s19] =	ssyncadd.s32 $0xFFFFEC00  }
0xc4: {  	[spmem:s2] =	stream.indirect.scatter.add.f32 [tilespmem:s14], [sflag:$0x6], $0x80, s25, s11, $0xb8;
	[tilespmem:$0x1F6A0] =	vst v63  }
0xc5: {  	_ =	swait.ge [sflag:s9], $0x1400  }
0xc6: {  	[sflag:s9] =	ssyncset.done $0x0  }
0xc7: {  	s24 =	simm.s32 $0x118;
	[sflag:s9] =	ssyncadd.s32 $0xFFFFEC00  }
0xc8: {  	[tilespmem:s14], [sflag:$0x3] =	stream.indirect.gather [hbm4b:s4+s11], $0x80, s24, s11, $0xb8;
	[tilespmem:$0x1F6A0] =	vst v63  }
0xc9: {  	_ =	swait.ge [sflag:s20], $0x1400  }
0xca: {  	[sflag:s20] =	ssyncset.done $0x0  }
0xcb: {  	s25 =	simm.s32 $0x2788;
	[sflag:s20] =	ssyncadd.s32 $0xFFFFEC00  }
0xcc: {  	[spmem:s2] =	stream.indirect.scatter.add.f32 [tilespmem:s15], [sflag:$0x6], $0x80, s25, s11, $0xb8;
	[tilespmem:$0x1F6A0] =	vst v63  }
0xcd: {  	_ =	swait.ge [sflag:s9], $0x1400  }
0xce: {  	[sflag:s9] =	ssyncset.done $0x0  }
0xcf: {  	s24 =	simm.s32 $0x140;
	[sflag:s9] =	ssyncadd.s32 $0xFFFFEC00  }
0xd0: {  	[tilespmem:s15], [sflag:$0x4] =	stream.indirect.gather [hbm4b:s4+s11], $0x80, s24, s11, $0xb8;
	[tilespmem:$0x1F6A0] =	vst v63  }
0xd1: {  	_ =	swait.ge [sflag:s21], $0x1400  }
0xd2: {  	[sflag:s21] =	ssyncset.done $0x0  }
0xd3: {  	s25 =	simm.s32 $0x27B0;
	[sflag:s21] =	ssyncadd.s32 $0xFFFFEC00  }
0xd4: {  	[spmem:s2] =	stream.indirect.scatter.add.f32 [tilespmem:s16], [sflag:$0x6], $0x80, s25, s11, $0xb8;
	[tilespmem:$0x1F6A0] =	vst v63  }
0xd5: {  	_ =	swait.ge [sflag:s9], $0x1400  }
0xd6: {  	[sflag:s9] =	ssyncset.done $0x0  }
0xd7: {  	s23 =	simm.s32 $0x320;
	s24 =	simm.s32 $0x168;
	[sflag:s9] =	ssyncadd.s32 $0xFFFFEC00  }
.LBB2_4:
0xd8: {  	[tilespmem:s16], [sflag:$0x5] =	stream.indirect.gather [hbm4b:s4+s11], $0x80, s24, s11, $0xb8;
	[tilespmem:$0x1F6A0] =	vst v63  }
0xd9: {  	s24 =	smov.u32 s23  }
0xda: {  	p1 =	sne.s32 s23, $0x9600;
	s23 =	sadd.s32 $0x320, s23;
	_ =	swait.ge [sflag:s17], $0x1400  }
0xdb: {  	s24 =	sshra.s32 s24, $0x2;
	[sflag:s17] =	ssyncset.done $0x0  }
0xdc: {  	s25 =	sadd.s32 $0x2710, s24;
	[sflag:s17] =	ssyncadd.s32 $0xFFFFEC00  }
0xdd: {  	[spmem:s2] =	stream.indirect.scatter.add.f32 [tilespmem:s12], [sflag:$0x6], $0x80, s25, s11, $0xb8;
	[tilespmem:$0x1F6A0] =	vst v63  }
0xde: {  	_ =	swait.ge [sflag:s9], $0x1400  }
0xdf: {  	[sflag:s9] =	ssyncset.done $0x0  }
0xe0: {  	s25 =	sadd.s32 $0xC8, s24;
	[sflag:s9] =	ssyncadd.s32 $0xFFFFEC00  }
0xe1: {  	[tilespmem:s12], [sflag:$0x1] =	stream.indirect.gather [hbm4b:s4+s11], $0x80, s25, s11, $0xb8;
	[tilespmem:$0x1F6A0] =	vst v63  }
0xe2: {  	_ =	swait.ge [sflag:s18], $0x1400  }
0xe3: {  	[sflag:s18] =	ssyncset.done $0x0  }
0xe4: {  	s25 =	sadd.s32 $0x2738, s24;
	[sflag:s18] =	ssyncadd.s32 $0xFFFFEC00  }
0xe5: {  	[spmem:s2] =	stream.indirect.scatter.add.f32 [tilespmem:s13], [sflag:$0x6], $0x80, s25, s11, $0xb8;
	[tilespmem:$0x1F6A0] =	vst v63  }
0xe6: {  	_ =	swait.ge [sflag:s9], $0x1400  }
0xe7: {  	[sflag:s9] =	ssyncset.done $0x0  }
0xe8: {  	s25 =	sadd.s32 $0xF0, s24;
	[sflag:s9] =	ssyncadd.s32 $0xFFFFEC00  }
0xe9: {  	[tilespmem:s13], [sflag:$0x2] =	stream.indirect.gather [hbm4b:s4+s11], $0x80, s25, s11, $0xb8;
	[tilespmem:$0x1F6A0] =	vst v63  }
0xea: {  	_ =	swait.ge [sflag:s19], $0x1400  }
0xeb: {  	[sflag:s19] =	ssyncset.done $0x0  }
0xec: {  	s25 =	sadd.s32 $0x2760, s24;
	[sflag:s19] =	ssyncadd.s32 $0xFFFFEC00  }
0xed: {  	[spmem:s2] =	stream.indirect.scatter.add.f32 [tilespmem:s14], [sflag:$0x6], $0x80, s25, s11, $0xb8;
	[tilespmem:$0x1F6A0] =	vst v63  }
0xee: {  	_ =	swait.ge [sflag:s9], $0x1400  }
0xef: {  	[sflag:s9] =	ssyncset.done $0x0  }
0xf0: {  	s25 =	sadd.s32 $0x118, s24;
	[sflag:s9] =	ssyncadd.s32 $0xFFFFEC00  }
0xf1: {  	[tilespmem:s14], [sflag:$0x3] =	stream.indirect.gather [hbm4b:s4+s11], $0x80, s25, s11, $0xb8;
	[tilespmem:$0x1F6A0] =	vst v63  }
0xf2: {  	_ =	swait.ge [sflag:s20], $0x1400  }
0xf3: {  	[sflag:s20] =	ssyncset.done $0x0  }
0xf4: {  	s25 =	sadd.s32 $0x2788, s24;
	[sflag:s20] =	ssyncadd.s32 $0xFFFFEC00  }
0xf5: {  	[spmem:s2] =	stream.indirect.scatter.add.f32 [tilespmem:s15], [sflag:$0x6], $0x80, s25, s11, $0xb8;
	[tilespmem:$0x1F6A0] =	vst v63  }
0xf6: {  	_ =	swait.ge [sflag:s9], $0x1400  }
0xf7: {  	[sflag:s9] =	ssyncset.done $0x0  }
0xf8: {  	s25 =	sadd.s32 $0x140, s24;
	[sflag:s9] =	ssyncadd.s32 $0xFFFFEC00  }
0xf9: {  	[tilespmem:s15], [sflag:$0x4] =	stream.indirect.gather [hbm4b:s4+s11], $0x80, s25, s11, $0xb8;
	[tilespmem:$0x1F6A0] =	vst v63  }
0xfa: {  	_ =	swait.ge [sflag:s21], $0x1400  }
0xfb: {  	[sflag:s21] =	ssyncset.done $0x0  }
.Ltmp1:
0xfc: {  	s25 =	sadd.s32 $0x27B0, s24;
	[sflag:s21] =	ssyncadd.s32 $0xFFFFEC00;
	(pc) =	sbr.rel @p1 .LBB2_4-.Ltmp1, $4  }
0xfd: {  	[spmem:s2] =	stream.indirect.scatter.add.f32 [tilespmem:s16], [sflag:$0x6], $0x80, s25, s11, $0xb8;
	[tilespmem:$0x1F6A0] =	vst v63  }
0xfe: {  	_ =	swait.ge [sflag:s9], $0x1400  }
0xff: {  	[sflag:s9] =	ssyncset.done $0x0  }
0x100: {  	s24 =	sadd.s32 $0x168, s24;
	[sflag:s9] =	ssyncadd.s32 $0xFFFFEC00  }
0x101: {  	[tilespmem:s16], [sflag:$0x5] =	stream.indirect.gather [hbm4b:s4+s11], $0x80, s24, s11, $0xb8;
	[tilespmem:$0x1F6A0] =	vst v63  }
0x102: {  	_ =	swait.ge [sflag:s17], $0x1400  }
0x103: {  	[sflag:s17] =	ssyncset.done $0x0  }
0x104: {  	s23 =	simm.s32 $0x4D58;
	[sflag:s17] =	ssyncadd.s32 $0xFFFFEC00  }
0x105: {  	[spmem:s2] =	stream.indirect.scatter.add.f32 [tilespmem:s12], [sflag:$0x6], $0x80, s23, s11, $0xb8;
	[tilespmem:$0x1F6A0] =	vst v63  }
0x106: {  	_ =	swait.ge [sflag:s9], $0x1400  }
0x107: {  	[sflag:s9] =	ssyncset.done $0x0  }
0x108: {  	[sflag:s9] =	ssyncadd.s32 $0xFFFFEC00  }
0x109: {  	_ =	swait.ge [sflag:s18], $0x1400  }
0x10a: {  	[sflag:s18] =	ssyncset.done $0x0  }
0x10b: {  	s25 =	simm.s32 $0x4D80;
	[sflag:s18] =	ssyncadd.s32 $0xFFFFEC00  }
0x10c: {  	[spmem:s2] =	stream.indirect.scatter.add.f32 [tilespmem:s13], [sflag:$0x6], $0x80, s25, s11, $0xb8;
	[tilespmem:$0x1F6A0] =	vst v63  }
0x10d: {  	_ =	swait.ge [sflag:s9], $0x1400  }
0x10e: {  	[sflag:s9] =	ssyncset.done $0x0  }
0x10f: {  	[sflag:s9] =	ssyncadd.s32 $0xFFFFEC00  }
0x110: {  	_ =	swait.ge [sflag:s19], $0x1400  }
0x111: {  	[sflag:s19] =	ssyncset.done $0x0  }
0x112: {  	s24 =	simm.s32 $0x4DA8;
	[sflag:s19] =	ssyncadd.s32 $0xFFFFEC00  }
0x113: {  	[spmem:s2] =	stream.indirect.scatter.add.f32 [tilespmem:s14], [sflag:$0x6], $0x80, s24, s11, $0xb8;
	[tilespmem:$0x1F6A0] =	vst v63  }
0x114: {  	_ =	swait.ge [sflag:s9], $0x1400  }
0x115: {  	[sflag:s9] =	ssyncset.done $0x0  }
0x116: {  	[sflag:s9] =	ssyncadd.s32 $0xFFFFEC00  }
0x117: {  	_ =	swait.ge [sflag:s20], $0x1400  }
0x118: {  	[sflag:s20] =	ssyncset.done $0x0  }
0x119: {  	s25 =	simm.s32 $0x4DD0;
	[sflag:s20] =	ssyncadd.s32 $0xFFFFEC00  }
0x11a: {  	[spmem:s2] =	stream.indirect.scatter.add.f32 [tilespmem:s15], [sflag:$0x6], $0x80, s25, s11, $0xb8;
	[tilespmem:$0x1F6A0] =	vst v63  }
0x11b: {  	_ =	swait.ge [sflag:s9], $0x1400  }
0x11c: {  	[sflag:s9] =	ssyncset.done $0x0  }
0x11d: {  	[sflag:s9] =	ssyncadd.s32 $0xFFFFEC00  }
0x11e: {  	_ =	swait.ge [sflag:s21], $0x1400  }
0x11f: {  	[sflag:s21] =	ssyncset.done $0x0  }
0x120: {  	s24 =	simm.s32 $0x4DF8;
	[sflag:s21] =	ssyncadd.s32 $0xFFFFEC00  }
0x121: {  	[spmem:s2] =	stream.indirect.scatter.add.f32 [tilespmem:s16], [sflag:$0x6], $0x80, s24, s11, $0xb8;
	[tilespmem:$0x1F6A0] =	vst v63  }
0x122: {  	_ =	swait.ge [sflag:s9], $0x1400  }
0x123: {  	[sflag:s9] =	ssyncset.done $0x0  }
0x124: {  	s25 =	stileid.u32;
	[sflag:s9] =	ssyncadd.s32 $0xFFFFEC00  }
0x125: {  	s23 =	sshll.u32 s25, $0x6;
	[bflag:$0x0] =	sbarrier.arrive $0xFFFF  }
0x126: {  	s23 =	sor.u32 $0x1C06, s23;
	s24 =	sshrl.u32 s7, $0x3;
	s25 =	rddreg [dreg:$0x12]  }
0x127: {  	[hbm:s25], [sflag:s23] =	dma.local [spmem:s24], $0x2700  }
0x128: {  	_ =	swait.ge [sflag:s9], $0x2700  }
0x129: {  	s22 =	sadd.s32 $0x1, s22;
	[sflag:s9] =	ssyncset.done $0x0  }
0x12a: {  	p1 =	sne.s32 s22, s6;
	s24 =	sshrl.u32 @!p0 s8, $0x3;
	[sflag:s9] =	ssyncadd.s32 $0xFFFFD900  }
0x12b: {  	[hbm:s5], [sflag:s23] =	dma.local @!p0 [spmem:s24], $0x100  }
.Ltmp2:
0x12c: {  	_ = 	snop;
	(pc) =	sbr.rel @p1 .LBB2_1-.Ltmp2, $4  }
0x12d: {  	s23 =	simm.s32 @!p0 $0x6  }
0x12e: {  	_ =	swait.ge @!p0 [sflag:s23], $0x100  }
0x12f: {  	[sflag:s23] =	ssyncset.done @!p0 $0x0  }
0x130: {  	[sflag:s23] =	ssyncadd.s32 @!p0 $0xFFFFFF00  }
0x131: {  	_ =	sfence.sel $0x180000  }
0x132: {  	[bflag:$0x0] =	sbarrier.arrive $0xFFFF  }
0x133: {  	_ =	strace $0x9000004D  }
0x134: {  	s0 =	stileid.u32;
	[bflag:$0x2] =	sbarrier.arrive $0xFFFF  }
0x135: {  	p0 =	sne.s32 s0, $0x0;
	s0 =	rddreg [dreg:$0x2]  }
0x136: {  	s0 =	sadd.s32 @!p0 $0x100000, s0  }
0x137: {  	[sflag:s0] =	ssyncadd.tile.s32 @!p0 $0x1;
	_ =	shalt  }
.Lfunc_end2:
_tile_overlayer_lowered:
.L_overlay_start_2:
0x138: {  	(tag) =	ssettag $0x2  }
0x139: {  	s0 =	rddreg [dreg:$0x0];
	s2 =	stileid.u32  }
0x13a: {  	s1 =	rddreg [dreg:$0x1];
	p0 =	sne.s32 s2, $0x0  }
0x13b: {  	s3 =	rddreg [dreg:$0x2];
	[bflag:$0x3] =	sbarrier.arrive $0xFFFF;
	s2 =	simm.s32 @!p0 $0x1C06  }
0x13c: {  	[timem:s3], [sflag:s2] =	dma.local @!p0 [hbm:s0], s1  }
0x13d: {  	s0 =	simm.s32 @!p0 $0x6  }
0x13e: {  	_ =	swait.ge @!p0 [sflag:s0], s1  }
0x13f: {  	s1 =	ssub.s32 @!p0 $0x0, s1;
	[sflag:s0] =	ssyncset.done @!p0 $0x0  }
0x140: {  	[sflag:s0] =	ssyncadd.s32 @!p0 s1  }
0x141: {  	[bflag:$0x3] =	sbarrier.arrive $0xFFFF  }
0x142: {  	_ =	shalt  }

// kernel: kernel.9.cloned.1.call-start
scs
__scs_entry_jumppad:
0x0: {  	(pc) =	sbr.rel $0x88, $3  }
0x1: {  	(tag) =	ssettag $0x0;
	lr =	simm.s32 $0x1  }
0x2: {  	[smem:$0x3F86] =	sst lr;
	_ =	strace $0xD0000000  }
0x3: {  	_ = 	snop  }
0x4: {  	_ = 	snop  }
0x5: {  	_ = 	snop  }
0x6: {  	_ = 	snop  }
0x7: {  	_ = 	snop  }
__scs_overlays_trampoline_lowered:
0x8: {  	[smem:$0x3F95] =	sst s0  }
0x9: {  	[smem:$0x3F96] =	sst s1  }
0xa: {  	[smem:$0x3F97] =	sst s2  }
0xb: {  	[smem:$0x3F98] =	sst s3  }
0xc: {  	[smem:$0x3F99] =	sst s4  }
0xd: {  	[smem:$0x3F9A] =	sst s5  }
0xe: {  	[smem:$0x3F9B] =	sst s6  }
0xf: {  	[smem:$0x3F9C] =	sst s7  }
0x10: {  	[smem:$0x3F9D] =	sst s8  }
0x11: {  	[smem:$0x3F9E] =	sst s9;
	s0 =	simm.s32 @!p0 $0x0  }
0x12: {  	s1 =	sld [smem:$0x3F84];
	s0 =	simm.s32 @p0 $0x1  }
0x13: {  	[smem:$0x3F9F] =	sst s0;
	s0 =	simm.s32 @!p1 $0x0  }
0x14: {  	s2 =	sld [smem:$0x3F83];
	s0 =	simm.s32 @p1 $0x1  }
0x15: {  	[smem:$0x3FA0] =	sst s0;
	s0 =	simm.s32 @!p2 $0x0  }
0x16: {  	s3 =	sld [smem:$0x3FDB];
	s0 =	simm.s32 @p2 $0x1  }
0x17: {  	s4 =	simm.s32 $0x1BF5;
	[smem:$0x3FA2] =	sst s0  }
0x18: {  	s0 =	sld [smem:$0x3F85];
	_ =	swait.ge [sflag:s4], $0x0  }
0x19: {  	s7 =	sld [smem:$0x3F86]  }
0x1a: {  	s8 =	sadd.s32 $0xFFFFE003, lr  }
0x1b: {  	s9 =	sadd.s32 $0xFFFFFEF7, lr;
	s5 =	simm.s32 $0xFFFFFFFF;
	p2 =	slt.u32 s8, $0xFFFFF086  }
0x1c: {  	p1 =	slt.u32 s9, $0xF7A;
	s5 =	simm.s32 @!p2 $0x0  }
0x1d: {  	s5 =	simm.s32 @p1 $0x1;
	p0 =	seq.s32 s7, s2  }
0x1e: {  	s7 =	smul.u32 @!p0 $0xF7A, s2;
	p2 =	seq.s32 @!p0 s5, $0x0  }
0x1f: {  	s9 =	smul.u32 $0xF7A, s1;
	s8 =	simm.s32 @!p0 $0x1BF5;
	p2 =	por !p2, p0  }
0x20: {  	[sflag:s8] =	ssyncset.s32 @!p0 $0xFFFFF086;
	s6 =	sadd.s32 @!p0 s3, s7;
	s7 =	simm.s32 @!p0 $0x108  }
0x21: {  	s3 =	sadd.s32 s3, s9;
	s6 =	sadd.s32 @!p0 $0x88, s6;
	s7 =	simm.s32 @p2 $0x1082  }
0x22: {  	[simem:s7], [sflag:s8] =	dma.local @!p0 [hbm:s6], $0xF7A  }
0x23: {  	s9 =	sor.u32 $0xD0000000, s2;
	s6 =	simm.s32 $0x108;
	_ =	swait.ge @!p0 [sflag:s8], $0x0  }
0x24: {  	s3 =	sadd.s32 $0x88, s3;
	s6 =	simm.s32 @!p1 $0x1082;
	[sflag:s4] =	ssyncset.s32 $0xFFFFF086  }
0x25: {  	[simem:s6], [sflag:s4] =	dma.local [hbm:s3], $0xF7A  }
0x26: {  	[smem:$0x3F86] =	sst s1;
	(tag) =	ssettag s2;
	_ =	strace s9  }
0x27: {  	s1 =	sld [smem:$0x3F96]  }
0x28: {  	s2 =	sld [smem:$0x3F97]  }
0x29: {  	s4 =	sld [smem:$0x3F99]  }
0x2a: {  	p0 =	seq.s32 s5, $0x0;
	s5 =	sld [smem:$0x3F9A]  }
0x2b: {  	s6 =	sld [smem:$0x3F9B]  }
0x2c: {  	s7 =	sld [smem:$0x3F9C]  }
0x2d: {  	s3 =	simm.s32 $0x108;
	s8 =	sld [smem:$0x3F9D]  }
0x2e: {  	s3 =	simm.s32 @!p0 $0x1082;
	s9 =	sld [smem:$0x3F9E]  }
0x2f: {  	lr =	sadd.s32 s0, s3;
	s0 =	sld [smem:$0x3F95]  }
0x30: {  	s3 =	sld [smem:$0x3F98]  }
0x31: {  	[smem:$0x3FA1] =	sst s10  }
0x32: {  	s10 =	sld [smem:$0x3F9F];
	_ =	sdelay $0x3  }
0x33: {  	p0 =	seq.s32 s10, $0x1;
	s10 =	sld [smem:$0x3FA1];
	_ =	sdelay $0x3  }
0x34: {  	[smem:$0x3FA1] =	sst s10  }
0x35: {  	s10 =	sld [smem:$0x3FA0];
	_ =	sdelay $0x3  }
0x36: {  	p1 =	seq.s32 s10, $0x1;
	s10 =	sld [smem:$0x3FA1];
	_ =	sdelay $0x3  }
0x37: {  	[smem:$0x3FA1] =	sst s10  }
0x38: {  	s10 =	sld [smem:$0x3FA2]  }
0x39: {  	_ = 	snop;
	(pc) =	sbr.ind lr, $3  }
0x3a: {  	_ = 	snop  }
0x3b: {  	_ = 	snop  }
0x3c: {  	p2 =	seq.s32 s10, $0x1;
	s10 =	sld [smem:$0x3FA1]  }
0x3d: {  	_ =	shalt  }
0x3e: {  	_ =	shalt  }
0x3f: {  	_ =	shalt  }
0x40: {  	_ =	shalt  }
0x41: {  	_ =	shalt  }
0x42: {  	_ =	shalt  }
0x43: {  	_ =	shalt  }
0x44: {  	_ =	shalt  }
0x45: {  	_ =	shalt  }
0x46: {  	_ =	shalt  }
0x47: {  	_ =	shalt  }
0x48: {  	_ =	shalt  }
0x49: {  	_ =	shalt  }
0x4a: {  	_ =	shalt  }
0x4b: {  	_ =	shalt  }
0x4c: {  	_ =	shalt  }
0x4d: {  	_ =	shalt  }
0x4e: {  	_ =	shalt  }
0x4f: {  	_ =	shalt  }
0x50: {  	_ =	shalt  }
0x51: {  	_ =	shalt  }
0x52: {  	_ =	shalt  }
0x53: {  	_ =	shalt  }
0x54: {  	_ =	shalt  }
0x55: {  	_ =	shalt  }
0x56: {  	_ =	shalt  }
0x57: {  	_ =	shalt  }
0x58: {  	_ =	shalt  }
0x59: {  	_ =	shalt  }
0x5a: {  	_ =	shalt  }
0x5b: {  	_ =	shalt  }
0x5c: {  	_ =	shalt  }
0x5d: {  	_ =	shalt  }
0x5e: {  	_ =	shalt  }
0x5f: {  	_ =	shalt  }
0x60: {  	_ =	shalt  }
0x61: {  	_ =	shalt  }
0x62: {  	_ =	shalt  }
0x63: {  	_ =	shalt  }
0x64: {  	_ =	shalt  }
0x65: {  	_ =	shalt  }
0x66: {  	_ =	shalt  }
0x67: {  	_ =	shalt  }
0x68: {  	_ =	shalt  }
0x69: {  	_ =	shalt  }
0x6a: {  	_ =	shalt  }
0x6b: {  	_ =	shalt  }
0x6c: {  	_ =	shalt  }
0x6d: {  	_ =	shalt  }
0x6e: {  	_ =	shalt  }
0x6f: {  	_ =	shalt  }
0x70: {  	_ =	shalt  }
0x71: {  	_ =	shalt  }
0x72: {  	_ =	shalt  }
0x73: {  	_ =	shalt  }
0x74: {  	_ =	shalt  }
0x75: {  	_ =	shalt  }
0x76: {  	_ =	shalt  }
0x77: {  	_ =	shalt  }
0x78: {  	_ =	shalt  }
0x79: {  	_ =	shalt  }
0x7a: {  	_ =	shalt  }
0x7b: {  	_ =	shalt  }
0x7c: {  	_ =	shalt  }
0x7d: {  	_ =	shalt  }
0x7e: {  	_ =	shalt  }
0x7f: {  	_ =	shalt  }
0x80: {  	_ =	shalt  }
0x81: {  	_ =	shalt  }
0x82: {  	_ =	shalt  }
0x83: {  	_ =	shalt  }
0x84: {  	_ =	shalt  }
0x85: {  	_ =	shalt  }
0x86: {  	_ =	shalt  }
0x87: {  	_ =	shalt  }
.Lfunc_end0:
.L_simem_size_0:
called_computation_lowered:
.L_overlay_start_0:
0x88: {  	s2 =	sld [smem:$0x3FD9]  }
0x89: {  	s3 =	sld [smem:$0x3FFE];
	_ =	sdelay $0x1  }
0x8a: {  	s1 =	srdreg.scid  }
0x8b: {  	s0 =	sand.u32 $0x1, s1  }
0x8c: {  	s17 =	sshll.u32 s0, $0xA;
	s2 =	sadd.s32 s3, s2  }
0x8d: {  	s2 =	sadd.s32 s2, s17  }
0x8e: {  	[smem:$0x3FAD] =	sst s2  }
0x8f: {  	_ = 	snop  }
0x90: {  	s2 =	sld [smem:$0x3FC9];
	(tm) =	ssettm $0x1  }
0x91: {  	s18 =	sld [smem:$0x3FFB];
	_ =	sdelay $0x3  }
0x92: {  	_ =	strace s18  }
0x93: {  	s3 =	sld [smem:$0x3FFC];
	_ =	sdelay $0x3  }
0x94: {  	_ =	strace s3  }
0x95: {  	s3 =	sld [smem:$0x3FFD];
	_ =	sdelay $0x3  }
0x96: {  	_ =	strace s3  }
0x97: {  	_ =	strace $0x8FFFFFFF  }
0x98: {  	s19 =	sld [smem:$0x3FDB];
	_ =	sdelay $0x1  }
0x99: {  	s4 =	simm.s32 $_scs_section_size  }
0x9a: {  	s5 =	simm.s32 $_size__tile_overlayer_lowered;
	s6 =	simm.s32 $_tile_overlayer_lowered  }
0x9b: {  	s22 =	simm.s32 $0x1BFF;
	s21 =	sshll.u32 s6, $0x1;
	s3 =	sadd.s32 s4, s19  }
0x9c: {  	s7 =	simm.s32 $0x0;
	s20 =	sshll.u32 s5, $0x1;
	s5 =	sadd.s32 s21, s3  }
0x9d: {  	[timem:s7], [sflag:s22] =	dma.local [hbm:s5], s20  }
0x9e: {  	_ =	swait.ge [sflag:s22], s20  }
0x9f: {  	s4 =	ssub.s32 $0x0, s20;
	[sflag:s22] =	ssyncset.done $0x0  }
0xa0: {  	[sflag:s22] =	ssyncadd.s32 s4;
	_ =	sdelay $0x1  }
0xa1: {  	s23 =	simm.s32 $0x1B8B  }
0xa2: {  	_ =	swait.ge [sflag:s23], $0x1  }
0xa3: {  	[sflag:s23] =	ssyncset.done $0x0  }
0xa4: {  	s25 =	simm.s32 $0x1B8E;
	s24 =	sld [smem:$0x3FFE];
	[sflag:s23] =	ssyncadd.s32 $0xFFFFFFFF  }
0xa5: {  	s26 =	simm.s32 $execute0_lowered;
	[smem:$0x3FD2] =	sst s25  }
0xa6: {  	s5 =	sshll.u32 s26, $0x1;
	_ =	strace $0x80000046;
	[dreg:$0x1] =	wrdreg $0xFFFFFFFF  }
0xa7: {  	s28 =	simm.s32 $_size_execute0_lowered;
	s3 =	sadd.s32 s3, s5;
	[dreg:$0x0] =	wrdreg $0x0  }
0xa8: {  	s5 =	sshll.u32 s28, $0x1;
	[dreg:$0x2] =	wrdreg s3  }
0xa9: {  	[dreg:$0x3] =	wrdreg s5  }
0xaa: {  	[dreg:$0x4] =	wrdreg $0xC0  }
0xab: {  	_ =	task [dreg:s7], $0x5FFFF  }
0xac: {  	[dreg:$0x1] =	wrdreg $0xFFFFFFFF  }
0xad: {  	[dreg:$0x0] =	wrdreg $0x60  }
0xae: {  	[dreg:$0x2] =	wrdreg s2  }
0xaf: {  	[dreg:$0x3] =	wrdreg s24  }
0xb0: {  	[dreg:$0x4] =	wrdreg $0xBE200  }
0xb1: {  	[dreg:$0x5] =	wrdreg $0x9  }
0xb2: {  	_ =	task.clear_ibuf [dreg:s7], $0x6FFFF;
	_ =	strace $0x90000046  }
0xb3: {  	s29 =	simm.s32 $0x9;
	_ =	strace $0x80000048  }
0xb4: {  	_ =	swait.ge [sflag:s29], $0x1  }
0xb5: {  	[sflag:s29] =	ssyncadd.s32 $0xFFFFFFFF  }
0xb6: {  	_ =	strace $0x90000048  }
0xb7: {  	_ =	sfence  }
0xb8: {  	s30 =	sld [smem:$0x0];
	_ =	sdelay $0x2  }
0xb9: {  	s31 =	sshll.u32 s1, $0xD;
	s1 =	sshrl.u32 s1, $0x2  }
0xba: {  	s3 =	sand.u32 $0x4000, s31;
	s1 =	sadd.s32 s1, s30  }
0xbb: {  	s0 =	sor.u32 s3, s0;
	s1 =	sshll.u32 s1, $0x11  }
0xbc: {  	s0 =	sor.u32 s1, s0  }
0xbd: {  	s0 =	sadd.s32 $0x8F2B, s0  }
0xbe: {  	[sflag:s0] =	ssyncadd.remote.s32 $0x1  }
0xbf: {  	_ =	sfence.sel $0xFFFF  }
0xc0: {  	[dreg:$0x0] =	wrdreg $0xFFFFFFFF;
	(pc) =	sbr.abs _section_cstart, $3  }
0xc1: {  	[dreg:$0x1] =	wrdreg $0xFFFFFFFF  }
0xc2: {  	_ =	task.clear_ibuf [dreg:s7], $0x2FFFF;
	_ =	strace $0x9FFFFFFF  }
0xc3: {  	(tm) =	ssettm $0x7FFFFFFF  }
tec
execute0_lowered:
.L_overlay_start_1:
0x0: {  	(tag) =	ssettag $0x1  }
0x1: {  	s1 =	rddreg [dreg:$0x0]  }
0x2: {  	s0 =	srdreg.scid;
	s9 =	stileid.u32  }
0x3: {  	s2 =	rddreg [dreg:$0x1];
	s5 =	smul.u32 $0x2710, s9  }
0x4: {  	s3 =	rddreg [dreg:$0x2];
	s22 =	smul.u32 $0x4E000, s9  }
0x5: {  	s6 =	simm.s32 $0x0;
	s0 =	sand.u32 $0x1, s0;
	s8 =	smul.u32 $0x13800, s9  }
0x6: {  	[smem:$0x7FF] =	sst s6;
	p0 =	sne.s32 s9, $0xF;
	s4 =	smul.u32 $0x27100, s0  }
0x7: {  	s9 =	simm.s32 $0x6;
	s23 =	ssub.s32 $0x2, s0;
	s0 =	smul.u32 $0x138800, s0  }
0x8: {  	s7 =	sshrl.u32 s23, $0x1;
	s4 =	sadd.s32 s5, s4;
	s5 =	sshrl.u32 s22, $0x2  }
0x9: {  	_ =	strace $0x80000047;
	s6 =	ssub.s32 s23, s7;
	s5 =	sadd.s32 s5, s3  }
0xa: {  	s7 =	sadd.s32 s8, s3;
	s19 =	sadd.s32 s8, s0;
	s25 =	sadd.s32 $0xC00, s5  }
0xb: {  	s0 =	sshrl.u32 s0, $0x3;
	s26 =	sadd.s32 $0x1800, s5;
	[dreg:$0x6] =	wrdreg s25  }
0xc: {  	s8 =	sadd.s32 $0x138000, s3;
	s10 =	sadd.s32 $0x2400, s5;
	[dreg:$0x7] =	wrdreg s26  }
0xd: {  	s4 =	sshrl.u32 s4, $0x3;
	s11 =	sadd.s32 $0x3000, s5;
	[dreg:$0x8] =	wrdreg s10  }
0xe: {  	s6 =	smax.u32 s6, $0x1;
	s12 =	sadd.s32 $0x3C00, s5;
	[dreg:$0x9] =	wrdreg s11  }
0xf: {  	s4 =	sadd.s32 s4, s2;
	s13 =	sadd.s32 $0x4800, s5;
	[dreg:$0xa] =	wrdreg s12  }
0x10: {  	s2 =	sadd.s32 $0x19C00, s2;
	s14 =	sadd.s32 $0x5400, s5;
	[dreg:$0xb] =	wrdreg s13  }
0x11: {  	s15 =	sadd.s32 $0x6000, s5;
	s16 =	sadd.s32 $0x6C00, s5;
	[dreg:$0xc] =	wrdreg s14  }
0x12: {  	s17 =	sadd.s32 $0x7800, s5;
	s18 =	sadd.s32 $0x8400, s5;
	[dreg:$0xd] =	wrdreg s15  }
0x13: {  	s20 =	sadd.s32 $0x9000, s5;
	s21 =	sadd.s32 $0x9C00, s5;
	[dreg:$0xe] =	wrdreg s16  }
0x14: {  	s23 =	sadd.s32 $0xA800, s5;
	s28 =	sadd.s32 $0xE400, s5;
	[dreg:$0xf] =	wrdreg s17  }
0x15: {  	s29 =	sadd.s32 $0xF000, s5;
	s30 =	sadd.s32 $0xFC00, s5;
	[dreg:$0x10] =	wrdreg s18  }
0x16: {  	s31 =	sadd.s32 $0x10800, s5;
	s24 =	sadd.s32 $0xFE00, s4;
	[dreg:$0x11] =	wrdreg s20  }
0x17: {  	s4 =	sadd.s32 $0x6000, s4;
	[dreg:$0x12] =	wrdreg s21;
	s22 =	sadd.s32 s2, s0  }
0x18: {  	[dreg:$0x14] =	wrdreg s23;
	s25 =	sadd.s32 $0xC000, s5;
	s26 =	sadd.s32 $0xCC00, s5  }
0x19: {  	s0 =	sadd.s32 $0x12000, s5;
	s10 =	simm.s32 $0xB220;
	s11 =	simm.s32 $0x28  }
0x1a: {  	s12 =	simm.s32 $0x4E20;
	s13 =	simm.s32 $0x6220;
	s14 =	simm.s32 $0x7620  }
0x1b: {  	s15 =	simm.s32 $0x8A20;
	s16 =	simm.s32 $0x9E20;
	[dreg:$0x4] =	wrdreg s24  }
0x1c: {  	s17 =	simm.s32 $0x1;
	s18 =	simm.s32 $0x2;
	[dreg:$0x5] =	wrdreg s4  }
0x1d: {  	s20 =	simm.s32 $0x4;
	s21 =	simm.s32 $0x5;
	[dreg:$0x16] =	wrdreg s25  }
0x1e: {  	s4 =	sshrl.u32 s19, $0x3;
	s24 =	sadd.s32 $0xB400, s5;
	[dreg:$0x17] =	wrdreg s26  }
0x1f: {  	s26 =	sadd.s32 $0xD800, s5;
	s4 =	sadd.s32 s2, s4;
	[dreg:$0x15] =	wrdreg s24  }
0x20: {  	s19 =	simm.s32 $0x3;
	s2 =	sadd.s32 $0x11400, s5;
	[dreg:$0x13] =	wrdreg s4  }
0x21: {  	v0 =	vimm.f32 $0.0e+00;
	s4 =	sadd.s32 $0x12C00, s5;
	s5 =	sadd.s32 $0x27000, s22;
	s22 =	simm.s32 $0x0  }
.LBB2_1:
0x22: {  	s23 =	simm.s32 $0x0;
	s24 =	rddreg [dreg:$0x4]  }
0x23: {  	[tilespmem:s23], [sflag:$0x6] =	stream.linear.gather [hbm4b:s24+s23], $0x2710, $0x38;
	[tilespmem:$0x1F6A0] =	vst v63  }
0x24: {  	_ =	swait.ge [sflag:s9], $0x2710  }
0x25: {  	[sflag:s9] =	ssyncset.done $0x0  }
0x26: {  	s25 =	simm.s32 $0x2710;
	s24 =	rddreg [dreg:$0x5];
	[sflag:s9] =	ssyncadd.s32 $0xFFFFD8F0  }
0x27: {  	[tilespmem:s25], [sflag:$0x6] =	stream.linear.gather [hbm4b:s24+s23], $0x2710, $0x38;
	[tilespmem:$0x1F6A0] =	vst v63  }
0x28: {  	_ =	swait.ge [sflag:s9], $0x2710  }
0x29: {  	[sflag:s9] =	ssyncset.done $0x0  }
0x2a: {  	s23 =	simm.s32 $0x0;
	s24 =	simm.s32 $0x200;
	[sflag:s9] =	ssyncadd.s32 $0xFFFFD8F0  }
.LBB2_2:
0x2b: {  	p1 =	sne.s32 s24, $0x2E00;
	[tilespmem:s23+$0xB290] =	vst v0  }
0x2c: {  	[tilespmem:s23+$0xB220] =	vst v0  }
0x2d: {  	[tilespmem:s23+$0xB230] =	vst v0  }
.Ltmp0:
0x2e: {  	[tilespmem:s23+$0xB240] =	vst v0;
	(pc) =	sbr.rel @p1 .LBB2_2-.Ltmp0, $4  }
0x2f: {  	[tilespmem:s23+$0xB250] =	vst v0  }
0x30: {  	[tilespmem:s23+$0xB260] =	vst v0  }
0x31: {  	[tilespmem:s23+$0xB270] =	vst v0  }
0x32: {  	[tilespmem:s23+$0xB280] =	vst v0;
	s23 =	sshra.s32 s24, $0x2;
	s24 =	sadd.s32 $0x200, s24  }
0x33: {  	[tilespmem:s23+$0xB290] =	vst v0  }
0x34: {  	[tilespmem:s23+$0xB220] =	vst v0  }
0x35: {  	[tilespmem:s23+$0xB230] =	vst v0  }
0x36: {  	[tilespmem:s23+$0xB240] =	vst v0  }
0x37: {  	[tilespmem:s23+$0xB250] =	vst v0  }
0x38: {  	[tilespmem:s23+$0xB260] =	vst v0  }
0x39: {  	[tilespmem:s23+$0xB270] =	vst v0  }
0x3a: {  	[tilespmem:s23+$0xB280] =	vst v0  }
0x3b: {  	[spmem:s7] =	stream.linear.scatter [tilespmem:s10], [sflag:$0x6], $0xC00, $0x38;
	[tilespmem:$0x1F6A0] =	vst v63  }
0x3c: {  	_ =	swait.ge [sflag:s9], $0xC00  }
0x3d: {  	[sflag:s9] =	ssyncset.done $0x0  }
0x3e: {  	s24 =	rddreg [dreg:$0x6];
	[sflag:s9] =	ssyncadd.s32 $0xFFFFF400  }
0x3f: {  	[spmem:s24] =	stream.linear.scatter [tilespmem:s10], [sflag:$0x6], $0xC00, $0x38;
	[tilespmem:$0x1F6A0] =	vst v63  }
0x40: {  	_ =	swait.ge [sflag:s9], $0xC00  }
0x41: {  	[sflag:s9] =	ssyncset.done $0x0  }
0x42: {  	s25 =	rddreg [dreg:$0x7];
	[sflag:s9] =	ssyncadd.s32 $0xFFFFF400  }
0x43: {  	[spmem:s25] =	stream.linear.scatter [tilespmem:s10], [sflag:$0x6], $0xC00, $0x38;
	[tilespmem:$0x1F6A0] =	vst v63  }
0x44: {  	_ =	swait.ge [sflag:s9], $0xC00  }
0x45: {  	[sflag:s9] =	ssyncset.done $0x0  }
0x46: {  	s24 =	rddreg [dreg:$0x8];
	[sflag:s9] =	ssyncadd.s32 $0xFFFFF400  }
0x47: {  	[spmem:s24] =	stream.linear.scatter [tilespmem:s10], [sflag:$0x6], $0xC00, $0x38;
	[tilespmem:$0x1F6A0] =	vst v63  }
0x48: {  	_ =	swait.ge [sflag:s9], $0xC00  }
0x49: {  	[sflag:s9] =	ssyncset.done $0x0  }
0x4a: {  	s25 =	rddreg [dreg:$0x9];
	[sflag:s9] =	ssyncadd.s32 $0xFFFFF400  }
0x4b: {  	[spmem:s25] =	stream.linear.scatter [tilespmem:s10], [sflag:$0x6], $0xC00, $0x38;
	[tilespmem:$0x1F6A0] =	vst v63  }
0x4c: {  	_ =	swait.ge [sflag:s9], $0xC00  }
0x4d: {  	[sflag:s9] =	ssyncset.done $0x0  }
0x4e: {  	s24 =	rddreg [dreg:$0xa];
	[sflag:s9] =	ssyncadd.s32 $0xFFFFF400  }
0x4f: {  	[spmem:s24] =	stream.linear.scatter [tilespmem:s10], [sflag:$0x6], $0xC00, $0x38;
	[tilespmem:$0x1F6A0] =	vst v63  }
0x50: {  	_ =	swait.ge [sflag:s9], $0xC00  }
0x51: {  	[sflag:s9] =	ssyncset.done $0x0  }
0x52: {  	s25 =	rddreg [dreg:$0xb];
	[sflag:s9] =	ssyncadd.s32 $0xFFFFF400  }
0x53: {  	[spmem:s25] =	stream.linear.scatter [tilespmem:s10], [sflag:$0x6], $0xC00, $0x38;
	[tilespmem:$0x1F6A0] =	vst v63  }
0x54: {  	_ =	swait.ge [sflag:s9], $0xC00  }
0x55: {  	[sflag:s9] =	ssyncset.done $0x0  }
0x56: {  	s24 =	rddreg [dreg:$0xc];
	[sflag:s9] =	ssyncadd.s32 $0xFFFFF400  }
0x57: {  	[spmem:s24] =	stream.linear.scatter [tilespmem:s10], [sflag:$0x6], $0xC00, $0x38;
	[tilespmem:$0x1F6A0] =	vst v63  }
0x58: {  	_ =	swait.ge [sflag:s9], $0xC00  }
0x59: {  	[sflag:s9] =	ssyncset.done $0x0  }
0x5a: {  	s25 =	rddreg [dreg:$0xd];
	[sflag:s9] =	ssyncadd.s32 $0xFFFFF400  }
0x5b: {  	[spmem:s25] =	stream.linear.scatter [tilespmem:s10], [sflag:$0x6], $0xC00, $0x38;
	[tilespmem:$0x1F6A0] =	vst v63  }
0x5c: {  	_ =	swait.ge [sflag:s9], $0xC00  }
0x5d: {  	[sflag:s9] =	ssyncset.done $0x0  }
0x5e: {  	s24 =	rddreg [dreg:$0xe];
	[sflag:s9] =	ssyncadd.s32 $0xFFFFF400  }
0x5f: {  	[spmem:s24] =	stream.linear.scatter [tilespmem:s10], [sflag:$0x6], $0xC00, $0x38;
	[tilespmem:$0x1F6A0] =	vst v63  }
0x60: {  	_ =	swait.ge [sflag:s9], $0xC00  }
0x61: {  	[sflag:s9] =	ssyncset.done $0x0  }
0x62: {  	s25 =	rddreg [dreg:$0xf];
	[sflag:s9] =	ssyncadd.s32 $0xFFFFF400  }
0x63: {  	[spmem:s25] =	stream.linear.scatter [tilespmem:s10], [sflag:$0x6], $0xC00, $0x38;
	[tilespmem:$0x1F6A0] =	vst v63  }
0x64: {  	_ =	swait.ge [sflag:s9], $0xC00  }
0x65: {  	[sflag:s9] =	ssyncset.done $0x0  }
0x66: {  	s24 =	rddreg [dreg:$0x10];
	[sflag:s9] =	ssyncadd.s32 $0xFFFFF400  }
0x67: {  	[spmem:s24] =	stream.linear.scatter [tilespmem:s10], [sflag:$0x6], $0xC00, $0x38;
	[tilespmem:$0x1F6A0] =	vst v63  }
0x68: {  	_ =	swait.ge [sflag:s9], $0xC00  }
0x69: {  	[sflag:s9] =	ssyncset.done $0x0  }
0x6a: {  	s25 =	rddreg [dreg:$0x11];
	[sflag:s9] =	ssyncadd.s32 $0xFFFFF400  }
0x6b: {  	[spmem:s25] =	stream.linear.scatter [tilespmem:s10], [sflag:$0x6], $0xC00, $0x38;
	[tilespmem:$0x1F6A0] =	vst v63  }
0x6c: {  	_ =	swait.ge [sflag:s9], $0xC00  }
0x6d: {  	[sflag:s9] =	ssyncset.done $0x0  }
0x6e: {  	s24 =	rddreg [dreg:$0x12];
	[sflag:s9] =	ssyncadd.s32 $0xFFFFF400  }
0x6f: {  	[spmem:s24] =	stream.linear.scatter [tilespmem:s10], [sflag:$0x6], $0xC00, $0x38;
	[tilespmem:$0x1F6A0] =	vst v63  }
0x70: {  	_ =	swait.ge [sflag:s9], $0xC00  }
0x71: {  	[sflag:s9] =	ssyncset.done $0x0  }
0x72: {  	s25 =	rddreg [dreg:$0x14];
	[sflag:s9] =	ssyncadd.s32 $0xFFFFF400  }
0x73: {  	[spmem:s25] =	stream.linear.scatter [tilespmem:s10], [sflag:$0x6], $0xC00, $0x38;
	[tilespmem:$0x1F6A0] =	vst v63  }
0x74: {  	_ =	swait.ge [sflag:s9], $0xC00  }
0x75: {  	[sflag:s9] =	ssyncset.done $0x0  }
0x76: {  	s24 =	rddreg [dreg:$0x15];
	[sflag:s9] =	ssyncadd.s32 $0xFFFFF400  }
0x77: {  	[spmem:s24] =	stream.linear.scatter [tilespmem:s10], [sflag:$0x6], $0xC00, $0x38;
	[tilespmem:$0x1F6A0] =	vst v63  }
0x78: {  	_ =	swait.ge [sflag:s9], $0xC00  }
0x79: {  	[sflag:s9] =	ssyncset.done $0x0  }
0x7a: {  	s25 =	rddreg [dreg:$0x16];
	[sflag:s9] =	ssyncadd.s32 $0xFFFFF400  }
0x7b: {  	[spmem:s25] =	stream.linear.scatter [tilespmem:s10], [sflag:$0x6], $0xC00, $0x38;
	[tilespmem:$0x1F6A0] =	vst v63  }
0x7c: {  	_ =	swait.ge [sflag:s9], $0xC00  }
0x7d: {  	[sflag:s9] =	ssyncset.done $0x0  }
0x7e: {  	s24 =	rddreg [dreg:$0x17];
	[sflag:s9] =	ssyncadd.s32 $0xFFFFF400  }
0x7f: {  	[spmem:s24] =	stream.linear.scatter [tilespmem:s10], [sflag:$0x6], $0xC00, $0x38;
	[tilespmem:$0x1F6A0] =	vst v63  }
0x80: {  	_ =	swait.ge [sflag:s9], $0xC00  }
0x81: {  	[sflag:s9] =	ssyncset.done $0x0  }
0x82: {  	[sflag:s9] =	ssyncadd.s32 $0xFFFFF400  }
0x83: {  	[spmem:s26] =	stream.linear.scatter [tilespmem:s10], [sflag:$0x6], $0xC00, $0x38;
	[tilespmem:$0x1F6A0] =	vst v63  }
0x84: {  	_ =	swait.ge [sflag:s9], $0xC00  }
0x85: {  	[sflag:s9] =	ssyncset.done $0x0  }
0x86: {  	[sflag:s9] =	ssyncadd.s32 $0xFFFFF400  }
0x87: {  	[spmem:s28] =	stream.linear.scatter [tilespmem:s10], [sflag:$0x6], $0xC00, $0x38;
	[tilespmem:$0x1F6A0] =	vst v63  }
0x88: {  	_ =	swait.ge [sflag:s9], $0xC00  }
0x89: {  	[sflag:s9] =	ssyncset.done $0x0  }
0x8a: {  	[sflag:s9] =	ssyncadd.s32 $0xFFFFF400  }
0x8b: {  	[spmem:s29] =	stream.linear.scatter [tilespmem:s10], [sflag:$0x6], $0xC00, $0x38;
	[tilespmem:$0x1F6A0] =	vst v63  }
0x8c: {  	_ =	swait.ge [sflag:s9], $0xC00  }
0x8d: {  	[sflag:s9] =	ssyncset.done $0x0  }
0x8e: {  	[sflag:s9] =	ssyncadd.s32 $0xFFFFF400  }
0x8f: {  	[spmem:s30] =	stream.linear.scatter [tilespmem:s10], [sflag:$0x6], $0xC00, $0x38;
	[tilespmem:$0x1F6A0] =	vst v63  }
0x90: {  	_ =	swait.ge [sflag:s9], $0xC00  }
0x91: {  	[sflag:s9] =	ssyncset.done $0x0  }
0x92: {  	[sflag:s9] =	ssyncadd.s32 $0xFFFFF400  }
0x93: {  	[spmem:s31] =	stream.linear.scatter [tilespmem:s10], [sflag:$0x6], $0xC00, $0x38;
	[tilespmem:$0x1F6A0] =	vst v63  }
0x94: {  	_ =	swait.ge [sflag:s9], $0xC00  }
0x95: {  	[sflag:s9] =	ssyncset.done $0x0  }
0x96: {  	[sflag:s9] =	ssyncadd.s32 $0xFFFFF400  }
0x97: {  	[spmem:s2] =	stream.linear.scatter [tilespmem:s10], [sflag:$0x6], $0xC00, $0x38;
	[tilespmem:$0x1F6A0] =	vst v63  }
0x98: {  	_ =	swait.ge [sflag:s9], $0xC00  }
0x99: {  	[sflag:s9] =	ssyncset.done $0x0  }
0x9a: {  	[sflag:s9] =	ssyncadd.s32 $0xFFFFF400  }
0x9b: {  	[spmem:s0] =	stream.linear.scatter [tilespmem:s10], [sflag:$0x6], $0xC00, $0x38;
	[tilespmem:$0x1F6A0] =	vst v63  }
0x9c: {  	_ =	swait.ge [sflag:s9], $0xC00  }
0x9d: {  	[sflag:s9] =	ssyncset.done $0x0  }
0x9e: {  	[sflag:s9] =	ssyncadd.s32 $0xFFFFF400  }
0x9f: {  	[spmem:s4] =	stream.linear.scatter [tilespmem:s10], [sflag:$0x6], $0xC00, $0x38;
	[tilespmem:$0x1F6A0] =	vst v63  }
0xa0: {  	_ =	swait.ge [sflag:s9], $0xC00  }
0xa1: {  	[sflag:s9] =	ssyncset.done $0x0  }
0xa2: {  	s23 =	simm.s32 @!p0 $0xB220;
	[sflag:s9] =	ssyncadd.s32 $0xFFFFF400  }
0xa3: {  	[spmem:s8] =	stream.linear.scatter @!p0 [tilespmem:s23], [sflag:$0x6], $0x800, $0x38;
	[tilespmem:$0x1F6A0] =	vst v63  }
0xa4: {  	s23 =	simm.s32 @!p0 $0x6  }
0xa5: {  	_ =	swait.ge @!p0 [sflag:s23], $0x800  }
0xa6: {  	[sflag:s23] =	ssyncset.done @!p0 $0x0  }
0xa7: {  	[sflag:s23] =	ssyncadd.s32 @!p0 $0xFFFFF800  }
0xa8: {  	s25 =	simm.s32 $0x0;
	[bflag:$0x0] =	sbarrier.arrive $0xFFFF  }
0xa9: {  	[tilespmem:s12], [sflag:$0x1] =	stream.indirect.gather [hbm4b:s1+s11], $0x80, s25, s11, $0xb8;
	[tilespmem:$0x1F6A0] =	vst v63  }
0xaa: {  	_ = 	snop  }
0xab: {  	[tilespmem:s13], [sflag:$0x2] =	stream.indirect.gather [hbm4b:s1+s11], $0x80, s11, s11, $0xb8;
	[tilespmem:$0x1F6A0] =	vst v63  }
0xac: {  	s24 =	simm.s32 $0x50  }
0xad: {  	[tilespmem:s14], [sflag:$0x3] =	stream.indirect.gather [hbm4b:s1+s11], $0x80, s24, s11, $0xb8;
	[tilespmem:$0x1F6A0] =	vst v63  }
0xae: {  	s25 =	simm.s32 $0x78  }
0xaf: {  	[tilespmem:s15], [sflag:$0x4] =	stream.indirect.gather [hbm4b:s1+s11], $0x80, s25, s11, $0xb8;
	[tilespmem:$0x1F6A0] =	vst v63  }
0xb0: {  	s24 =	simm.s32 $0xA0  }
0xb1: {  	[tilespmem:s16], [sflag:$0x5] =	stream.indirect.gather [hbm4b:s1+s11], $0x80, s24, s11, $0xb8;
	[tilespmem:$0x1F6A0] =	vst v63  }
0xb2: {  	_ =	swait.ge [sflag:s17], $0x1400  }
0xb3: {  	[sflag:s17] =	ssyncset.done $0x0  }
0xb4: {  	s25 =	simm.s32 $0x2710;
	[sflag:s17] =	ssyncadd.s32 $0xFFFFEC00  }
0xb5: {  	[spmem:s3] =	stream.indirect.scatter.add.f32 [tilespmem:s12], [sflag:$0x6], $0x80, s25, s11, $0xb8;
	[tilespmem:$0x1F6A0] =	vst v63  }
0xb6: {  	_ =	swait.ge [sflag:s9], $0x1400  }
0xb7: {  	[sflag:s9] =	ssyncset.done $0x0  }
0xb8: {  	s24 =	simm.s32 $0xC8;
	[sflag:s9] =	ssyncadd.s32 $0xFFFFEC00  }
0xb9: {  	[tilespmem:s12], [sflag:$0x1] =	stream.indirect.gather [hbm4b:s1+s11], $0x80, s24, s11, $0xb8;
	[tilespmem:$0x1F6A0] =	vst v63  }
0xba: {  	_ =	swait.ge [sflag:s18], $0x1400  }
0xbb: {  	[sflag:s18] =	ssyncset.done $0x0  }
0xbc: {  	s25 =	simm.s32 $0x2738;
	[sflag:s18] =	ssyncadd.s32 $0xFFFFEC00  }
0xbd: {  	[spmem:s3] =	stream.indirect.scatter.add.f32 [tilespmem:s13], [sflag:$0x6], $0x80, s25, s11, $0xb8;
	[tilespmem:$0x1F6A0] =	vst v63  }
0xbe: {  	_ =	swait.ge [sflag:s9], $0x1400  }
0xbf: {  	[sflag:s9] =	ssyncset.done $0x0  }
0xc0: {  	s24 =	simm.s32 $0xF0;
	[sflag:s9] =	ssyncadd.s32 $0xFFFFEC00  }
0xc1: {  	[tilespmem:s13], [sflag:$0x2] =	stream.indirect.gather [hbm4b:s1+s11], $0x80, s24, s11, $0xb8;
	[tilespmem:$0x1F6A0] =	vst v63  }
0xc2: {  	_ =	swait.ge [sflag:s19], $0x1400  }
0xc3: {  	[sflag:s19] =	ssyncset.done $0x0  }
0xc4: {  	s25 =	simm.s32 $0x2760;
	[sflag:s19] =	ssyncadd.s32 $0xFFFFEC00  }
0xc5: {  	[spmem:s3] =	stream.indirect.scatter.add.f32 [tilespmem:s14], [sflag:$0x6], $0x80, s25, s11, $0xb8;
	[tilespmem:$0x1F6A0] =	vst v63  }
0xc6: {  	_ =	swait.ge [sflag:s9], $0x1400  }
0xc7: {  	[sflag:s9] =	ssyncset.done $0x0  }
0xc8: {  	s24 =	simm.s32 $0x118;
	[sflag:s9] =	ssyncadd.s32 $0xFFFFEC00  }
0xc9: {  	[tilespmem:s14], [sflag:$0x3] =	stream.indirect.gather [hbm4b:s1+s11], $0x80, s24, s11, $0xb8;
	[tilespmem:$0x1F6A0] =	vst v63  }
0xca: {  	_ =	swait.ge [sflag:s20], $0x1400  }
0xcb: {  	[sflag:s20] =	ssyncset.done $0x0  }
0xcc: {  	s25 =	simm.s32 $0x2788;
	[sflag:s20] =	ssyncadd.s32 $0xFFFFEC00  }
0xcd: {  	[spmem:s3] =	stream.indirect.scatter.add.f32 [tilespmem:s15], [sflag:$0x6], $0x80, s25, s11, $0xb8;
	[tilespmem:$0x1F6A0] =	vst v63  }
0xce: {  	_ =	swait.ge [sflag:s9], $0x1400  }
0xcf: {  	[sflag:s9] =	ssyncset.done $0x0  }
0xd0: {  	s24 =	simm.s32 $0x140;
	[sflag:s9] =	ssyncadd.s32 $0xFFFFEC00  }
0xd1: {  	[tilespmem:s15], [sflag:$0x4] =	stream.indirect.gather [hbm4b:s1+s11], $0x80, s24, s11, $0xb8;
	[tilespmem:$0x1F6A0] =	vst v63  }
0xd2: {  	_ =	swait.ge [sflag:s21], $0x1400  }
0xd3: {  	[sflag:s21] =	ssyncset.done $0x0  }
0xd4: {  	s25 =	simm.s32 $0x27B0;
	[sflag:s21] =	ssyncadd.s32 $0xFFFFEC00  }
0xd5: {  	[spmem:s3] =	stream.indirect.scatter.add.f32 [tilespmem:s16], [sflag:$0x6], $0x80, s25, s11, $0xb8;
	[tilespmem:$0x1F6A0] =	vst v63  }
0xd6: {  	_ =	swait.ge [sflag:s9], $0x1400  }
0xd7: {  	[sflag:s9] =	ssyncset.done $0x0  }
0xd8: {  	s23 =	simm.s32 $0x320;
	s24 =	simm.s32 $0x168;
	[sflag:s9] =	ssyncadd.s32 $0xFFFFEC00  }
.LBB2_4:
0xd9: {  	[tilespmem:s16], [sflag:$0x5] =	stream.indirect.gather [hbm4b:s1+s11], $0x80, s24, s11, $0xb8;
	[tilespmem:$0x1F6A0] =	vst v63  }
0xda: {  	s24 =	smov.u32 s23  }
0xdb: {  	p1 =	sne.s32 s23, $0x9600;
	s23 =	sadd.s32 $0x320, s23;
	_ =	swait.ge [sflag:s17], $0x1400  }
0xdc: {  	s24 =	sshra.s32 s24, $0x2;
	[sflag:s17] =	ssyncset.done $0x0  }
0xdd: {  	s25 =	sadd.s32 $0x2710, s24;
	[sflag:s17] =	ssyncadd.s32 $0xFFFFEC00  }
0xde: {  	[spmem:s3] =	stream.indirect.scatter.add.f32 [tilespmem:s12], [sflag:$0x6], $0x80, s25, s11, $0xb8;
	[tilespmem:$0x1F6A0] =	vst v63  }
0xdf: {  	_ =	swait.ge [sflag:s9], $0x1400  }
0xe0: {  	[sflag:s9] =	ssyncset.done $0x0  }
0xe1: {  	s25 =	sadd.s32 $0xC8, s24;
	[sflag:s9] =	ssyncadd.s32 $0xFFFFEC00  }
0xe2: {  	[tilespmem:s12], [sflag:$0x1] =	stream.indirect.gather [hbm4b:s1+s11], $0x80, s25, s11, $0xb8;
	[tilespmem:$0x1F6A0] =	vst v63  }
0xe3: {  	_ =	swait.ge [sflag:s18], $0x1400  }
0xe4: {  	[sflag:s18] =	ssyncset.done $0x0  }
0xe5: {  	s25 =	sadd.s32 $0x2738, s24;
	[sflag:s18] =	ssyncadd.s32 $0xFFFFEC00  }
0xe6: {  	[spmem:s3] =	stream.indirect.scatter.add.f32 [tilespmem:s13], [sflag:$0x6], $0x80, s25, s11, $0xb8;
	[tilespmem:$0x1F6A0] =	vst v63  }
0xe7: {  	_ =	swait.ge [sflag:s9], $0x1400  }
0xe8: {  	[sflag:s9] =	ssyncset.done $0x0  }
0xe9: {  	s25 =	sadd.s32 $0xF0, s24;
	[sflag:s9] =	ssyncadd.s32 $0xFFFFEC00  }
0xea: {  	[tilespmem:s13], [sflag:$0x2] =	stream.indirect.gather [hbm4b:s1+s11], $0x80, s25, s11, $0xb8;
	[tilespmem:$0x1F6A0] =	vst v63  }
0xeb: {  	_ =	swait.ge [sflag:s19], $0x1400  }
0xec: {  	[sflag:s19] =	ssyncset.done $0x0  }
0xed: {  	s25 =	sadd.s32 $0x2760, s24;
	[sflag:s19] =	ssyncadd.s32 $0xFFFFEC00  }
0xee: {  	[spmem:s3] =	stream.indirect.scatter.add.f32 [tilespmem:s14], [sflag:$0x6], $0x80, s25, s11, $0xb8;
	[tilespmem:$0x1F6A0] =	vst v63  }
0xef: {  	_ =	swait.ge [sflag:s9], $0x1400  }
0xf0: {  	[sflag:s9] =	ssyncset.done $0x0  }
0xf1: {  	s25 =	sadd.s32 $0x118, s24;
	[sflag:s9] =	ssyncadd.s32 $0xFFFFEC00  }
0xf2: {  	[tilespmem:s14], [sflag:$0x3] =	stream.indirect.gather [hbm4b:s1+s11], $0x80, s25, s11, $0xb8;
	[tilespmem:$0x1F6A0] =	vst v63  }
0xf3: {  	_ =	swait.ge [sflag:s20], $0x1400  }
0xf4: {  	[sflag:s20] =	ssyncset.done $0x0  }
0xf5: {  	s25 =	sadd.s32 $0x2788, s24;
	[sflag:s20] =	ssyncadd.s32 $0xFFFFEC00  }
0xf6: {  	[spmem:s3] =	stream.indirect.scatter.add.f32 [tilespmem:s15], [sflag:$0x6], $0x80, s25, s11, $0xb8;
	[tilespmem:$0x1F6A0] =	vst v63  }
0xf7: {  	_ =	swait.ge [sflag:s9], $0x1400  }
0xf8: {  	[sflag:s9] =	ssyncset.done $0x0  }
0xf9: {  	s25 =	sadd.s32 $0x140, s24;
	[sflag:s9] =	ssyncadd.s32 $0xFFFFEC00  }
0xfa: {  	[tilespmem:s15], [sflag:$0x4] =	stream.indirect.gather [hbm4b:s1+s11], $0x80, s25, s11, $0xb8;
	[tilespmem:$0x1F6A0] =	vst v63  }
0xfb: {  	_ =	swait.ge [sflag:s21], $0x1400  }
0xfc: {  	[sflag:s21] =	ssyncset.done $0x0  }
.Ltmp1:
0xfd: {  	s25 =	sadd.s32 $0x27B0, s24;
	[sflag:s21] =	ssyncadd.s32 $0xFFFFEC00;
	(pc) =	sbr.rel @p1 .LBB2_4-.Ltmp1, $4  }
0xfe: {  	[spmem:s3] =	stream.indirect.scatter.add.f32 [tilespmem:s16], [sflag:$0x6], $0x80, s25, s11, $0xb8;
	[tilespmem:$0x1F6A0] =	vst v63  }
0xff: {  	_ =	swait.ge [sflag:s9], $0x1400  }
0x100: {  	[sflag:s9] =	ssyncset.done $0x0  }
0x101: {  	s24 =	sadd.s32 $0x168, s24;
	[sflag:s9] =	ssyncadd.s32 $0xFFFFEC00  }
0x102: {  	[tilespmem:s16], [sflag:$0x5] =	stream.indirect.gather [hbm4b:s1+s11], $0x80, s24, s11, $0xb8;
	[tilespmem:$0x1F6A0] =	vst v63  }
0x103: {  	_ =	swait.ge [sflag:s17], $0x1400  }
0x104: {  	[sflag:s17] =	ssyncset.done $0x0  }
0x105: {  	s23 =	simm.s32 $0x4D58;
	[sflag:s17] =	ssyncadd.s32 $0xFFFFEC00  }
0x106: {  	[spmem:s3] =	stream.indirect.scatter.add.f32 [tilespmem:s12], [sflag:$0x6], $0x80, s23, s11, $0xb8;
	[tilespmem:$0x1F6A0] =	vst v63  }
0x107: {  	_ =	swait.ge [sflag:s9], $0x1400  }
0x108: {  	[sflag:s9] =	ssyncset.done $0x0  }
0x109: {  	[sflag:s9] =	ssyncadd.s32 $0xFFFFEC00  }
0x10a: {  	_ =	swait.ge [sflag:s18], $0x1400  }
0x10b: {  	[sflag:s18] =	ssyncset.done $0x0  }
0x10c: {  	s25 =	simm.s32 $0x4D80;
	[sflag:s18] =	ssyncadd.s32 $0xFFFFEC00  }
0x10d: {  	[spmem:s3] =	stream.indirect.scatter.add.f32 [tilespmem:s13], [sflag:$0x6], $0x80, s25, s11, $0xb8;
	[tilespmem:$0x1F6A0] =	vst v63  }
0x10e: {  	_ =	swait.ge [sflag:s9], $0x1400  }
0x10f: {  	[sflag:s9] =	ssyncset.done $0x0  }
0x110: {  	[sflag:s9] =	ssyncadd.s32 $0xFFFFEC00  }
0x111: {  	_ =	swait.ge [sflag:s19], $0x1400  }
0x112: {  	[sflag:s19] =	ssyncset.done $0x0  }
0x113: {  	s24 =	simm.s32 $0x4DA8;
	[sflag:s19] =	ssyncadd.s32 $0xFFFFEC00  }
0x114: {  	[spmem:s3] =	stream.indirect.scatter.add.f32 [tilespmem:s14], [sflag:$0x6], $0x80, s24, s11, $0xb8;
	[tilespmem:$0x1F6A0] =	vst v63  }
0x115: {  	_ =	swait.ge [sflag:s9], $0x1400  }
0x116: {  	[sflag:s9] =	ssyncset.done $0x0  }
0x117: {  	[sflag:s9] =	ssyncadd.s32 $0xFFFFEC00  }
0x118: {  	_ =	swait.ge [sflag:s20], $0x1400  }
0x119: {  	[sflag:s20] =	ssyncset.done $0x0  }
0x11a: {  	s25 =	simm.s32 $0x4DD0;
	[sflag:s20] =	ssyncadd.s32 $0xFFFFEC00  }
0x11b: {  	[spmem:s3] =	stream.indirect.scatter.add.f32 [tilespmem:s15], [sflag:$0x6], $0x80, s25, s11, $0xb8;
	[tilespmem:$0x1F6A0] =	vst v63  }
0x11c: {  	_ =	swait.ge [sflag:s9], $0x1400  }
0x11d: {  	[sflag:s9] =	ssyncset.done $0x0  }
0x11e: {  	[sflag:s9] =	ssyncadd.s32 $0xFFFFEC00  }
0x11f: {  	_ =	swait.ge [sflag:s21], $0x1400  }
0x120: {  	[sflag:s21] =	ssyncset.done $0x0  }
0x121: {  	s24 =	simm.s32 $0x4DF8;
	[sflag:s21] =	ssyncadd.s32 $0xFFFFEC00  }
0x122: {  	[spmem:s3] =	stream.indirect.scatter.add.f32 [tilespmem:s16], [sflag:$0x6], $0x80, s24, s11, $0xb8;
	[tilespmem:$0x1F6A0] =	vst v63  }
0x123: {  	_ =	swait.ge [sflag:s9], $0x1400  }
0x124: {  	[sflag:s9] =	ssyncset.done $0x0  }
0x125: {  	s25 =	stileid.u32;
	[sflag:s9] =	ssyncadd.s32 $0xFFFFEC00  }
0x126: {  	s23 =	sshll.u32 s25, $0x6;
	[bflag:$0x0] =	sbarrier.arrive $0xFFFF  }
0x127: {  	s23 =	sor.u32 $0x1C06, s23;
	s24 =	sshrl.u32 s7, $0x3;
	s25 =	rddreg [dreg:$0x13]  }
0x128: {  	[hbm:s25], [sflag:s23] =	dma.local [spmem:s24], $0x2700  }
0x129: {  	_ =	swait.ge [sflag:s9], $0x2700  }
0x12a: {  	s22 =	sadd.s32 $0x1, s22;
	[sflag:s9] =	ssyncset.done $0x0  }
0x12b: {  	p1 =	sne.s32 s22, s6;
	s24 =	sshrl.u32 @!p0 s8, $0x3;
	[sflag:s9] =	ssyncadd.s32 $0xFFFFD900  }
0x12c: {  	[hbm:s5], [sflag:s23] =	dma.local @!p0 [spmem:s24], $0x100  }
.Ltmp2:
0x12d: {  	_ = 	snop;
	(pc) =	sbr.rel @p1 .LBB2_1-.Ltmp2, $4  }
0x12e: {  	s23 =	simm.s32 @!p0 $0x6  }
0x12f: {  	_ =	swait.ge @!p0 [sflag:s23], $0x100  }
0x130: {  	[sflag:s23] =	ssyncset.done @!p0 $0x0  }
0x131: {  	[sflag:s23] =	ssyncadd.s32 @!p0 $0xFFFFFF00  }
0x132: {  	_ =	sfence.sel $0x180000  }
0x133: {  	[bflag:$0x0] =	sbarrier.arrive $0xFFFF  }
0x134: {  	_ =	strace $0x90000047  }
0x135: {  	s0 =	stileid.u32;
	[bflag:$0x2] =	sbarrier.arrive $0xFFFF  }
0x136: {  	p0 =	sne.s32 s0, $0x0;
	s0 =	rddreg [dreg:$0x3]  }
0x137: {  	s0 =	sadd.s32 @!p0 $0x100000, s0  }
0x138: {  	[sflag:s0] =	ssyncadd.tile.s32 @!p0 $0x1;
	_ =	shalt  }
.Lfunc_end2:
_tile_overlayer_lowered:
.L_overlay_start_2:
0x139: {  	(tag) =	ssettag $0x2  }
0x13a: {  	s0 =	rddreg [dreg:$0x0];
	s2 =	stileid.u32  }
0x13b: {  	s1 =	rddreg [dreg:$0x1];
	p0 =	sne.s32 s2, $0x0  }
0x13c: {  	s3 =	rddreg [dreg:$0x2];
	[bflag:$0x3] =	sbarrier.arrive $0xFFFF;
	s2 =	simm.s32 @!p0 $0x1C06  }
0x13d: {  	[timem:s3], [sflag:s2] =	dma.local @!p0 [hbm:s0], s1  }
0x13e: {  	s0 =	simm.s32 @!p0 $0x6  }
0x13f: {  	_ =	swait.ge @!p0 [sflag:s0], s1  }
0x140: {  	s1 =	ssub.s32 @!p0 $0x0, s1;
	[sflag:s0] =	ssyncset.done @!p0 $0x0  }
0x141: {  	[sflag:s0] =	ssyncadd.s32 @!p0 s1  }
0x142: {  	[bflag:$0x3] =	sbarrier.arrive $0xFFFF  }
0x143: {  	_ =	shalt  }

</sc_bundles>
